<compile_context>
chip_gen: v7x
topology: tpu7x:2x2x1
jax: 0.10.2.dev20260603
libtpu: 0.0.44.dev20260713+nightly
codegen_flags: <defaults>
</compile_context>

<pallas_src>
import functools

import jax
import jax.numpy as jnp
from jax import lax
from jax.experimental import pallas as pl
from jax.experimental.pallas import tpu as pltpu
from jax.experimental.pallas import tpu_sc as plsc

N_ENT = 10000
N_PAD = 10240
N_DIM = 64
N_LAYER = 2
N_RELP = 32
PAD_REL = 29
BN = 2
BD = BN * N_DIM
E_EDGES = 160000
CH = 80
N_WORKERS = 32
CPT = 64
E_PADDED = N_WORKERS * CPT * CH
ROWS_PER_TILE = N_PAD // 16
ROW_BLK = 2048


def _sc_mesh():
  return plsc.VectorSubcoreMesh(core_axis_name="c", subcore_axis_name="s",
                                num_cores=2, num_subcores=16)



EPT = CPT * CH


def _rspmm(src, typ, dst, h, rel, zeros):

  @functools.partial(
      pl.kernel,
      out_type=jax.ShapeDtypeStruct((2 * N_PAD, BD), jnp.float32),
      mesh=_sc_mesh(),
      scratch_types=[
          pltpu.VMEM((CH,), jnp.int32),
          pltpu.VMEM((CH,), jnp.int32),
          pltpu.VMEM((CH,), jnp.int32),
          pltpu.VMEM((CH,), jnp.int32),
          pltpu.VMEM((CH,), jnp.int32),
          pltpu.VMEM((CH,), jnp.int32),
          pltpu.VMEM((CH, BD), jnp.float32),
          pltpu.VMEM((CH, BD), jnp.float32),
          pltpu.VMEM((CH, BD), jnp.float32),
          pltpu.VMEM((CH, BD), jnp.float32),
          pltpu.SemaphoreType.DMA,
          pltpu.SemaphoreType.DMA,
          pltpu.SemaphoreType.DMA,
          pltpu.SemaphoreType.DMA,
          pltpu.SemaphoreType.DMA,
          pltpu.SemaphoreType.DMA,
          pltpu.VMEM_SHARED((N_PAD, BD), jnp.float32),
      ],
  )
  def body(src_hbm, t_hbm, dst_hbm, h_hbm, tab_hbm, z_hbm, out_hbm,
           sva, svb, tva, tvb, dva, dvb, hva, rva, hvb, rvb,
           sia, sib, sha, shb, sra, srb, agg):
    cid = lax.axis_index("c")
    sid = lax.axis_index("s")
    wid = sid * 2 + cid
    r0 = sid * ROWS_PER_TILE
    base = wid * EPT

    pltpu.sync_copy(z_hbm.at[pl.ds(r0, ROWS_PER_TILE)],
                    agg.at[pl.ds(r0, ROWS_PER_TILE)])
    plsc.subcore_barrier()

    def fire_idx(ch, sv, tv, dv, si):
      off = base + ch * CH
      pltpu.async_copy(src_hbm.at[pl.ds(off, CH)], sv, si)
      pltpu.async_copy(t_hbm.at[pl.ds(off, CH)], tv, si)
      pltpu.async_copy(dst_hbm.at[pl.ds(off, CH)], dv, si)

    def wait_idx(ch, sv, tv, dv, si):
      off = base + ch * CH
      pltpu.make_async_copy(src_hbm.at[pl.ds(off, CH)], sv, si).wait()
      pltpu.make_async_copy(t_hbm.at[pl.ds(off, CH)], tv, si).wait()
      pltpu.make_async_copy(dst_hbm.at[pl.ds(off, CH)], dv, si).wait()

    def fire_gath(sv, tv, hv, rv, sh, sr):
      pltpu.async_copy(h_hbm.at[sv], hv, sh)
      pltpu.async_copy(tab_hbm.at[tv], rv, sr)

    def process(sv, tv, dv, hv, rv, sh, sr):
      pltpu.make_async_copy(h_hbm.at[sv], hv, sh).wait()
      pltpu.make_async_copy(tab_hbm.at[tv], rv, sr).wait()

      def mul_row(j, c2):
        for c in range(BD // 16):
          hv[j, pl.ds(c * 16, 16)] = (hv[j, pl.ds(c * 16, 16)] *
                                      rv[j, pl.ds(c * 16, 16)])
        return c2

      lax.fori_loop(0, CH, mul_row, 0, unroll=False)
      pltpu.sync_copy(hv, agg.at[dv], add=True)

    setA = (sva, tva, dva, sia)
    setB = (svb, tvb, dvb, sib)
    gatA = (hva, rva, sha, sra)
    gatB = (hvb, rvb, shb, srb)

    fire_idx(0, *setA)
    wait_idx(0, *setA)
    fire_gath(setA[0], setA[1], *gatA)
    fire_idx(1, *setB)

    def halfstep(ch, cur, gcur, nxt, gnxt):
      @pl.when(ch + 1 < CPT)
      def _():
        wait_idx(ch + 1, *nxt)
        fire_gath(nxt[0], nxt[1], *gnxt)
      process(cur[0], cur[1], cur[2], *gcur)

      @pl.when(ch + 2 < CPT)
      def _():
        fire_idx(ch + 2, *cur)

    def pair(ch, carry):
      halfstep(ch, setA, gatA, setB, gatB)
      halfstep(ch + 1, setB, gatB, setA, gatA)
      return carry

    lax.fori_loop(0, CPT // 2, lambda i, c: pair(i * 2, c), 0,
                  unroll=False)
    plsc.subcore_barrier()

    pltpu.sync_copy(agg.at[pl.ds(r0, ROWS_PER_TILE)],
                    out_hbm.at[pl.ds(cid * N_PAD + r0, ROWS_PER_TILE)])

  out = body(src, typ, dst, h, rel, zeros)
  return out.reshape(2, N_PAD, BD)



def _relw_body(htT_ref, w1T_ref, b1T_ref, w2T_ref, b2T_ref, emb_ref, o_ref):
  xT = lax.dot_general(w1T_ref[0], htT_ref[...], (((1,), (0,)), ((), ())),
                       preferred_element_type=jnp.float32)
  xT = jnp.maximum(xT + b1T_ref[0], 0.0)
  wT = lax.dot_general(w2T_ref[0], xT, (((1,), (0,)), ((), ())),
                       preferred_element_type=jnp.float32)
  wT = jax.nn.sigmoid(wT + b2T_ref[0])
  e = emb_ref[0]
  o_ref[0] = jnp.concatenate([wT[:, 0:1] * e, wT[:, 1:2] * e], axis=1)


def _rel_tables(htT, w1T, b1T, w2T, b2T, embp):
  return pl.pallas_call(
      _relw_body,
      grid=(N_LAYER,),
      in_specs=[
          pl.BlockSpec((BD, 8), lambda l: (0, 0)),
          pl.BlockSpec((1, 8, BD), lambda l: (l, 0, 0)),
          pl.BlockSpec((1, 8, 1), lambda l: (l, 0, 0)),
          pl.BlockSpec((1, N_RELP, 8), lambda l: (l, 0, 0)),
          pl.BlockSpec((1, N_RELP, 1), lambda l: (l, 0, 0)),
          pl.BlockSpec((1, N_RELP, N_DIM), lambda l: (l, 0, 0)),
      ],
      out_specs=pl.BlockSpec((1, N_RELP, BD), lambda l: (l, 0, 0)),
      out_shape=jax.ShapeDtypeStruct((N_LAYER, N_RELP, BD), jnp.float32),
  )(htT, w1T, b1T, w2T, b2T, embp)


def _tab_body(rel_ref, emb_ref, o_ref):
  e0 = emb_ref[0:1, :]
  e1 = emb_ref[1:2, :]
  z = jnp.zeros((1, N_DIM), jnp.float32)
  hsel = jnp.concatenate([
      jnp.concatenate([z, z], axis=1),
      jnp.concatenate([e0, z], axis=1),
      jnp.concatenate([z, e1], axis=1),
      jnp.concatenate([e0, e1], axis=1),
  ], axis=0)
  rel = rel_ref[...]
  o_ref[...] = (hsel[:, None, :] * rel[None, :, :]).reshape(4 * N_RELP, BD)


def _expand_table(rel0, emb):
  return pl.pallas_call(
      _tab_body,
      out_shape=jax.ShapeDtypeStruct((4 * N_RELP, BD), jnp.float32),
  )(rel0, emb)


def _cls_body(idx_ref, src_ref, typ_ref, o_ref):
  src = src_ref[...]
  cls = (jnp.where(src == idx_ref[0], 1, 0) +
         jnp.where(src == idx_ref[1], 2, 0))
  o_ref[...] = typ_ref[...] + N_RELP * cls


def _cls_types(idx, src_p, typ_p):
  return pl.pallas_call(
      _cls_body,
      in_specs=[
          pl.BlockSpec(memory_space=pltpu.SMEM),
          pl.BlockSpec((N_WORKERS, CPT, CH), lambda: (0, 0, 0)),
          pl.BlockSpec((N_WORKERS, CPT, CH), lambda: (0, 0, 0)),
      ],
      out_specs=pl.BlockSpec((N_WORKERS, CPT, CH), lambda: (0, 0, 0)),
      out_shape=jax.ShapeDtypeStruct((N_WORKERS, CPT, CH), jnp.int32),
  )(idx, src_p, typ_p)


def _init_body(idx_ref, emb_ref, o_ref):
  i = pl.program_id(0)
  rows = jax.lax.broadcasted_iota(jnp.int32, (ROW_BLK, 1), 0) + i * ROW_BLK
  e0 = emb_ref[0:1, :]
  e1 = emb_ref[1:2, :]
  left = jnp.where(rows == idx_ref[0], e0, 0.0)
  right = jnp.where(rows == idx_ref[1], e1, 0.0)
  o_ref[...] = jnp.concatenate([left, right], axis=1)


def _init_hidden(idx, emb):
  return pl.pallas_call(
      _init_body,
      grid=(N_PAD // ROW_BLK,),
      in_specs=[
          pl.BlockSpec(memory_space=pltpu.SMEM),
          pl.BlockSpec((BN, N_DIM), lambda i: (0, 0)),
      ],
      out_specs=pl.BlockSpec((ROW_BLK, BD), lambda i: (i, 0)),
      out_shape=jax.ShapeDtypeStruct((N_PAD, BD), jnp.float32),
  )(idx, emb)


def _lin_body(p_ref, w_ref, b_ref, o_ref):
  a = p_ref[0] + p_ref[1]
  w = w_ref[...]
  b = b_ref[...]
  x1 = lax.dot_general(a[:, :N_DIM], w, (((1,), (0,)), ((), ())),
                       preferred_element_type=jnp.float32)
  x2 = lax.dot_general(a[:, N_DIM:], w, (((1,), (0,)), ((), ())),
                       preferred_element_type=jnp.float32)
  o_ref[...] = jnp.concatenate(
      [jnp.maximum(x1 + b, 0.0), jnp.maximum(x2 + b, 0.0)], axis=1)


def _combine_lin(parts, w, b):
  return pl.pallas_call(
      _lin_body,
      grid=(N_PAD // ROW_BLK,),
      in_specs=[
          pl.BlockSpec((2, ROW_BLK, BD), lambda i: (0, i, 0)),
          pl.BlockSpec((N_DIM, N_DIM), lambda i: (0, 0)),
          pl.BlockSpec((1, N_DIM), lambda i: (0, 0)),
      ],
      out_specs=pl.BlockSpec((ROW_BLK, BD), lambda i: (i, 0)),
      out_shape=jax.ShapeDtypeStruct((N_PAD, BD), jnp.float32),
  )(parts, w, b)


def _score_body(e_ref, w_ref, b_ref, o_ref):
  o_ref[...] = lax.dot_general(e_ref[...], w_ref[...],
                               (((1,), (0,)), ((), ())),
                               preferred_element_type=jnp.float32) + b_ref[...]


def _scores(embp, wp, bp):
  return pl.pallas_call(
      _score_body,
      out_shape=jax.ShapeDtypeStruct((8, 128), jnp.float32),
  )(embp, wp, bp)



@jax.jit
def _run(head, tail, edge_index, edge_type, ent_emb, rel_embs, lin_W,
         lin_b, rel_lin_W, rel_lin_b, attn_W, attn_b, Wr_W, Wr_b):
  dst = edge_index[0].astype(jnp.int32)
  src = edge_index[1].astype(jnp.int32)
  typ = edge_type.astype(jnp.int32)

  npad = E_PADDED - E_EDGES
  src_p = jnp.concatenate([src, jnp.zeros((npad,), jnp.int32)])
  dst_p = jnp.concatenate([dst, jnp.zeros((npad,), jnp.int32)])
  typ_p = jnp.concatenate([typ, jnp.full((npad,), PAD_REL, jnp.int32)])
  src_p = src_p.reshape(N_WORKERS, CPT, CH)
  dst_p = dst_p.reshape(N_WORKERS, CPT, CH)
  typ_p = typ_p.reshape(N_WORKERS, CPT, CH)

  def take2(tbl, ii):
    return jnp.concatenate([
        lax.dynamic_slice(tbl, (ii[0], 0), (1, N_DIM)),
        lax.dynamic_slice(tbl, (ii[1], 0), (1, N_DIM))], axis=0)

  head_embed = take2(ent_emb, head)
  tail_embed = take2(ent_emb, tail)
  ht = jnp.concatenate([head_embed, tail_embed], axis=-1)

  htT = jnp.transpose(ht).reshape(BD, 2)
  htT = jnp.pad(htT, ((0, 0), (0, 6)))
  w1T = jnp.pad(jnp.transpose(rel_lin_W, (0, 2, 1)), ((0, 0), (0, 3), (0, 0)))
  b1T = jnp.pad(rel_lin_b, ((0, 0), (0, 3)))[:, :, None]
  w2T = jnp.pad(jnp.transpose(attn_W, (0, 2, 1)),
                ((0, 0), (0, N_RELP - attn_W.shape[2]), (0, 3)))
  b2T = jnp.pad(attn_b, ((0, 0), (0, N_RELP - attn_b.shape[1])))[:, :, None]
  embp = jnp.pad(rel_embs, ((0, 0), (0, N_RELP - rel_embs.shape[1]), (0, 0)))
  rel_tab = _rel_tables(htT, w1T, b1T, w2T, b2T, embp)

  zeros = jnp.zeros((N_PAD, BD), jnp.float32)
  lin_bb = lin_b.reshape(N_LAYER, 1, N_DIM)
  src_f = src_p.reshape(-1)
  typ_f = typ_p.reshape(-1)
  dst_f = dst_p.reshape(-1)

  def propagate(init_idx, init_emb):
    h = _init_hidden(init_idx.astype(jnp.int32), init_emb)
    for l in range(N_LAYER):
      parts = _rspmm(src_f, typ_f, dst_f, h, rel_tab[l], zeros)
      h = _combine_lin(parts, lin_W[l], lin_bb[l])
    return h

  h_a = propagate(head, head_embed)
  h_b = propagate(tail, tail_embed)

  ht_t = _run_pick(h_a, tail)
  hh_t = _run_pick(h_b, head)

  emb_cat = jnp.concatenate([head_embed, tail_embed, hh_t, ht_t], axis=1)
  embp8 = jnp.pad(emb_cat, ((0, 6), (0, 0)))
  wp = jnp.pad(Wr_W, ((0, 0), (0, 128 - Wr_W.shape[1])))
  bp = jnp.pad(Wr_b, (0, 128 - Wr_b.shape[0])).reshape(1, 128)
  sc = _scores(embp8, wp, bp)
  return sc[:BN, :Wr_W.shape[1]]


def _run_pick(hid, idx):
  r0 = lax.dynamic_slice(hid, (idx[0], 0), (1, N_DIM))
  r1 = lax.dynamic_slice(hid, (idx[1], N_DIM), (1, N_DIM))
  return jnp.concatenate([r0, r1], axis=0)


def kernel(head, tail, edge_index, edge_type, ent_emb, rel_embs, lin_W, lin_b,
           rel_lin_W, rel_lin_b, attn_W, attn_b, Wr_W, Wr_b):
  return _run(head, tail, edge_index, edge_type, ent_emb, rel_embs, lin_W,
              lin_b, rel_lin_W, rel_lin_b, attn_W, attn_b, Wr_W, Wr_b)

# --- scband reference (transcript-rebuilt; emitter-appended) ---
"""Pipeline reference for scband-emer-gnn-8607114461437 (READ-ONLY COPY).

The authoritative reference and input builder live on the scoring server;
editing this copy changes nothing except your own understanding.
"""

import jax, jax.numpy as jnp
import numpy as np

N_ENT = 10000
N_DIM = 64
L = 2
N_REL = 29  # 2*all_rel + 1
EVAL_ENT = 1710
EVAL_REL = 86
B = 2
E = 160000


def setup_inputs(seed: int = 0) -> dict:
    key = jax.random.key(seed)
    ks = jax.random.split(key, 12)
    head = jax.random.randint(ks[0], (B,), 0, EVAL_ENT)
    tail = jax.random.randint(ks[1], (B,), 0, EVAL_ENT)
    edge_index = jax.random.randint(ks[2], (2, E), 0, N_ENT)
    edge_type = jax.random.randint(ks[3], (E,), 0, N_REL)
    sc = 0.05
    ent_emb = jax.random.normal(ks[4], (EVAL_ENT, N_DIM), dtype=jnp.float32) * sc
    rel_embs = jax.random.normal(ks[5], (L, N_REL, N_DIM), dtype=jnp.float32) * sc
    lin_W = jax.random.normal(ks[6], (L, N_DIM, N_DIM), dtype=jnp.float32) * sc
    lin_b = jnp.zeros((L, N_DIM), dtype=jnp.float32)
    rel_lin_W = jax.random.normal(ks[7], (L, 2 * N_DIM, 5), dtype=jnp.float32) * sc
    rel_lin_b = jnp.zeros((L, 5), dtype=jnp.float32)
    attn_W = jax.random.normal(ks[8], (L, 5, N_REL), dtype=jnp.float32) * sc
    attn_b = jnp.zeros((L, N_REL), dtype=jnp.float32)
    Wr_W = jax.random.normal(ks[9], (4 * N_DIM, EVAL_REL), dtype=jnp.float32) * sc
    Wr_b = jnp.zeros((EVAL_REL,), dtype=jnp.float32)
    return {
        'head': head, 'tail': tail, 'edge_index': edge_index, 'edge_type': edge_type,
        'ent_emb': ent_emb, 'rel_embs': rel_embs, 'lin_W': lin_W, 'lin_b': lin_b,
        'rel_lin_W': rel_lin_W, 'rel_lin_b': rel_lin_b, 'attn_W': attn_W, 'attn_b': attn_b,
        'Wr_W': Wr_W, 'Wr_b': Wr_b,
    }


def reference(head, tail, edge_index, edge_type, ent_emb, rel_embs, lin_W, lin_b,
              rel_lin_W, rel_lin_b, attn_W, attn_b, Wr_W, Wr_b):
    Bn = head.shape[0]
    ar = jnp.arange(Bn)
    dst = edge_index[0]  # adjacency row index i: out[i] = sum_j adj[i,j,r] * ...
    src = edge_index[1]

    head_embed = jnp.take(ent_emb, head, axis=0)
    tail_embed = jnp.take(ent_emb, tail, axis=0)
    ht_embed = jnp.concatenate([head_embed, tail_embed], axis=-1)  # (B, 2*n_dim)

    def propagate(init_idx, init_emb):
        hiddens = jnp.zeros((N_ENT, Bn, N_DIM), dtype=jnp.float32).at[init_idx, ar].set(init_emb)
        for l in range(L):
            h = hiddens.reshape(N_ENT, Bn * N_DIM)
            # relation attention weights per query pair
            rel_w = jax.nn.sigmoid(
                jax.nn.relu(ht_embed @ rel_lin_W[l] + rel_lin_b[l]) @ attn_W[l] + attn_b[l]
            )  # (B, N_REL)
            rel_in = rel_w[:, :, None] * rel_embs[l][None, :, :]  # (B, N_REL, n_dim)
            rel_in = jnp.transpose(rel_in, (1, 0, 2)).reshape(N_REL, Bn * N_DIM)
            # generalized_rspmm(KG, rel_in, h, sum='add', mul='mul')
            msgs = jnp.take(rel_in, edge_type, axis=0) * jnp.take(h, src, axis=0)  # (E, B*n_dim)
            agg = jax.ops.segment_sum(msgs, dst, num_segments=N_ENT)
            h2 = jax.nn.relu(agg.reshape(N_ENT * Bn, N_DIM) @ lin_W[l] + lin_b[l])
            hiddens = h2.reshape(N_ENT, Bn, N_DIM)
        return hiddens

    tail_hid = propagate(head, head_embed)[tail, ar]  # (B, n_dim)
    head_hid = propagate(tail, tail_embed)[head, ar]  # (B, n_dim)

    embeddings = jnp.concatenate([head_embed, tail_embed, head_hid, tail_hid], axis=1)  # (B, 4*n_dim)
    scores = embeddings @ Wr_W + Wr_b  # enc_r: (B, eval_rel)
    return scores

if __name__ == "__main__":
    import jax
    _d = setup_inputs()
    print(jax.jit(kernel)(*tuple(_d.values())))

</pallas_src>

<mosaic_0001>
#map = affine_map<(d0, d1) -> (0)>
#map1 = affine_map<(d0, d1) -> (0, 0)>
module attributes {stable_mosaic.version = 14 : i64} {
  func.func @body(%arg0: i32, %arg1: i32, %arg2: memref<163840xi32, #tpu.memory_space<hbm>>, %arg3: memref<163840xi32, #tpu.memory_space<hbm>>, %arg4: memref<163840xi32, #tpu.memory_space<hbm>>, %arg5: memref<10240x128xf32, #tpu.memory_space<hbm>>, %arg6: memref<32x128xf32, #tpu.memory_space<hbm>>, %arg7: memref<10240x128xf32, #tpu.memory_space<hbm>>, %arg8: memref<20480x128xf32, #tpu.memory_space<hbm>>, %arg9: memref<80xi32, #tpu.memory_space<vmem>>, %arg10: memref<80xi32, #tpu.memory_space<vmem>>, %arg11: memref<80xi32, #tpu.memory_space<vmem>>, %arg12: memref<80xi32, #tpu.memory_space<vmem>>, %arg13: memref<80xi32, #tpu.memory_space<vmem>>, %arg14: memref<80xi32, #tpu.memory_space<vmem>>, %arg15: memref<80x128xf32, #tpu.memory_space<vmem>>, %arg16: memref<80x128xf32, #tpu.memory_space<vmem>>, %arg17: memref<80x128xf32, #tpu.memory_space<vmem>>, %arg18: memref<80x128xf32, #tpu.memory_space<vmem>>, %arg19: memref<!tpu.dma_semaphore, #tpu.memory_space<semaphore_mem>>, %arg20: memref<!tpu.dma_semaphore, #tpu.memory_space<semaphore_mem>>, %arg21: memref<!tpu.dma_semaphore, #tpu.memory_space<semaphore_mem>>, %arg22: memref<!tpu.dma_semaphore, #tpu.memory_space<semaphore_mem>>, %arg23: memref<!tpu.dma_semaphore, #tpu.memory_space<semaphore_mem>>, %arg24: memref<!tpu.dma_semaphore, #tpu.memory_space<semaphore_mem>>, %arg25: memref<10240x128xf32, #tpu.memory_space<vmem_shared>>) attributes {dimension_semantics = [#tpu.dimension_semantics<core_parallel>, #tpu.dimension_semantics<subcore_parallel>], iteration_bounds = array<i64: 2, 16>, scalar_prefetch = 0 : i64, scratch_operands = 17 : i64, tpu.core_type = #tpu.core_type<sc_vector_subcore>, window_params = [{transform_indices = #map}, {transform_indices = #map}, {transform_indices = #map}, {transform_indices = #map1}, {transform_indices = #map1}, {transform_indices = #map1}, {transform_indices = #map1}]} {
    %mul3A = arith.constant 2 : i32
    %mul3A_0 = arith.muli %arg1, %mul3A : i32
    %add3A = arith.addi %mul3A_0, %arg0 : i32
    %mul3A_1 = arith.constant 640 : i32
    %mul3A_2 = arith.muli %arg1, %mul3A_1 : i32
    %mul3A_3 = arith.constant 5120 : i32
    %mul3A_4 = arith.muli %add3A, %mul3A_3 : i32
    "tpu.region"() ({
      %run_scoped3A = tpu.sem_alloc : memref<!tpu.dma_semaphore, #tpu.memory_space<semaphore_mem>>
      %dma_start3A_42 = arith.constant 0 : i32
      %dma_start3A_43 = tpu.memref_slice %arg25[%mul3A_2, %dma_start3A_42] : memref<10240x128xf32, #tpu.memory_space<vmem_shared>> -> memref<640x128xf32, #tpu.memory_space<vmem_shared>>
      %dma_start3A_44 = arith.constant 0 : i32
      %dma_start3A_45 = tpu.memref_slice %arg7[%mul3A_2, %dma_start3A_44] : memref<10240x128xf32, #tpu.memory_space<hbm>> -> memref<640x128xf32, #tpu.memory_space<hbm>>
      tpu.enqueue_dma source(%dma_start3A_45 : memref<640x128xf32, #tpu.memory_space<hbm>>) target(%dma_start3A_43 : memref<640x128xf32, #tpu.memory_space<vmem_shared>>) target_semaphore(%run_scoped3A : memref<!tpu.dma_semaphore, #tpu.memory_space<semaphore_mem>>)
      %dma_wait3A_46 = arith.constant 0 : i32
      %dma_wait3A_47 = tpu.memref_slice %arg25[%mul3A_2, %dma_wait3A_46] : memref<10240x128xf32, #tpu.memory_space<vmem_shared>> -> memref<640x128xf32, #tpu.memory_space<vmem_shared>>
      %dma_wait3A_48 = arith.constant 0 : i32
      %dma_wait3A_49 = tpu.memref_slice %arg7[%mul3A_2, %dma_wait3A_48] : memref<10240x128xf32, #tpu.memory_space<hbm>> -> memref<640x128xf32, #tpu.memory_space<hbm>>
      tpu.wait_dma2 semaphore(%run_scoped3A : memref<!tpu.dma_semaphore, #tpu.memory_space<semaphore_mem>>) src(%dma_wait3A_49 : memref<640x128xf32, #tpu.memory_space<hbm>>) dst(%dma_wait3A_47 : memref<640x128xf32, #tpu.memory_space<vmem_shared>>)
      tpu.yield
    }) : () -> ()
    %barrier3A = arith.constant 0 : index
    tpu.barrier barrier_id(%barrier3A)
    %add3A_5 = arith.constant 0 : i32
    %add3A_6 = arith.addi %mul3A_4, %add3A_5 : i32
    %dma_start3A = tpu.memref_slice %arg2[%add3A_6] : memref<163840xi32, #tpu.memory_space<hbm>> -> memref<80xi32, #tpu.memory_space<hbm>>
    %dma_start3A_7 = tpu.memref_slice %arg2[%add3A_6] : memref<163840xi32, #tpu.memory_space<hbm>> -> memref<80xi32, #tpu.memory_space<hbm>>
    tpu.enqueue_dma source(%dma_start3A_7 : memref<80xi32, #tpu.memory_space<hbm>>) target(%arg9 : memref<80xi32, #tpu.memory_space<vmem>>) target_semaphore(%arg19 : memref<!tpu.dma_semaphore, #tpu.memory_space<semaphore_mem>>)
    %dma_start3A_8 = tpu.memref_slice %arg3[%add3A_6] : memref<163840xi32, #tpu.memory_space<hbm>> -> memref<80xi32, #tpu.memory_space<hbm>>
    %dma_start3A_9 = tpu.memref_slice %arg3[%add3A_6] : memref<163840xi32, #tpu.memory_space<hbm>> -> memref<80xi32, #tpu.memory_space<hbm>>
    tpu.enqueue_dma source(%dma_start3A_9 : memref<80xi32, #tpu.memory_space<hbm>>) target(%arg11 : memref<80xi32, #tpu.memory_space<vmem>>) target_semaphore(%arg19 : memref<!tpu.dma_semaphore, #tpu.memory_space<semaphore_mem>>)
    %dma_start3A_10 = tpu.memref_slice %arg4[%add3A_6] : memref<163840xi32, #tpu.memory_space<hbm>> -> memref<80xi32, #tpu.memory_space<hbm>>
    %dma_start3A_11 = tpu.memref_slice %arg4[%add3A_6] : memref<163840xi32, #tpu.memory_space<hbm>> -> memref<80xi32, #tpu.memory_space<hbm>>
    tpu.enqueue_dma source(%dma_start3A_11 : memref<80xi32, #tpu.memory_space<hbm>>) target(%arg13 : memref<80xi32, #tpu.memory_space<vmem>>) target_semaphore(%arg19 : memref<!tpu.dma_semaphore, #tpu.memory_space<semaphore_mem>>)
    %add3A_12 = arith.constant 0 : i32
    %add3A_13 = arith.addi %mul3A_4, %add3A_12 : i32
    %dma_wait3A = tpu.memref_slice %arg2[%add3A_13] : memref<163840xi32, #tpu.memory_space<hbm>> -> memref<80xi32, #tpu.memory_space<hbm>>
    %dma_wait3A_14 = tpu.memref_slice %arg2[%add3A_13] : memref<163840xi32, #tpu.memory_space<hbm>> -> memref<80xi32, #tpu.memory_space<hbm>>
    tpu.wait_dma2 semaphore(%arg19 : memref<!tpu.dma_semaphore, #tpu.memory_space<semaphore_mem>>) src(%dma_wait3A_14 : memref<80xi32, #tpu.memory_space<hbm>>) dst(%arg9 : memref<80xi32, #tpu.memory_space<vmem>>)
    %dma_wait3A_15 = tpu.memref_slice %arg3[%add3A_13] : memref<163840xi32, #tpu.memory_space<hbm>> -> memref<80xi32, #tpu.memory_space<hbm>>
    %dma_wait3A_16 = tpu.memref_slice %arg3[%add3A_13] : memref<163840xi32, #tpu.memory_space<hbm>> -> memref<80xi32, #tpu.memory_space<hbm>>
    tpu.wait_dma2 semaphore(%arg19 : memref<!tpu.dma_semaphore, #tpu.memory_space<semaphore_mem>>) src(%dma_wait3A_16 : memref<80xi32, #tpu.memory_space<hbm>>) dst(%arg11 : memref<80xi32, #tpu.memory_space<vmem>>)
    %dma_wait3A_17 = tpu.memref_slice %arg4[%add3A_13] : memref<163840xi32, #tpu.memory_space<hbm>> -> memref<80xi32, #tpu.memory_space<hbm>>
    %dma_wait3A_18 = tpu.memref_slice %arg4[%add3A_13] : memref<163840xi32, #tpu.memory_space<hbm>> -> memref<80xi32, #tpu.memory_space<hbm>>
    tpu.wait_dma2 semaphore(%arg19 : memref<!tpu.dma_semaphore, #tpu.memory_space<semaphore_mem>>) src(%dma_wait3A_18 : memref<80xi32, #tpu.memory_space<hbm>>) dst(%arg13 : memref<80xi32, #tpu.memory_space<vmem>>)
    %dma_start3A_19 = arith.constant 0 : i32
    %dma_start3A_20 = arith.constant 0 : i32
    %dma_start3A_21 = tpu.memref_slice %arg5[%dma_start3A_19, %dma_start3A_20] : memref<10240x128xf32, #tpu.memory_space<hbm>> -> memref<10240x128xf32, #tpu.memory_space<hbm>>
    tpu.enqueue_indirect_dma source(%dma_start3A_21 : memref<10240x128xf32, #tpu.memory_space<hbm>>) target(%arg15 : memref<80x128xf32, #tpu.memory_space<vmem>>) offsets(%arg9 : memref<80xi32, #tpu.memory_space<vmem>>) semaphore(%arg21 : memref<!tpu.dma_semaphore, #tpu.memory_space<semaphore_mem>>)
    %dma_start3A_22 = arith.constant 0 : i32
    %dma_start3A_23 = arith.constant 0 : i32
    %dma_start3A_24 = tpu.memref_slice %arg6[%dma_start3A_22, %dma_start3A_23] : memref<32x128xf32, #tpu.memory_space<hbm>> -> memref<32x128xf32, #tpu.memory_space<hbm>>
    tpu.enqueue_indirect_dma source(%dma_start3A_24 : memref<32x128xf32, #tpu.memory_space<hbm>>) target(%arg16 : memref<80x128xf32, #tpu.memory_space<vmem>>) offsets(%arg11 : memref<80xi32, #tpu.memory_space<vmem>>) semaphore(%arg23 : memref<!tpu.dma_semaphore, #tpu.memory_space<semaphore_mem>>)
    %add3A_25 = arith.constant 80 : i32
    %add3A_26 = arith.addi %mul3A_4, %add3A_25 : i32
    %dma_start3A_27 = tpu.memref_slice %arg2[%add3A_26] : memref<163840xi32, #tpu.memory_space<hbm>> -> memref<80xi32, #tpu.memory_space<hbm>>
    %dma_start3A_28 = tpu.memref_slice %arg2[%add3A_26] : memref<163840xi32, #tpu.memory_space<hbm>> -> memref<80xi32, #tpu.memory_space<hbm>>
    tpu.enqueue_dma source(%dma_start3A_28 : memref<80xi32, #tpu.memory_space<hbm>>) target(%arg10 : memref<80xi32, #tpu.memory_space<vmem>>) target_semaphore(%arg20 : memref<!tpu.dma_semaphore, #tpu.memory_space<semaphore_mem>>)
    %dma_start3A_29 = tpu.memref_slice %arg3[%add3A_26] : memref<163840xi32, #tpu.memory_space<hbm>> -> memref<80xi32, #tpu.memory_space<hbm>>
    %dma_start3A_30 = tpu.memref_slice %arg3[%add3A_26] : memref<163840xi32, #tpu.memory_space<hbm>> -> memref<80xi32, #tpu.memory_space<hbm>>
    tpu.enqueue_dma source(%dma_start3A_30 : memref<80xi32, #tpu.memory_space<hbm>>) target(%arg12 : memref<80xi32, #tpu.memory_space<vmem>>) target_semaphore(%arg20 : memref<!tpu.dma_semaphore, #tpu.memory_space<semaphore_mem>>)
    %dma_start3A_31 = tpu.memref_slice %arg4[%add3A_26] : memref<163840xi32, #tpu.memory_space<hbm>> -> memref<80xi32, #tpu.memory_space<hbm>>
    %dma_start3A_32 = tpu.memref_slice %arg4[%add3A_26] : memref<163840xi32, #tpu.memory_space<hbm>> -> memref<80xi32, #tpu.memory_space<hbm>>
    tpu.enqueue_dma source(%dma_start3A_32 : memref<80xi32, #tpu.memory_space<hbm>>) target(%arg14 : memref<80xi32, #tpu.memory_space<vmem>>) target_semaphore(%arg20 : memref<!tpu.dma_semaphore, #tpu.memory_space<semaphore_mem>>)
    %scan3A = arith.constant 0 : i32
    %scan3A_33 = arith.constant 0 : i32
    %scan3A_34 = arith.constant 32 : i32
    %scan3A_35 = arith.addi %scan3A_33, %scan3A_34 : i32
    %scan3A_36 = arith.constant 1 : i32
    scf.for %scan3A_42 = %scan3A_33 to %scan3A_35 step %scan3A_36  : i32 {
      %mul3A_43 = arith.constant 2 : i32
      %mul3A_44 = arith.muli %scan3A_42, %mul3A_43 : i32
      %add3A_45 = arith.constant 1 : i32
      %add3A_46 = arith.addi %mul3A_44, %add3A_45 : i32
      %lt3A = arith.constant 64 : i32
      %lt3A_47 = arith.cmpi slt, %add3A_46, %lt3A : i32
      %convert_element_type3A = arith.extui %lt3A_47 : i1 to i32
      %cond3A = arith.constant 0 : i32
      %cond3A_48 = arith.cmpi ne, %convert_element_type3A, %cond3A : i32
      scf.if %cond3A_48 {
        %add3A_96 = arith.constant 1 : i32
        %add3A_97 = arith.addi %mul3A_44, %add3A_96 : i32
        %mul3A_98 = arith.constant 80 : i32
        %mul3A_99 = arith.muli %add3A_97, %mul3A_98 : i32
        %add3A_100 = arith.addi %mul3A_4, %mul3A_99 : i32
        %dma_wait3A_101 = tpu.memref_slice %arg2[%add3A_100] : memref<163840xi32, #tpu.memory_space<hbm>> -> memref<80xi32, #tpu.memory_space<hbm>>
        %dma_wait3A_102 = tpu.memref_slice %arg2[%add3A_100] : memref<163840xi32, #tpu.memory_space<hbm>> -> memref<80xi32, #tpu.memory_space<hbm>>
        tpu.wait_dma2 semaphore(%arg20 : memref<!tpu.dma_semaphore, #tpu.memory_space<semaphore_mem>>) src(%dma_wait3A_102 : memref<80xi32, #tpu.memory_space<hbm>>) dst(%arg10 : memref<80xi32, #tpu.memory_space<vmem>>)
        %dma_wait3A_103 = tpu.memref_slice %arg3[%add3A_100] : memref<163840xi32, #tpu.memory_space<hbm>> -> memref<80xi32, #tpu.memory_space<hbm>>
        %dma_wait3A_104 = tpu.memref_slice %arg3[%add3A_100] : memref<163840xi32, #tpu.memory_space<hbm>> -> memref<80xi32, #tpu.memory_space<hbm>>
        tpu.wait_dma2 semaphore(%arg20 : memref<!tpu.dma_semaphore, #tpu.memory_space<semaphore_mem>>) src(%dma_wait3A_104 : memref<80xi32, #tpu.memory_space<hbm>>) dst(%arg12 : memref<80xi32, #tpu.memory_space<vmem>>)
        %dma_wait3A_105 = tpu.memref_slice %arg4[%add3A_100] : memref<163840xi32, #tpu.memory_space<hbm>> -> memref<80xi32, #tpu.memory_space<hbm>>
        %dma_wait3A_106 = tpu.memref_slice %arg4[%add3A_100] : memref<163840xi32, #tpu.memory_space<hbm>> -> memref<80xi32, #tpu.memory_space<hbm>>
        tpu.wait_dma2 semaphore(%arg20 : memref<!tpu.dma_semaphore, #tpu.memory_space<semaphore_mem>>) src(%dma_wait3A_106 : memref<80xi32, #tpu.memory_space<hbm>>) dst(%arg14 : memref<80xi32, #tpu.memory_space<vmem>>)
        %dma_start3A_107 = arith.constant 0 : i32
        %dma_start3A_108 = arith.constant 0 : i32
        %dma_start3A_109 = tpu.memref_slice %arg5[%dma_start3A_107, %dma_start3A_108] : memref<10240x128xf32, #tpu.memory_space<hbm>> -> memref<10240x128xf32, #tpu.memory_space<hbm>>
        tpu.enqueue_indirect_dma source(%dma_start3A_109 : memref<10240x128xf32, #tpu.memory_space<hbm>>) target(%arg17 : memref<80x128xf32, #tpu.memory_space<vmem>>) offsets(%arg10 : memref<80xi32, #tpu.memory_space<vmem>>) semaphore(%arg22 : memref<!tpu.dma_semaphore, #tpu.memory_space<semaphore_mem>>)
        %dma_start3A_110 = arith.constant 0 : i32
        %dma_start3A_111 = arith.constant 0 : i32
        %dma_start3A_112 = tpu.memref_slice %arg6[%dma_start3A_110, %dma_start3A_111] : memref<32x128xf32, #tpu.memory_space<hbm>> -> memref<32x128xf32, #tpu.memory_space<hbm>>
        tpu.enqueue_indirect_dma source(%dma_start3A_112 : memref<32x128xf32, #tpu.memory_space<hbm>>) target(%arg18 : memref<80x128xf32, #tpu.memory_space<vmem>>) offsets(%arg12 : memref<80xi32, #tpu.memory_space<vmem>>) semaphore(%arg24 : memref<!tpu.dma_semaphore, #tpu.memory_space<semaphore_mem>>)
      } else {
      }
      %dma_wait3A_49 = arith.constant 0 : i32
      %dma_wait3A_50 = arith.constant 0 : i32
      %dma_wait3A_51 = tpu.memref_slice %arg5[%dma_wait3A_49, %dma_wait3A_50] : memref<10240x128xf32, #tpu.memory_space<hbm>> -> memref<10240x128xf32, #tpu.memory_space<hbm>>
      tpu.wait_indirect_dma semaphore(%arg21 : memref<!tpu.dma_semaphore, #tpu.memory_space<semaphore_mem>>) src(%dma_wait3A_51 : memref<10240x128xf32, #tpu.memory_space<hbm>>) dst(%arg15 : memref<80x128xf32, #tpu.memory_space<vmem>>)
      %dma_wait3A_52 = arith.constant 0 : i32
      %dma_wait3A_53 = arith.constant 0 : i32
      %dma_wait3A_54 = tpu.memref_slice %arg6[%dma_wait3A_52, %dma_wait3A_53] : memref<32x128xf32, #tpu.memory_space<hbm>> -> memref<32x128xf32, #tpu.memory_space<hbm>>
      tpu.wait_indirect_dma semaphore(%arg23 : memref<!tpu.dma_semaphore, #tpu.memory_space<semaphore_mem>>) src(%dma_wait3A_54 : memref<32x128xf32, #tpu.memory_space<hbm>>) dst(%arg16 : memref<80x128xf32, #tpu.memory_space<vmem>>)
      %scan3A_55 = arith.constant 0 : i32
      %scan3A_56 = arith.constant 0 : i32
      %scan3A_57 = arith.constant 80 : i32
      %scan3A_58 = arith.addi %scan3A_56, %scan3A_57 : i32
      %scan3A_59 = arith.constant 1 : i32
      scf.for %scan3A_96 = %scan3A_56 to %scan3A_58 step %scan3A_59  : i32 {
        %get3A = arith.index_cast %scan3A_96 : i32 to index
        %get3A_97 = arith.constant 0 : index
        %get3A_98 = tpu.vector_load %arg15[%get3A, %get3A_97] {strides = array<i32>} : memref<80x128xf32, #tpu.memory_space<vmem>>, vector<1x16xf32>,
        %get3A_99 = vector.shape_cast %get3A_98 : vector<1x16xf32> to vector<16xf32>
        %get3A_100 = arith.index_cast %scan3A_96 : i32 to index
        %get3A_101 = arith.constant 0 : index
        %get3A_102 = tpu.vector_load %arg16[%get3A_100, %get3A_101] {strides = array<i32>} : memref<80x128xf32, #tpu.memory_space<vmem>>, vector<1x16xf32>,
        %get3A_103 = vector.shape_cast %get3A_102 : vector<1x16xf32> to vector<16xf32>
        %mul3A_104 = arith.mulf %get3A_99, %get3A_103 : vector<16xf32>
        %swap3A = arith.index_cast %scan3A_96 : i32 to index
        %swap3A_105 = arith.constant 0 : index
        %swap3A_106 = tpu.vector_load %arg15[%swap3A, %swap3A_105] {strides = array<i32>} : memref<80x128xf32, #tpu.memory_space<vmem>>, vector<1x16xf32>,
        %swap3A_107 = vector.shape_cast %swap3A_106 : vector<1x16xf32> to vector<16xf32>
        %swap3A_108 = vector.shape_cast %mul3A_104 : vector<16xf32> to vector<1x16xf32>
        tpu.vector_store %arg15[%swap3A, %swap3A_105], %swap3A_108 {strides = array<i32>} : memref<80x128xf32, #tpu.memory_space<vmem>>, vector<1x16xf32>,
        %get3A_109 = arith.index_cast %scan3A_96 : i32 to index
        %get3A_110 = arith.constant 16 : index
        %get3A_111 = tpu.vector_load %arg15[%get3A_109, %get3A_110] {strides = array<i32>} : memref<80x128xf32, #tpu.memory_space<vmem>>, vector<1x16xf32>,
        %get3A_112 = vector.shape_cast %get3A_111 : vector<1x16xf32> to vector<16xf32>
        %get3A_113 = arith.index_cast %scan3A_96 : i32 to index
        %get3A_114 = arith.constant 16 : index
        %get3A_115 = tpu.vector_load %arg16[%get3A_113, %get3A_114] {strides = array<i32>} : memref<80x128xf32, #tpu.memory_space<vmem>>, vector<1x16xf32>,
        %get3A_116 = vector.shape_cast %get3A_115 : vector<1x16xf32> to vector<16xf32>
        %mul3A_117 = arith.mulf %get3A_112, %get3A_116 : vector<16xf32>
        %swap3A_118 = arith.index_cast %scan3A_96 : i32 to index
        %swap3A_119 = arith.constant 16 : index
        %swap3A_120 = tpu.vector_load %arg15[%swap3A_118, %swap3A_119] {strides = array<i32>} : memref<80x128xf32, #tpu.memory_space<vmem>>, vector<1x16xf32>,
        %swap3A_121 = vector.shape_cast %swap3A_120 : vector<1x16xf32> to vector<16xf32>
        %swap3A_122 = vector.shape_cast %mul3A_117 : vector<16xf32> to vector<1x16xf32>
        tpu.vector_store %arg15[%swap3A_118, %swap3A_119], %swap3A_122 {strides = array<i32>} : memref<80x128xf32, #tpu.memory_space<vmem>>, vector<1x16xf32>,
        %get3A_123 = arith.index_cast %scan3A_96 : i32 to index
        %get3A_124 = arith.constant 32 : index
        %get3A_125 = tpu.vector_load %arg15[%get3A_123, %get3A_124] {strides = array<i32>} : memref<80x128xf32, #tpu.memory_space<vmem>>, vector<1x16xf32>,
        %get3A_126 = vector.shape_cast %get3A_125 : vector<1x16xf32> to vector<16xf32>
        %get3A_127 = arith.index_cast %scan3A_96 : i32 to index
        %get3A_128 = arith.constant 32 : index
        %get3A_129 = tpu.vector_load %arg16[%get3A_127, %get3A_128] {strides = array<i32>} : memref<80x128xf32, #tpu.memory_space<vmem>>, vector<1x16xf32>,
        %get3A_130 = vector.shape_cast %get3A_129 : vector<1x16xf32> to vector<16xf32>
        %mul3A_131 = arith.mulf %get3A_126, %get3A_130 : vector<16xf32>
        %swap3A_132 = arith.index_cast %scan3A_96 : i32 to index
        %swap3A_133 = arith.constant 32 : index
        %swap3A_134 = tpu.vector_load %arg15[%swap3A_132, %swap3A_133] {strides = array<i32>} : memref<80x128xf32, #tpu.memory_space<vmem>>, vector<1x16xf32>,
        %swap3A_135 = vector.shape_cast %swap3A_134 : vector<1x16xf32> to vector<16xf32>
        %swap3A_136 = vector.shape_cast %mul3A_131 : vector<16xf32> to vector<1x16xf32>
        tpu.vector_store %arg15[%swap3A_132, %swap3A_133], %swap3A_136 {strides = array<i32>} : memref<80x128xf32, #tpu.memory_space<vmem>>, vector<1x16xf32>,
        %get3A_137 = arith.index_cast %scan3A_96 : i32 to index
        %get3A_138 = arith.constant 48 : index
        %get3A_139 = tpu.vector_load %arg15[%get3A_137, %get3A_138] {strides = array<i32>} : memref<80x128xf32, #tpu.memory_space<vmem>>, vector<1x16xf32>,
        %get3A_140 = vector.shape_cast %get3A_139 : vector<1x16xf32> to vector<16xf32>
        %get3A_141 = arith.index_cast %scan3A_96 : i32 to index
        %get3A_142 = arith.constant 48 : index
        %get3A_143 = tpu.vector_load %arg16[%get3A_141, %get3A_142] {strides = array<i32>} : memref<80x128xf32, #tpu.memory_space<vmem>>, vector<1x16xf32>,
        %get3A_144 = vector.shape_cast %get3A_143 : vector<1x16xf32> to vector<16xf32>
        %mul3A_145 = arith.mulf %get3A_140, %get3A_144 : vector<16xf32>
        %swap3A_146 = arith.index_cast %scan3A_96 : i32 to index
        %swap3A_147 = arith.constant 48 : index
        %swap3A_148 = tpu.vector_load %arg15[%swap3A_146, %swap3A_147] {strides = array<i32>} : memref<80x128xf32, #tpu.memory_space<vmem>>, vector<1x16xf32>,
        %swap3A_149 = vector.shape_cast %swap3A_148 : vector<1x16xf32> to vector<16xf32>
        %swap3A_150 = vector.shape_cast %mul3A_145 : vector<16xf32> to vector<1x16xf32>
        tpu.vector_store %arg15[%swap3A_146, %swap3A_147], %swap3A_150 {strides = array<i32>} : memref<80x128xf32, #tpu.memory_space<vmem>>, vector<1x16xf32>,
        %get3A_151 = arith.index_cast %scan3A_96 : i32 to index
        %get3A_152 = arith.constant 64 : index
        %get3A_153 = tpu.vector_load %arg15[%get3A_151, %get3A_152] {strides = array<i32>} : memref<80x128xf32, #tpu.memory_space<vmem>>, vector<1x16xf32>,
        %get3A_154 = vector.shape_cast %get3A_153 : vector<1x16xf32> to vector<16xf32>
        %get3A_155 = arith.index_cast %scan3A_96 : i32 to index
        %get3A_156 = arith.constant 64 : index
        %get3A_157 = tpu.vector_load %arg16[%get3A_155, %get3A_156] {strides = array<i32>} : memref<80x128xf32, #tpu.memory_space<vmem>>, vector<1x16xf32>,
        %get3A_158 = vector.shape_cast %get3A_157 : vector<1x16xf32> to vector<16xf32>
        %mul3A_159 = arith.mulf %get3A_154, %get3A_158 : vector<16xf32>
        %swap3A_160 = arith.index_cast %scan3A_96 : i32 to index
        %swap3A_161 = arith.constant 64 : index
        %swap3A_162 = tpu.vector_load %arg15[%swap3A_160, %swap3A_161] {strides = array<i32>} : memref<80x128xf32, #tpu.memory_space<vmem>>, vector<1x16xf32>,
        %swap3A_163 = vector.shape_cast %swap3A_162 : vector<1x16xf32> to vector<16xf32>
        %swap3A_164 = vector.shape_cast %mul3A_159 : vector<16xf32> to vector<1x16xf32>
        tpu.vector_store %arg15[%swap3A_160, %swap3A_161], %swap3A_164 {strides = array<i32>} : memref<80x128xf32, #tpu.memory_space<vmem>>, vector<1x16xf32>,
        %get3A_165 = arith.index_cast %scan3A_96 : i32 to index
        %get3A_166 = arith.constant 80 : index
        %get3A_167 = tpu.vector_load %arg15[%get3A_165, %get3A_166] {strides = array<i32>} : memref<80x128xf32, #tpu.memory_space<vmem>>, vector<1x16xf32>,
        %get3A_168 = vector.shape_cast %get3A_167 : vector<1x16xf32> to vector<16xf32>
        %get3A_169 = arith.index_cast %scan3A_96 : i32 to index
        %get3A_170 = arith.constant 80 : index
        %get3A_171 = tpu.vector_load %arg16[%get3A_169, %get3A_170] {strides = array<i32>} : memref<80x128xf32, #tpu.memory_space<vmem>>, vector<1x16xf32>,
        %get3A_172 = vector.shape_cast %get3A_171 : vector<1x16xf32> to vector<16xf32>
        %mul3A_173 = arith.mulf %get3A_168, %get3A_172 : vector<16xf32>
        %swap3A_174 = arith.index_cast %scan3A_96 : i32 to index
        %swap3A_175 = arith.constant 80 : index
        %swap3A_176 = tpu.vector_load %arg15[%swap3A_174, %swap3A_175] {strides = array<i32>} : memref<80x128xf32, #tpu.memory_space<vmem>>, vector<1x16xf32>,
        %swap3A_177 = vector.shape_cast %swap3A_176 : vector<1x16xf32> to vector<16xf32>
        %swap3A_178 = vector.shape_cast %mul3A_173 : vector<16xf32> to vector<1x16xf32>
        tpu.vector_store %arg15[%swap3A_174, %swap3A_175], %swap3A_178 {strides = array<i32>} : memref<80x128xf32, #tpu.memory_space<vmem>>, vector<1x16xf32>,
        %get3A_179 = arith.index_cast %scan3A_96 : i32 to index
        %get3A_180 = arith.constant 96 : index
        %get3A_181 = tpu.vector_load %arg15[%get3A_179, %get3A_180] {strides = array<i32>} : memref<80x128xf32, #tpu.memory_space<vmem>>, vector<1x16xf32>,
        %get3A_182 = vector.shape_cast %get3A_181 : vector<1x16xf32> to vector<16xf32>
        %get3A_183 = arith.index_cast %scan3A_96 : i32 to index
        %get3A_184 = arith.constant 96 : index
        %get3A_185 = tpu.vector_load %arg16[%get3A_183, %get3A_184] {strides = array<i32>} : memref<80x128xf32, #tpu.memory_space<vmem>>, vector<1x16xf32>,
        %get3A_186 = vector.shape_cast %get3A_185 : vector<1x16xf32> to vector<16xf32>
        %mul3A_187 = arith.mulf %get3A_182, %get3A_186 : vector<16xf32>
        %swap3A_188 = arith.index_cast %scan3A_96 : i32 to index
        %swap3A_189 = arith.constant 96 : index
        %swap3A_190 = tpu.vector_load %arg15[%swap3A_188, %swap3A_189] {strides = array<i32>} : memref<80x128xf32, #tpu.memory_space<vmem>>, vector<1x16xf32>,
        %swap3A_191 = vector.shape_cast %swap3A_190 : vector<1x16xf32> to vector<16xf32>
        %swap3A_192 = vector.shape_cast %mul3A_187 : vector<16xf32> to vector<1x16xf32>
        tpu.vector_store %arg15[%swap3A_188, %swap3A_189], %swap3A_192 {strides = array<i32>} : memref<80x128xf32, #tpu.memory_space<vmem>>, vector<1x16xf32>,
        %get3A_193 = arith.index_cast %scan3A_96 : i32 to index
        %get3A_194 = arith.constant 112 : index
        %get3A_195 = tpu.vector_load %arg15[%get3A_193, %get3A_194] {strides = array<i32>} : memref<80x128xf32, #tpu.memory_space<vmem>>, vector<1x16xf32>,
        %get3A_196 = vector.shape_cast %get3A_195 : vector<1x16xf32> to vector<16xf32>
        %get3A_197 = arith.index_cast %scan3A_96 : i32 to index
        %get3A_198 = arith.constant 112 : index
        %get3A_199 = tpu.vector_load %arg16[%get3A_197, %get3A_198] {strides = array<i32>} : memref<80x128xf32, #tpu.memory_space<vmem>>, vector<1x16xf32>,
        %get3A_200 = vector.shape_cast %get3A_199 : vector<1x16xf32> to vector<16xf32>
        %mul3A_201 = arith.mulf %get3A_196, %get3A_200 : vector<16xf32>
        %swap3A_202 = arith.index_cast %scan3A_96 : i32 to index
        %swap3A_203 = arith.constant 112 : index
        %swap3A_204 = tpu.vector_load %arg15[%swap3A_202, %swap3A_203] {strides = array<i32>} : memref<80x128xf32, #tpu.memory_space<vmem>>, vector<1x16xf32>,
        %swap3A_205 = vector.shape_cast %swap3A_204 : vector<1x16xf32> to vector<16xf32>
        %swap3A_206 = vector.shape_cast %mul3A_201 : vector<16xf32> to vector<1x16xf32>
        tpu.vector_store %arg15[%swap3A_202, %swap3A_203], %swap3A_206 {strides = array<i32>} : memref<80x128xf32, #tpu.memory_space<vmem>>, vector<1x16xf32>,
      }
      %scan3A_60 = arith.constant 80 : i32
      "tpu.region"() ({
        %run_scoped3A = tpu.sem_alloc : memref<!tpu.dma_semaphore, #tpu.memory_space<semaphore_mem>>
        %dma_start3A_96 = arith.constant 0 : i32
        %dma_start3A_97 = arith.constant 0 : i32
        %dma_start3A_98 = tpu.memref_slice %arg25[%dma_start3A_96, %dma_start3A_97] : memref<10240x128xf32, #tpu.memory_space<vmem_shared>> -> memref<10240x128xf32, #tpu.memory_space<vmem_shared>>
        tpu.enqueue_indirect_dma source(%arg15 : memref<80x128xf32, #tpu.memory_space<vmem>>) target(%dma_start3A_98 : memref<10240x128xf32, #tpu.memory_space<vmem_shared>>) offsets(%arg13 : memref<80xi32, #tpu.memory_space<vmem>>) semaphore(%run_scoped3A : memref<!tpu.dma_semaphore, #tpu.memory_space<semaphore_mem>>) {add = true}
        %dma_wait3A_99 = arith.constant 0 : i32
        %dma_wait3A_100 = arith.constant 0 : i32
        %dma_wait3A_101 = tpu.memref_slice %arg25[%dma_wait3A_99, %dma_wait3A_100] : memref<10240x128xf32, #tpu.memory_space<vmem_shared>> -> memref<10240x128xf32, #tpu.memory_space<vmem_shared>>
        tpu.wait_indirect_dma semaphore(%run_scoped3A : memref<!tpu.dma_semaphore, #tpu.memory_space<semaphore_mem>>) src(%arg15 : memref<80x128xf32, #tpu.memory_space<vmem>>) dst(%dma_wait3A_101 : memref<10240x128xf32, #tpu.memory_space<vmem_shared>>)
        tpu.yield
      }) : () -> ()
      %add3A_61 = arith.constant 2 : i32
      %add3A_62 = arith.addi %mul3A_44, %add3A_61 : i32
      %lt3A_63 = arith.constant 64 : i32
      %lt3A_64 = arith.cmpi slt, %add3A_62, %lt3A_63 : i32
      %convert_element_type3A_65 = arith.extui %lt3A_64 : i1 to i32
      %cond3A_66 = arith.constant 0 : i32
      %cond3A_67 = arith.cmpi ne, %convert_element_type3A_65, %cond3A_66 : i32
      scf.if %cond3A_67 {
        %add3A_96 = arith.constant 2 : i32
        %add3A_97 = arith.addi %mul3A_44, %add3A_96 : i32
        %mul3A_98 = arith.constant 80 : i32
        %mul3A_99 = arith.muli %add3A_97, %mul3A_98 : i32
        %add3A_100 = arith.addi %mul3A_4, %mul3A_99 : i32
        %dma_start3A_101 = tpu.memref_slice %arg2[%add3A_100] : memref<163840xi32, #tpu.memory_space<hbm>> -> memref<80xi32, #tpu.memory_space<hbm>>
        %dma_start3A_102 = tpu.memref_slice %arg2[%add3A_100] : memref<163840xi32, #tpu.memory_space<hbm>> -> memref<80xi32, #tpu.memory_space<hbm>>
        tpu.enqueue_dma source(%dma_start3A_102 : memref<80xi32, #tpu.memory_space<hbm>>) target(%arg9 : memref<80xi32, #tpu.memory_space<vmem>>) target_semaphore(%arg19 : memref<!tpu.dma_semaphore, #tpu.memory_space<semaphore_mem>>)
        %dma_start3A_103 = tpu.memref_slice %arg3[%add3A_100] : memref<163840xi32, #tpu.memory_space<hbm>> -> memref<80xi32, #tpu.memory_space<hbm>>
        %dma_start3A_104 = tpu.memref_slice %arg3[%add3A_100] : memref<163840xi32, #tpu.memory_space<hbm>> -> memref<80xi32, #tpu.memory_space<hbm>>
        tpu.enqueue_dma source(%dma_start3A_104 : memref<80xi32, #tpu.memory_space<hbm>>) target(%arg11 : memref<80xi32, #tpu.memory_space<vmem>>) target_semaphore(%arg19 : memref<!tpu.dma_semaphore, #tpu.memory_space<semaphore_mem>>)
        %dma_start3A_105 = tpu.memref_slice %arg4[%add3A_100] : memref<163840xi32, #tpu.memory_space<hbm>> -> memref<80xi32, #tpu.memory_space<hbm>>
        %dma_start3A_106 = tpu.memref_slice %arg4[%add3A_100] : memref<163840xi32, #tpu.memory_space<hbm>> -> memref<80xi32, #tpu.memory_space<hbm>>
        tpu.enqueue_dma source(%dma_start3A_106 : memref<80xi32, #tpu.memory_space<hbm>>) target(%arg13 : memref<80xi32, #tpu.memory_space<vmem>>) target_semaphore(%arg19 : memref<!tpu.dma_semaphore, #tpu.memory_space<semaphore_mem>>)
      } else {
      }
      %add3A_68 = arith.constant 1 : i32
      %add3A_69 = arith.addi %mul3A_44, %add3A_68 : i32
      %add3A_70 = arith.constant 1 : i32
      %add3A_71 = arith.addi %add3A_69, %add3A_70 : i32
      %lt3A_72 = arith.constant 64 : i32
      %lt3A_73 = arith.cmpi slt, %add3A_71, %lt3A_72 : i32
      %convert_element_type3A_74 = arith.extui %lt3A_73 : i1 to i32
      %cond3A_75 = arith.constant 0 : i32
      %cond3A_76 = arith.cmpi ne, %convert_element_type3A_74, %cond3A_75 : i32
      scf.if %cond3A_76 {
        %add3A_96 = arith.constant 1 : i32
        %add3A_97 = arith.addi %add3A_69, %add3A_96 : i32
        %mul3A_98 = arith.constant 80 : i32
        %mul3A_99 = arith.muli %add3A_97, %mul3A_98 : i32
        %add3A_100 = arith.addi %mul3A_4, %mul3A_99 : i32
        %dma_wait3A_101 = tpu.memref_slice %arg2[%add3A_100] : memref<163840xi32, #tpu.memory_space<hbm>> -> memref<80xi32, #tpu.memory_space<hbm>>
        %dma_wait3A_102 = tpu.memref_slice %arg2[%add3A_100] : memref<163840xi32, #tpu.memory_space<hbm>> -> memref<80xi32, #tpu.memory_space<hbm>>
        tpu.wait_dma2 semaphore(%arg19 : memref<!tpu.dma_semaphore, #tpu.memory_space<semaphore_mem>>) src(%dma_wait3A_102 : memref<80xi32, #tpu.memory_space<hbm>>) dst(%arg9 : memref<80xi32, #tpu.memory_space<vmem>>)
        %dma_wait3A_103 = tpu.memref_slice %arg3[%add3A_100] : memref<163840xi32, #tpu.memory_space<hbm>> -> memref<80xi32, #tpu.memory_space<hbm>>
        %dma_wait3A_104 = tpu.memref_slice %arg3[%add3A_100] : memref<163840xi32, #tpu.memory_space<hbm>> -> memref<80xi32, #tpu.memory_space<hbm>>
        tpu.wait_dma2 semaphore(%arg19 : memref<!tpu.dma_semaphore, #tpu.memory_space<semaphore_mem>>) src(%dma_wait3A_104 : memref<80xi32, #tpu.memory_space<hbm>>) dst(%arg11 : memref<80xi32, #tpu.memory_space<vmem>>)
        %dma_wait3A_105 = tpu.memref_slice %arg4[%add3A_100] : memref<163840xi32, #tpu.memory_space<hbm>> -> memref<80xi32, #tpu.memory_space<hbm>>
        %dma_wait3A_106 = tpu.memref_slice %arg4[%add3A_100] : memref<163840xi32, #tpu.memory_space<hbm>> -> memref<80xi32, #tpu.memory_space<hbm>>
        tpu.wait_dma2 semaphore(%arg19 : memref<!tpu.dma_semaphore, #tpu.memory_space<semaphore_mem>>) src(%dma_wait3A_106 : memref<80xi32, #tpu.memory_space<hbm>>) dst(%arg13 : memref<80xi32, #tpu.memory_space<vmem>>)
        %dma_start3A_107 = arith.constant 0 : i32
        %dma_start3A_108 = arith.constant 0 : i32
        %dma_start3A_109 = tpu.memref_slice %arg5[%dma_start3A_107, %dma_start3A_108] : memref<10240x128xf32, #tpu.memory_space<hbm>> -> memref<10240x128xf32, #tpu.memory_space<hbm>>
        tpu.enqueue_indirect_dma source(%dma_start3A_109 : memref<10240x128xf32, #tpu.memory_space<hbm>>) target(%arg15 : memref<80x128xf32, #tpu.memory_space<vmem>>) offsets(%arg9 : memref<80xi32, #tpu.memory_space<vmem>>) semaphore(%arg21 : memref<!tpu.dma_semaphore, #tpu.memory_space<semaphore_mem>>)
        %dma_start3A_110 = arith.constant 0 : i32
        %dma_start3A_111 = arith.constant 0 : i32
        %dma_start3A_112 = tpu.memref_slice %arg6[%dma_start3A_110, %dma_start3A_111] : memref<32x128xf32, #tpu.memory_space<hbm>> -> memref<32x128xf32, #tpu.memory_space<hbm>>
        tpu.enqueue_indirect_dma source(%dma_start3A_112 : memref<32x128xf32, #tpu.memory_space<hbm>>) target(%arg16 : memref<80x128xf32, #tpu.memory_space<vmem>>) offsets(%arg11 : memref<80xi32, #tpu.memory_space<vmem>>) semaphore(%arg23 : memref<!tpu.dma_semaphore, #tpu.memory_space<semaphore_mem>>)
      } else {
      }
      %dma_wait3A_77 = arith.constant 0 : i32
      %dma_wait3A_78 = arith.constant 0 : i32
      %dma_wait3A_79 = tpu.memref_slice %arg5[%dma_wait3A_77, %dma_wait3A_78] : memref<10240x128xf32, #tpu.memory_space<hbm>> -> memref<10240x128xf32, #tpu.memory_space<hbm>>
      tpu.wait_indirect_dma semaphore(%arg22 : memref<!tpu.dma_semaphore, #tpu.memory_space<semaphore_mem>>) src(%dma_wait3A_79 : memref<10240x128xf32, #tpu.memory_space<hbm>>) dst(%arg17 : memref<80x128xf32, #tpu.memory_space<vmem>>)
      %dma_wait3A_80 = arith.constant 0 : i32
      %dma_wait3A_81 = arith.constant 0 : i32
      %dma_wait3A_82 = tpu.memref_slice %arg6[%dma_wait3A_80, %dma_wait3A_81] : memref<32x128xf32, #tpu.memory_space<hbm>> -> memref<32x128xf32, #tpu.memory_space<hbm>>
      tpu.wait_indirect_dma semaphore(%arg24 : memref<!tpu.dma_semaphore, #tpu.memory_space<semaphore_mem>>) src(%dma_wait3A_82 : memref<32x128xf32, #tpu.memory_space<hbm>>) dst(%arg18 : memref<80x128xf32, #tpu.memory_space<vmem>>)
      %scan3A_83 = arith.constant 0 : i32
      %scan3A_84 = arith.constant 0 : i32
      %scan3A_85 = arith.constant 80 : i32
      %scan3A_86 = arith.addi %scan3A_84, %scan3A_85 : i32
      %scan3A_87 = arith.constant 1 : i32
      scf.for %scan3A_96 = %scan3A_84 to %scan3A_86 step %scan3A_87  : i32 {
        %get3A = arith.index_cast %scan3A_96 : i32 to index
        %get3A_97 = arith.constant 0 : index
        %get3A_98 = tpu.vector_load %arg17[%get3A, %get3A_97] {strides = array<i32>} : memref<80x128xf32, #tpu.memory_space<vmem>>, vector<1x16xf32>,
        %get3A_99 = vector.shape_cast %get3A_98 : vector<1x16xf32> to vector<16xf32>
        %get3A_100 = arith.index_cast %scan3A_96 : i32 to index
        %get3A_101 = arith.constant 0 : index
        %get3A_102 = tpu.vector_load %arg18[%get3A_100, %get3A_101] {strides = array<i32>} : memref<80x128xf32, #tpu.memory_space<vmem>>, vector<1x16xf32>,
        %get3A_103 = vector.shape_cast %get3A_102 : vector<1x16xf32> to vector<16xf32>
        %mul3A_104 = arith.mulf %get3A_99, %get3A_103 : vector<16xf32>
        %swap3A = arith.index_cast %scan3A_96 : i32 to index
        %swap3A_105 = arith.constant 0 : index
        %swap3A_106 = tpu.vector_load %arg17[%swap3A, %swap3A_105] {strides = array<i32>} : memref<80x128xf32, #tpu.memory_space<vmem>>, vector<1x16xf32>,
        %swap3A_107 = vector.shape_cast %swap3A_106 : vector<1x16xf32> to vector<16xf32>
        %swap3A_108 = vector.shape_cast %mul3A_104 : vector<16xf32> to vector<1x16xf32>
        tpu.vector_store %arg17[%swap3A, %swap3A_105], %swap3A_108 {strides = array<i32>} : memref<80x128xf32, #tpu.memory_space<vmem>>, vector<1x16xf32>,
        %get3A_109 = arith.index_cast %scan3A_96 : i32 to index
        %get3A_110 = arith.constant 16 : index
        %get3A_111 = tpu.vector_load %arg17[%get3A_109, %get3A_110] {strides = array<i32>} : memref<80x128xf32, #tpu.memory_space<vmem>>, vector<1x16xf32>,
        %get3A_112 = vector.shape_cast %get3A_111 : vector<1x16xf32> to vector<16xf32>
        %get3A_113 = arith.index_cast %scan3A_96 : i32 to index
        %get3A_114 = arith.constant 16 : index
        %get3A_115 = tpu.vector_load %arg18[%get3A_113, %get3A_114] {strides = array<i32>} : memref<80x128xf32, #tpu.memory_space<vmem>>, vector<1x16xf32>,
        %get3A_116 = vector.shape_cast %get3A_115 : vector<1x16xf32> to vector<16xf32>
        %mul3A_117 = arith.mulf %get3A_112, %get3A_116 : vector<16xf32>
        %swap3A_118 = arith.index_cast %scan3A_96 : i32 to index
        %swap3A_119 = arith.constant 16 : index
        %swap3A_120 = tpu.vector_load %arg17[%swap3A_118, %swap3A_119] {strides = array<i32>} : memref<80x128xf32, #tpu.memory_space<vmem>>, vector<1x16xf32>,
        %swap3A_121 = vector.shape_cast %swap3A_120 : vector<1x16xf32> to vector<16xf32>
        %swap3A_122 = vector.shape_cast %mul3A_117 : vector<16xf32> to vector<1x16xf32>
        tpu.vector_store %arg17[%swap3A_118, %swap3A_119], %swap3A_122 {strides = array<i32>} : memref<80x128xf32, #tpu.memory_space<vmem>>, vector<1x16xf32>,
        %get3A_123 = arith.index_cast %scan3A_96 : i32 to index
        %get3A_124 = arith.constant 32 : index
        %get3A_125 = tpu.vector_load %arg17[%get3A_123, %get3A_124] {strides = array<i32>} : memref<80x128xf32, #tpu.memory_space<vmem>>, vector<1x16xf32>,
        %get3A_126 = vector.shape_cast %get3A_125 : vector<1x16xf32> to vector<16xf32>
        %get3A_127 = arith.index_cast %scan3A_96 : i32 to index
        %get3A_128 = arith.constant 32 : index
        %get3A_129 = tpu.vector_load %arg18[%get3A_127, %get3A_128] {strides = array<i32>} : memref<80x128xf32, #tpu.memory_space<vmem>>, vector<1x16xf32>,
        %get3A_130 = vector.shape_cast %get3A_129 : vector<1x16xf32> to vector<16xf32>
        %mul3A_131 = arith.mulf %get3A_126, %get3A_130 : vector<16xf32>
        %swap3A_132 = arith.index_cast %scan3A_96 : i32 to index
        %swap3A_133 = arith.constant 32 : index
        %swap3A_134 = tpu.vector_load %arg17[%swap3A_132, %swap3A_133] {strides = array<i32>} : memref<80x128xf32, #tpu.memory_space<vmem>>, vector<1x16xf32>,
        %swap3A_135 = vector.shape_cast %swap3A_134 : vector<1x16xf32> to vector<16xf32>
        %swap3A_136 = vector.shape_cast %mul3A_131 : vector<16xf32> to vector<1x16xf32>
        tpu.vector_store %arg17[%swap3A_132, %swap3A_133], %swap3A_136 {strides = array<i32>} : memref<80x128xf32, #tpu.memory_space<vmem>>, vector<1x16xf32>,
        %get3A_137 = arith.index_cast %scan3A_96 : i32 to index
        %get3A_138 = arith.constant 48 : index
        %get3A_139 = tpu.vector_load %arg17[%get3A_137, %get3A_138] {strides = array<i32>} : memref<80x128xf32, #tpu.memory_space<vmem>>, vector<1x16xf32>,
        %get3A_140 = vector.shape_cast %get3A_139 : vector<1x16xf32> to vector<16xf32>
        %get3A_141 = arith.index_cast %scan3A_96 : i32 to index
        %get3A_142 = arith.constant 48 : index
        %get3A_143 = tpu.vector_load %arg18[%get3A_141, %get3A_142] {strides = array<i32>} : memref<80x128xf32, #tpu.memory_space<vmem>>, vector<1x16xf32>,
        %get3A_144 = vector.shape_cast %get3A_143 : vector<1x16xf32> to vector<16xf32>
        %mul3A_145 = arith.mulf %get3A_140, %get3A_144 : vector<16xf32>
        %swap3A_146 = arith.index_cast %scan3A_96 : i32 to index
        %swap3A_147 = arith.constant 48 : index
        %swap3A_148 = tpu.vector_load %arg17[%swap3A_146, %swap3A_147] {strides = array<i32>} : memref<80x128xf32, #tpu.memory_space<vmem>>, vector<1x16xf32>,
        %swap3A_149 = vector.shape_cast %swap3A_148 : vector<1x16xf32> to vector<16xf32>
        %swap3A_150 = vector.shape_cast %mul3A_145 : vector<16xf32> to vector<1x16xf32>
        tpu.vector_store %arg17[%swap3A_146, %swap3A_147], %swap3A_150 {strides = array<i32>} : memref<80x128xf32, #tpu.memory_space<vmem>>, vector<1x16xf32>,
        %get3A_151 = arith.index_cast %scan3A_96 : i32 to index
        %get3A_152 = arith.constant 64 : index
        %get3A_153 = tpu.vector_load %arg17[%get3A_151, %get3A_152] {strides = array<i32>} : memref<80x128xf32, #tpu.memory_space<vmem>>, vector<1x16xf32>,
        %get3A_154 = vector.shape_cast %get3A_153 : vector<1x16xf32> to vector<16xf32>
        %get3A_155 = arith.index_cast %scan3A_96 : i32 to index
        %get3A_156 = arith.constant 64 : index
        %get3A_157 = tpu.vector_load %arg18[%get3A_155, %get3A_156] {strides = array<i32>} : memref<80x128xf32, #tpu.memory_space<vmem>>, vector<1x16xf32>,
        %get3A_158 = vector.shape_cast %get3A_157 : vector<1x16xf32> to vector<16xf32>
        %mul3A_159 = arith.mulf %get3A_154, %get3A_158 : vector<16xf32>
        %swap3A_160 = arith.index_cast %scan3A_96 : i32 to index
        %swap3A_161 = arith.constant 64 : index
        %swap3A_162 = tpu.vector_load %arg17[%swap3A_160, %swap3A_161] {strides = array<i32>} : memref<80x128xf32, #tpu.memory_space<vmem>>, vector<1x16xf32>,
        %swap3A_163 = vector.shape_cast %swap3A_162 : vector<1x16xf32> to vector<16xf32>
        %swap3A_164 = vector.shape_cast %mul3A_159 : vector<16xf32> to vector<1x16xf32>
        tpu.vector_store %arg17[%swap3A_160, %swap3A_161], %swap3A_164 {strides = array<i32>} : memref<80x128xf32, #tpu.memory_space<vmem>>, vector<1x16xf32>,
        %get3A_165 = arith.index_cast %scan3A_96 : i32 to index
        %get3A_166 = arith.constant 80 : index
        %get3A_167 = tpu.vector_load %arg17[%get3A_165, %get3A_166] {strides = array<i32>} : memref<80x128xf32, #tpu.memory_space<vmem>>, vector<1x16xf32>,
        %get3A_168 = vector.shape_cast %get3A_167 : vector<1x16xf32> to vector<16xf32>
        %get3A_169 = arith.index_cast %scan3A_96 : i32 to index
        %get3A_170 = arith.constant 80 : index
        %get3A_171 = tpu.vector_load %arg18[%get3A_169, %get3A_170] {strides = array<i32>} : memref<80x128xf32, #tpu.memory_space<vmem>>, vector<1x16xf32>,
        %get3A_172 = vector.shape_cast %get3A_171 : vector<1x16xf32> to vector<16xf32>
        %mul3A_173 = arith.mulf %get3A_168, %get3A_172 : vector<16xf32>
        %swap3A_174 = arith.index_cast %scan3A_96 : i32 to index
        %swap3A_175 = arith.constant 80 : index
        %swap3A_176 = tpu.vector_load %arg17[%swap3A_174, %swap3A_175] {strides = array<i32>} : memref<80x128xf32, #tpu.memory_space<vmem>>, vector<1x16xf32>,
        %swap3A_177 = vector.shape_cast %swap3A_176 : vector<1x16xf32> to vector<16xf32>
        %swap3A_178 = vector.shape_cast %mul3A_173 : vector<16xf32> to vector<1x16xf32>
        tpu.vector_store %arg17[%swap3A_174, %swap3A_175], %swap3A_178 {strides = array<i32>} : memref<80x128xf32, #tpu.memory_space<vmem>>, vector<1x16xf32>,
        %get3A_179 = arith.index_cast %scan3A_96 : i32 to index
        %get3A_180 = arith.constant 96 : index
        %get3A_181 = tpu.vector_load %arg17[%get3A_179, %get3A_180] {strides = array<i32>} : memref<80x128xf32, #tpu.memory_space<vmem>>, vector<1x16xf32>,
        %get3A_182 = vector.shape_cast %get3A_181 : vector<1x16xf32> to vector<16xf32>
        %get3A_183 = arith.index_cast %scan3A_96 : i32 to index
        %get3A_184 = arith.constant 96 : index
        %get3A_185 = tpu.vector_load %arg18[%get3A_183, %get3A_184] {strides = array<i32>} : memref<80x128xf32, #tpu.memory_space<vmem>>, vector<1x16xf32>,
        %get3A_186 = vector.shape_cast %get3A_185 : vector<1x16xf32> to vector<16xf32>
        %mul3A_187 = arith.mulf %get3A_182, %get3A_186 : vector<16xf32>
        %swap3A_188 = arith.index_cast %scan3A_96 : i32 to index
        %swap3A_189 = arith.constant 96 : index
        %swap3A_190 = tpu.vector_load %arg17[%swap3A_188, %swap3A_189] {strides = array<i32>} : memref<80x128xf32, #tpu.memory_space<vmem>>, vector<1x16xf32>,
        %swap3A_191 = vector.shape_cast %swap3A_190 : vector<1x16xf32> to vector<16xf32>
        %swap3A_192 = vector.shape_cast %mul3A_187 : vector<16xf32> to vector<1x16xf32>
        tpu.vector_store %arg17[%swap3A_188, %swap3A_189], %swap3A_192 {strides = array<i32>} : memref<80x128xf32, #tpu.memory_space<vmem>>, vector<1x16xf32>,
        %get3A_193 = arith.index_cast %scan3A_96 : i32 to index
        %get3A_194 = arith.constant 112 : index
        %get3A_195 = tpu.vector_load %arg17[%get3A_193, %get3A_194] {strides = array<i32>} : memref<80x128xf32, #tpu.memory_space<vmem>>, vector<1x16xf32>,
        %get3A_196 = vector.shape_cast %get3A_195 : vector<1x16xf32> to vector<16xf32>
        %get3A_197 = arith.index_cast %scan3A_96 : i32 to index
        %get3A_198 = arith.constant 112 : index
        %get3A_199 = tpu.vector_load %arg18[%get3A_197, %get3A_198] {strides = array<i32>} : memref<80x128xf32, #tpu.memory_space<vmem>>, vector<1x16xf32>,
        %get3A_200 = vector.shape_cast %get3A_199 : vector<1x16xf32> to vector<16xf32>
        %mul3A_201 = arith.mulf %get3A_196, %get3A_200 : vector<16xf32>
        %swap3A_202 = arith.index_cast %scan3A_96 : i32 to index
        %swap3A_203 = arith.constant 112 : index
        %swap3A_204 = tpu.vector_load %arg17[%swap3A_202, %swap3A_203] {strides = array<i32>} : memref<80x128xf32, #tpu.memory_space<vmem>>, vector<1x16xf32>,
        %swap3A_205 = vector.shape_cast %swap3A_204 : vector<1x16xf32> to vector<16xf32>
        %swap3A_206 = vector.shape_cast %mul3A_201 : vector<16xf32> to vector<1x16xf32>
        tpu.vector_store %arg17[%swap3A_202, %swap3A_203], %swap3A_206 {strides = array<i32>} : memref<80x128xf32, #tpu.memory_space<vmem>>, vector<1x16xf32>,
      }
      %scan3A_88 = arith.constant 80 : i32
      "tpu.region"() ({
        %run_scoped3A = tpu.sem_alloc : memref<!tpu.dma_semaphore, #tpu.memory_space<semaphore_mem>>
        %dma_start3A_96 = arith.constant 0 : i32
        %dma_start3A_97 = arith.constant 0 : i32
        %dma_start3A_98 = tpu.memref_slice %arg25[%dma_start3A_96, %dma_start3A_97] : memref<10240x128xf32, #tpu.memory_space<vmem_shared>> -> memref<10240x128xf32, #tpu.memory_space<vmem_shared>>
        tpu.enqueue_indirect_dma source(%arg17 : memref<80x128xf32, #tpu.memory_space<vmem>>) target(%dma_start3A_98 : memref<10240x128xf32, #tpu.memory_space<vmem_shared>>) offsets(%arg14 : memref<80xi32, #tpu.memory_space<vmem>>) semaphore(%run_scoped3A : memref<!tpu.dma_semaphore, #tpu.memory_space<semaphore_mem>>) {add = true}
        %dma_wait3A_99 = arith.constant 0 : i32
        %dma_wait3A_100 = arith.constant 0 : i32
        %dma_wait3A_101 = tpu.memref_slice %arg25[%dma_wait3A_99, %dma_wait3A_100] : memref<10240x128xf32, #tpu.memory_space<vmem_shared>> -> memref<10240x128xf32, #tpu.memory_space<vmem_shared>>
        tpu.wait_indirect_dma semaphore(%run_scoped3A : memref<!tpu.dma_semaphore, #tpu.memory_space<semaphore_mem>>) src(%arg17 : memref<80x128xf32, #tpu.memory_space<vmem>>) dst(%dma_wait3A_101 : memref<10240x128xf32, #tpu.memory_space<vmem_shared>>)
        tpu.yield
      }) : () -> ()
      %add3A_89 = arith.constant 2 : i32
      %add3A_90 = arith.addi %add3A_69, %add3A_89 : i32
      %lt3A_91 = arith.constant 64 : i32
      %lt3A_92 = arith.cmpi slt, %add3A_90, %lt3A_91 : i32
      %convert_element_type3A_93 = arith.extui %lt3A_92 : i1 to i32
      %cond3A_94 = arith.constant 0 : i32
      %cond3A_95 = arith.cmpi ne, %convert_element_type3A_93, %cond3A_94 : i32
      scf.if %cond3A_95 {
        %add3A_96 = arith.constant 2 : i32
        %add3A_97 = arith.addi %add3A_69, %add3A_96 : i32
        %mul3A_98 = arith.constant 80 : i32
        %mul3A_99 = arith.muli %add3A_97, %mul3A_98 : i32
        %add3A_100 = arith.addi %mul3A_4, %mul3A_99 : i32
        %dma_start3A_101 = tpu.memref_slice %arg2[%add3A_100] : memref<163840xi32, #tpu.memory_space<hbm>> -> memref<80xi32, #tpu.memory_space<hbm>>
        %dma_start3A_102 = tpu.memref_slice %arg2[%add3A_100] : memref<163840xi32, #tpu.memory_space<hbm>> -> memref<80xi32, #tpu.memory_space<hbm>>
        tpu.enqueue_dma source(%dma_start3A_102 : memref<80xi32, #tpu.memory_space<hbm>>) target(%arg10 : memref<80xi32, #tpu.memory_space<vmem>>) target_semaphore(%arg20 : memref<!tpu.dma_semaphore, #tpu.memory_space<semaphore_mem>>)
        %dma_start3A_103 = tpu.memref_slice %arg3[%add3A_100] : memref<163840xi32, #tpu.memory_space<hbm>> -> memref<80xi32, #tpu.memory_space<hbm>>
        %dma_start3A_104 = tpu.memref_slice %arg3[%add3A_100] : memref<163840xi32, #tpu.memory_space<hbm>> -> memref<80xi32, #tpu.memory_space<hbm>>
        tpu.enqueue_dma source(%dma_start3A_104 : memref<80xi32, #tpu.memory_space<hbm>>) target(%arg12 : memref<80xi32, #tpu.memory_space<vmem>>) target_semaphore(%arg20 : memref<!tpu.dma_semaphore, #tpu.memory_space<semaphore_mem>>)
        %dma_start3A_105 = tpu.memref_slice %arg4[%add3A_100] : memref<163840xi32, #tpu.memory_space<hbm>> -> memref<80xi32, #tpu.memory_space<hbm>>
        %dma_start3A_106 = tpu.memref_slice %arg4[%add3A_100] : memref<163840xi32, #tpu.memory_space<hbm>> -> memref<80xi32, #tpu.memory_space<hbm>>
        tpu.enqueue_dma source(%dma_start3A_106 : memref<80xi32, #tpu.memory_space<hbm>>) target(%arg14 : memref<80xi32, #tpu.memory_space<vmem>>) target_semaphore(%arg20 : memref<!tpu.dma_semaphore, #tpu.memory_space<semaphore_mem>>)
      } else {
      }
    }
    %scan3A_37 = arith.constant 32 : i32
    %barrier3A_38 = arith.constant 0 : index
    tpu.barrier barrier_id(%barrier3A_38)
    %mul3A_39 = arith.constant 10240 : i32
    %mul3A_40 = arith.muli %arg0, %mul3A_39 : i32
    %add3A_41 = arith.addi %mul3A_40, %mul3A_2 : i32
    "tpu.region"() ({
      %run_scoped3A = tpu.sem_alloc : memref<!tpu.dma_semaphore, #tpu.memory_space<semaphore_mem>>
      %dma_start3A_42 = arith.constant 0 : i32
      %dma_start3A_43 = tpu.memref_slice %arg8[%add3A_41, %dma_start3A_42] : memref<20480x128xf32, #tpu.memory_space<hbm>> -> memref<640x128xf32, #tpu.memory_space<hbm>>
      %dma_start3A_44 = arith.constant 0 : i32
      %dma_start3A_45 = tpu.memref_slice %arg25[%mul3A_2, %dma_start3A_44] : memref<10240x128xf32, #tpu.memory_space<vmem_shared>> -> memref<640x128xf32, #tpu.memory_space<vmem_shared>>
      tpu.enqueue_dma source(%dma_start3A_45 : memref<640x128xf32, #tpu.memory_space<vmem_shared>>) target(%dma_start3A_43 : memref<640x128xf32, #tpu.memory_space<hbm>>) target_semaphore(%run_scoped3A : memref<!tpu.dma_semaphore, #tpu.memory_space<semaphore_mem>>)
      %dma_wait3A_46 = arith.constant 0 : i32
      %dma_wait3A_47 = tpu.memref_slice %arg8[%add3A_41, %dma_wait3A_46] : memref<20480x128xf32, #tpu.memory_space<hbm>> -> memref<640x128xf32, #tpu.memory_space<hbm>>
      %dma_wait3A_48 = arith.constant 0 : i32
      %dma_wait3A_49 = tpu.memref_slice %arg25[%mul3A_2, %dma_wait3A_48] : memref<10240x128xf32, #tpu.memory_space<vmem_shared>> -> memref<640x128xf32, #tpu.memory_space<vmem_shared>>
      tpu.wait_dma2 semaphore(%run_scoped3A : memref<!tpu.dma_semaphore, #tpu.memory_space<semaphore_mem>>) src(%dma_wait3A_49 : memref<640x128xf32, #tpu.memory_space<vmem_shared>>) dst(%dma_wait3A_47 : memref<640x128xf32, #tpu.memory_space<hbm>>)
      tpu.yield
    }) : () -> ()
    return
  }
}

#map = affine_map<(d0, d1) -> (0)>
#map1 = affine_map<(d0, d1) -> (0, 0)>
module attributes {stable_mosaic.version = 14 : i64} {
  func.func @body(%arg0: i32, %arg1: i32, %arg2: memref<163840xi32, #tpu.memory_space<hbm>>, %arg3: memref<163840xi32, #tpu.memory_space<hbm>>, %arg4: memref<163840xi32, #tpu.memory_space<hbm>>, %arg5: memref<10240x128xf32, #tpu.memory_space<hbm>>, %arg6: memref<32x128xf32, #tpu.memory_space<hbm>>, %arg7: memref<10240x128xf32, #tpu.memory_space<hbm>>, %arg8: memref<20480x128xf32, #tpu.memory_space<hbm>>, %arg9: memref<80xi32, #tpu.memory_space<vmem>>, %arg10: memref<80xi32, #tpu.memory_space<vmem>>, %arg11: memref<80xi32, #tpu.memory_space<vmem>>, %arg12: memref<80xi32, #tpu.memory_space<vmem>>, %arg13: memref<80xi32, #tpu.memory_space<vmem>>, %arg14: memref<80xi32, #tpu.memory_space<vmem>>, %arg15: memref<80x128xf32, #tpu.memory_space<vmem>>, %arg16: memref<80x128xf32, #tpu.memory_space<vmem>>, %arg17: memref<80x128xf32, #tpu.memory_space<vmem>>, %arg18: memref<80x128xf32, #tpu.memory_space<vmem>>, %arg19: memref<!tpu.dma_semaphore, #tpu.memory_space<semaphore_mem>>, %arg20: memref<!tpu.dma_semaphore, #tpu.memory_space<semaphore_mem>>, %arg21: memref<!tpu.dma_semaphore, #tpu.memory_space<semaphore_mem>>, %arg22: memref<!tpu.dma_semaphore, #tpu.memory_space<semaphore_mem>>, %arg23: memref<!tpu.dma_semaphore, #tpu.memory_space<semaphore_mem>>, %arg24: memref<!tpu.dma_semaphore, #tpu.memory_space<semaphore_mem>>, %arg25: memref<10240x128xf32, #tpu.memory_space<vmem_shared>>) attributes {dimension_semantics = [#tpu.dimension_semantics<core_parallel>, #tpu.dimension_semantics<subcore_parallel>], iteration_bounds = array<i64: 2, 16>, scalar_prefetch = 0 : i64, scratch_operands = 17 : i64, tpu.core_type = #tpu.core_type<sc_vector_subcore>, window_params = [{transform_indices = #map}, {transform_indices = #map}, {transform_indices = #map}, {transform_indices = #map1}, {transform_indices = #map1}, {transform_indices = #map1}, {transform_indices = #map1}]} {
    %mul3A = arith.constant 2 : i32
    %mul3A_0 = arith.muli %arg1, %mul3A : i32
    %add3A = arith.addi %mul3A_0, %arg0 : i32
    %mul3A_1 = arith.constant 640 : i32
    %mul3A_2 = arith.muli %arg1, %mul3A_1 : i32
    %mul3A_3 = arith.constant 5120 : i32
    %mul3A_4 = arith.muli %add3A, %mul3A_3 : i32
    "tpu.region"() ({
      %run_scoped3A = tpu.sem_alloc : memref<!tpu.dma_semaphore, #tpu.memory_space<semaphore_mem>>
      %dma_start3A_42 = arith.constant 0 : i32
      %dma_start3A_43 = tpu.memref_slice %arg25[%mul3A_2, %dma_start3A_42] : memref<10240x128xf32, #tpu.memory_space<vmem_shared>> -> memref<640x128xf32, #tpu.memory_space<vmem_shared>>
      %dma_start3A_44 = arith.constant 0 : i32
      %dma_start3A_45 = tpu.memref_slice %arg7[%mul3A_2, %dma_start3A_44] : memref<10240x128xf32, #tpu.memory_space<hbm>> -> memref<640x128xf32, #tpu.memory_space<hbm>>
      tpu.enqueue_dma source(%dma_start3A_45 : memref<640x128xf32, #tpu.memory_space<hbm>>) target(%dma_start3A_43 : memref<640x128xf32, #tpu.memory_space<vmem_shared>>) target_semaphore(%run_scoped3A : memref<!tpu.dma_semaphore, #tpu.memory_space<semaphore_mem>>)
      %dma_wait3A_46 = arith.constant 0 : i32
      %dma_wait3A_47 = tpu.memref_slice %arg25[%mul3A_2, %dma_wait3A_46] : memref<10240x128xf32, #tpu.memory_space<vmem_shared>> -> memref<640x128xf32, #tpu.memory_space<vmem_shared>>
      %dma_wait3A_48 = arith.constant 0 : i32
      %dma_wait3A_49 = tpu.memref_slice %arg7[%mul3A_2, %dma_wait3A_48] : memref<10240x128xf32, #tpu.memory_space<hbm>> -> memref<640x128xf32, #tpu.memory_space<hbm>>
      tpu.wait_dma2 semaphore(%run_scoped3A : memref<!tpu.dma_semaphore, #tpu.memory_space<semaphore_mem>>) src(%dma_wait3A_49 : memref<640x128xf32, #tpu.memory_space<hbm>>) dst(%dma_wait3A_47 : memref<640x128xf32, #tpu.memory_space<vmem_shared>>)
      tpu.yield
    }) : () -> ()
    %barrier3A = arith.constant 0 : index
    tpu.barrier barrier_id(%barrier3A)
    %add3A_5 = arith.constant 0 : i32
    %add3A_6 = arith.addi %mul3A_4, %add3A_5 : i32
    %dma_start3A = tpu.memref_slice %arg2[%add3A_6] : memref<163840xi32, #tpu.memory_space<hbm>> -> memref<80xi32, #tpu.memory_space<hbm>>
    %dma_start3A_7 = tpu.memref_slice %arg2[%add3A_6] : memref<163840xi32, #tpu.memory_space<hbm>> -> memref<80xi32, #tpu.memory_space<hbm>>
    tpu.enqueue_dma source(%dma_start3A_7 : memref<80xi32, #tpu.memory_space<hbm>>) target(%arg9 : memref<80xi32, #tpu.memory_space<vmem>>) target_semaphore(%arg19 : memref<!tpu.dma_semaphore, #tpu.memory_space<semaphore_mem>>)
    %dma_start3A_8 = tpu.memref_slice %arg3[%add3A_6] : memref<163840xi32, #tpu.memory_space<hbm>> -> memref<80xi32, #tpu.memory_space<hbm>>
    %dma_start3A_9 = tpu.memref_slice %arg3[%add3A_6] : memref<163840xi32, #tpu.memory_space<hbm>> -> memref<80xi32, #tpu.memory_space<hbm>>
    tpu.enqueue_dma source(%dma_start3A_9 : memref<80xi32, #tpu.memory_space<hbm>>) target(%arg11 : memref<80xi32, #tpu.memory_space<vmem>>) target_semaphore(%arg19 : memref<!tpu.dma_semaphore, #tpu.memory_space<semaphore_mem>>)
    %dma_start3A_10 = tpu.memref_slice %arg4[%add3A_6] : memref<163840xi32, #tpu.memory_space<hbm>> -> memref<80xi32, #tpu.memory_space<hbm>>
    %dma_start3A_11 = tpu.memref_slice %arg4[%add3A_6] : memref<163840xi32, #tpu.memory_space<hbm>> -> memref<80xi32, #tpu.memory_space<hbm>>
    tpu.enqueue_dma source(%dma_start3A_11 : memref<80xi32, #tpu.memory_space<hbm>>) target(%arg13 : memref<80xi32, #tpu.memory_space<vmem>>) target_semaphore(%arg19 : memref<!tpu.dma_semaphore, #tpu.memory_space<semaphore_mem>>)
    %add3A_12 = arith.constant 0 : i32
    %add3A_13 = arith.addi %mul3A_4, %add3A_12 : i32
    %dma_wait3A = tpu.memref_slice %arg2[%add3A_13] : memref<163840xi32, #tpu.memory_space<hbm>> -> memref<80xi32, #tpu.memory_space<hbm>>
    %dma_wait3A_14 = tpu.memref_slice %arg2[%add3A_13] : memref<163840xi32, #tpu.memory_space<hbm>> -> memref<80xi32, #tpu.memory_space<hbm>>
    tpu.wait_dma2 semaphore(%arg19 : memref<!tpu.dma_semaphore, #tpu.memory_space<semaphore_mem>>) src(%dma_wait3A_14 : memref<80xi32, #tpu.memory_space<hbm>>) dst(%arg9 : memref<80xi32, #tpu.memory_space<vmem>>)
    %dma_wait3A_15 = tpu.memref_slice %arg3[%add3A_13] : memref<163840xi32, #tpu.memory_space<hbm>> -> memref<80xi32, #tpu.memory_space<hbm>>
    %dma_wait3A_16 = tpu.memref_slice %arg3[%add3A_13] : memref<163840xi32, #tpu.memory_space<hbm>> -> memref<80xi32, #tpu.memory_space<hbm>>
    tpu.wait_dma2 semaphore(%arg19 : memref<!tpu.dma_semaphore, #tpu.memory_space<semaphore_mem>>) src(%dma_wait3A_16 : memref<80xi32, #tpu.memory_space<hbm>>) dst(%arg11 : memref<80xi32, #tpu.memory_space<vmem>>)
    %dma_wait3A_17 = tpu.memref_slice %arg4[%add3A_13] : memref<163840xi32, #tpu.memory_space<hbm>> -> memref<80xi32, #tpu.memory_space<hbm>>
    %dma_wait3A_18 = tpu.memref_slice %arg4[%add3A_13] : memref<163840xi32, #tpu.memory_space<hbm>> -> memref<80xi32, #tpu.memory_space<hbm>>
    tpu.wait_dma2 semaphore(%arg19 : memref<!tpu.dma_semaphore, #tpu.memory_space<semaphore_mem>>) src(%dma_wait3A_18 : memref<80xi32, #tpu.memory_space<hbm>>) dst(%arg13 : memref<80xi32, #tpu.memory_space<vmem>>)
    %dma_start3A_19 = arith.constant 0 : i32
    %dma_start3A_20 = arith.constant 0 : i32
    %dma_start3A_21 = tpu.memref_slice %arg5[%dma_start3A_19, %dma_start3A_20] : memref<10240x128xf32, #tpu.memory_space<hbm>> -> memref<10240x128xf32, #tpu.memory_space<hbm>>
    tpu.enqueue_indirect_dma source(%dma_start3A_21 : memref<10240x128xf32, #tpu.memory_space<hbm>>) target(%arg15 : memref<80x128xf32, #tpu.memory_space<vmem>>) offsets(%arg9 : memref<80xi32, #tpu.memory_space<vmem>>) semaphore(%arg21 : memref<!tpu.dma_semaphore, #tpu.memory_space<semaphore_mem>>)
    %dma_start3A_22 = arith.constant 0 : i32
    %dma_start3A_23 = arith.constant 0 : i32
    %dma_start3A_24 = tpu.memref_slice %arg6[%dma_start3A_22, %dma_start3A_23] : memref<32x128xf32, #tpu.memory_space<hbm>> -> memref<32x128xf32, #tpu.memory_space<hbm>>
    tpu.enqueue_indirect_dma source(%dma_start3A_24 : memref<32x128xf32, #tpu.memory_space<hbm>>) target(%arg16 : memref<80x128xf32, #tpu.memory_space<vmem>>) offsets(%arg11 : memref<80xi32, #tpu.memory_space<vmem>>) semaphore(%arg23 : memref<!tpu.dma_semaphore, #tpu.memory_space<semaphore_mem>>)
    %add3A_25 = arith.constant 80 : i32
    %add3A_26 = arith.addi %mul3A_4, %add3A_25 : i32
    %dma_start3A_27 = tpu.memref_slice %arg2[%add3A_26] : memref<163840xi32, #tpu.memory_space<hbm>> -> memref<80xi32, #tpu.memory_space<hbm>>
    %dma_start3A_28 = tpu.memref_slice %arg2[%add3A_26] : memref<163840xi32, #tpu.memory_space<hbm>> -> memref<80xi32, #tpu.memory_space<hbm>>
    tpu.enqueue_dma source(%dma_start3A_28 : memref<80xi32, #tpu.memory_space<hbm>>) target(%arg10 : memref<80xi32, #tpu.memory_space<vmem>>) target_semaphore(%arg20 : memref<!tpu.dma_semaphore, #tpu.memory_space<semaphore_mem>>)
    %dma_start3A_29 = tpu.memref_slice %arg3[%add3A_26] : memref<163840xi32, #tpu.memory_space<hbm>> -> memref<80xi32, #tpu.memory_space<hbm>>
    %dma_start3A_30 = tpu.memref_slice %arg3[%add3A_26] : memref<163840xi32, #tpu.memory_space<hbm>> -> memref<80xi32, #tpu.memory_space<hbm>>
    tpu.enqueue_dma source(%dma_start3A_30 : memref<80xi32, #tpu.memory_space<hbm>>) target(%arg12 : memref<80xi32, #tpu.memory_space<vmem>>) target_semaphore(%arg20 : memref<!tpu.dma_semaphore, #tpu.memory_space<semaphore_mem>>)
    %dma_start3A_31 = tpu.memref_slice %arg4[%add3A_26] : memref<163840xi32, #tpu.memory_space<hbm>> -> memref<80xi32, #tpu.memory_space<hbm>>
    %dma_start3A_32 = tpu.memref_slice %arg4[%add3A_26] : memref<163840xi32, #tpu.memory_space<hbm>> -> memref<80xi32, #tpu.memory_space<hbm>>
    tpu.enqueue_dma source(%dma_start3A_32 : memref<80xi32, #tpu.memory_space<hbm>>) target(%arg14 : memref<80xi32, #tpu.memory_space<vmem>>) target_semaphore(%arg20 : memref<!tpu.dma_semaphore, #tpu.memory_space<semaphore_mem>>)
    %scan3A = arith.constant 0 : i32
    %scan3A_33 = arith.constant 0 : i32
    %scan3A_34 = arith.constant 32 : i32
    %scan3A_35 = arith.addi %scan3A_33, %scan3A_34 : i32
    %scan3A_36 = arith.constant 1 : i32
    scf.for %scan3A_42 = %scan3A_33 to %scan3A_35 step %scan3A_36  : i32 {
      %mul3A_43 = arith.constant 2 : i32
      %mul3A_44 = arith.muli %scan3A_42, %mul3A_43 : i32
      %add3A_45 = arith.constant 1 : i32
      %add3A_46 = arith.addi %mul3A_44, %add3A_45 : i32
      %lt3A = arith.constant 64 : i32
      %lt3A_47 = arith.cmpi slt, %add3A_46, %lt3A : i32
      %convert_element_type3A = arith.extui %lt3A_47 : i1 to i32
      %cond3A = arith.constant 0 : i32
      %cond3A_48 = arith.cmpi ne, %convert_element_type3A, %cond3A : i32
      scf.if %cond3A_48 {
        %add3A_96 = arith.constant 1 : i32
        %add3A_97 = arith.addi %mul3A_44, %add3A_96 : i32
        %mul3A_98 = arith.constant 80 : i32
        %mul3A_99 = arith.muli %add3A_97, %mul3A_98 : i32
        %add3A_100 = arith.addi %mul3A_4, %mul3A_99 : i32
        %dma_wait3A_101 = tpu.memref_slice %arg2[%add3A_100] : memref<163840xi32, #tpu.memory_space<hbm>> -> memref<80xi32, #tpu.memory_space<hbm>>
        %dma_wait3A_102 = tpu.memref_slice %arg2[%add3A_100] : memref<163840xi32, #tpu.memory_space<hbm>> -> memref<80xi32, #tpu.memory_space<hbm>>
        tpu.wait_dma2 semaphore(%arg20 : memref<!tpu.dma_semaphore, #tpu.memory_space<semaphore_mem>>) src(%dma_wait3A_102 : memref<80xi32, #tpu.memory_space<hbm>>) dst(%arg10 : memref<80xi32, #tpu.memory_space<vmem>>)
        %dma_wait3A_103 = tpu.memref_slice %arg3[%add3A_100] : memref<163840xi32, #tpu.memory_space<hbm>> -> memref<80xi32, #tpu.memory_space<hbm>>
        %dma_wait3A_104 = tpu.memref_slice %arg3[%add3A_100] : memref<163840xi32, #tpu.memory_space<hbm>> -> memref<80xi32, #tpu.memory_space<hbm>>
        tpu.wait_dma2 semaphore(%arg20 : memref<!tpu.dma_semaphore, #tpu.memory_space<semaphore_mem>>) src(%dma_wait3A_104 : memref<80xi32, #tpu.memory_space<hbm>>) dst(%arg12 : memref<80xi32, #tpu.memory_space<vmem>>)
        %dma_wait3A_105 = tpu.memref_slice %arg4[%add3A_100] : memref<163840xi32, #tpu.memory_space<hbm>> -> memref<80xi32, #tpu.memory_space<hbm>>
        %dma_wait3A_106 = tpu.memref_slice %arg4[%add3A_100] : memref<163840xi32, #tpu.memory_space<hbm>> -> memref<80xi32, #tpu.memory_space<hbm>>
        tpu.wait_dma2 semaphore(%arg20 : memref<!tpu.dma_semaphore, #tpu.memory_space<semaphore_mem>>) src(%dma_wait3A_106 : memref<80xi32, #tpu.memory_space<hbm>>) dst(%arg14 : memref<80xi32, #tpu.memory_space<vmem>>)
        %dma_start3A_107 = arith.constant 0 : i32
        %dma_start3A_108 = arith.constant 0 : i32
        %dma_start3A_109 = tpu.memref_slice %arg5[%dma_start3A_107, %dma_start3A_108] : memref<10240x128xf32, #tpu.memory_space<hbm>> -> memref<10240x128xf32, #tpu.memory_space<hbm>>
        tpu.enqueue_indirect_dma source(%dma_start3A_109 : memref<10240x128xf32, #tpu.memory_space<hbm>>) target(%arg17 : memref<80x128xf32, #tpu.memory_space<vmem>>) offsets(%arg10 : memref<80xi32, #tpu.memory_space<vmem>>) semaphore(%arg22 : memref<!tpu.dma_semaphore, #tpu.memory_space<semaphore_mem>>)
        %dma_start3A_110 = arith.constant 0 : i32
        %dma_start3A_111 = arith.constant 0 : i32
        %dma_start3A_112 = tpu.memref_slice %arg6[%dma_start3A_110, %dma_start3A_111] : memref<32x128xf32, #tpu.memory_space<hbm>> -> memref<32x128xf32, #tpu.memory_space<hbm>>
        tpu.enqueue_indirect_dma source(%dma_start3A_112 : memref<32x128xf32, #tpu.memory_space<hbm>>) target(%arg18 : memref<80x128xf32, #tpu.memory_space<vmem>>) offsets(%arg12 : memref<80xi32, #tpu.memory_space<vmem>>) semaphore(%arg24 : memref<!tpu.dma_semaphore, #tpu.memory_space<semaphore_mem>>)
      } else {
      }
      %dma_wait3A_49 = arith.constant 0 : i32
      %dma_wait3A_50 = arith.constant 0 : i32
      %dma_wait3A_51 = tpu.memref_slice %arg5[%dma_wait3A_49, %dma_wait3A_50] : memref<10240x128xf32, #tpu.memory_space<hbm>> -> memref<10240x128xf32, #tpu.memory_space<hbm>>
      tpu.wait_indirect_dma semaphore(%arg21 : memref<!tpu.dma_semaphore, #tpu.memory_space<semaphore_mem>>) src(%dma_wait3A_51 : memref<10240x128xf32, #tpu.memory_space<hbm>>) dst(%arg15 : memref<80x128xf32, #tpu.memory_space<vmem>>)
      %dma_wait3A_52 = arith.constant 0 : i32
      %dma_wait3A_53 = arith.constant 0 : i32
      %dma_wait3A_54 = tpu.memref_slice %arg6[%dma_wait3A_52, %dma_wait3A_53] : memref<32x128xf32, #tpu.memory_space<hbm>> -> memref<32x128xf32, #tpu.memory_space<hbm>>
      tpu.wait_indirect_dma semaphore(%arg23 : memref<!tpu.dma_semaphore, #tpu.memory_space<semaphore_mem>>) src(%dma_wait3A_54 : memref<32x128xf32, #tpu.memory_space<hbm>>) dst(%arg16 : memref<80x128xf32, #tpu.memory_space<vmem>>)
      %scan3A_55 = arith.constant 0 : i32
      %scan3A_56 = arith.constant 0 : i32
      %scan3A_57 = arith.constant 80 : i32
      %scan3A_58 = arith.addi %scan3A_56, %scan3A_57 : i32
      %scan3A_59 = arith.constant 1 : i32
      scf.for %scan3A_96 = %scan3A_56 to %scan3A_58 step %scan3A_59  : i32 {
        %get3A = arith.index_cast %scan3A_96 : i32 to index
        %get3A_97 = arith.constant 0 : index
        %get3A_98 = tpu.vector_load %arg15[%get3A, %get3A_97] {strides = array<i32>} : memref<80x128xf32, #tpu.memory_space<vmem>>, vector<1x16xf32>,
        %get3A_99 = vector.shape_cast %get3A_98 : vector<1x16xf32> to vector<16xf32>
        %get3A_100 = arith.index_cast %scan3A_96 : i32 to index
        %get3A_101 = arith.constant 0 : index
        %get3A_102 = tpu.vector_load %arg16[%get3A_100, %get3A_101] {strides = array<i32>} : memref<80x128xf32, #tpu.memory_space<vmem>>, vector<1x16xf32>,
        %get3A_103 = vector.shape_cast %get3A_102 : vector<1x16xf32> to vector<16xf32>
        %mul3A_104 = arith.mulf %get3A_99, %get3A_103 : vector<16xf32>
        %swap3A = arith.index_cast %scan3A_96 : i32 to index
        %swap3A_105 = arith.constant 0 : index
        %swap3A_106 = tpu.vector_load %arg15[%swap3A, %swap3A_105] {strides = array<i32>} : memref<80x128xf32, #tpu.memory_space<vmem>>, vector<1x16xf32>,
        %swap3A_107 = vector.shape_cast %swap3A_106 : vector<1x16xf32> to vector<16xf32>
        %swap3A_108 = vector.shape_cast %mul3A_104 : vector<16xf32> to vector<1x16xf32>
        tpu.vector_store %arg15[%swap3A, %swap3A_105], %swap3A_108 {strides = array<i32>} : memref<80x128xf32, #tpu.memory_space<vmem>>, vector<1x16xf32>,
        %get3A_109 = arith.index_cast %scan3A_96 : i32 to index
        %get3A_110 = arith.constant 16 : index
        %get3A_111 = tpu.vector_load %arg15[%get3A_109, %get3A_110] {strides = array<i32>} : memref<80x128xf32, #tpu.memory_space<vmem>>, vector<1x16xf32>,
        %get3A_112 = vector.shape_cast %get3A_111 : vector<1x16xf32> to vector<16xf32>
        %get3A_113 = arith.index_cast %scan3A_96 : i32 to index
        %get3A_114 = arith.constant 16 : index
        %get3A_115 = tpu.vector_load %arg16[%get3A_113, %get3A_114] {strides = array<i32>} : memref<80x128xf32, #tpu.memory_space<vmem>>, vector<1x16xf32>,
        %get3A_116 = vector.shape_cast %get3A_115 : vector<1x16xf32> to vector<16xf32>
        %mul3A_117 = arith.mulf %get3A_112, %get3A_116 : vector<16xf32>
        %swap3A_118 = arith.index_cast %scan3A_96 : i32 to index
        %swap3A_119 = arith.constant 16 : index
        %swap3A_120 = tpu.vector_load %arg15[%swap3A_118, %swap3A_119] {strides = array<i32>} : memref<80x128xf32, #tpu.memory_space<vmem>>, vector<1x16xf32>,
        %swap3A_121 = vector.shape_cast %swap3A_120 : vector<1x16xf32> to vector<16xf32>
        %swap3A_122 = vector.shape_cast %mul3A_117 : vector<16xf32> to vector<1x16xf32>
        tpu.vector_store %arg15[%swap3A_118, %swap3A_119], %swap3A_122 {strides = array<i32>} : memref<80x128xf32, #tpu.memory_space<vmem>>, vector<1x16xf32>,
        %get3A_123 = arith.index_cast %scan3A_96 : i32 to index
        %get3A_124 = arith.constant 32 : index
        %get3A_125 = tpu.vector_load %arg15[%get3A_123, %get3A_124] {strides = array<i32>} : memref<80x128xf32, #tpu.memory_space<vmem>>, vector<1x16xf32>,
        %get3A_126 = vector.shape_cast %get3A_125 : vector<1x16xf32> to vector<16xf32>
        %get3A_127 = arith.index_cast %scan3A_96 : i32 to index
        %get3A_128 = arith.constant 32 : index
        %get3A_129 = tpu.vector_load %arg16[%get3A_127, %get3A_128] {strides = array<i32>} : memref<80x128xf32, #tpu.memory_space<vmem>>, vector<1x16xf32>,
        %get3A_130 = vector.shape_cast %get3A_129 : vector<1x16xf32> to vector<16xf32>
        %mul3A_131 = arith.mulf %get3A_126, %get3A_130 : vector<16xf32>
        %swap3A_132 = arith.index_cast %scan3A_96 : i32 to index
        %swap3A_133 = arith.constant 32 : index
        %swap3A_134 = tpu.vector_load %arg15[%swap3A_132, %swap3A_133] {strides = array<i32>} : memref<80x128xf32, #tpu.memory_space<vmem>>, vector<1x16xf32>,
        %swap3A_135 = vector.shape_cast %swap3A_134 : vector<1x16xf32> to vector<16xf32>
        %swap3A_136 = vector.shape_cast %mul3A_131 : vector<16xf32> to vector<1x16xf32>
        tpu.vector_store %arg15[%swap3A_132, %swap3A_133], %swap3A_136 {strides = array<i32>} : memref<80x128xf32, #tpu.memory_space<vmem>>, vector<1x16xf32>,
        %get3A_137 = arith.index_cast %scan3A_96 : i32 to index
        %get3A_138 = arith.constant 48 : index
        %get3A_139 = tpu.vector_load %arg15[%get3A_137, %get3A_138] {strides = array<i32>} : memref<80x128xf32, #tpu.memory_space<vmem>>, vector<1x16xf32>,
        %get3A_140 = vector.shape_cast %get3A_139 : vector<1x16xf32> to vector<16xf32>
        %get3A_141 = arith.index_cast %scan3A_96 : i32 to index
        %get3A_142 = arith.constant 48 : index
        %get3A_143 = tpu.vector_load %arg16[%get3A_141, %get3A_142] {strides = array<i32>} : memref<80x128xf32, #tpu.memory_space<vmem>>, vector<1x16xf32>,
        %get3A_144 = vector.shape_cast %get3A_143 : vector<1x16xf32> to vector<16xf32>
        %mul3A_145 = arith.mulf %get3A_140, %get3A_144 : vector<16xf32>
        %swap3A_146 = arith.index_cast %scan3A_96 : i32 to index
        %swap3A_147 = arith.constant 48 : index
        %swap3A_148 = tpu.vector_load %arg15[%swap3A_146, %swap3A_147] {strides = array<i32>} : memref<80x128xf32, #tpu.memory_space<vmem>>, vector<1x16xf32>,
        %swap3A_149 = vector.shape_cast %swap3A_148 : vector<1x16xf32> to vector<16xf32>
        %swap3A_150 = vector.shape_cast %mul3A_145 : vector<16xf32> to vector<1x16xf32>
        tpu.vector_store %arg15[%swap3A_146, %swap3A_147], %swap3A_150 {strides = array<i32>} : memref<80x128xf32, #tpu.memory_space<vmem>>, vector<1x16xf32>,
        %get3A_151 = arith.index_cast %scan3A_96 : i32 to index
        %get3A_152 = arith.constant 64 : index
        %get3A_153 = tpu.vector_load %arg15[%get3A_151, %get3A_152] {strides = array<i32>} : memref<80x128xf32, #tpu.memory_space<vmem>>, vector<1x16xf32>,
        %get3A_154 = vector.shape_cast %get3A_153 : vector<1x16xf32> to vector<16xf32>
        %get3A_155 = arith.index_cast %scan3A_96 : i32 to index
        %get3A_156 = arith.constant 64 : index
        %get3A_157 = tpu.vector_load %arg16[%get3A_155, %get3A_156] {strides = array<i32>} : memref<80x128xf32, #tpu.memory_space<vmem>>, vector<1x16xf32>,
        %get3A_158 = vector.shape_cast %get3A_157 : vector<1x16xf32> to vector<16xf32>
        %mul3A_159 = arith.mulf %get3A_154, %get3A_158 : vector<16xf32>
        %swap3A_160 = arith.index_cast %scan3A_96 : i32 to index
        %swap3A_161 = arith.constant 64 : index
        %swap3A_162 = tpu.vector_load %arg15[%swap3A_160, %swap3A_161] {strides = array<i32>} : memref<80x128xf32, #tpu.memory_space<vmem>>, vector<1x16xf32>,
        %swap3A_163 = vector.shape_cast %swap3A_162 : vector<1x16xf32> to vector<16xf32>
        %swap3A_164 = vector.shape_cast %mul3A_159 : vector<16xf32> to vector<1x16xf32>
        tpu.vector_store %arg15[%swap3A_160, %swap3A_161], %swap3A_164 {strides = array<i32>} : memref<80x128xf32, #tpu.memory_space<vmem>>, vector<1x16xf32>,
        %get3A_165 = arith.index_cast %scan3A_96 : i32 to index
        %get3A_166 = arith.constant 80 : index
        %get3A_167 = tpu.vector_load %arg15[%get3A_165, %get3A_166] {strides = array<i32>} : memref<80x128xf32, #tpu.memory_space<vmem>>, vector<1x16xf32>,
        %get3A_168 = vector.shape_cast %get3A_167 : vector<1x16xf32> to vector<16xf32>
        %get3A_169 = arith.index_cast %scan3A_96 : i32 to index
        %get3A_170 = arith.constant 80 : index
        %get3A_171 = tpu.vector_load %arg16[%get3A_169, %get3A_170] {strides = array<i32>} : memref<80x128xf32, #tpu.memory_space<vmem>>, vector<1x16xf32>,
        %get3A_172 = vector.shape_cast %get3A_171 : vector<1x16xf32> to vector<16xf32>
        %mul3A_173 = arith.mulf %get3A_168, %get3A_172 : vector<16xf32>
        %swap3A_174 = arith.index_cast %scan3A_96 : i32 to index
        %swap3A_175 = arith.constant 80 : index
        %swap3A_176 = tpu.vector_load %arg15[%swap3A_174, %swap3A_175] {strides = array<i32>} : memref<80x128xf32, #tpu.memory_space<vmem>>, vector<1x16xf32>,
        %swap3A_177 = vector.shape_cast %swap3A_176 : vector<1x16xf32> to vector<16xf32>
        %swap3A_178 = vector.shape_cast %mul3A_173 : vector<16xf32> to vector<1x16xf32>
        tpu.vector_store %arg15[%swap3A_174, %swap3A_175], %swap3A_178 {strides = array<i32>} : memref<80x128xf32, #tpu.memory_space<vmem>>, vector<1x16xf32>,
        %get3A_179 = arith.index_cast %scan3A_96 : i32 to index
        %get3A_180 = arith.constant 96 : index
        %get3A_181 = tpu.vector_load %arg15[%get3A_179, %get3A_180] {strides = array<i32>} : memref<80x128xf32, #tpu.memory_space<vmem>>, vector<1x16xf32>,
        %get3A_182 = vector.shape_cast %get3A_181 : vector<1x16xf32> to vector<16xf32>
        %get3A_183 = arith.index_cast %scan3A_96 : i32 to index
        %get3A_184 = arith.constant 96 : index
        %get3A_185 = tpu.vector_load %arg16[%get3A_183, %get3A_184] {strides = array<i32>} : memref<80x128xf32, #tpu.memory_space<vmem>>, vector<1x16xf32>,
        %get3A_186 = vector.shape_cast %get3A_185 : vector<1x16xf32> to vector<16xf32>
        %mul3A_187 = arith.mulf %get3A_182, %get3A_186 : vector<16xf32>
        %swap3A_188 = arith.index_cast %scan3A_96 : i32 to index
        %swap3A_189 = arith.constant 96 : index
        %swap3A_190 = tpu.vector_load %arg15[%swap3A_188, %swap3A_189] {strides = array<i32>} : memref<80x128xf32, #tpu.memory_space<vmem>>, vector<1x16xf32>,
        %swap3A_191 = vector.shape_cast %swap3A_190 : vector<1x16xf32> to vector<16xf32>
        %swap3A_192 = vector.shape_cast %mul3A_187 : vector<16xf32> to vector<1x16xf32>
        tpu.vector_store %arg15[%swap3A_188, %swap3A_189], %swap3A_192 {strides = array<i32>} : memref<80x128xf32, #tpu.memory_space<vmem>>, vector<1x16xf32>,
        %get3A_193 = arith.index_cast %scan3A_96 : i32 to index
        %get3A_194 = arith.constant 112 : index
        %get3A_195 = tpu.vector_load %arg15[%get3A_193, %get3A_194] {strides = array<i32>} : memref<80x128xf32, #tpu.memory_space<vmem>>, vector<1x16xf32>,
        %get3A_196 = vector.shape_cast %get3A_195 : vector<1x16xf32> to vector<16xf32>
        %get3A_197 = arith.index_cast %scan3A_96 : i32 to index
        %get3A_198 = arith.constant 112 : index
        %get3A_199 = tpu.vector_load %arg16[%get3A_197, %get3A_198] {strides = array<i32>} : memref<80x128xf32, #tpu.memory_space<vmem>>, vector<1x16xf32>,
        %get3A_200 = vector.shape_cast %get3A_199 : vector<1x16xf32> to vector<16xf32>
        %mul3A_201 = arith.mulf %get3A_196, %get3A_200 : vector<16xf32>
        %swap3A_202 = arith.index_cast %scan3A_96 : i32 to index
        %swap3A_203 = arith.constant 112 : index
        %swap3A_204 = tpu.vector_load %arg15[%swap3A_202, %swap3A_203] {strides = array<i32>} : memref<80x128xf32, #tpu.memory_space<vmem>>, vector<1x16xf32>,
        %swap3A_205 = vector.shape_cast %swap3A_204 : vector<1x16xf32> to vector<16xf32>
        %swap3A_206 = vector.shape_cast %mul3A_201 : vector<16xf32> to vector<1x16xf32>
        tpu.vector_store %arg15[%swap3A_202, %swap3A_203], %swap3A_206 {strides = array<i32>} : memref<80x128xf32, #tpu.memory_space<vmem>>, vector<1x16xf32>,
      }
      %scan3A_60 = arith.constant 80 : i32
      "tpu.region"() ({
        %run_scoped3A = tpu.sem_alloc : memref<!tpu.dma_semaphore, #tpu.memory_space<semaphore_mem>>
        %dma_start3A_96 = arith.constant 0 : i32
        %dma_start3A_97 = arith.constant 0 : i32
        %dma_start3A_98 = tpu.memref_slice %arg25[%dma_start3A_96, %dma_start3A_97] : memref<10240x128xf32, #tpu.memory_space<vmem_shared>> -> memref<10240x128xf32, #tpu.memory_space<vmem_shared>>
        tpu.enqueue_indirect_dma source(%arg15 : memref<80x128xf32, #tpu.memory_space<vmem>>) target(%dma_start3A_98 : memref<10240x128xf32, #tpu.memory_space<vmem_shared>>) offsets(%arg13 : memref<80xi32, #tpu.memory_space<vmem>>) semaphore(%run_scoped3A : memref<!tpu.dma_semaphore, #tpu.memory_space<semaphore_mem>>) {add = true}
        %dma_wait3A_99 = arith.constant 0 : i32
        %dma_wait3A_100 = arith.constant 0 : i32
        %dma_wait3A_101 = tpu.memref_slice %arg25[%dma_wait3A_99, %dma_wait3A_100] : memref<10240x128xf32, #tpu.memory_space<vmem_shared>> -> memref<10240x128xf32, #tpu.memory_space<vmem_shared>>
        tpu.wait_indirect_dma semaphore(%run_scoped3A : memref<!tpu.dma_semaphore, #tpu.memory_space<semaphore_mem>>) src(%arg15 : memref<80x128xf32, #tpu.memory_space<vmem>>) dst(%dma_wait3A_101 : memref<10240x128xf32, #tpu.memory_space<vmem_shared>>)
        tpu.yield
      }) : () -> ()
      %add3A_61 = arith.constant 2 : i32
      %add3A_62 = arith.addi %mul3A_44, %add3A_61 : i32
      %lt3A_63 = arith.constant 64 : i32
      %lt3A_64 = arith.cmpi slt, %add3A_62, %lt3A_63 : i32
      %convert_element_type3A_65 = arith.extui %lt3A_64 : i1 to i32
      %cond3A_66 = arith.constant 0 : i32
      %cond3A_67 = arith.cmpi ne, %convert_element_type3A_65, %cond3A_66 : i32
      scf.if %cond3A_67 {
        %add3A_96 = arith.constant 2 : i32
        %add3A_97 = arith.addi %mul3A_44, %add3A_96 : i32
        %mul3A_98 = arith.constant 80 : i32
        %mul3A_99 = arith.muli %add3A_97, %mul3A_98 : i32
        %add3A_100 = arith.addi %mul3A_4, %mul3A_99 : i32
        %dma_start3A_101 = tpu.memref_slice %arg2[%add3A_100] : memref<163840xi32, #tpu.memory_space<hbm>> -> memref<80xi32, #tpu.memory_space<hbm>>
        %dma_start3A_102 = tpu.memref_slice %arg2[%add3A_100] : memref<163840xi32, #tpu.memory_space<hbm>> -> memref<80xi32, #tpu.memory_space<hbm>>
        tpu.enqueue_dma source(%dma_start3A_102 : memref<80xi32, #tpu.memory_space<hbm>>) target(%arg9 : memref<80xi32, #tpu.memory_space<vmem>>) target_semaphore(%arg19 : memref<!tpu.dma_semaphore, #tpu.memory_space<semaphore_mem>>)
        %dma_start3A_103 = tpu.memref_slice %arg3[%add3A_100] : memref<163840xi32, #tpu.memory_space<hbm>> -> memref<80xi32, #tpu.memory_space<hbm>>
        %dma_start3A_104 = tpu.memref_slice %arg3[%add3A_100] : memref<163840xi32, #tpu.memory_space<hbm>> -> memref<80xi32, #tpu.memory_space<hbm>>
        tpu.enqueue_dma source(%dma_start3A_104 : memref<80xi32, #tpu.memory_space<hbm>>) target(%arg11 : memref<80xi32, #tpu.memory_space<vmem>>) target_semaphore(%arg19 : memref<!tpu.dma_semaphore, #tpu.memory_space<semaphore_mem>>)
        %dma_start3A_105 = tpu.memref_slice %arg4[%add3A_100] : memref<163840xi32, #tpu.memory_space<hbm>> -> memref<80xi32, #tpu.memory_space<hbm>>
        %dma_start3A_106 = tpu.memref_slice %arg4[%add3A_100] : memref<163840xi32, #tpu.memory_space<hbm>> -> memref<80xi32, #tpu.memory_space<hbm>>
        tpu.enqueue_dma source(%dma_start3A_106 : memref<80xi32, #tpu.memory_space<hbm>>) target(%arg13 : memref<80xi32, #tpu.memory_space<vmem>>) target_semaphore(%arg19 : memref<!tpu.dma_semaphore, #tpu.memory_space<semaphore_mem>>)
      } else {
      }
      %add3A_68 = arith.constant 1 : i32
      %add3A_69 = arith.addi %mul3A_44, %add3A_68 : i32
      %add3A_70 = arith.constant 1 : i32
      %add3A_71 = arith.addi %add3A_69, %add3A_70 : i32
      %lt3A_72 = arith.constant 64 : i32
      %lt3A_73 = arith.cmpi slt, %add3A_71, %lt3A_72 : i32
      %convert_element_type3A_74 = arith.extui %lt3A_73 : i1 to i32
      %cond3A_75 = arith.constant 0 : i32
      %cond3A_76 = arith.cmpi ne, %convert_element_type3A_74, %cond3A_75 : i32
      scf.if %cond3A_76 {
        %add3A_96 = arith.constant 1 : i32
        %add3A_97 = arith.addi %add3A_69, %add3A_96 : i32
        %mul3A_98 = arith.constant 80 : i32
        %mul3A_99 = arith.muli %add3A_97, %mul3A_98 : i32
        %add3A_100 = arith.addi %mul3A_4, %mul3A_99 : i32
        %dma_wait3A_101 = tpu.memref_slice %arg2[%add3A_100] : memref<163840xi32, #tpu.memory_space<hbm>> -> memref<80xi32, #tpu.memory_space<hbm>>
        %dma_wait3A_102 = tpu.memref_slice %arg2[%add3A_100] : memref<163840xi32, #tpu.memory_space<hbm>> -> memref<80xi32, #tpu.memory_space<hbm>>
        tpu.wait_dma2 semaphore(%arg19 : memref<!tpu.dma_semaphore, #tpu.memory_space<semaphore_mem>>) src(%dma_wait3A_102 : memref<80xi32, #tpu.memory_space<hbm>>) dst(%arg9 : memref<80xi32, #tpu.memory_space<vmem>>)
        %dma_wait3A_103 = tpu.memref_slice %arg3[%add3A_100] : memref<163840xi32, #tpu.memory_space<hbm>> -> memref<80xi32, #tpu.memory_space<hbm>>
        %dma_wait3A_104 = tpu.memref_slice %arg3[%add3A_100] : memref<163840xi32, #tpu.memory_space<hbm>> -> memref<80xi32, #tpu.memory_space<hbm>>
        tpu.wait_dma2 semaphore(%arg19 : memref<!tpu.dma_semaphore, #tpu.memory_space<semaphore_mem>>) src(%dma_wait3A_104 : memref<80xi32, #tpu.memory_space<hbm>>) dst(%arg11 : memref<80xi32, #tpu.memory_space<vmem>>)
        %dma_wait3A_105 = tpu.memref_slice %arg4[%add3A_100] : memref<163840xi32, #tpu.memory_space<hbm>> -> memref<80xi32, #tpu.memory_space<hbm>>
        %dma_wait3A_106 = tpu.memref_slice %arg4[%add3A_100] : memref<163840xi32, #tpu.memory_space<hbm>> -> memref<80xi32, #tpu.memory_space<hbm>>
        tpu.wait_dma2 semaphore(%arg19 : memref<!tpu.dma_semaphore, #tpu.memory_space<semaphore_mem>>) src(%dma_wait3A_106 : memref<80xi32, #tpu.memory_space<hbm>>) dst(%arg13 : memref<80xi32, #tpu.memory_space<vmem>>)
        %dma_start3A_107 = arith.constant 0 : i32
        %dma_start3A_108 = arith.constant 0 : i32
        %dma_start3A_109 = tpu.memref_slice %arg5[%dma_start3A_107, %dma_start3A_108] : memref<10240x128xf32, #tpu.memory_space<hbm>> -> memref<10240x128xf32, #tpu.memory_space<hbm>>
        tpu.enqueue_indirect_dma source(%dma_start3A_109 : memref<10240x128xf32, #tpu.memory_space<hbm>>) target(%arg15 : memref<80x128xf32, #tpu.memory_space<vmem>>) offsets(%arg9 : memref<80xi32, #tpu.memory_space<vmem>>) semaphore(%arg21 : memref<!tpu.dma_semaphore, #tpu.memory_space<semaphore_mem>>)
        %dma_start3A_110 = arith.constant 0 : i32
        %dma_start3A_111 = arith.constant 0 : i32
        %dma_start3A_112 = tpu.memref_slice %arg6[%dma_start3A_110, %dma_start3A_111] : memref<32x128xf32, #tpu.memory_space<hbm>> -> memref<32x128xf32, #tpu.memory_space<hbm>>
        tpu.enqueue_indirect_dma source(%dma_start3A_112 : memref<32x128xf32, #tpu.memory_space<hbm>>) target(%arg16 : memref<80x128xf32, #tpu.memory_space<vmem>>) offsets(%arg11 : memref<80xi32, #tpu.memory_space<vmem>>) semaphore(%arg23 : memref<!tpu.dma_semaphore, #tpu.memory_space<semaphore_mem>>)
      } else {
      }
      %dma_wait3A_77 = arith.constant 0 : i32
      %dma_wait3A_78 = arith.constant 0 : i32
      %dma_wait3A_79 = tpu.memref_slice %arg5[%dma_wait3A_77, %dma_wait3A_78] : memref<10240x128xf32, #tpu.memory_space<hbm>> -> memref<10240x128xf32, #tpu.memory_space<hbm>>
      tpu.wait_indirect_dma semaphore(%arg22 : memref<!tpu.dma_semaphore, #tpu.memory_space<semaphore_mem>>) src(%dma_wait3A_79 : memref<10240x128xf32, #tpu.memory_space<hbm>>) dst(%arg17 : memref<80x128xf32, #tpu.memory_space<vmem>>)
      %dma_wait3A_80 = arith.constant 0 : i32
      %dma_wait3A_81 = arith.constant 0 : i32
      %dma_wait3A_82 = tpu.memref_slice %arg6[%dma_wait3A_80, %dma_wait3A_81] : memref<32x128xf32, #tpu.memory_space<hbm>> -> memref<32x128xf32, #tpu.memory_space<hbm>>
      tpu.wait_indirect_dma semaphore(%arg24 : memref<!tpu.dma_semaphore, #tpu.memory_space<semaphore_mem>>) src(%dma_wait3A_82 : memref<32x128xf32, #tpu.memory_space<hbm>>) dst(%arg18 : memref<80x128xf32, #tpu.memory_space<vmem>>)
      %scan3A_83 = arith.constant 0 : i32
      %scan3A_84 = arith.constant 0 : i32
      %scan3A_85 = arith.constant 80 : i32
      %scan3A_86 = arith.addi %scan3A_84, %scan3A_85 : i32
      %scan3A_87 = arith.constant 1 : i32
      scf.for %scan3A_96 = %scan3A_84 to %scan3A_86 step %scan3A_87  : i32 {
        %get3A = arith.index_cast %scan3A_96 : i32 to index
        %get3A_97 = arith.constant 0 : index
        %get3A_98 = tpu.vector_load %arg17[%get3A, %get3A_97] {strides = array<i32>} : memref<80x128xf32, #tpu.memory_space<vmem>>, vector<1x16xf32>,
        %get3A_99 = vector.shape_cast %get3A_98 : vector<1x16xf32> to vector<16xf32>
        %get3A_100 = arith.index_cast %scan3A_96 : i32 to index
        %get3A_101 = arith.constant 0 : index
        %get3A_102 = tpu.vector_load %arg18[%get3A_100, %get3A_101] {strides = array<i32>} : memref<80x128xf32, #tpu.memory_space<vmem>>, vector<1x16xf32>,
        %get3A_103 = vector.shape_cast %get3A_102 : vector<1x16xf32> to vector<16xf32>
        %mul3A_104 = arith.mulf %get3A_99, %get3A_103 : vector<16xf32>
        %swap3A = arith.index_cast %scan3A_96 : i32 to index
        %swap3A_105 = arith.constant 0 : index
        %swap3A_106 = tpu.vector_load %arg17[%swap3A, %swap3A_105] {strides = array<i32>} : memref<80x128xf32, #tpu.memory_space<vmem>>, vector<1x16xf32>,
        %swap3A_107 = vector.shape_cast %swap3A_106 : vector<1x16xf32> to vector<16xf32>
        %swap3A_108 = vector.shape_cast %mul3A_104 : vector<16xf32> to vector<1x16xf32>
        tpu.vector_store %arg17[%swap3A, %swap3A_105], %swap3A_108 {strides = array<i32>} : memref<80x128xf32, #tpu.memory_space<vmem>>, vector<1x16xf32>,
        %get3A_109 = arith.index_cast %scan3A_96 : i32 to index
        %get3A_110 = arith.constant 16 : index
        %get3A_111 = tpu.vector_load %arg17[%get3A_109, %get3A_110] {strides = array<i32>} : memref<80x128xf32, #tpu.memory_space<vmem>>, vector<1x16xf32>,
        %get3A_112 = vector.shape_cast %get3A_111 : vector<1x16xf32> to vector<16xf32>
        %get3A_113 = arith.index_cast %scan3A_96 : i32 to index
        %get3A_114 = arith.constant 16 : index
        %get3A_115 = tpu.vector_load %arg18[%get3A_113, %get3A_114] {strides = array<i32>} : memref<80x128xf32, #tpu.memory_space<vmem>>, vector<1x16xf32>,
        %get3A_116 = vector.shape_cast %get3A_115 : vector<1x16xf32> to vector<16xf32>
        %mul3A_117 = arith.mulf %get3A_112, %get3A_116 : vector<16xf32>
        %swap3A_118 = arith.index_cast %scan3A_96 : i32 to index
        %swap3A_119 = arith.constant 16 : index
        %swap3A_120 = tpu.vector_load %arg17[%swap3A_118, %swap3A_119] {strides = array<i32>} : memref<80x128xf32, #tpu.memory_space<vmem>>, vector<1x16xf32>,
        %swap3A_121 = vector.shape_cast %swap3A_120 : vector<1x16xf32> to vector<16xf32>
        %swap3A_122 = vector.shape_cast %mul3A_117 : vector<16xf32> to vector<1x16xf32>
        tpu.vector_store %arg17[%swap3A_118, %swap3A_119], %swap3A_122 {strides = array<i32>} : memref<80x128xf32, #tpu.memory_space<vmem>>, vector<1x16xf32>,
        %get3A_123 = arith.index_cast %scan3A_96 : i32 to index
        %get3A_124 = arith.constant 32 : index
        %get3A_125 = tpu.vector_load %arg17[%get3A_123, %get3A_124] {strides = array<i32>} : memref<80x128xf32, #tpu.memory_space<vmem>>, vector<1x16xf32>,
        %get3A_126 = vector.shape_cast %get3A_125 : vector<1x16xf32> to vector<16xf32>
        %get3A_127 = arith.index_cast %scan3A_96 : i32 to index
        %get3A_128 = arith.constant 32 : index
        %get3A_129 = tpu.vector_load %arg18[%get3A_127, %get3A_128] {strides = array<i32>} : memref<80x128xf32, #tpu.memory_space<vmem>>, vector<1x16xf32>,
        %get3A_130 = vector.shape_cast %get3A_129 : vector<1x16xf32> to vector<16xf32>
        %mul3A_131 = arith.mulf %get3A_126, %get3A_130 : vector<16xf32>
        %swap3A_132 = arith.index_cast %scan3A_96 : i32 to index
        %swap3A_133 = arith.constant 32 : index
        %swap3A_134 = tpu.vector_load %arg17[%swap3A_132, %swap3A_133] {strides = array<i32>} : memref<80x128xf32, #tpu.memory_space<vmem>>, vector<1x16xf32>,
        %swap3A_135 = vector.shape_cast %swap3A_134 : vector<1x16xf32> to vector<16xf32>
        %swap3A_136 = vector.shape_cast %mul3A_131 : vector<16xf32> to vector<1x16xf32>
        tpu.vector_store %arg17[%swap3A_132, %swap3A_133], %swap3A_136 {strides = array<i32>} : memref<80x128xf32, #tpu.memory_space<vmem>>, vector<1x16xf32>,
        %get3A_137 = arith.index_cast %scan3A_96 : i32 to index
        %get3A_138 = arith.constant 48 : index
        %get3A_139 = tpu.vector_load %arg17[%get3A_137, %get3A_138] {strides = array<i32>} : memref<80x128xf32, #tpu.memory_space<vmem>>, vector<1x16xf32>,
        %get3A_140 = vector.shape_cast %get3A_139 : vector<1x16xf32> to vector<16xf32>
        %get3A_141 = arith.index_cast %scan3A_96 : i32 to index
        %get3A_142 = arith.constant 48 : index
        %get3A_143 = tpu.vector_load %arg18[%get3A_141, %get3A_142] {strides = array<i32>} : memref<80x128xf32, #tpu.memory_space<vmem>>, vector<1x16xf32>,
        %get3A_144 = vector.shape_cast %get3A_143 : vector<1x16xf32> to vector<16xf32>
        %mul3A_145 = arith.mulf %get3A_140, %get3A_144 : vector<16xf32>
        %swap3A_146 = arith.index_cast %scan3A_96 : i32 to index
        %swap3A_147 = arith.constant 48 : index
        %swap3A_148 = tpu.vector_load %arg17[%swap3A_146, %swap3A_147] {strides = array<i32>} : memref<80x128xf32, #tpu.memory_space<vmem>>, vector<1x16xf32>,
        %swap3A_149 = vector.shape_cast %swap3A_148 : vector<1x16xf32> to vector<16xf32>
        %swap3A_150 = vector.shape_cast %mul3A_145 : vector<16xf32> to vector<1x16xf32>
        tpu.vector_store %arg17[%swap3A_146, %swap3A_147], %swap3A_150 {strides = array<i32>} : memref<80x128xf32, #tpu.memory_space<vmem>>, vector<1x16xf32>,
        %get3A_151 = arith.index_cast %scan3A_96 : i32 to index
        %get3A_152 = arith.constant 64 : index
        %get3A_153 = tpu.vector_load %arg17[%get3A_151, %get3A_152] {strides = array<i32>} : memref<80x128xf32, #tpu.memory_space<vmem>>, vector<1x16xf32>,
        %get3A_154 = vector.shape_cast %get3A_153 : vector<1x16xf32> to vector<16xf32>
        %get3A_155 = arith.index_cast %scan3A_96 : i32 to index
        %get3A_156 = arith.constant 64 : index
        %get3A_157 = tpu.vector_load %arg18[%get3A_155, %get3A_156] {strides = array<i32>} : memref<80x128xf32, #tpu.memory_space<vmem>>, vector<1x16xf32>,
        %get3A_158 = vector.shape_cast %get3A_157 : vector<1x16xf32> to vector<16xf32>
        %mul3A_159 = arith.mulf %get3A_154, %get3A_158 : vector<16xf32>
        %swap3A_160 = arith.index_cast %scan3A_96 : i32 to index
        %swap3A_161 = arith.constant 64 : index
        %swap3A_162 = tpu.vector_load %arg17[%swap3A_160, %swap3A_161] {strides = array<i32>} : memref<80x128xf32, #tpu.memory_space<vmem>>, vector<1x16xf32>,
        %swap3A_163 = vector.shape_cast %swap3A_162 : vector<1x16xf32> to vector<16xf32>
        %swap3A_164 = vector.shape_cast %mul3A_159 : vector<16xf32> to vector<1x16xf32>
        tpu.vector_store %arg17[%swap3A_160, %swap3A_161], %swap3A_164 {strides = array<i32>} : memref<80x128xf32, #tpu.memory_space<vmem>>, vector<1x16xf32>,
        %get3A_165 = arith.index_cast %scan3A_96 : i32 to index
        %get3A_166 = arith.constant 80 : index
        %get3A_167 = tpu.vector_load %arg17[%get3A_165, %get3A_166] {strides = array<i32>} : memref<80x128xf32, #tpu.memory_space<vmem>>, vector<1x16xf32>,
        %get3A_168 = vector.shape_cast %get3A_167 : vector<1x16xf32> to vector<16xf32>
        %get3A_169 = arith.index_cast %scan3A_96 : i32 to index
        %get3A_170 = arith.constant 80 : index
        %get3A_171 = tpu.vector_load %arg18[%get3A_169, %get3A_170] {strides = array<i32>} : memref<80x128xf32, #tpu.memory_space<vmem>>, vector<1x16xf32>,
        %get3A_172 = vector.shape_cast %get3A_171 : vector<1x16xf32> to vector<16xf32>
        %mul3A_173 = arith.mulf %get3A_168, %get3A_172 : vector<16xf32>
        %swap3A_174 = arith.index_cast %scan3A_96 : i32 to index
        %swap3A_175 = arith.constant 80 : index
        %swap3A_176 = tpu.vector_load %arg17[%swap3A_174, %swap3A_175] {strides = array<i32>} : memref<80x128xf32, #tpu.memory_space<vmem>>, vector<1x16xf32>,
        %swap3A_177 = vector.shape_cast %swap3A_176 : vector<1x16xf32> to vector<16xf32>
        %swap3A_178 = vector.shape_cast %mul3A_173 : vector<16xf32> to vector<1x16xf32>
        tpu.vector_store %arg17[%swap3A_174, %swap3A_175], %swap3A_178 {strides = array<i32>} : memref<80x128xf32, #tpu.memory_space<vmem>>, vector<1x16xf32>,
        %get3A_179 = arith.index_cast %scan3A_96 : i32 to index
        %get3A_180 = arith.constant 96 : index
        %get3A_181 = tpu.vector_load %arg17[%get3A_179, %get3A_180] {strides = array<i32>} : memref<80x128xf32, #tpu.memory_space<vmem>>, vector<1x16xf32>,
        %get3A_182 = vector.shape_cast %get3A_181 : vector<1x16xf32> to vector<16xf32>
        %get3A_183 = arith.index_cast %scan3A_96 : i32 to index
        %get3A_184 = arith.constant 96 : index
        %get3A_185 = tpu.vector_load %arg18[%get3A_183, %get3A_184] {strides = array<i32>} : memref<80x128xf32, #tpu.memory_space<vmem>>, vector<1x16xf32>,
        %get3A_186 = vector.shape_cast %get3A_185 : vector<1x16xf32> to vector<16xf32>
        %mul3A_187 = arith.mulf %get3A_182, %get3A_186 : vector<16xf32>
        %swap3A_188 = arith.index_cast %scan3A_96 : i32 to index
        %swap3A_189 = arith.constant 96 : index
        %swap3A_190 = tpu.vector_load %arg17[%swap3A_188, %swap3A_189] {strides = array<i32>} : memref<80x128xf32, #tpu.memory_space<vmem>>, vector<1x16xf32>,
        %swap3A_191 = vector.shape_cast %swap3A_190 : vector<1x16xf32> to vector<16xf32>
        %swap3A_192 = vector.shape_cast %mul3A_187 : vector<16xf32> to vector<1x16xf32>
        tpu.vector_store %arg17[%swap3A_188, %swap3A_189], %swap3A_192 {strides = array<i32>} : memref<80x128xf32, #tpu.memory_space<vmem>>, vector<1x16xf32>,
        %get3A_193 = arith.index_cast %scan3A_96 : i32 to index
        %get3A_194 = arith.constant 112 : index
        %get3A_195 = tpu.vector_load %arg17[%get3A_193, %get3A_194] {strides = array<i32>} : memref<80x128xf32, #tpu.memory_space<vmem>>, vector<1x16xf32>,
        %get3A_196 = vector.shape_cast %get3A_195 : vector<1x16xf32> to vector<16xf32>
        %get3A_197 = arith.index_cast %scan3A_96 : i32 to index
        %get3A_198 = arith.constant 112 : index
        %get3A_199 = tpu.vector_load %arg18[%get3A_197, %get3A_198] {strides = array<i32>} : memref<80x128xf32, #tpu.memory_space<vmem>>, vector<1x16xf32>,
        %get3A_200 = vector.shape_cast %get3A_199 : vector<1x16xf32> to vector<16xf32>
        %mul3A_201 = arith.mulf %get3A_196, %get3A_200 : vector<16xf32>
        %swap3A_202 = arith.index_cast %scan3A_96 : i32 to index
        %swap3A_203 = arith.constant 112 : index
        %swap3A_204 = tpu.vector_load %arg17[%swap3A_202, %swap3A_203] {strides = array<i32>} : memref<80x128xf32, #tpu.memory_space<vmem>>, vector<1x16xf32>,
        %swap3A_205 = vector.shape_cast %swap3A_204 : vector<1x16xf32> to vector<16xf32>
        %swap3A_206 = vector.shape_cast %mul3A_201 : vector<16xf32> to vector<1x16xf32>
        tpu.vector_store %arg17[%swap3A_202, %swap3A_203], %swap3A_206 {strides = array<i32>} : memref<80x128xf32, #tpu.memory_space<vmem>>, vector<1x16xf32>,
      }
      %scan3A_88 = arith.constant 80 : i32
      "tpu.region"() ({
        %run_scoped3A = tpu.sem_alloc : memref<!tpu.dma_semaphore, #tpu.memory_space<semaphore_mem>>
        %dma_start3A_96 = arith.constant 0 : i32
        %dma_start3A_97 = arith.constant 0 : i32
        %dma_start3A_98 = tpu.memref_slice %arg25[%dma_start3A_96, %dma_start3A_97] : memref<10240x128xf32, #tpu.memory_space<vmem_shared>> -> memref<10240x128xf32, #tpu.memory_space<vmem_shared>>
        tpu.enqueue_indirect_dma source(%arg17 : memref<80x128xf32, #tpu.memory_space<vmem>>) target(%dma_start3A_98 : memref<10240x128xf32, #tpu.memory_space<vmem_shared>>) offsets(%arg14 : memref<80xi32, #tpu.memory_space<vmem>>) semaphore(%run_scoped3A : memref<!tpu.dma_semaphore, #tpu.memory_space<semaphore_mem>>) {add = true}
        %dma_wait3A_99 = arith.constant 0 : i32
        %dma_wait3A_100 = arith.constant 0 : i32
        %dma_wait3A_101 = tpu.memref_slice %arg25[%dma_wait3A_99, %dma_wait3A_100] : memref<10240x128xf32, #tpu.memory_space<vmem_shared>> -> memref<10240x128xf32, #tpu.memory_space<vmem_shared>>
        tpu.wait_indirect_dma semaphore(%run_scoped3A : memref<!tpu.dma_semaphore, #tpu.memory_space<semaphore_mem>>) src(%arg17 : memref<80x128xf32, #tpu.memory_space<vmem>>) dst(%dma_wait3A_101 : memref<10240x128xf32, #tpu.memory_space<vmem_shared>>)
        tpu.yield
      }) : () -> ()
      %add3A_89 = arith.constant 2 : i32
      %add3A_90 = arith.addi %add3A_69, %add3A_89 : i32
      %lt3A_91 = arith.constant 64 : i32
      %lt3A_92 = arith.cmpi slt, %add3A_90, %lt3A_91 : i32
      %convert_element_type3A_93 = arith.extui %lt3A_92 : i1 to i32
      %cond3A_94 = arith.constant 0 : i32
      %cond3A_95 = arith.cmpi ne, %convert_element_type3A_93, %cond3A_94 : i32
      scf.if %cond3A_95 {
        %add3A_96 = arith.constant 2 : i32
        %add3A_97 = arith.addi %add3A_69, %add3A_96 : i32
        %mul3A_98 = arith.constant 80 : i32
        %mul3A_99 = arith.muli %add3A_97, %mul3A_98 : i32
        %add3A_100 = arith.addi %mul3A_4, %mul3A_99 : i32
        %dma_start3A_101 = tpu.memref_slice %arg2[%add3A_100] : memref<163840xi32, #tpu.memory_space<hbm>> -> memref<80xi32, #tpu.memory_space<hbm>>
        %dma_start3A_102 = tpu.memref_slice %arg2[%add3A_100] : memref<163840xi32, #tpu.memory_space<hbm>> -> memref<80xi32, #tpu.memory_space<hbm>>
        tpu.enqueue_dma source(%dma_start3A_102 : memref<80xi32, #tpu.memory_space<hbm>>) target(%arg10 : memref<80xi32, #tpu.memory_space<vmem>>) target_semaphore(%arg20 : memref<!tpu.dma_semaphore, #tpu.memory_space<semaphore_mem>>)
        %dma_start3A_103 = tpu.memref_slice %arg3[%add3A_100] : memref<163840xi32, #tpu.memory_space<hbm>> -> memref<80xi32, #tpu.memory_space<hbm>>
        %dma_start3A_104 = tpu.memref_slice %arg3[%add3A_100] : memref<163840xi32, #tpu.memory_space<hbm>> -> memref<80xi32, #tpu.memory_space<hbm>>
        tpu.enqueue_dma source(%dma_start3A_104 : memref<80xi32, #tpu.memory_space<hbm>>) target(%arg12 : memref<80xi32, #tpu.memory_space<vmem>>) target_semaphore(%arg20 : memref<!tpu.dma_semaphore, #tpu.memory_space<semaphore_mem>>)
        %dma_start3A_105 = tpu.memref_slice %arg4[%add3A_100] : memref<163840xi32, #tpu.memory_space<hbm>> -> memref<80xi32, #tpu.memory_space<hbm>>
        %dma_start3A_106 = tpu.memref_slice %arg4[%add3A_100] : memref<163840xi32, #tpu.memory_space<hbm>> -> memref<80xi32, #tpu.memory_space<hbm>>
        tpu.enqueue_dma source(%dma_start3A_106 : memref<80xi32, #tpu.memory_space<hbm>>) target(%arg14 : memref<80xi32, #tpu.memory_space<vmem>>) target_semaphore(%arg20 : memref<!tpu.dma_semaphore, #tpu.memory_space<semaphore_mem>>)
      } else {
      }
    }
    %scan3A_37 = arith.constant 32 : i32
    %barrier3A_38 = arith.constant 0 : index
    tpu.barrier barrier_id(%barrier3A_38)
    %mul3A_39 = arith.constant 10240 : i32
    %mul3A_40 = arith.muli %arg0, %mul3A_39 : i32
    %add3A_41 = arith.addi %mul3A_40, %mul3A_2 : i32
    "tpu.region"() ({
      %run_scoped3A = tpu.sem_alloc : memref<!tpu.dma_semaphore, #tpu.memory_space<semaphore_mem>>
      %dma_start3A_42 = arith.constant 0 : i32
      %dma_start3A_43 = tpu.memref_slice %arg8[%add3A_41, %dma_start3A_42] : memref<20480x128xf32, #tpu.memory_space<hbm>> -> memref<640x128xf32, #tpu.memory_space<hbm>>
      %dma_start3A_44 = arith.constant 0 : i32
      %dma_start3A_45 = tpu.memref_slice %arg25[%mul3A_2, %dma_start3A_44] : memref<10240x128xf32, #tpu.memory_space<vmem_shared>> -> memref<640x128xf32, #tpu.memory_space<vmem_shared>>
      tpu.enqueue_dma source(%dma_start3A_45 : memref<640x128xf32, #tpu.memory_space<vmem_shared>>) target(%dma_start3A_43 : memref<640x128xf32, #tpu.memory_space<hbm>>) target_semaphore(%run_scoped3A : memref<!tpu.dma_semaphore, #tpu.memory_space<semaphore_mem>>)
      %dma_wait3A_46 = arith.constant 0 : i32
      %dma_wait3A_47 = tpu.memref_slice %arg8[%add3A_41, %dma_wait3A_46] : memref<20480x128xf32, #tpu.memory_space<hbm>> -> memref<640x128xf32, #tpu.memory_space<hbm>>
      %dma_wait3A_48 = arith.constant 0 : i32
      %dma_wait3A_49 = tpu.memref_slice %arg25[%mul3A_2, %dma_wait3A_48] : memref<10240x128xf32, #tpu.memory_space<vmem_shared>> -> memref<640x128xf32, #tpu.memory_space<vmem_shared>>
      tpu.wait_dma2 semaphore(%run_scoped3A : memref<!tpu.dma_semaphore, #tpu.memory_space<semaphore_mem>>) src(%dma_wait3A_49 : memref<640x128xf32, #tpu.memory_space<vmem_shared>>) dst(%dma_wait3A_47 : memref<640x128xf32, #tpu.memory_space<hbm>>)
      tpu.yield
    }) : () -> ()
    return
  }
}

#map = affine_map<(d0, d1) -> (0)>
#map1 = affine_map<(d0, d1) -> (0, 0)>
module attributes {stable_mosaic.version = 14 : i64} {
  func.func @body(%arg0: i32, %arg1: i32, %arg2: memref<163840xi32, #tpu.memory_space<hbm>>, %arg3: memref<163840xi32, #tpu.memory_space<hbm>>, %arg4: memref<163840xi32, #tpu.memory_space<hbm>>, %arg5: memref<10240x128xf32, #tpu.memory_space<hbm>>, %arg6: memref<32x128xf32, #tpu.memory_space<hbm>>, %arg7: memref<10240x128xf32, #tpu.memory_space<hbm>>, %arg8: memref<20480x128xf32, #tpu.memory_space<hbm>>, %arg9: memref<80xi32, #tpu.memory_space<vmem>>, %arg10: memref<80xi32, #tpu.memory_space<vmem>>, %arg11: memref<80xi32, #tpu.memory_space<vmem>>, %arg12: memref<80xi32, #tpu.memory_space<vmem>>, %arg13: memref<80xi32, #tpu.memory_space<vmem>>, %arg14: memref<80xi32, #tpu.memory_space<vmem>>, %arg15: memref<80x128xf32, #tpu.memory_space<vmem>>, %arg16: memref<80x128xf32, #tpu.memory_space<vmem>>, %arg17: memref<80x128xf32, #tpu.memory_space<vmem>>, %arg18: memref<80x128xf32, #tpu.memory_space<vmem>>, %arg19: memref<!tpu.dma_semaphore, #tpu.memory_space<semaphore_mem>>, %arg20: memref<!tpu.dma_semaphore, #tpu.memory_space<semaphore_mem>>, %arg21: memref<!tpu.dma_semaphore, #tpu.memory_space<semaphore_mem>>, %arg22: memref<!tpu.dma_semaphore, #tpu.memory_space<semaphore_mem>>, %arg23: memref<!tpu.dma_semaphore, #tpu.memory_space<semaphore_mem>>, %arg24: memref<!tpu.dma_semaphore, #tpu.memory_space<semaphore_mem>>, %arg25: memref<10240x128xf32, #tpu.memory_space<vmem_shared>>) attributes {dimension_semantics = [#tpu.dimension_semantics<core_parallel>, #tpu.dimension_semantics<subcore_parallel>], iteration_bounds = array<i64: 2, 16>, scalar_prefetch = 0 : i64, scratch_operands = 17 : i64, tpu.core_type = #tpu.core_type<sc_vector_subcore>, window_params = [{transform_indices = #map}, {transform_indices = #map}, {transform_indices = #map}, {transform_indices = #map1}, {transform_indices = #map1}, {transform_indices = #map1}, {transform_indices = #map1}]} {
    %mul3A = arith.constant 2 : i32
    %mul3A_0 = arith.muli %arg1, %mul3A : i32
    %add3A = arith.addi %mul3A_0, %arg0 : i32
    %mul3A_1 = arith.constant 640 : i32
    %mul3A_2 = arith.muli %arg1, %mul3A_1 : i32
    %mul3A_3 = arith.constant 5120 : i32
    %mul3A_4 = arith.muli %add3A, %mul3A_3 : i32
    "tpu.region"() ({
      %run_scoped3A = tpu.sem_alloc : memref<!tpu.dma_semaphore, #tpu.memory_space<semaphore_mem>>
      %dma_start3A_42 = arith.constant 0 : i32
      %dma_start3A_43 = tpu.memref_slice %arg25[%mul3A_2, %dma_start3A_42] : memref<10240x128xf32, #tpu.memory_space<vmem_shared>> -> memref<640x128xf32, #tpu.memory_space<vmem_shared>>
      %dma_start3A_44 = arith.constant 0 : i32
      %dma_start3A_45 = tpu.memref_slice %arg7[%mul3A_2, %dma_start3A_44] : memref<10240x128xf32, #tpu.memory_space<hbm>> -> memref<640x128xf32, #tpu.memory_space<hbm>>
      tpu.enqueue_dma source(%dma_start3A_45 : memref<640x128xf32, #tpu.memory_space<hbm>>) target(%dma_start3A_43 : memref<640x128xf32, #tpu.memory_space<vmem_shared>>) target_semaphore(%run_scoped3A : memref<!tpu.dma_semaphore, #tpu.memory_space<semaphore_mem>>)
      %dma_wait3A_46 = arith.constant 0 : i32
      %dma_wait3A_47 = tpu.memref_slice %arg25[%mul3A_2, %dma_wait3A_46] : memref<10240x128xf32, #tpu.memory_space<vmem_shared>> -> memref<640x128xf32, #tpu.memory_space<vmem_shared>>
      %dma_wait3A_48 = arith.constant 0 : i32
      %dma_wait3A_49 = tpu.memref_slice %arg7[%mul3A_2, %dma_wait3A_48] : memref<10240x128xf32, #tpu.memory_space<hbm>> -> memref<640x128xf32, #tpu.memory_space<hbm>>
      tpu.wait_dma2 semaphore(%run_scoped3A : memref<!tpu.dma_semaphore, #tpu.memory_space<semaphore_mem>>) src(%dma_wait3A_49 : memref<640x128xf32, #tpu.memory_space<hbm>>) dst(%dma_wait3A_47 : memref<640x128xf32, #tpu.memory_space<vmem_shared>>)
      tpu.yield
    }) : () -> ()
    %barrier3A = arith.constant 0 : index
    tpu.barrier barrier_id(%barrier3A)
    %add3A_5 = arith.constant 0 : i32
    %add3A_6 = arith.addi %mul3A_4, %add3A_5 : i32
    %dma_start3A = tpu.memref_slice %arg2[%add3A_6] : memref<163840xi32, #tpu.memory_space<hbm>> -> memref<80xi32, #tpu.memory_space<hbm>>
    %dma_start3A_7 = tpu.memref_slice %arg2[%add3A_6] : memref<163840xi32, #tpu.memory_space<hbm>> -> memref<80xi32, #tpu.memory_space<hbm>>
    tpu.enqueue_dma source(%dma_start3A_7 : memref<80xi32, #tpu.memory_space<hbm>>) target(%arg9 : memref<80xi32, #tpu.memory_space<vmem>>) target_semaphore(%arg19 : memref<!tpu.dma_semaphore, #tpu.memory_space<semaphore_mem>>)
    %dma_start3A_8 = tpu.memref_slice %arg3[%add3A_6] : memref<163840xi32, #tpu.memory_space<hbm>> -> memref<80xi32, #tpu.memory_space<hbm>>
    %dma_start3A_9 = tpu.memref_slice %arg3[%add3A_6] : memref<163840xi32, #tpu.memory_space<hbm>> -> memref<80xi32, #tpu.memory_space<hbm>>
    tpu.enqueue_dma source(%dma_start3A_9 : memref<80xi32, #tpu.memory_space<hbm>>) target(%arg11 : memref<80xi32, #tpu.memory_space<vmem>>) target_semaphore(%arg19 : memref<!tpu.dma_semaphore, #tpu.memory_space<semaphore_mem>>)
    %dma_start3A_10 = tpu.memref_slice %arg4[%add3A_6] : memref<163840xi32, #tpu.memory_space<hbm>> -> memref<80xi32, #tpu.memory_space<hbm>>
    %dma_start3A_11 = tpu.memref_slice %arg4[%add3A_6] : memref<163840xi32, #tpu.memory_space<hbm>> -> memref<80xi32, #tpu.memory_space<hbm>>
    tpu.enqueue_dma source(%dma_start3A_11 : memref<80xi32, #tpu.memory_space<hbm>>) target(%arg13 : memref<80xi32, #tpu.memory_space<vmem>>) target_semaphore(%arg19 : memref<!tpu.dma_semaphore, #tpu.memory_space<semaphore_mem>>)
    %add3A_12 = arith.constant 0 : i32
    %add3A_13 = arith.addi %mul3A_4, %add3A_12 : i32
    %dma_wait3A = tpu.memref_slice %arg2[%add3A_13] : memref<163840xi32, #tpu.memory_space<hbm>> -> memref<80xi32, #tpu.memory_space<hbm>>
    %dma_wait3A_14 = tpu.memref_slice %arg2[%add3A_13] : memref<163840xi32, #tpu.memory_space<hbm>> -> memref<80xi32, #tpu.memory_space<hbm>>
    tpu.wait_dma2 semaphore(%arg19 : memref<!tpu.dma_semaphore, #tpu.memory_space<semaphore_mem>>) src(%dma_wait3A_14 : memref<80xi32, #tpu.memory_space<hbm>>) dst(%arg9 : memref<80xi32, #tpu.memory_space<vmem>>)
    %dma_wait3A_15 = tpu.memref_slice %arg3[%add3A_13] : memref<163840xi32, #tpu.memory_space<hbm>> -> memref<80xi32, #tpu.memory_space<hbm>>
    %dma_wait3A_16 = tpu.memref_slice %arg3[%add3A_13] : memref<163840xi32, #tpu.memory_space<hbm>> -> memref<80xi32, #tpu.memory_space<hbm>>
    tpu.wait_dma2 semaphore(%arg19 : memref<!tpu.dma_semaphore, #tpu.memory_space<semaphore_mem>>) src(%dma_wait3A_16 : memref<80xi32, #tpu.memory_space<hbm>>) dst(%arg11 : memref<80xi32, #tpu.memory_space<vmem>>)
    %dma_wait3A_17 = tpu.memref_slice %arg4[%add3A_13] : memref<163840xi32, #tpu.memory_space<hbm>> -> memref<80xi32, #tpu.memory_space<hbm>>
    %dma_wait3A_18 = tpu.memref_slice %arg4[%add3A_13] : memref<163840xi32, #tpu.memory_space<hbm>> -> memref<80xi32, #tpu.memory_space<hbm>>
    tpu.wait_dma2 semaphore(%arg19 : memref<!tpu.dma_semaphore, #tpu.memory_space<semaphore_mem>>) src(%dma_wait3A_18 : memref<80xi32, #tpu.memory_space<hbm>>) dst(%arg13 : memref<80xi32, #tpu.memory_space<vmem>>)
    %dma_start3A_19 = arith.constant 0 : i32
    %dma_start3A_20 = arith.constant 0 : i32
    %dma_start3A_21 = tpu.memref_slice %arg5[%dma_start3A_19, %dma_start3A_20] : memref<10240x128xf32, #tpu.memory_space<hbm>> -> memref<10240x128xf32, #tpu.memory_space<hbm>>
    tpu.enqueue_indirect_dma source(%dma_start3A_21 : memref<10240x128xf32, #tpu.memory_space<hbm>>) target(%arg15 : memref<80x128xf32, #tpu.memory_space<vmem>>) offsets(%arg9 : memref<80xi32, #tpu.memory_space<vmem>>) semaphore(%arg21 : memref<!tpu.dma_semaphore, #tpu.memory_space<semaphore_mem>>)
    %dma_start3A_22 = arith.constant 0 : i32
    %dma_start3A_23 = arith.constant 0 : i32
    %dma_start3A_24 = tpu.memref_slice %arg6[%dma_start3A_22, %dma_start3A_23] : memref<32x128xf32, #tpu.memory_space<hbm>> -> memref<32x128xf32, #tpu.memory_space<hbm>>
    tpu.enqueue_indirect_dma source(%dma_start3A_24 : memref<32x128xf32, #tpu.memory_space<hbm>>) target(%arg16 : memref<80x128xf32, #tpu.memory_space<vmem>>) offsets(%arg11 : memref<80xi32, #tpu.memory_space<vmem>>) semaphore(%arg23 : memref<!tpu.dma_semaphore, #tpu.memory_space<semaphore_mem>>)
    %add3A_25 = arith.constant 80 : i32
    %add3A_26 = arith.addi %mul3A_4, %add3A_25 : i32
    %dma_start3A_27 = tpu.memref_slice %arg2[%add3A_26] : memref<163840xi32, #tpu.memory_space<hbm>> -> memref<80xi32, #tpu.memory_space<hbm>>
    %dma_start3A_28 = tpu.memref_slice %arg2[%add3A_26] : memref<163840xi32, #tpu.memory_space<hbm>> -> memref<80xi32, #tpu.memory_space<hbm>>
    tpu.enqueue_dma source(%dma_start3A_28 : memref<80xi32, #tpu.memory_space<hbm>>) target(%arg10 : memref<80xi32, #tpu.memory_space<vmem>>) target_semaphore(%arg20 : memref<!tpu.dma_semaphore, #tpu.memory_space<semaphore_mem>>)
    %dma_start3A_29 = tpu.memref_slice %arg3[%add3A_26] : memref<163840xi32, #tpu.memory_space<hbm>> -> memref<80xi32, #tpu.memory_space<hbm>>
    %dma_start3A_30 = tpu.memref_slice %arg3[%add3A_26] : memref<163840xi32, #tpu.memory_space<hbm>> -> memref<80xi32, #tpu.memory_space<hbm>>
    tpu.enqueue_dma source(%dma_start3A_30 : memref<80xi32, #tpu.memory_space<hbm>>) target(%arg12 : memref<80xi32, #tpu.memory_space<vmem>>) target_semaphore(%arg20 : memref<!tpu.dma_semaphore, #tpu.memory_space<semaphore_mem>>)
    %dma_start3A_31 = tpu.memref_slice %arg4[%add3A_26] : memref<163840xi32, #tpu.memory_space<hbm>> -> memref<80xi32, #tpu.memory_space<hbm>>
    %dma_start3A_32 = tpu.memref_slice %arg4[%add3A_26] : memref<163840xi32, #tpu.memory_space<hbm>> -> memref<80xi32, #tpu.memory_space<hbm>>
    tpu.enqueue_dma source(%dma_start3A_32 : memref<80xi32, #tpu.memory_space<hbm>>) target(%arg14 : memref<80xi32, #tpu.memory_space<vmem>>) target_semaphore(%arg20 : memref<!tpu.dma_semaphore, #tpu.memory_space<semaphore_mem>>)
    %scan3A = arith.constant 0 : i32
    %scan3A_33 = arith.constant 0 : i32
    %scan3A_34 = arith.constant 32 : i32
    %scan3A_35 = arith.addi %scan3A_33, %scan3A_34 : i32
    %scan3A_36 = arith.constant 1 : i32
    scf.for %scan3A_42 = %scan3A_33 to %scan3A_35 step %scan3A_36  : i32 {
      %mul3A_43 = arith.constant 2 : i32
      %mul3A_44 = arith.muli %scan3A_42, %mul3A_43 : i32
      %add3A_45 = arith.constant 1 : i32
      %add3A_46 = arith.addi %mul3A_44, %add3A_45 : i32
      %lt3A = arith.constant 64 : i32
      %lt3A_47 = arith.cmpi slt, %add3A_46, %lt3A : i32
      %convert_element_type3A = arith.extui %lt3A_47 : i1 to i32
      %cond3A = arith.constant 0 : i32
      %cond3A_48 = arith.cmpi ne, %convert_element_type3A, %cond3A : i32
      scf.if %cond3A_48 {
        %add3A_96 = arith.constant 1 : i32
        %add3A_97 = arith.addi %mul3A_44, %add3A_96 : i32
        %mul3A_98 = arith.constant 80 : i32
        %mul3A_99 = arith.muli %add3A_97, %mul3A_98 : i32
        %add3A_100 = arith.addi %mul3A_4, %mul3A_99 : i32
        %dma_wait3A_101 = tpu.memref_slice %arg2[%add3A_100] : memref<163840xi32, #tpu.memory_space<hbm>> -> memref<80xi32, #tpu.memory_space<hbm>>
        %dma_wait3A_102 = tpu.memref_slice %arg2[%add3A_100] : memref<163840xi32, #tpu.memory_space<hbm>> -> memref<80xi32, #tpu.memory_space<hbm>>
        tpu.wait_dma2 semaphore(%arg20 : memref<!tpu.dma_semaphore, #tpu.memory_space<semaphore_mem>>) src(%dma_wait3A_102 : memref<80xi32, #tpu.memory_space<hbm>>) dst(%arg10 : memref<80xi32, #tpu.memory_space<vmem>>)
        %dma_wait3A_103 = tpu.memref_slice %arg3[%add3A_100] : memref<163840xi32, #tpu.memory_space<hbm>> -> memref<80xi32, #tpu.memory_space<hbm>>
        %dma_wait3A_104 = tpu.memref_slice %arg3[%add3A_100] : memref<163840xi32, #tpu.memory_space<hbm>> -> memref<80xi32, #tpu.memory_space<hbm>>
        tpu.wait_dma2 semaphore(%arg20 : memref<!tpu.dma_semaphore, #tpu.memory_space<semaphore_mem>>) src(%dma_wait3A_104 : memref<80xi32, #tpu.memory_space<hbm>>) dst(%arg12 : memref<80xi32, #tpu.memory_space<vmem>>)
        %dma_wait3A_105 = tpu.memref_slice %arg4[%add3A_100] : memref<163840xi32, #tpu.memory_space<hbm>> -> memref<80xi32, #tpu.memory_space<hbm>>
        %dma_wait3A_106 = tpu.memref_slice %arg4[%add3A_100] : memref<163840xi32, #tpu.memory_space<hbm>> -> memref<80xi32, #tpu.memory_space<hbm>>
        tpu.wait_dma2 semaphore(%arg20 : memref<!tpu.dma_semaphore, #tpu.memory_space<semaphore_mem>>) src(%dma_wait3A_106 : memref<80xi32, #tpu.memory_space<hbm>>) dst(%arg14 : memref<80xi32, #tpu.memory_space<vmem>>)
        %dma_start3A_107 = arith.constant 0 : i32
        %dma_start3A_108 = arith.constant 0 : i32
        %dma_start3A_109 = tpu.memref_slice %arg5[%dma_start3A_107, %dma_start3A_108] : memref<10240x128xf32, #tpu.memory_space<hbm>> -> memref<10240x128xf32, #tpu.memory_space<hbm>>
        tpu.enqueue_indirect_dma source(%dma_start3A_109 : memref<10240x128xf32, #tpu.memory_space<hbm>>) target(%arg17 : memref<80x128xf32, #tpu.memory_space<vmem>>) offsets(%arg10 : memref<80xi32, #tpu.memory_space<vmem>>) semaphore(%arg22 : memref<!tpu.dma_semaphore, #tpu.memory_space<semaphore_mem>>)
        %dma_start3A_110 = arith.constant 0 : i32
        %dma_start3A_111 = arith.constant 0 : i32
        %dma_start3A_112 = tpu.memref_slice %arg6[%dma_start3A_110, %dma_start3A_111] : memref<32x128xf32, #tpu.memory_space<hbm>> -> memref<32x128xf32, #tpu.memory_space<hbm>>
        tpu.enqueue_indirect_dma source(%dma_start3A_112 : memref<32x128xf32, #tpu.memory_space<hbm>>) target(%arg18 : memref<80x128xf32, #tpu.memory_space<vmem>>) offsets(%arg12 : memref<80xi32, #tpu.memory_space<vmem>>) semaphore(%arg24 : memref<!tpu.dma_semaphore, #tpu.memory_space<semaphore_mem>>)
      } else {
      }
      %dma_wait3A_49 = arith.constant 0 : i32
      %dma_wait3A_50 = arith.constant 0 : i32
      %dma_wait3A_51 = tpu.memref_slice %arg5[%dma_wait3A_49, %dma_wait3A_50] : memref<10240x128xf32, #tpu.memory_space<hbm>> -> memref<10240x128xf32, #tpu.memory_space<hbm>>
      tpu.wait_indirect_dma semaphore(%arg21 : memref<!tpu.dma_semaphore, #tpu.memory_space<semaphore_mem>>) src(%dma_wait3A_51 : memref<10240x128xf32, #tpu.memory_space<hbm>>) dst(%arg15 : memref<80x128xf32, #tpu.memory_space<vmem>>)
      %dma_wait3A_52 = arith.constant 0 : i32
      %dma_wait3A_53 = arith.constant 0 : i32
      %dma_wait3A_54 = tpu.memref_slice %arg6[%dma_wait3A_52, %dma_wait3A_53] : memref<32x128xf32, #tpu.memory_space<hbm>> -> memref<32x128xf32, #tpu.memory_space<hbm>>
      tpu.wait_indirect_dma semaphore(%arg23 : memref<!tpu.dma_semaphore, #tpu.memory_space<semaphore_mem>>) src(%dma_wait3A_54 : memref<32x128xf32, #tpu.memory_space<hbm>>) dst(%arg16 : memref<80x128xf32, #tpu.memory_space<vmem>>)
      %scan3A_55 = arith.constant 0 : i32
      %scan3A_56 = arith.constant 0 : i32
      %scan3A_57 = arith.constant 80 : i32
      %scan3A_58 = arith.addi %scan3A_56, %scan3A_57 : i32
      %scan3A_59 = arith.constant 1 : i32
      scf.for %scan3A_96 = %scan3A_56 to %scan3A_58 step %scan3A_59  : i32 {
        %get3A = arith.index_cast %scan3A_96 : i32 to index
        %get3A_97 = arith.constant 0 : index
        %get3A_98 = tpu.vector_load %arg15[%get3A, %get3A_97] {strides = array<i32>} : memref<80x128xf32, #tpu.memory_space<vmem>>, vector<1x16xf32>,
        %get3A_99 = vector.shape_cast %get3A_98 : vector<1x16xf32> to vector<16xf32>
        %get3A_100 = arith.index_cast %scan3A_96 : i32 to index
        %get3A_101 = arith.constant 0 : index
        %get3A_102 = tpu.vector_load %arg16[%get3A_100, %get3A_101] {strides = array<i32>} : memref<80x128xf32, #tpu.memory_space<vmem>>, vector<1x16xf32>,
        %get3A_103 = vector.shape_cast %get3A_102 : vector<1x16xf32> to vector<16xf32>
        %mul3A_104 = arith.mulf %get3A_99, %get3A_103 : vector<16xf32>
        %swap3A = arith.index_cast %scan3A_96 : i32 to index
        %swap3A_105 = arith.constant 0 : index
        %swap3A_106 = tpu.vector_load %arg15[%swap3A, %swap3A_105] {strides = array<i32>} : memref<80x128xf32, #tpu.memory_space<vmem>>, vector<1x16xf32>,
        %swap3A_107 = vector.shape_cast %swap3A_106 : vector<1x16xf32> to vector<16xf32>
        %swap3A_108 = vector.shape_cast %mul3A_104 : vector<16xf32> to vector<1x16xf32>
        tpu.vector_store %arg15[%swap3A, %swap3A_105], %swap3A_108 {strides = array<i32>} : memref<80x128xf32, #tpu.memory_space<vmem>>, vector<1x16xf32>,
        %get3A_109 = arith.index_cast %scan3A_96 : i32 to index
        %get3A_110 = arith.constant 16 : index
        %get3A_111 = tpu.vector_load %arg15[%get3A_109, %get3A_110] {strides = array<i32>} : memref<80x128xf32, #tpu.memory_space<vmem>>, vector<1x16xf32>,
        %get3A_112 = vector.shape_cast %get3A_111 : vector<1x16xf32> to vector<16xf32>
        %get3A_113 = arith.index_cast %scan3A_96 : i32 to index
        %get3A_114 = arith.constant 16 : index
        %get3A_115 = tpu.vector_load %arg16[%get3A_113, %get3A_114] {strides = array<i32>} : memref<80x128xf32, #tpu.memory_space<vmem>>, vector<1x16xf32>,
        %get3A_116 = vector.shape_cast %get3A_115 : vector<1x16xf32> to vector<16xf32>
        %mul3A_117 = arith.mulf %get3A_112, %get3A_116 : vector<16xf32>
        %swap3A_118 = arith.index_cast %scan3A_96 : i32 to index
        %swap3A_119 = arith.constant 16 : index
        %swap3A_120 = tpu.vector_load %arg15[%swap3A_118, %swap3A_119] {strides = array<i32>} : memref<80x128xf32, #tpu.memory_space<vmem>>, vector<1x16xf32>,
        %swap3A_121 = vector.shape_cast %swap3A_120 : vector<1x16xf32> to vector<16xf32>
        %swap3A_122 = vector.shape_cast %mul3A_117 : vector<16xf32> to vector<1x16xf32>
        tpu.vector_store %arg15[%swap3A_118, %swap3A_119], %swap3A_122 {strides = array<i32>} : memref<80x128xf32, #tpu.memory_space<vmem>>, vector<1x16xf32>,
        %get3A_123 = arith.index_cast %scan3A_96 : i32 to index
        %get3A_124 = arith.constant 32 : index
        %get3A_125 = tpu.vector_load %arg15[%get3A_123, %get3A_124] {strides = array<i32>} : memref<80x128xf32, #tpu.memory_space<vmem>>, vector<1x16xf32>,
        %get3A_126 = vector.shape_cast %get3A_125 : vector<1x16xf32> to vector<16xf32>
        %get3A_127 = arith.index_cast %scan3A_96 : i32 to index
        %get3A_128 = arith.constant 32 : index
        %get3A_129 = tpu.vector_load %arg16[%get3A_127, %get3A_128] {strides = array<i32>} : memref<80x128xf32, #tpu.memory_space<vmem>>, vector<1x16xf32>,
        %get3A_130 = vector.shape_cast %get3A_129 : vector<1x16xf32> to vector<16xf32>
        %mul3A_131 = arith.mulf %get3A_126, %get3A_130 : vector<16xf32>
        %swap3A_132 = arith.index_cast %scan3A_96 : i32 to index
        %swap3A_133 = arith.constant 32 : index
        %swap3A_134 = tpu.vector_load %arg15[%swap3A_132, %swap3A_133] {strides = array<i32>} : memref<80x128xf32, #tpu.memory_space<vmem>>, vector<1x16xf32>,
        %swap3A_135 = vector.shape_cast %swap3A_134 : vector<1x16xf32> to vector<16xf32>
        %swap3A_136 = vector.shape_cast %mul3A_131 : vector<16xf32> to vector<1x16xf32>
        tpu.vector_store %arg15[%swap3A_132, %swap3A_133], %swap3A_136 {strides = array<i32>} : memref<80x128xf32, #tpu.memory_space<vmem>>, vector<1x16xf32>,
        %get3A_137 = arith.index_cast %scan3A_96 : i32 to index
        %get3A_138 = arith.constant 48 : index
        %get3A_139 = tpu.vector_load %arg15[%get3A_137, %get3A_138] {strides = array<i32>} : memref<80x128xf32, #tpu.memory_space<vmem>>, vector<1x16xf32>,
        %get3A_140 = vector.shape_cast %get3A_139 : vector<1x16xf32> to vector<16xf32>
        %get3A_141 = arith.index_cast %scan3A_96 : i32 to index
        %get3A_142 = arith.constant 48 : index
        %get3A_143 = tpu.vector_load %arg16[%get3A_141, %get3A_142] {strides = array<i32>} : memref<80x128xf32, #tpu.memory_space<vmem>>, vector<1x16xf32>,
        %get3A_144 = vector.shape_cast %get3A_143 : vector<1x16xf32> to vector<16xf32>
        %mul3A_145 = arith.mulf %get3A_140, %get3A_144 : vector<16xf32>
        %swap3A_146 = arith.index_cast %scan3A_96 : i32 to index
        %swap3A_147 = arith.constant 48 : index
        %swap3A_148 = tpu.vector_load %arg15[%swap3A_146, %swap3A_147] {strides = array<i32>} : memref<80x128xf32, #tpu.memory_space<vmem>>, vector<1x16xf32>,
        %swap3A_149 = vector.shape_cast %swap3A_148 : vector<1x16xf32> to vector<16xf32>
        %swap3A_150 = vector.shape_cast %mul3A_145 : vector<16xf32> to vector<1x16xf32>
        tpu.vector_store %arg15[%swap3A_146, %swap3A_147], %swap3A_150 {strides = array<i32>} : memref<80x128xf32, #tpu.memory_space<vmem>>, vector<1x16xf32>,
        %get3A_151 = arith.index_cast %scan3A_96 : i32 to index
        %get3A_152 = arith.constant 64 : index
        %get3A_153 = tpu.vector_load %arg15[%get3A_151, %get3A_152] {strides = array<i32>} : memref<80x128xf32, #tpu.memory_space<vmem>>, vector<1x16xf32>,
        %get3A_154 = vector.shape_cast %get3A_153 : vector<1x16xf32> to vector<16xf32>
        %get3A_155 = arith.index_cast %scan3A_96 : i32 to index
        %get3A_156 = arith.constant 64 : index
        %get3A_157 = tpu.vector_load %arg16[%get3A_155, %get3A_156] {strides = array<i32>} : memref<80x128xf32, #tpu.memory_space<vmem>>, vector<1x16xf32>,
        %get3A_158 = vector.shape_cast %get3A_157 : vector<1x16xf32> to vector<16xf32>
        %mul3A_159 = arith.mulf %get3A_154, %get3A_158 : vector<16xf32>
        %swap3A_160 = arith.index_cast %scan3A_96 : i32 to index
        %swap3A_161 = arith.constant 64 : index
        %swap3A_162 = tpu.vector_load %arg15[%swap3A_160, %swap3A_161] {strides = array<i32>} : memref<80x128xf32, #tpu.memory_space<vmem>>, vector<1x16xf32>,
        %swap3A_163 = vector.shape_cast %swap3A_162 : vector<1x16xf32> to vector<16xf32>
        %swap3A_164 = vector.shape_cast %mul3A_159 : vector<16xf32> to vector<1x16xf32>
        tpu.vector_store %arg15[%swap3A_160, %swap3A_161], %swap3A_164 {strides = array<i32>} : memref<80x128xf32, #tpu.memory_space<vmem>>, vector<1x16xf32>,
        %get3A_165 = arith.index_cast %scan3A_96 : i32 to index
        %get3A_166 = arith.constant 80 : index
        %get3A_167 = tpu.vector_load %arg15[%get3A_165, %get3A_166] {strides = array<i32>} : memref<80x128xf32, #tpu.memory_space<vmem>>, vector<1x16xf32>,
        %get3A_168 = vector.shape_cast %get3A_167 : vector<1x16xf32> to vector<16xf32>
        %get3A_169 = arith.index_cast %scan3A_96 : i32 to index
        %get3A_170 = arith.constant 80 : index
        %get3A_171 = tpu.vector_load %arg16[%get3A_169, %get3A_170] {strides = array<i32>} : memref<80x128xf32, #tpu.memory_space<vmem>>, vector<1x16xf32>,
        %get3A_172 = vector.shape_cast %get3A_171 : vector<1x16xf32> to vector<16xf32>
        %mul3A_173 = arith.mulf %get3A_168, %get3A_172 : vector<16xf32>
        %swap3A_174 = arith.index_cast %scan3A_96 : i32 to index
        %swap3A_175 = arith.constant 80 : index
        %swap3A_176 = tpu.vector_load %arg15[%swap3A_174, %swap3A_175] {strides = array<i32>} : memref<80x128xf32, #tpu.memory_space<vmem>>, vector<1x16xf32>,
        %swap3A_177 = vector.shape_cast %swap3A_176 : vector<1x16xf32> to vector<16xf32>
        %swap3A_178 = vector.shape_cast %mul3A_173 : vector<16xf32> to vector<1x16xf32>
        tpu.vector_store %arg15[%swap3A_174, %swap3A_175], %swap3A_178 {strides = array<i32>} : memref<80x128xf32, #tpu.memory_space<vmem>>, vector<1x16xf32>,
        %get3A_179 = arith.index_cast %scan3A_96 : i32 to index
        %get3A_180 = arith.constant 96 : index
        %get3A_181 = tpu.vector_load %arg15[%get3A_179, %get3A_180] {strides = array<i32>} : memref<80x128xf32, #tpu.memory_space<vmem>>, vector<1x16xf32>,
        %get3A_182 = vector.shape_cast %get3A_181 : vector<1x16xf32> to vector<16xf32>
        %get3A_183 = arith.index_cast %scan3A_96 : i32 to index
        %get3A_184 = arith.constant 96 : index
        %get3A_185 = tpu.vector_load %arg16[%get3A_183, %get3A_184] {strides = array<i32>} : memref<80x128xf32, #tpu.memory_space<vmem>>, vector<1x16xf32>,
        %get3A_186 = vector.shape_cast %get3A_185 : vector<1x16xf32> to vector<16xf32>
        %mul3A_187 = arith.mulf %get3A_182, %get3A_186 : vector<16xf32>
        %swap3A_188 = arith.index_cast %scan3A_96 : i32 to index
        %swap3A_189 = arith.constant 96 : index
        %swap3A_190 = tpu.vector_load %arg15[%swap3A_188, %swap3A_189] {strides = array<i32>} : memref<80x128xf32, #tpu.memory_space<vmem>>, vector<1x16xf32>,
        %swap3A_191 = vector.shape_cast %swap3A_190 : vector<1x16xf32> to vector<16xf32>
        %swap3A_192 = vector.shape_cast %mul3A_187 : vector<16xf32> to vector<1x16xf32>
        tpu.vector_store %arg15[%swap3A_188, %swap3A_189], %swap3A_192 {strides = array<i32>} : memref<80x128xf32, #tpu.memory_space<vmem>>, vector<1x16xf32>,
        %get3A_193 = arith.index_cast %scan3A_96 : i32 to index
        %get3A_194 = arith.constant 112 : index
        %get3A_195 = tpu.vector_load %arg15[%get3A_193, %get3A_194] {strides = array<i32>} : memref<80x128xf32, #tpu.memory_space<vmem>>, vector<1x16xf32>,
        %get3A_196 = vector.shape_cast %get3A_195 : vector<1x16xf32> to vector<16xf32>
        %get3A_197 = arith.index_cast %scan3A_96 : i32 to index
        %get3A_198 = arith.constant 112 : index
        %get3A_199 = tpu.vector_load %arg16[%get3A_197, %get3A_198] {strides = array<i32>} : memref<80x128xf32, #tpu.memory_space<vmem>>, vector<1x16xf32>,
        %get3A_200 = vector.shape_cast %get3A_199 : vector<1x16xf32> to vector<16xf32>
        %mul3A_201 = arith.mulf %get3A_196, %get3A_200 : vector<16xf32>
        %swap3A_202 = arith.index_cast %scan3A_96 : i32 to index
        %swap3A_203 = arith.constant 112 : index
        %swap3A_204 = tpu.vector_load %arg15[%swap3A_202, %swap3A_203] {strides = array<i32>} : memref<80x128xf32, #tpu.memory_space<vmem>>, vector<1x16xf32>,
        %swap3A_205 = vector.shape_cast %swap3A_204 : vector<1x16xf32> to vector<16xf32>
        %swap3A_206 = vector.shape_cast %mul3A_201 : vector<16xf32> to vector<1x16xf32>
        tpu.vector_store %arg15[%swap3A_202, %swap3A_203], %swap3A_206 {strides = array<i32>} : memref<80x128xf32, #tpu.memory_space<vmem>>, vector<1x16xf32>,
      }
      %scan3A_60 = arith.constant 80 : i32
      "tpu.region"() ({
        %run_scoped3A = tpu.sem_alloc : memref<!tpu.dma_semaphore, #tpu.memory_space<semaphore_mem>>
        %dma_start3A_96 = arith.constant 0 : i32
        %dma_start3A_97 = arith.constant 0 : i32
        %dma_start3A_98 = tpu.memref_slice %arg25[%dma_start3A_96, %dma_start3A_97] : memref<10240x128xf32, #tpu.memory_space<vmem_shared>> -> memref<10240x128xf32, #tpu.memory_space<vmem_shared>>
        tpu.enqueue_indirect_dma source(%arg15 : memref<80x128xf32, #tpu.memory_space<vmem>>) target(%dma_start3A_98 : memref<10240x128xf32, #tpu.memory_space<vmem_shared>>) offsets(%arg13 : memref<80xi32, #tpu.memory_space<vmem>>) semaphore(%run_scoped3A : memref<!tpu.dma_semaphore, #tpu.memory_space<semaphore_mem>>) {add = true}
        %dma_wait3A_99 = arith.constant 0 : i32
        %dma_wait3A_100 = arith.constant 0 : i32
        %dma_wait3A_101 = tpu.memref_slice %arg25[%dma_wait3A_99, %dma_wait3A_100] : memref<10240x128xf32, #tpu.memory_space<vmem_shared>> -> memref<10240x128xf32, #tpu.memory_space<vmem_shared>>
        tpu.wait_indirect_dma semaphore(%run_scoped3A : memref<!tpu.dma_semaphore, #tpu.memory_space<semaphore_mem>>) src(%arg15 : memref<80x128xf32, #tpu.memory_space<vmem>>) dst(%dma_wait3A_101 : memref<10240x128xf32, #tpu.memory_space<vmem_shared>>)
        tpu.yield
      }) : () -> ()
      %add3A_61 = arith.constant 2 : i32
      %add3A_62 = arith.addi %mul3A_44, %add3A_61 : i32
      %lt3A_63 = arith.constant 64 : i32
      %lt3A_64 = arith.cmpi slt, %add3A_62, %lt3A_63 : i32
      %convert_element_type3A_65 = arith.extui %lt3A_64 : i1 to i32
      %cond3A_66 = arith.constant 0 : i32
      %cond3A_67 = arith.cmpi ne, %convert_element_type3A_65, %cond3A_66 : i32
      scf.if %cond3A_67 {
        %add3A_96 = arith.constant 2 : i32
        %add3A_97 = arith.addi %mul3A_44, %add3A_96 : i32
        %mul3A_98 = arith.constant 80 : i32
        %mul3A_99 = arith.muli %add3A_97, %mul3A_98 : i32
        %add3A_100 = arith.addi %mul3A_4, %mul3A_99 : i32
        %dma_start3A_101 = tpu.memref_slice %arg2[%add3A_100] : memref<163840xi32, #tpu.memory_space<hbm>> -> memref<80xi32, #tpu.memory_space<hbm>>
        %dma_start3A_102 = tpu.memref_slice %arg2[%add3A_100] : memref<163840xi32, #tpu.memory_space<hbm>> -> memref<80xi32, #tpu.memory_space<hbm>>
        tpu.enqueue_dma source(%dma_start3A_102 : memref<80xi32, #tpu.memory_space<hbm>>) target(%arg9 : memref<80xi32, #tpu.memory_space<vmem>>) target_semaphore(%arg19 : memref<!tpu.dma_semaphore, #tpu.memory_space<semaphore_mem>>)
        %dma_start3A_103 = tpu.memref_slice %arg3[%add3A_100] : memref<163840xi32, #tpu.memory_space<hbm>> -> memref<80xi32, #tpu.memory_space<hbm>>
        %dma_start3A_104 = tpu.memref_slice %arg3[%add3A_100] : memref<163840xi32, #tpu.memory_space<hbm>> -> memref<80xi32, #tpu.memory_space<hbm>>
        tpu.enqueue_dma source(%dma_start3A_104 : memref<80xi32, #tpu.memory_space<hbm>>) target(%arg11 : memref<80xi32, #tpu.memory_space<vmem>>) target_semaphore(%arg19 : memref<!tpu.dma_semaphore, #tpu.memory_space<semaphore_mem>>)
        %dma_start3A_105 = tpu.memref_slice %arg4[%add3A_100] : memref<163840xi32, #tpu.memory_space<hbm>> -> memref<80xi32, #tpu.memory_space<hbm>>
        %dma_start3A_106 = tpu.memref_slice %arg4[%add3A_100] : memref<163840xi32, #tpu.memory_space<hbm>> -> memref<80xi32, #tpu.memory_space<hbm>>
        tpu.enqueue_dma source(%dma_start3A_106 : memref<80xi32, #tpu.memory_space<hbm>>) target(%arg13 : memref<80xi32, #tpu.memory_space<vmem>>) target_semaphore(%arg19 : memref<!tpu.dma_semaphore, #tpu.memory_space<semaphore_mem>>)
      } else {
      }
      %add3A_68 = arith.constant 1 : i32
      %add3A_69 = arith.addi %mul3A_44, %add3A_68 : i32
      %add3A_70 = arith.constant 1 : i32
      %add3A_71 = arith.addi %add3A_69, %add3A_70 : i32
      %lt3A_72 = arith.constant 64 : i32
      %lt3A_73 = arith.cmpi slt, %add3A_71, %lt3A_72 : i32
      %convert_element_type3A_74 = arith.extui %lt3A_73 : i1 to i32
      %cond3A_75 = arith.constant 0 : i32
      %cond3A_76 = arith.cmpi ne, %convert_element_type3A_74, %cond3A_75 : i32
      scf.if %cond3A_76 {
        %add3A_96 = arith.constant 1 : i32
        %add3A_97 = arith.addi %add3A_69, %add3A_96 : i32
        %mul3A_98 = arith.constant 80 : i32
        %mul3A_99 = arith.muli %add3A_97, %mul3A_98 : i32
        %add3A_100 = arith.addi %mul3A_4, %mul3A_99 : i32
        %dma_wait3A_101 = tpu.memref_slice %arg2[%add3A_100] : memref<163840xi32, #tpu.memory_space<hbm>> -> memref<80xi32, #tpu.memory_space<hbm>>
        %dma_wait3A_102 = tpu.memref_slice %arg2[%add3A_100] : memref<163840xi32, #tpu.memory_space<hbm>> -> memref<80xi32, #tpu.memory_space<hbm>>
        tpu.wait_dma2 semaphore(%arg19 : memref<!tpu.dma_semaphore, #tpu.memory_space<semaphore_mem>>) src(%dma_wait3A_102 : memref<80xi32, #tpu.memory_space<hbm>>) dst(%arg9 : memref<80xi32, #tpu.memory_space<vmem>>)
        %dma_wait3A_103 = tpu.memref_slice %arg3[%add3A_100] : memref<163840xi32, #tpu.memory_space<hbm>> -> memref<80xi32, #tpu.memory_space<hbm>>
        %dma_wait3A_104 = tpu.memref_slice %arg3[%add3A_100] : memref<163840xi32, #tpu.memory_space<hbm>> -> memref<80xi32, #tpu.memory_space<hbm>>
        tpu.wait_dma2 semaphore(%arg19 : memref<!tpu.dma_semaphore, #tpu.memory_space<semaphore_mem>>) src(%dma_wait3A_104 : memref<80xi32, #tpu.memory_space<hbm>>) dst(%arg11 : memref<80xi32, #tpu.memory_space<vmem>>)
        %dma_wait3A_105 = tpu.memref_slice %arg4[%add3A_100] : memref<163840xi32, #tpu.memory_space<hbm>> -> memref<80xi32, #tpu.memory_space<hbm>>
        %dma_wait3A_106 = tpu.memref_slice %arg4[%add3A_100] : memref<163840xi32, #tpu.memory_space<hbm>> -> memref<80xi32, #tpu.memory_space<hbm>>
        tpu.wait_dma2 semaphore(%arg19 : memref<!tpu.dma_semaphore, #tpu.memory_space<semaphore_mem>>) src(%dma_wait3A_106 : memref<80xi32, #tpu.memory_space<hbm>>) dst(%arg13 : memref<80xi32, #tpu.memory_space<vmem>>)
        %dma_start3A_107 = arith.constant 0 : i32
        %dma_start3A_108 = arith.constant 0 : i32
        %dma_start3A_109 = tpu.memref_slice %arg5[%dma_start3A_107, %dma_start3A_108] : memref<10240x128xf32, #tpu.memory_space<hbm>> -> memref<10240x128xf32, #tpu.memory_space<hbm>>
        tpu.enqueue_indirect_dma source(%dma_start3A_109 : memref<10240x128xf32, #tpu.memory_space<hbm>>) target(%arg15 : memref<80x128xf32, #tpu.memory_space<vmem>>) offsets(%arg9 : memref<80xi32, #tpu.memory_space<vmem>>) semaphore(%arg21 : memref<!tpu.dma_semaphore, #tpu.memory_space<semaphore_mem>>)
        %dma_start3A_110 = arith.constant 0 : i32
        %dma_start3A_111 = arith.constant 0 : i32
        %dma_start3A_112 = tpu.memref_slice %arg6[%dma_start3A_110, %dma_start3A_111] : memref<32x128xf32, #tpu.memory_space<hbm>> -> memref<32x128xf32, #tpu.memory_space<hbm>>
        tpu.enqueue_indirect_dma source(%dma_start3A_112 : memref<32x128xf32, #tpu.memory_space<hbm>>) target(%arg16 : memref<80x128xf32, #tpu.memory_space<vmem>>) offsets(%arg11 : memref<80xi32, #tpu.memory_space<vmem>>) semaphore(%arg23 : memref<!tpu.dma_semaphore, #tpu.memory_space<semaphore_mem>>)
      } else {
      }
      %dma_wait3A_77 = arith.constant 0 : i32
      %dma_wait3A_78 = arith.constant 0 : i32
      %dma_wait3A_79 = tpu.memref_slice %arg5[%dma_wait3A_77, %dma_wait3A_78] : memref<10240x128xf32, #tpu.memory_space<hbm>> -> memref<10240x128xf32, #tpu.memory_space<hbm>>
      tpu.wait_indirect_dma semaphore(%arg22 : memref<!tpu.dma_semaphore, #tpu.memory_space<semaphore_mem>>) src(%dma_wait3A_79 : memref<10240x128xf32, #tpu.memory_space<hbm>>) dst(%arg17 : memref<80x128xf32, #tpu.memory_space<vmem>>)
      %dma_wait3A_80 = arith.constant 0 : i32
      %dma_wait3A_81 = arith.constant 0 : i32
      %dma_wait3A_82 = tpu.memref_slice %arg6[%dma_wait3A_80, %dma_wait3A_81] : memref<32x128xf32, #tpu.memory_space<hbm>> -> memref<32x128xf32, #tpu.memory_space<hbm>>
      tpu.wait_indirect_dma semaphore(%arg24 : memref<!tpu.dma_semaphore, #tpu.memory_space<semaphore_mem>>) src(%dma_wait3A_82 : memref<32x128xf32, #tpu.memory_space<hbm>>) dst(%arg18 : memref<80x128xf32, #tpu.memory_space<vmem>>)
      %scan3A_83 = arith.constant 0 : i32
      %scan3A_84 = arith.constant 0 : i32
      %scan3A_85 = arith.constant 80 : i32
      %scan3A_86 = arith.addi %scan3A_84, %scan3A_85 : i32
      %scan3A_87 = arith.constant 1 : i32
      scf.for %scan3A_96 = %scan3A_84 to %scan3A_86 step %scan3A_87  : i32 {
        %get3A = arith.index_cast %scan3A_96 : i32 to index
        %get3A_97 = arith.constant 0 : index
        %get3A_98 = tpu.vector_load %arg17[%get3A, %get3A_97] {strides = array<i32>} : memref<80x128xf32, #tpu.memory_space<vmem>>, vector<1x16xf32>,
        %get3A_99 = vector.shape_cast %get3A_98 : vector<1x16xf32> to vector<16xf32>
        %get3A_100 = arith.index_cast %scan3A_96 : i32 to index
        %get3A_101 = arith.constant 0 : index
        %get3A_102 = tpu.vector_load %arg18[%get3A_100, %get3A_101] {strides = array<i32>} : memref<80x128xf32, #tpu.memory_space<vmem>>, vector<1x16xf32>,
        %get3A_103 = vector.shape_cast %get3A_102 : vector<1x16xf32> to vector<16xf32>
        %mul3A_104 = arith.mulf %get3A_99, %get3A_103 : vector<16xf32>
        %swap3A = arith.index_cast %scan3A_96 : i32 to index
        %swap3A_105 = arith.constant 0 : index
        %swap3A_106 = tpu.vector_load %arg17[%swap3A, %swap3A_105] {strides = array<i32>} : memref<80x128xf32, #tpu.memory_space<vmem>>, vector<1x16xf32>,
        %swap3A_107 = vector.shape_cast %swap3A_106 : vector<1x16xf32> to vector<16xf32>
        %swap3A_108 = vector.shape_cast %mul3A_104 : vector<16xf32> to vector<1x16xf32>
        tpu.vector_store %arg17[%swap3A, %swap3A_105], %swap3A_108 {strides = array<i32>} : memref<80x128xf32, #tpu.memory_space<vmem>>, vector<1x16xf32>,
        %get3A_109 = arith.index_cast %scan3A_96 : i32 to index
        %get3A_110 = arith.constant 16 : index
        %get3A_111 = tpu.vector_load %arg17[%get3A_109, %get3A_110] {strides = array<i32>} : memref<80x128xf32, #tpu.memory_space<vmem>>, vector<1x16xf32>,
        %get3A_112 = vector.shape_cast %get3A_111 : vector<1x16xf32> to vector<16xf32>
        %get3A_113 = arith.index_cast %scan3A_96 : i32 to index
        %get3A_114 = arith.constant 16 : index
        %get3A_115 = tpu.vector_load %arg18[%get3A_113, %get3A_114] {strides = array<i32>} : memref<80x128xf32, #tpu.memory_space<vmem>>, vector<1x16xf32>,
        %get3A_116 = vector.shape_cast %get3A_115 : vector<1x16xf32> to vector<16xf32>
        %mul3A_117 = arith.mulf %get3A_112, %get3A_116 : vector<16xf32>
        %swap3A_118 = arith.index_cast %scan3A_96 : i32 to index
        %swap3A_119 = arith.constant 16 : index
        %swap3A_120 = tpu.vector_load %arg17[%swap3A_118, %swap3A_119] {strides = array<i32>} : memref<80x128xf32, #tpu.memory_space<vmem>>, vector<1x16xf32>,
        %swap3A_121 = vector.shape_cast %swap3A_120 : vector<1x16xf32> to vector<16xf32>
        %swap3A_122 = vector.shape_cast %mul3A_117 : vector<16xf32> to vector<1x16xf32>
        tpu.vector_store %arg17[%swap3A_118, %swap3A_119], %swap3A_122 {strides = array<i32>} : memref<80x128xf32, #tpu.memory_space<vmem>>, vector<1x16xf32>,
        %get3A_123 = arith.index_cast %scan3A_96 : i32 to index
        %get3A_124 = arith.constant 32 : index
        %get3A_125 = tpu.vector_load %arg17[%get3A_123, %get3A_124] {strides = array<i32>} : memref<80x128xf32, #tpu.memory_space<vmem>>, vector<1x16xf32>,
        %get3A_126 = vector.shape_cast %get3A_125 : vector<1x16xf32> to vector<16xf32>
        %get3A_127 = arith.index_cast %scan3A_96 : i32 to index
        %get3A_128 = arith.constant 32 : index
        %get3A_129 = tpu.vector_load %arg18[%get3A_127, %get3A_128] {strides = array<i32>} : memref<80x128xf32, #tpu.memory_space<vmem>>, vector<1x16xf32>,
        %get3A_130 = vector.shape_cast %get3A_129 : vector<1x16xf32> to vector<16xf32>
        %mul3A_131 = arith.mulf %get3A_126, %get3A_130 : vector<16xf32>
        %swap3A_132 = arith.index_cast %scan3A_96 : i32 to index
        %swap3A_133 = arith.constant 32 : index
        %swap3A_134 = tpu.vector_load %arg17[%swap3A_132, %swap3A_133] {strides = array<i32>} : memref<80x128xf32, #tpu.memory_space<vmem>>, vector<1x16xf32>,
        %swap3A_135 = vector.shape_cast %swap3A_134 : vector<1x16xf32> to vector<16xf32>
        %swap3A_136 = vector.shape_cast %mul3A_131 : vector<16xf32> to vector<1x16xf32>
        tpu.vector_store %arg17[%swap3A_132, %swap3A_133], %swap3A_136 {strides = array<i32>} : memref<80x128xf32, #tpu.memory_space<vmem>>, vector<1x16xf32>,
        %get3A_137 = arith.index_cast %scan3A_96 : i32 to index
        %get3A_138 = arith.constant 48 : index
        %get3A_139 = tpu.vector_load %arg17[%get3A_137, %get3A_138] {strides = array<i32>} : memref<80x128xf32, #tpu.memory_space<vmem>>, vector<1x16xf32>,
        %get3A_140 = vector.shape_cast %get3A_139 : vector<1x16xf32> to vector<16xf32>
        %get3A_141 = arith.index_cast %scan3A_96 : i32 to index
        %get3A_142 = arith.constant 48 : index
        %get3A_143 = tpu.vector_load %arg18[%get3A_141, %get3A_142] {strides = array<i32>} : memref<80x128xf32, #tpu.memory_space<vmem>>, vector<1x16xf32>,
        %get3A_144 = vector.shape_cast %get3A_143 : vector<1x16xf32> to vector<16xf32>
        %mul3A_145 = arith.mulf %get3A_140, %get3A_144 : vector<16xf32>
        %swap3A_146 = arith.index_cast %scan3A_96 : i32 to index
        %swap3A_147 = arith.constant 48 : index
        %swap3A_148 = tpu.vector_load %arg17[%swap3A_146, %swap3A_147] {strides = array<i32>} : memref<80x128xf32, #tpu.memory_space<vmem>>, vector<1x16xf32>,
        %swap3A_149 = vector.shape_cast %swap3A_148 : vector<1x16xf32> to vector<16xf32>
        %swap3A_150 = vector.shape_cast %mul3A_145 : vector<16xf32> to vector<1x16xf32>
        tpu.vector_store %arg17[%swap3A_146, %swap3A_147], %swap3A_150 {strides = array<i32>} : memref<80x128xf32, #tpu.memory_space<vmem>>, vector<1x16xf32>,
        %get3A_151 = arith.index_cast %scan3A_96 : i32 to index
        %get3A_152 = arith.constant 64 : index
        %get3A_153 = tpu.vector_load %arg17[%get3A_151, %get3A_152] {strides = array<i32>} : memref<80x128xf32, #tpu.memory_space<vmem>>, vector<1x16xf32>,
        %get3A_154 = vector.shape_cast %get3A_153 : vector<1x16xf32> to vector<16xf32>
        %get3A_155 = arith.index_cast %scan3A_96 : i32 to index
        %get3A_156 = arith.constant 64 : index
        %get3A_157 = tpu.vector_load %arg18[%get3A_155, %get3A_156] {strides = array<i32>} : memref<80x128xf32, #tpu.memory_space<vmem>>, vector<1x16xf32>,
        %get3A_158 = vector.shape_cast %get3A_157 : vector<1x16xf32> to vector<16xf32>
        %mul3A_159 = arith.mulf %get3A_154, %get3A_158 : vector<16xf32>
        %swap3A_160 = arith.index_cast %scan3A_96 : i32 to index
        %swap3A_161 = arith.constant 64 : index
        %swap3A_162 = tpu.vector_load %arg17[%swap3A_160, %swap3A_161] {strides = array<i32>} : memref<80x128xf32, #tpu.memory_space<vmem>>, vector<1x16xf32>,
        %swap3A_163 = vector.shape_cast %swap3A_162 : vector<1x16xf32> to vector<16xf32>
        %swap3A_164 = vector.shape_cast %mul3A_159 : vector<16xf32> to vector<1x16xf32>
        tpu.vector_store %arg17[%swap3A_160, %swap3A_161], %swap3A_164 {strides = array<i32>} : memref<80x128xf32, #tpu.memory_space<vmem>>, vector<1x16xf32>,
        %get3A_165 = arith.index_cast %scan3A_96 : i32 to index
        %get3A_166 = arith.constant 80 : index
        %get3A_167 = tpu.vector_load %arg17[%get3A_165, %get3A_166] {strides = array<i32>} : memref<80x128xf32, #tpu.memory_space<vmem>>, vector<1x16xf32>,
        %get3A_168 = vector.shape_cast %get3A_167 : vector<1x16xf32> to vector<16xf32>
        %get3A_169 = arith.index_cast %scan3A_96 : i32 to index
        %get3A_170 = arith.constant 80 : index
        %get3A_171 = tpu.vector_load %arg18[%get3A_169, %get3A_170] {strides = array<i32>} : memref<80x128xf32, #tpu.memory_space<vmem>>, vector<1x16xf32>,
        %get3A_172 = vector.shape_cast %get3A_171 : vector<1x16xf32> to vector<16xf32>
        %mul3A_173 = arith.mulf %get3A_168, %get3A_172 : vector<16xf32>
        %swap3A_174 = arith.index_cast %scan3A_96 : i32 to index
        %swap3A_175 = arith.constant 80 : index
        %swap3A_176 = tpu.vector_load %arg17[%swap3A_174, %swap3A_175] {strides = array<i32>} : memref<80x128xf32, #tpu.memory_space<vmem>>, vector<1x16xf32>,
        %swap3A_177 = vector.shape_cast %swap3A_176 : vector<1x16xf32> to vector<16xf32>
        %swap3A_178 = vector.shape_cast %mul3A_173 : vector<16xf32> to vector<1x16xf32>
        tpu.vector_store %arg17[%swap3A_174, %swap3A_175], %swap3A_178 {strides = array<i32>} : memref<80x128xf32, #tpu.memory_space<vmem>>, vector<1x16xf32>,
        %get3A_179 = arith.index_cast %scan3A_96 : i32 to index
        %get3A_180 = arith.constant 96 : index
        %get3A_181 = tpu.vector_load %arg17[%get3A_179, %get3A_180] {strides = array<i32>} : memref<80x128xf32, #tpu.memory_space<vmem>>, vector<1x16xf32>,
        %get3A_182 = vector.shape_cast %get3A_181 : vector<1x16xf32> to vector<16xf32>
        %get3A_183 = arith.index_cast %scan3A_96 : i32 to index
        %get3A_184 = arith.constant 96 : index
        %get3A_185 = tpu.vector_load %arg18[%get3A_183, %get3A_184] {strides = array<i32>} : memref<80x128xf32, #tpu.memory_space<vmem>>, vector<1x16xf32>,
        %get3A_186 = vector.shape_cast %get3A_185 : vector<1x16xf32> to vector<16xf32>
        %mul3A_187 = arith.mulf %get3A_182, %get3A_186 : vector<16xf32>
        %swap3A_188 = arith.index_cast %scan3A_96 : i32 to index
        %swap3A_189 = arith.constant 96 : index
        %swap3A_190 = tpu.vector_load %arg17[%swap3A_188, %swap3A_189] {strides = array<i32>} : memref<80x128xf32, #tpu.memory_space<vmem>>, vector<1x16xf32>,
        %swap3A_191 = vector.shape_cast %swap3A_190 : vector<1x16xf32> to vector<16xf32>
        %swap3A_192 = vector.shape_cast %mul3A_187 : vector<16xf32> to vector<1x16xf32>
        tpu.vector_store %arg17[%swap3A_188, %swap3A_189], %swap3A_192 {strides = array<i32>} : memref<80x128xf32, #tpu.memory_space<vmem>>, vector<1x16xf32>,
        %get3A_193 = arith.index_cast %scan3A_96 : i32 to index
        %get3A_194 = arith.constant 112 : index
        %get3A_195 = tpu.vector_load %arg17[%get3A_193, %get3A_194] {strides = array<i32>} : memref<80x128xf32, #tpu.memory_space<vmem>>, vector<1x16xf32>,
        %get3A_196 = vector.shape_cast %get3A_195 : vector<1x16xf32> to vector<16xf32>
        %get3A_197 = arith.index_cast %scan3A_96 : i32 to index
        %get3A_198 = arith.constant 112 : index
        %get3A_199 = tpu.vector_load %arg18[%get3A_197, %get3A_198] {strides = array<i32>} : memref<80x128xf32, #tpu.memory_space<vmem>>, vector<1x16xf32>,
        %get3A_200 = vector.shape_cast %get3A_199 : vector<1x16xf32> to vector<16xf32>
        %mul3A_201 = arith.mulf %get3A_196, %get3A_200 : vector<16xf32>
        %swap3A_202 = arith.index_cast %scan3A_96 : i32 to index
        %swap3A_203 = arith.constant 112 : index
        %swap3A_204 = tpu.vector_load %arg17[%swap3A_202, %swap3A_203] {strides = array<i32>} : memref<80x128xf32, #tpu.memory_space<vmem>>, vector<1x16xf32>,
        %swap3A_205 = vector.shape_cast %swap3A_204 : vector<1x16xf32> to vector<16xf32>
        %swap3A_206 = vector.shape_cast %mul3A_201 : vector<16xf32> to vector<1x16xf32>
        tpu.vector_store %arg17[%swap3A_202, %swap3A_203], %swap3A_206 {strides = array<i32>} : memref<80x128xf32, #tpu.memory_space<vmem>>, vector<1x16xf32>,
      }
      %scan3A_88 = arith.constant 80 : i32
      "tpu.region"() ({
        %run_scoped3A = tpu.sem_alloc : memref<!tpu.dma_semaphore, #tpu.memory_space<semaphore_mem>>
        %dma_start3A_96 = arith.constant 0 : i32
        %dma_start3A_97 = arith.constant 0 : i32
        %dma_start3A_98 = tpu.memref_slice %arg25[%dma_start3A_96, %dma_start3A_97] : memref<10240x128xf32, #tpu.memory_space<vmem_shared>> -> memref<10240x128xf32, #tpu.memory_space<vmem_shared>>
        tpu.enqueue_indirect_dma source(%arg17 : memref<80x128xf32, #tpu.memory_space<vmem>>) target(%dma_start3A_98 : memref<10240x128xf32, #tpu.memory_space<vmem_shared>>) offsets(%arg14 : memref<80xi32, #tpu.memory_space<vmem>>) semaphore(%run_scoped3A : memref<!tpu.dma_semaphore, #tpu.memory_space<semaphore_mem>>) {add = true}
        %dma_wait3A_99 = arith.constant 0 : i32
        %dma_wait3A_100 = arith.constant 0 : i32
        %dma_wait3A_101 = tpu.memref_slice %arg25[%dma_wait3A_99, %dma_wait3A_100] : memref<10240x128xf32, #tpu.memory_space<vmem_shared>> -> memref<10240x128xf32, #tpu.memory_space<vmem_shared>>
        tpu.wait_indirect_dma semaphore(%run_scoped3A : memref<!tpu.dma_semaphore, #tpu.memory_space<semaphore_mem>>) src(%arg17 : memref<80x128xf32, #tpu.memory_space<vmem>>) dst(%dma_wait3A_101 : memref<10240x128xf32, #tpu.memory_space<vmem_shared>>)
        tpu.yield
      }) : () -> ()
      %add3A_89 = arith.constant 2 : i32
      %add3A_90 = arith.addi %add3A_69, %add3A_89 : i32
      %lt3A_91 = arith.constant 64 : i32
      %lt3A_92 = arith.cmpi slt, %add3A_90, %lt3A_91 : i32
      %convert_element_type3A_93 = arith.extui %lt3A_92 : i1 to i32
      %cond3A_94 = arith.constant 0 : i32
      %cond3A_95 = arith.cmpi ne, %convert_element_type3A_93, %cond3A_94 : i32
      scf.if %cond3A_95 {
        %add3A_96 = arith.constant 2 : i32
        %add3A_97 = arith.addi %add3A_69, %add3A_96 : i32
        %mul3A_98 = arith.constant 80 : i32
        %mul3A_99 = arith.muli %add3A_97, %mul3A_98 : i32
        %add3A_100 = arith.addi %mul3A_4, %mul3A_99 : i32
        %dma_start3A_101 = tpu.memref_slice %arg2[%add3A_100] : memref<163840xi32, #tpu.memory_space<hbm>> -> memref<80xi32, #tpu.memory_space<hbm>>
        %dma_start3A_102 = tpu.memref_slice %arg2[%add3A_100] : memref<163840xi32, #tpu.memory_space<hbm>> -> memref<80xi32, #tpu.memory_space<hbm>>
        tpu.enqueue_dma source(%dma_start3A_102 : memref<80xi32, #tpu.memory_space<hbm>>) target(%arg10 : memref<80xi32, #tpu.memory_space<vmem>>) target_semaphore(%arg20 : memref<!tpu.dma_semaphore, #tpu.memory_space<semaphore_mem>>)
        %dma_start3A_103 = tpu.memref_slice %arg3[%add3A_100] : memref<163840xi32, #tpu.memory_space<hbm>> -> memref<80xi32, #tpu.memory_space<hbm>>
        %dma_start3A_104 = tpu.memref_slice %arg3[%add3A_100] : memref<163840xi32, #tpu.memory_space<hbm>> -> memref<80xi32, #tpu.memory_space<hbm>>
        tpu.enqueue_dma source(%dma_start3A_104 : memref<80xi32, #tpu.memory_space<hbm>>) target(%arg12 : memref<80xi32, #tpu.memory_space<vmem>>) target_semaphore(%arg20 : memref<!tpu.dma_semaphore, #tpu.memory_space<semaphore_mem>>)
        %dma_start3A_105 = tpu.memref_slice %arg4[%add3A_100] : memref<163840xi32, #tpu.memory_space<hbm>> -> memref<80xi32, #tpu.memory_space<hbm>>
        %dma_start3A_106 = tpu.memref_slice %arg4[%add3A_100] : memref<163840xi32, #tpu.memory_space<hbm>> -> memref<80xi32, #tpu.memory_space<hbm>>
        tpu.enqueue_dma source(%dma_start3A_106 : memref<80xi32, #tpu.memory_space<hbm>>) target(%arg14 : memref<80xi32, #tpu.memory_space<vmem>>) target_semaphore(%arg20 : memref<!tpu.dma_semaphore, #tpu.memory_space<semaphore_mem>>)
      } else {
      }
    }
    %scan3A_37 = arith.constant 32 : i32
    %barrier3A_38 = arith.constant 0 : index
    tpu.barrier barrier_id(%barrier3A_38)
    %mul3A_39 = arith.constant 10240 : i32
    %mul3A_40 = arith.muli %arg0, %mul3A_39 : i32
    %add3A_41 = arith.addi %mul3A_40, %mul3A_2 : i32
    "tpu.region"() ({
      %run_scoped3A = tpu.sem_alloc : memref<!tpu.dma_semaphore, #tpu.memory_space<semaphore_mem>>
      %dma_start3A_42 = arith.constant 0 : i32
      %dma_start3A_43 = tpu.memref_slice %arg8[%add3A_41, %dma_start3A_42] : memref<20480x128xf32, #tpu.memory_space<hbm>> -> memref<640x128xf32, #tpu.memory_space<hbm>>
      %dma_start3A_44 = arith.constant 0 : i32
      %dma_start3A_45 = tpu.memref_slice %arg25[%mul3A_2, %dma_start3A_44] : memref<10240x128xf32, #tpu.memory_space<vmem_shared>> -> memref<640x128xf32, #tpu.memory_space<vmem_shared>>
      tpu.enqueue_dma source(%dma_start3A_45 : memref<640x128xf32, #tpu.memory_space<vmem_shared>>) target(%dma_start3A_43 : memref<640x128xf32, #tpu.memory_space<hbm>>) target_semaphore(%run_scoped3A : memref<!tpu.dma_semaphore, #tpu.memory_space<semaphore_mem>>)
      %dma_wait3A_46 = arith.constant 0 : i32
      %dma_wait3A_47 = tpu.memref_slice %arg8[%add3A_41, %dma_wait3A_46] : memref<20480x128xf32, #tpu.memory_space<hbm>> -> memref<640x128xf32, #tpu.memory_space<hbm>>
      %dma_wait3A_48 = arith.constant 0 : i32
      %dma_wait3A_49 = tpu.memref_slice %arg25[%mul3A_2, %dma_wait3A_48] : memref<10240x128xf32, #tpu.memory_space<vmem_shared>> -> memref<640x128xf32, #tpu.memory_space<vmem_shared>>
      tpu.wait_dma2 semaphore(%run_scoped3A : memref<!tpu.dma_semaphore, #tpu.memory_space<semaphore_mem>>) src(%dma_wait3A_49 : memref<640x128xf32, #tpu.memory_space<vmem_shared>>) dst(%dma_wait3A_47 : memref<640x128xf32, #tpu.memory_space<hbm>>)
      tpu.yield
    }) : () -> ()
    return
  }
}

#map = affine_map<(d0, d1) -> (0)>
#map1 = affine_map<(d0, d1) -> (0, 0)>
module attributes {stable_mosaic.version = 14 : i64} {
  func.func @body(%arg0: i32, %arg1: i32, %arg2: memref<163840xi32, #tpu.memory_space<hbm>>, %arg3: memref<163840xi32, #tpu.memory_space<hbm>>, %arg4: memref<163840xi32, #tpu.memory_space<hbm>>, %arg5: memref<10240x128xf32, #tpu.memory_space<hbm>>, %arg6: memref<32x128xf32, #tpu.memory_space<hbm>>, %arg7: memref<10240x128xf32, #tpu.memory_space<hbm>>, %arg8: memref<20480x128xf32, #tpu.memory_space<hbm>>, %arg9: memref<80xi32, #tpu.memory_space<vmem>>, %arg10: memref<80xi32, #tpu.memory_space<vmem>>, %arg11: memref<80xi32, #tpu.memory_space<vmem>>, %arg12: memref<80xi32, #tpu.memory_space<vmem>>, %arg13: memref<80xi32, #tpu.memory_space<vmem>>, %arg14: memref<80xi32, #tpu.memory_space<vmem>>, %arg15: memref<80x128xf32, #tpu.memory_space<vmem>>, %arg16: memref<80x128xf32, #tpu.memory_space<vmem>>, %arg17: memref<80x128xf32, #tpu.memory_space<vmem>>, %arg18: memref<80x128xf32, #tpu.memory_space<vmem>>, %arg19: memref<!tpu.dma_semaphore, #tpu.memory_space<semaphore_mem>>, %arg20: memref<!tpu.dma_semaphore, #tpu.memory_space<semaphore_mem>>, %arg21: memref<!tpu.dma_semaphore, #tpu.memory_space<semaphore_mem>>, %arg22: memref<!tpu.dma_semaphore, #tpu.memory_space<semaphore_mem>>, %arg23: memref<!tpu.dma_semaphore, #tpu.memory_space<semaphore_mem>>, %arg24: memref<!tpu.dma_semaphore, #tpu.memory_space<semaphore_mem>>, %arg25: memref<10240x128xf32, #tpu.memory_space<vmem_shared>>) attributes {dimension_semantics = [#tpu.dimension_semantics<core_parallel>, #tpu.dimension_semantics<subcore_parallel>], iteration_bounds = array<i64: 2, 16>, scalar_prefetch = 0 : i64, scratch_operands = 17 : i64, tpu.core_type = #tpu.core_type<sc_vector_subcore>, window_params = [{transform_indices = #map}, {transform_indices = #map}, {transform_indices = #map}, {transform_indices = #map1}, {transform_indices = #map1}, {transform_indices = #map1}, {transform_indices = #map1}]} {
    %mul3A = arith.constant 2 : i32
    %mul3A_0 = arith.muli %arg1, %mul3A : i32
    %add3A = arith.addi %mul3A_0, %arg0 : i32
    %mul3A_1 = arith.constant 640 : i32
    %mul3A_2 = arith.muli %arg1, %mul3A_1 : i32
    %mul3A_3 = arith.constant 5120 : i32
    %mul3A_4 = arith.muli %add3A, %mul3A_3 : i32
    "tpu.region"() ({
      %run_scoped3A = tpu.sem_alloc : memref<!tpu.dma_semaphore, #tpu.memory_space<semaphore_mem>>
      %dma_start3A_42 = arith.constant 0 : i32
      %dma_start3A_43 = tpu.memref_slice %arg25[%mul3A_2, %dma_start3A_42] : memref<10240x128xf32, #tpu.memory_space<vmem_shared>> -> memref<640x128xf32, #tpu.memory_space<vmem_shared>>
      %dma_start3A_44 = arith.constant 0 : i32
      %dma_start3A_45 = tpu.memref_slice %arg7[%mul3A_2, %dma_start3A_44] : memref<10240x128xf32, #tpu.memory_space<hbm>> -> memref<640x128xf32, #tpu.memory_space<hbm>>
      tpu.enqueue_dma source(%dma_start3A_45 : memref<640x128xf32, #tpu.memory_space<hbm>>) target(%dma_start3A_43 : memref<640x128xf32, #tpu.memory_space<vmem_shared>>) target_semaphore(%run_scoped3A : memref<!tpu.dma_semaphore, #tpu.memory_space<semaphore_mem>>)
      %dma_wait3A_46 = arith.constant 0 : i32
      %dma_wait3A_47 = tpu.memref_slice %arg25[%mul3A_2, %dma_wait3A_46] : memref<10240x128xf32, #tpu.memory_space<vmem_shared>> -> memref<640x128xf32, #tpu.memory_space<vmem_shared>>
      %dma_wait3A_48 = arith.constant 0 : i32
      %dma_wait3A_49 = tpu.memref_slice %arg7[%mul3A_2, %dma_wait3A_48] : memref<10240x128xf32, #tpu.memory_space<hbm>> -> memref<640x128xf32, #tpu.memory_space<hbm>>
      tpu.wait_dma2 semaphore(%run_scoped3A : memref<!tpu.dma_semaphore, #tpu.memory_space<semaphore_mem>>) src(%dma_wait3A_49 : memref<640x128xf32, #tpu.memory_space<hbm>>) dst(%dma_wait3A_47 : memref<640x128xf32, #tpu.memory_space<vmem_shared>>)
      tpu.yield
    }) : () -> ()
    %barrier3A = arith.constant 0 : index
    tpu.barrier barrier_id(%barrier3A)
    %add3A_5 = arith.constant 0 : i32
    %add3A_6 = arith.addi %mul3A_4, %add3A_5 : i32
    %dma_start3A = tpu.memref_slice %arg2[%add3A_6] : memref<163840xi32, #tpu.memory_space<hbm>> -> memref<80xi32, #tpu.memory_space<hbm>>
    %dma_start3A_7 = tpu.memref_slice %arg2[%add3A_6] : memref<163840xi32, #tpu.memory_space<hbm>> -> memref<80xi32, #tpu.memory_space<hbm>>
    tpu.enqueue_dma source(%dma_start3A_7 : memref<80xi32, #tpu.memory_space<hbm>>) target(%arg9 : memref<80xi32, #tpu.memory_space<vmem>>) target_semaphore(%arg19 : memref<!tpu.dma_semaphore, #tpu.memory_space<semaphore_mem>>)
    %dma_start3A_8 = tpu.memref_slice %arg3[%add3A_6] : memref<163840xi32, #tpu.memory_space<hbm>> -> memref<80xi32, #tpu.memory_space<hbm>>
    %dma_start3A_9 = tpu.memref_slice %arg3[%add3A_6] : memref<163840xi32, #tpu.memory_space<hbm>> -> memref<80xi32, #tpu.memory_space<hbm>>
    tpu.enqueue_dma source(%dma_start3A_9 : memref<80xi32, #tpu.memory_space<hbm>>) target(%arg11 : memref<80xi32, #tpu.memory_space<vmem>>) target_semaphore(%arg19 : memref<!tpu.dma_semaphore, #tpu.memory_space<semaphore_mem>>)
    %dma_start3A_10 = tpu.memref_slice %arg4[%add3A_6] : memref<163840xi32, #tpu.memory_space<hbm>> -> memref<80xi32, #tpu.memory_space<hbm>>
    %dma_start3A_11 = tpu.memref_slice %arg4[%add3A_6] : memref<163840xi32, #tpu.memory_space<hbm>> -> memref<80xi32, #tpu.memory_space<hbm>>
    tpu.enqueue_dma source(%dma_start3A_11 : memref<80xi32, #tpu.memory_space<hbm>>) target(%arg13 : memref<80xi32, #tpu.memory_space<vmem>>) target_semaphore(%arg19 : memref<!tpu.dma_semaphore, #tpu.memory_space<semaphore_mem>>)
    %add3A_12 = arith.constant 0 : i32
    %add3A_13 = arith.addi %mul3A_4, %add3A_12 : i32
    %dma_wait3A = tpu.memref_slice %arg2[%add3A_13] : memref<163840xi32, #tpu.memory_space<hbm>> -> memref<80xi32, #tpu.memory_space<hbm>>
    %dma_wait3A_14 = tpu.memref_slice %arg2[%add3A_13] : memref<163840xi32, #tpu.memory_space<hbm>> -> memref<80xi32, #tpu.memory_space<hbm>>
    tpu.wait_dma2 semaphore(%arg19 : memref<!tpu.dma_semaphore, #tpu.memory_space<semaphore_mem>>) src(%dma_wait3A_14 : memref<80xi32, #tpu.memory_space<hbm>>) dst(%arg9 : memref<80xi32, #tpu.memory_space<vmem>>)
    %dma_wait3A_15 = tpu.memref_slice %arg3[%add3A_13] : memref<163840xi32, #tpu.memory_space<hbm>> -> memref<80xi32, #tpu.memory_space<hbm>>
    %dma_wait3A_16 = tpu.memref_slice %arg3[%add3A_13] : memref<163840xi32, #tpu.memory_space<hbm>> -> memref<80xi32, #tpu.memory_space<hbm>>
    tpu.wait_dma2 semaphore(%arg19 : memref<!tpu.dma_semaphore, #tpu.memory_space<semaphore_mem>>) src(%dma_wait3A_16 : memref<80xi32, #tpu.memory_space<hbm>>) dst(%arg11 : memref<80xi32, #tpu.memory_space<vmem>>)
    %dma_wait3A_17 = tpu.memref_slice %arg4[%add3A_13] : memref<163840xi32, #tpu.memory_space<hbm>> -> memref<80xi32, #tpu.memory_space<hbm>>
    %dma_wait3A_18 = tpu.memref_slice %arg4[%add3A_13] : memref<163840xi32, #tpu.memory_space<hbm>> -> memref<80xi32, #tpu.memory_space<hbm>>
    tpu.wait_dma2 semaphore(%arg19 : memref<!tpu.dma_semaphore, #tpu.memory_space<semaphore_mem>>) src(%dma_wait3A_18 : memref<80xi32, #tpu.memory_space<hbm>>) dst(%arg13 : memref<80xi32, #tpu.memory_space<vmem>>)
    %dma_start3A_19 = arith.constant 0 : i32
    %dma_start3A_20 = arith.constant 0 : i32
    %dma_start3A_21 = tpu.memref_slice %arg5[%dma_start3A_19, %dma_start3A_20] : memref<10240x128xf32, #tpu.memory_space<hbm>> -> memref<10240x128xf32, #tpu.memory_space<hbm>>
    tpu.enqueue_indirect_dma source(%dma_start3A_21 : memref<10240x128xf32, #tpu.memory_space<hbm>>) target(%arg15 : memref<80x128xf32, #tpu.memory_space<vmem>>) offsets(%arg9 : memref<80xi32, #tpu.memory_space<vmem>>) semaphore(%arg21 : memref<!tpu.dma_semaphore, #tpu.memory_space<semaphore_mem>>)
    %dma_start3A_22 = arith.constant 0 : i32
    %dma_start3A_23 = arith.constant 0 : i32
    %dma_start3A_24 = tpu.memref_slice %arg6[%dma_start3A_22, %dma_start3A_23] : memref<32x128xf32, #tpu.memory_space<hbm>> -> memref<32x128xf32, #tpu.memory_space<hbm>>
    tpu.enqueue_indirect_dma source(%dma_start3A_24 : memref<32x128xf32, #tpu.memory_space<hbm>>) target(%arg16 : memref<80x128xf32, #tpu.memory_space<vmem>>) offsets(%arg11 : memref<80xi32, #tpu.memory_space<vmem>>) semaphore(%arg23 : memref<!tpu.dma_semaphore, #tpu.memory_space<semaphore_mem>>)
    %add3A_25 = arith.constant 80 : i32
    %add3A_26 = arith.addi %mul3A_4, %add3A_25 : i32
    %dma_start3A_27 = tpu.memref_slice %arg2[%add3A_26] : memref<163840xi32, #tpu.memory_space<hbm>> -> memref<80xi32, #tpu.memory_space<hbm>>
    %dma_start3A_28 = tpu.memref_slice %arg2[%add3A_26] : memref<163840xi32, #tpu.memory_space<hbm>> -> memref<80xi32, #tpu.memory_space<hbm>>
    tpu.enqueue_dma source(%dma_start3A_28 : memref<80xi32, #tpu.memory_space<hbm>>) target(%arg10 : memref<80xi32, #tpu.memory_space<vmem>>) target_semaphore(%arg20 : memref<!tpu.dma_semaphore, #tpu.memory_space<semaphore_mem>>)
    %dma_start3A_29 = tpu.memref_slice %arg3[%add3A_26] : memref<163840xi32, #tpu.memory_space<hbm>> -> memref<80xi32, #tpu.memory_space<hbm>>
    %dma_start3A_30 = tpu.memref_slice %arg3[%add3A_26] : memref<163840xi32, #tpu.memory_space<hbm>> -> memref<80xi32, #tpu.memory_space<hbm>>
    tpu.enqueue_dma source(%dma_start3A_30 : memref<80xi32, #tpu.memory_space<hbm>>) target(%arg12 : memref<80xi32, #tpu.memory_space<vmem>>) target_semaphore(%arg20 : memref<!tpu.dma_semaphore, #tpu.memory_space<semaphore_mem>>)
    %dma_start3A_31 = tpu.memref_slice %arg4[%add3A_26] : memref<163840xi32, #tpu.memory_space<hbm>> -> memref<80xi32, #tpu.memory_space<hbm>>
    %dma_start3A_32 = tpu.memref_slice %arg4[%add3A_26] : memref<163840xi32, #tpu.memory_space<hbm>> -> memref<80xi32, #tpu.memory_space<hbm>>
    tpu.enqueue_dma source(%dma_start3A_32 : memref<80xi32, #tpu.memory_space<hbm>>) target(%arg14 : memref<80xi32, #tpu.memory_space<vmem>>) target_semaphore(%arg20 : memref<!tpu.dma_semaphore, #tpu.memory_space<semaphore_mem>>)
    %scan3A = arith.constant 0 : i32
    %scan3A_33 = arith.constant 0 : i32
    %scan3A_34 = arith.constant 32 : i32
    %scan3A_35 = arith.addi %scan3A_33, %scan3A_34 : i32
    %scan3A_36 = arith.constant 1 : i32
    scf.for %scan3A_42 = %scan3A_33 to %scan3A_35 step %scan3A_36  : i32 {
      %mul3A_43 = arith.constant 2 : i32
      %mul3A_44 = arith.muli %scan3A_42, %mul3A_43 : i32
      %add3A_45 = arith.constant 1 : i32
      %add3A_46 = arith.addi %mul3A_44, %add3A_45 : i32
      %lt3A = arith.constant 64 : i32
      %lt3A_47 = arith.cmpi slt, %add3A_46, %lt3A : i32
      %convert_element_type3A = arith.extui %lt3A_47 : i1 to i32
      %cond3A = arith.constant 0 : i32
      %cond3A_48 = arith.cmpi ne, %convert_element_type3A, %cond3A : i32
      scf.if %cond3A_48 {
        %add3A_96 = arith.constant 1 : i32
        %add3A_97 = arith.addi %mul3A_44, %add3A_96 : i32
        %mul3A_98 = arith.constant 80 : i32
        %mul3A_99 = arith.muli %add3A_97, %mul3A_98 : i32
        %add3A_100 = arith.addi %mul3A_4, %mul3A_99 : i32
        %dma_wait3A_101 = tpu.memref_slice %arg2[%add3A_100] : memref<163840xi32, #tpu.memory_space<hbm>> -> memref<80xi32, #tpu.memory_space<hbm>>
        %dma_wait3A_102 = tpu.memref_slice %arg2[%add3A_100] : memref<163840xi32, #tpu.memory_space<hbm>> -> memref<80xi32, #tpu.memory_space<hbm>>
        tpu.wait_dma2 semaphore(%arg20 : memref<!tpu.dma_semaphore, #tpu.memory_space<semaphore_mem>>) src(%dma_wait3A_102 : memref<80xi32, #tpu.memory_space<hbm>>) dst(%arg10 : memref<80xi32, #tpu.memory_space<vmem>>)
        %dma_wait3A_103 = tpu.memref_slice %arg3[%add3A_100] : memref<163840xi32, #tpu.memory_space<hbm>> -> memref<80xi32, #tpu.memory_space<hbm>>
        %dma_wait3A_104 = tpu.memref_slice %arg3[%add3A_100] : memref<163840xi32, #tpu.memory_space<hbm>> -> memref<80xi32, #tpu.memory_space<hbm>>
        tpu.wait_dma2 semaphore(%arg20 : memref<!tpu.dma_semaphore, #tpu.memory_space<semaphore_mem>>) src(%dma_wait3A_104 : memref<80xi32, #tpu.memory_space<hbm>>) dst(%arg12 : memref<80xi32, #tpu.memory_space<vmem>>)
        %dma_wait3A_105 = tpu.memref_slice %arg4[%add3A_100] : memref<163840xi32, #tpu.memory_space<hbm>> -> memref<80xi32, #tpu.memory_space<hbm>>
        %dma_wait3A_106 = tpu.memref_slice %arg4[%add3A_100] : memref<163840xi32, #tpu.memory_space<hbm>> -> memref<80xi32, #tpu.memory_space<hbm>>
        tpu.wait_dma2 semaphore(%arg20 : memref<!tpu.dma_semaphore, #tpu.memory_space<semaphore_mem>>) src(%dma_wait3A_106 : memref<80xi32, #tpu.memory_space<hbm>>) dst(%arg14 : memref<80xi32, #tpu.memory_space<vmem>>)
        %dma_start3A_107 = arith.constant 0 : i32
        %dma_start3A_108 = arith.constant 0 : i32
        %dma_start3A_109 = tpu.memref_slice %arg5[%dma_start3A_107, %dma_start3A_108] : memref<10240x128xf32, #tpu.memory_space<hbm>> -> memref<10240x128xf32, #tpu.memory_space<hbm>>
        tpu.enqueue_indirect_dma source(%dma_start3A_109 : memref<10240x128xf32, #tpu.memory_space<hbm>>) target(%arg17 : memref<80x128xf32, #tpu.memory_space<vmem>>) offsets(%arg10 : memref<80xi32, #tpu.memory_space<vmem>>) semaphore(%arg22 : memref<!tpu.dma_semaphore, #tpu.memory_space<semaphore_mem>>)
        %dma_start3A_110 = arith.constant 0 : i32
        %dma_start3A_111 = arith.constant 0 : i32
        %dma_start3A_112 = tpu.memref_slice %arg6[%dma_start3A_110, %dma_start3A_111] : memref<32x128xf32, #tpu.memory_space<hbm>> -> memref<32x128xf32, #tpu.memory_space<hbm>>
        tpu.enqueue_indirect_dma source(%dma_start3A_112 : memref<32x128xf32, #tpu.memory_space<hbm>>) target(%arg18 : memref<80x128xf32, #tpu.memory_space<vmem>>) offsets(%arg12 : memref<80xi32, #tpu.memory_space<vmem>>) semaphore(%arg24 : memref<!tpu.dma_semaphore, #tpu.memory_space<semaphore_mem>>)
      } else {
      }
      %dma_wait3A_49 = arith.constant 0 : i32
      %dma_wait3A_50 = arith.constant 0 : i32
      %dma_wait3A_51 = tpu.memref_slice %arg5[%dma_wait3A_49, %dma_wait3A_50] : memref<10240x128xf32, #tpu.memory_space<hbm>> -> memref<10240x128xf32, #tpu.memory_space<hbm>>
      tpu.wait_indirect_dma semaphore(%arg21 : memref<!tpu.dma_semaphore, #tpu.memory_space<semaphore_mem>>) src(%dma_wait3A_51 : memref<10240x128xf32, #tpu.memory_space<hbm>>) dst(%arg15 : memref<80x128xf32, #tpu.memory_space<vmem>>)
      %dma_wait3A_52 = arith.constant 0 : i32
      %dma_wait3A_53 = arith.constant 0 : i32
      %dma_wait3A_54 = tpu.memref_slice %arg6[%dma_wait3A_52, %dma_wait3A_53] : memref<32x128xf32, #tpu.memory_space<hbm>> -> memref<32x128xf32, #tpu.memory_space<hbm>>
      tpu.wait_indirect_dma semaphore(%arg23 : memref<!tpu.dma_semaphore, #tpu.memory_space<semaphore_mem>>) src(%dma_wait3A_54 : memref<32x128xf32, #tpu.memory_space<hbm>>) dst(%arg16 : memref<80x128xf32, #tpu.memory_space<vmem>>)
      %scan3A_55 = arith.constant 0 : i32
      %scan3A_56 = arith.constant 0 : i32
      %scan3A_57 = arith.constant 80 : i32
      %scan3A_58 = arith.addi %scan3A_56, %scan3A_57 : i32
      %scan3A_59 = arith.constant 1 : i32
      scf.for %scan3A_96 = %scan3A_56 to %scan3A_58 step %scan3A_59  : i32 {
        %get3A = arith.index_cast %scan3A_96 : i32 to index
        %get3A_97 = arith.constant 0 : index
        %get3A_98 = tpu.vector_load %arg15[%get3A, %get3A_97] {strides = array<i32>} : memref<80x128xf32, #tpu.memory_space<vmem>>, vector<1x16xf32>,
        %get3A_99 = vector.shape_cast %get3A_98 : vector<1x16xf32> to vector<16xf32>
        %get3A_100 = arith.index_cast %scan3A_96 : i32 to index
        %get3A_101 = arith.constant 0 : index
        %get3A_102 = tpu.vector_load %arg16[%get3A_100, %get3A_101] {strides = array<i32>} : memref<80x128xf32, #tpu.memory_space<vmem>>, vector<1x16xf32>,
        %get3A_103 = vector.shape_cast %get3A_102 : vector<1x16xf32> to vector<16xf32>
        %mul3A_104 = arith.mulf %get3A_99, %get3A_103 : vector<16xf32>
        %swap3A = arith.index_cast %scan3A_96 : i32 to index
        %swap3A_105 = arith.constant 0 : index
        %swap3A_106 = tpu.vector_load %arg15[%swap3A, %swap3A_105] {strides = array<i32>} : memref<80x128xf32, #tpu.memory_space<vmem>>, vector<1x16xf32>,
        %swap3A_107 = vector.shape_cast %swap3A_106 : vector<1x16xf32> to vector<16xf32>
        %swap3A_108 = vector.shape_cast %mul3A_104 : vector<16xf32> to vector<1x16xf32>
        tpu.vector_store %arg15[%swap3A, %swap3A_105], %swap3A_108 {strides = array<i32>} : memref<80x128xf32, #tpu.memory_space<vmem>>, vector<1x16xf32>,
        %get3A_109 = arith.index_cast %scan3A_96 : i32 to index
        %get3A_110 = arith.constant 16 : index
        %get3A_111 = tpu.vector_load %arg15[%get3A_109, %get3A_110] {strides = array<i32>} : memref<80x128xf32, #tpu.memory_space<vmem>>, vector<1x16xf32>,
        %get3A_112 = vector.shape_cast %get3A_111 : vector<1x16xf32> to vector<16xf32>
        %get3A_113 = arith.index_cast %scan3A_96 : i32 to index
        %get3A_114 = arith.constant 16 : index
        %get3A_115 = tpu.vector_load %arg16[%get3A_113, %get3A_114] {strides = array<i32>} : memref<80x128xf32, #tpu.memory_space<vmem>>, vector<1x16xf32>,
        %get3A_116 = vector.shape_cast %get3A_115 : vector<1x16xf32> to vector<16xf32>
        %mul3A_117 = arith.mulf %get3A_112, %get3A_116 : vector<16xf32>
        %swap3A_118 = arith.index_cast %scan3A_96 : i32 to index
        %swap3A_119 = arith.constant 16 : index
        %swap3A_120 = tpu.vector_load %arg15[%swap3A_118, %swap3A_119] {strides = array<i32>} : memref<80x128xf32, #tpu.memory_space<vmem>>, vector<1x16xf32>,
        %swap3A_121 = vector.shape_cast %swap3A_120 : vector<1x16xf32> to vector<16xf32>
        %swap3A_122 = vector.shape_cast %mul3A_117 : vector<16xf32> to vector<1x16xf32>
        tpu.vector_store %arg15[%swap3A_118, %swap3A_119], %swap3A_122 {strides = array<i32>} : memref<80x128xf32, #tpu.memory_space<vmem>>, vector<1x16xf32>,
        %get3A_123 = arith.index_cast %scan3A_96 : i32 to index
        %get3A_124 = arith.constant 32 : index
        %get3A_125 = tpu.vector_load %arg15[%get3A_123, %get3A_124] {strides = array<i32>} : memref<80x128xf32, #tpu.memory_space<vmem>>, vector<1x16xf32>,
        %get3A_126 = vector.shape_cast %get3A_125 : vector<1x16xf32> to vector<16xf32>
        %get3A_127 = arith.index_cast %scan3A_96 : i32 to index
        %get3A_128 = arith.constant 32 : index
        %get3A_129 = tpu.vector_load %arg16[%get3A_127, %get3A_128] {strides = array<i32>} : memref<80x128xf32, #tpu.memory_space<vmem>>, vector<1x16xf32>,
        %get3A_130 = vector.shape_cast %get3A_129 : vector<1x16xf32> to vector<16xf32>
        %mul3A_131 = arith.mulf %get3A_126, %get3A_130 : vector<16xf32>
        %swap3A_132 = arith.index_cast %scan3A_96 : i32 to index
        %swap3A_133 = arith.constant 32 : index
        %swap3A_134 = tpu.vector_load %arg15[%swap3A_132, %swap3A_133] {strides = array<i32>} : memref<80x128xf32, #tpu.memory_space<vmem>>, vector<1x16xf32>,
        %swap3A_135 = vector.shape_cast %swap3A_134 : vector<1x16xf32> to vector<16xf32>
        %swap3A_136 = vector.shape_cast %mul3A_131 : vector<16xf32> to vector<1x16xf32>
        tpu.vector_store %arg15[%swap3A_132, %swap3A_133], %swap3A_136 {strides = array<i32>} : memref<80x128xf32, #tpu.memory_space<vmem>>, vector<1x16xf32>,
        %get3A_137 = arith.index_cast %scan3A_96 : i32 to index
        %get3A_138 = arith.constant 48 : index
        %get3A_139 = tpu.vector_load %arg15[%get3A_137, %get3A_138] {strides = array<i32>} : memref<80x128xf32, #tpu.memory_space<vmem>>, vector<1x16xf32>,
        %get3A_140 = vector.shape_cast %get3A_139 : vector<1x16xf32> to vector<16xf32>
        %get3A_141 = arith.index_cast %scan3A_96 : i32 to index
        %get3A_142 = arith.constant 48 : index
        %get3A_143 = tpu.vector_load %arg16[%get3A_141, %get3A_142] {strides = array<i32>} : memref<80x128xf32, #tpu.memory_space<vmem>>, vector<1x16xf32>,
        %get3A_144 = vector.shape_cast %get3A_143 : vector<1x16xf32> to vector<16xf32>
        %mul3A_145 = arith.mulf %get3A_140, %get3A_144 : vector<16xf32>
        %swap3A_146 = arith.index_cast %scan3A_96 : i32 to index
        %swap3A_147 = arith.constant 48 : index
        %swap3A_148 = tpu.vector_load %arg15[%swap3A_146, %swap3A_147] {strides = array<i32>} : memref<80x128xf32, #tpu.memory_space<vmem>>, vector<1x16xf32>,
        %swap3A_149 = vector.shape_cast %swap3A_148 : vector<1x16xf32> to vector<16xf32>
        %swap3A_150 = vector.shape_cast %mul3A_145 : vector<16xf32> to vector<1x16xf32>
        tpu.vector_store %arg15[%swap3A_146, %swap3A_147], %swap3A_150 {strides = array<i32>} : memref<80x128xf32, #tpu.memory_space<vmem>>, vector<1x16xf32>,
        %get3A_151 = arith.index_cast %scan3A_96 : i32 to index
        %get3A_152 = arith.constant 64 : index
        %get3A_153 = tpu.vector_load %arg15[%get3A_151, %get3A_152] {strides = array<i32>} : memref<80x128xf32, #tpu.memory_space<vmem>>, vector<1x16xf32>,
        %get3A_154 = vector.shape_cast %get3A_153 : vector<1x16xf32> to vector<16xf32>
        %get3A_155 = arith.index_cast %scan3A_96 : i32 to index
        %get3A_156 = arith.constant 64 : index
        %get3A_157 = tpu.vector_load %arg16[%get3A_155, %get3A_156] {strides = array<i32>} : memref<80x128xf32, #tpu.memory_space<vmem>>, vector<1x16xf32>,
        %get3A_158 = vector.shape_cast %get3A_157 : vector<1x16xf32> to vector<16xf32>
        %mul3A_159 = arith.mulf %get3A_154, %get3A_158 : vector<16xf32>
        %swap3A_160 = arith.index_cast %scan3A_96 : i32 to index
        %swap3A_161 = arith.constant 64 : index
        %swap3A_162 = tpu.vector_load %arg15[%swap3A_160, %swap3A_161] {strides = array<i32>} : memref<80x128xf32, #tpu.memory_space<vmem>>, vector<1x16xf32>,
        %swap3A_163 = vector.shape_cast %swap3A_162 : vector<1x16xf32> to vector<16xf32>
        %swap3A_164 = vector.shape_cast %mul3A_159 : vector<16xf32> to vector<1x16xf32>
        tpu.vector_store %arg15[%swap3A_160, %swap3A_161], %swap3A_164 {strides = array<i32>} : memref<80x128xf32, #tpu.memory_space<vmem>>, vector<1x16xf32>,
        %get3A_165 = arith.index_cast %scan3A_96 : i32 to index
        %get3A_166 = arith.constant 80 : index
        %get3A_167 = tpu.vector_load %arg15[%get3A_165, %get3A_166] {strides = array<i32>} : memref<80x128xf32, #tpu.memory_space<vmem>>, vector<1x16xf32>,
        %get3A_168 = vector.shape_cast %get3A_167 : vector<1x16xf32> to vector<16xf32>
        %get3A_169 = arith.index_cast %scan3A_96 : i32 to index
        %get3A_170 = arith.constant 80 : index
        %get3A_171 = tpu.vector_load %arg16[%get3A_169, %get3A_170] {strides = array<i32>} : memref<80x128xf32, #tpu.memory_space<vmem>>, vector<1x16xf32>,
        %get3A_172 = vector.shape_cast %get3A_171 : vector<1x16xf32> to vector<16xf32>
        %mul3A_173 = arith.mulf %get3A_168, %get3A_172 : vector<16xf32>
        %swap3A_174 = arith.index_cast %scan3A_96 : i32 to index
        %swap3A_175 = arith.constant 80 : index
        %swap3A_176 = tpu.vector_load %arg15[%swap3A_174, %swap3A_175] {strides = array<i32>} : memref<80x128xf32, #tpu.memory_space<vmem>>, vector<1x16xf32>,
        %swap3A_177 = vector.shape_cast %swap3A_176 : vector<1x16xf32> to vector<16xf32>
        %swap3A_178 = vector.shape_cast %mul3A_173 : vector<16xf32> to vector<1x16xf32>
        tpu.vector_store %arg15[%swap3A_174, %swap3A_175], %swap3A_178 {strides = array<i32>} : memref<80x128xf32, #tpu.memory_space<vmem>>, vector<1x16xf32>,
        %get3A_179 = arith.index_cast %scan3A_96 : i32 to index
        %get3A_180 = arith.constant 96 : index
        %get3A_181 = tpu.vector_load %arg15[%get3A_179, %get3A_180] {strides = array<i32>} : memref<80x128xf32, #tpu.memory_space<vmem>>, vector<1x16xf32>,
        %get3A_182 = vector.shape_cast %get3A_181 : vector<1x16xf32> to vector<16xf32>
        %get3A_183 = arith.index_cast %scan3A_96 : i32 to index
        %get3A_184 = arith.constant 96 : index
        %get3A_185 = tpu.vector_load %arg16[%get3A_183, %get3A_184] {strides = array<i32>} : memref<80x128xf32, #tpu.memory_space<vmem>>, vector<1x16xf32>,
        %get3A_186 = vector.shape_cast %get3A_185 : vector<1x16xf32> to vector<16xf32>
        %mul3A_187 = arith.mulf %get3A_182, %get3A_186 : vector<16xf32>
        %swap3A_188 = arith.index_cast %scan3A_96 : i32 to index
        %swap3A_189 = arith.constant 96 : index
        %swap3A_190 = tpu.vector_load %arg15[%swap3A_188, %swap3A_189] {strides = array<i32>} : memref<80x128xf32, #tpu.memory_space<vmem>>, vector<1x16xf32>,
        %swap3A_191 = vector.shape_cast %swap3A_190 : vector<1x16xf32> to vector<16xf32>
        %swap3A_192 = vector.shape_cast %mul3A_187 : vector<16xf32> to vector<1x16xf32>
        tpu.vector_store %arg15[%swap3A_188, %swap3A_189], %swap3A_192 {strides = array<i32>} : memref<80x128xf32, #tpu.memory_space<vmem>>, vector<1x16xf32>,
        %get3A_193 = arith.index_cast %scan3A_96 : i32 to index
        %get3A_194 = arith.constant 112 : index
        %get3A_195 = tpu.vector_load %arg15[%get3A_193, %get3A_194] {strides = array<i32>} : memref<80x128xf32, #tpu.memory_space<vmem>>, vector<1x16xf32>,
        %get3A_196 = vector.shape_cast %get3A_195 : vector<1x16xf32> to vector<16xf32>
        %get3A_197 = arith.index_cast %scan3A_96 : i32 to index
        %get3A_198 = arith.constant 112 : index
        %get3A_199 = tpu.vector_load %arg16[%get3A_197, %get3A_198] {strides = array<i32>} : memref<80x128xf32, #tpu.memory_space<vmem>>, vector<1x16xf32>,
        %get3A_200 = vector.shape_cast %get3A_199 : vector<1x16xf32> to vector<16xf32>
        %mul3A_201 = arith.mulf %get3A_196, %get3A_200 : vector<16xf32>
        %swap3A_202 = arith.index_cast %scan3A_96 : i32 to index
        %swap3A_203 = arith.constant 112 : index
        %swap3A_204 = tpu.vector_load %arg15[%swap3A_202, %swap3A_203] {strides = array<i32>} : memref<80x128xf32, #tpu.memory_space<vmem>>, vector<1x16xf32>,
        %swap3A_205 = vector.shape_cast %swap3A_204 : vector<1x16xf32> to vector<16xf32>
        %swap3A_206 = vector.shape_cast %mul3A_201 : vector<16xf32> to vector<1x16xf32>
        tpu.vector_store %arg15[%swap3A_202, %swap3A_203], %swap3A_206 {strides = array<i32>} : memref<80x128xf32, #tpu.memory_space<vmem>>, vector<1x16xf32>,
      }
      %scan3A_60 = arith.constant 80 : i32
      "tpu.region"() ({
        %run_scoped3A = tpu.sem_alloc : memref<!tpu.dma_semaphore, #tpu.memory_space<semaphore_mem>>
        %dma_start3A_96 = arith.constant 0 : i32
        %dma_start3A_97 = arith.constant 0 : i32
        %dma_start3A_98 = tpu.memref_slice %arg25[%dma_start3A_96, %dma_start3A_97] : memref<10240x128xf32, #tpu.memory_space<vmem_shared>> -> memref<10240x128xf32, #tpu.memory_space<vmem_shared>>
        tpu.enqueue_indirect_dma source(%arg15 : memref<80x128xf32, #tpu.memory_space<vmem>>) target(%dma_start3A_98 : memref<10240x128xf32, #tpu.memory_space<vmem_shared>>) offsets(%arg13 : memref<80xi32, #tpu.memory_space<vmem>>) semaphore(%run_scoped3A : memref<!tpu.dma_semaphore, #tpu.memory_space<semaphore_mem>>) {add = true}
        %dma_wait3A_99 = arith.constant 0 : i32
        %dma_wait3A_100 = arith.constant 0 : i32
        %dma_wait3A_101 = tpu.memref_slice %arg25[%dma_wait3A_99, %dma_wait3A_100] : memref<10240x128xf32, #tpu.memory_space<vmem_shared>> -> memref<10240x128xf32, #tpu.memory_space<vmem_shared>>
        tpu.wait_indirect_dma semaphore(%run_scoped3A : memref<!tpu.dma_semaphore, #tpu.memory_space<semaphore_mem>>) src(%arg15 : memref<80x128xf32, #tpu.memory_space<vmem>>) dst(%dma_wait3A_101 : memref<10240x128xf32, #tpu.memory_space<vmem_shared>>)
        tpu.yield
      }) : () -> ()
      %add3A_61 = arith.constant 2 : i32
      %add3A_62 = arith.addi %mul3A_44, %add3A_61 : i32
      %lt3A_63 = arith.constant 64 : i32
      %lt3A_64 = arith.cmpi slt, %add3A_62, %lt3A_63 : i32
      %convert_element_type3A_65 = arith.extui %lt3A_64 : i1 to i32
      %cond3A_66 = arith.constant 0 : i32
      %cond3A_67 = arith.cmpi ne, %convert_element_type3A_65, %cond3A_66 : i32
      scf.if %cond3A_67 {
        %add3A_96 = arith.constant 2 : i32
        %add3A_97 = arith.addi %mul3A_44, %add3A_96 : i32
        %mul3A_98 = arith.constant 80 : i32
        %mul3A_99 = arith.muli %add3A_97, %mul3A_98 : i32
        %add3A_100 = arith.addi %mul3A_4, %mul3A_99 : i32
        %dma_start3A_101 = tpu.memref_slice %arg2[%add3A_100] : memref<163840xi32, #tpu.memory_space<hbm>> -> memref<80xi32, #tpu.memory_space<hbm>>
        %dma_start3A_102 = tpu.memref_slice %arg2[%add3A_100] : memref<163840xi32, #tpu.memory_space<hbm>> -> memref<80xi32, #tpu.memory_space<hbm>>
        tpu.enqueue_dma source(%dma_start3A_102 : memref<80xi32, #tpu.memory_space<hbm>>) target(%arg9 : memref<80xi32, #tpu.memory_space<vmem>>) target_semaphore(%arg19 : memref<!tpu.dma_semaphore, #tpu.memory_space<semaphore_mem>>)
        %dma_start3A_103 = tpu.memref_slice %arg3[%add3A_100] : memref<163840xi32, #tpu.memory_space<hbm>> -> memref<80xi32, #tpu.memory_space<hbm>>
        %dma_start3A_104 = tpu.memref_slice %arg3[%add3A_100] : memref<163840xi32, #tpu.memory_space<hbm>> -> memref<80xi32, #tpu.memory_space<hbm>>
        tpu.enqueue_dma source(%dma_start3A_104 : memref<80xi32, #tpu.memory_space<hbm>>) target(%arg11 : memref<80xi32, #tpu.memory_space<vmem>>) target_semaphore(%arg19 : memref<!tpu.dma_semaphore, #tpu.memory_space<semaphore_mem>>)
        %dma_start3A_105 = tpu.memref_slice %arg4[%add3A_100] : memref<163840xi32, #tpu.memory_space<hbm>> -> memref<80xi32, #tpu.memory_space<hbm>>
        %dma_start3A_106 = tpu.memref_slice %arg4[%add3A_100] : memref<163840xi32, #tpu.memory_space<hbm>> -> memref<80xi32, #tpu.memory_space<hbm>>
        tpu.enqueue_dma source(%dma_start3A_106 : memref<80xi32, #tpu.memory_space<hbm>>) target(%arg13 : memref<80xi32, #tpu.memory_space<vmem>>) target_semaphore(%arg19 : memref<!tpu.dma_semaphore, #tpu.memory_space<semaphore_mem>>)
      } else {
      }
      %add3A_68 = arith.constant 1 : i32
      %add3A_69 = arith.addi %mul3A_44, %add3A_68 : i32
      %add3A_70 = arith.constant 1 : i32
      %add3A_71 = arith.addi %add3A_69, %add3A_70 : i32
      %lt3A_72 = arith.constant 64 : i32
      %lt3A_73 = arith.cmpi slt, %add3A_71, %lt3A_72 : i32
      %convert_element_type3A_74 = arith.extui %lt3A_73 : i1 to i32
      %cond3A_75 = arith.constant 0 : i32
      %cond3A_76 = arith.cmpi ne, %convert_element_type3A_74, %cond3A_75 : i32
      scf.if %cond3A_76 {
        %add3A_96 = arith.constant 1 : i32
        %add3A_97 = arith.addi %add3A_69, %add3A_96 : i32
        %mul3A_98 = arith.constant 80 : i32
        %mul3A_99 = arith.muli %add3A_97, %mul3A_98 : i32
        %add3A_100 = arith.addi %mul3A_4, %mul3A_99 : i32
        %dma_wait3A_101 = tpu.memref_slice %arg2[%add3A_100] : memref<163840xi32, #tpu.memory_space<hbm>> -> memref<80xi32, #tpu.memory_space<hbm>>
        %dma_wait3A_102 = tpu.memref_slice %arg2[%add3A_100] : memref<163840xi32, #tpu.memory_space<hbm>> -> memref<80xi32, #tpu.memory_space<hbm>>
        tpu.wait_dma2 semaphore(%arg19 : memref<!tpu.dma_semaphore, #tpu.memory_space<semaphore_mem>>) src(%dma_wait3A_102 : memref<80xi32, #tpu.memory_space<hbm>>) dst(%arg9 : memref<80xi32, #tpu.memory_space<vmem>>)
        %dma_wait3A_103 = tpu.memref_slice %arg3[%add3A_100] : memref<163840xi32, #tpu.memory_space<hbm>> -> memref<80xi32, #tpu.memory_space<hbm>>
        %dma_wait3A_104 = tpu.memref_slice %arg3[%add3A_100] : memref<163840xi32, #tpu.memory_space<hbm>> -> memref<80xi32, #tpu.memory_space<hbm>>
        tpu.wait_dma2 semaphore(%arg19 : memref<!tpu.dma_semaphore, #tpu.memory_space<semaphore_mem>>) src(%dma_wait3A_104 : memref<80xi32, #tpu.memory_space<hbm>>) dst(%arg11 : memref<80xi32, #tpu.memory_space<vmem>>)
        %dma_wait3A_105 = tpu.memref_slice %arg4[%add3A_100] : memref<163840xi32, #tpu.memory_space<hbm>> -> memref<80xi32, #tpu.memory_space<hbm>>
        %dma_wait3A_106 = tpu.memref_slice %arg4[%add3A_100] : memref<163840xi32, #tpu.memory_space<hbm>> -> memref<80xi32, #tpu.memory_space<hbm>>
        tpu.wait_dma2 semaphore(%arg19 : memref<!tpu.dma_semaphore, #tpu.memory_space<semaphore_mem>>) src(%dma_wait3A_106 : memref<80xi32, #tpu.memory_space<hbm>>) dst(%arg13 : memref<80xi32, #tpu.memory_space<vmem>>)
        %dma_start3A_107 = arith.constant 0 : i32
        %dma_start3A_108 = arith.constant 0 : i32
        %dma_start3A_109 = tpu.memref_slice %arg5[%dma_start3A_107, %dma_start3A_108] : memref<10240x128xf32, #tpu.memory_space<hbm>> -> memref<10240x128xf32, #tpu.memory_space<hbm>>
        tpu.enqueue_indirect_dma source(%dma_start3A_109 : memref<10240x128xf32, #tpu.memory_space<hbm>>) target(%arg15 : memref<80x128xf32, #tpu.memory_space<vmem>>) offsets(%arg9 : memref<80xi32, #tpu.memory_space<vmem>>) semaphore(%arg21 : memref<!tpu.dma_semaphore, #tpu.memory_space<semaphore_mem>>)
        %dma_start3A_110 = arith.constant 0 : i32
        %dma_start3A_111 = arith.constant 0 : i32
        %dma_start3A_112 = tpu.memref_slice %arg6[%dma_start3A_110, %dma_start3A_111] : memref<32x128xf32, #tpu.memory_space<hbm>> -> memref<32x128xf32, #tpu.memory_space<hbm>>
        tpu.enqueue_indirect_dma source(%dma_start3A_112 : memref<32x128xf32, #tpu.memory_space<hbm>>) target(%arg16 : memref<80x128xf32, #tpu.memory_space<vmem>>) offsets(%arg11 : memref<80xi32, #tpu.memory_space<vmem>>) semaphore(%arg23 : memref<!tpu.dma_semaphore, #tpu.memory_space<semaphore_mem>>)
      } else {
      }
      %dma_wait3A_77 = arith.constant 0 : i32
      %dma_wait3A_78 = arith.constant 0 : i32
      %dma_wait3A_79 = tpu.memref_slice %arg5[%dma_wait3A_77, %dma_wait3A_78] : memref<10240x128xf32, #tpu.memory_space<hbm>> -> memref<10240x128xf32, #tpu.memory_space<hbm>>
      tpu.wait_indirect_dma semaphore(%arg22 : memref<!tpu.dma_semaphore, #tpu.memory_space<semaphore_mem>>) src(%dma_wait3A_79 : memref<10240x128xf32, #tpu.memory_space<hbm>>) dst(%arg17 : memref<80x128xf32, #tpu.memory_space<vmem>>)
      %dma_wait3A_80 = arith.constant 0 : i32
      %dma_wait3A_81 = arith.constant 0 : i32
      %dma_wait3A_82 = tpu.memref_slice %arg6[%dma_wait3A_80, %dma_wait3A_81] : memref<32x128xf32, #tpu.memory_space<hbm>> -> memref<32x128xf32, #tpu.memory_space<hbm>>
      tpu.wait_indirect_dma semaphore(%arg24 : memref<!tpu.dma_semaphore, #tpu.memory_space<semaphore_mem>>) src(%dma_wait3A_82 : memref<32x128xf32, #tpu.memory_space<hbm>>) dst(%arg18 : memref<80x128xf32, #tpu.memory_space<vmem>>)
      %scan3A_83 = arith.constant 0 : i32
      %scan3A_84 = arith.constant 0 : i32
      %scan3A_85 = arith.constant 80 : i32
      %scan3A_86 = arith.addi %scan3A_84, %scan3A_85 : i32
      %scan3A_87 = arith.constant 1 : i32
      scf.for %scan3A_96 = %scan3A_84 to %scan3A_86 step %scan3A_87  : i32 {
        %get3A = arith.index_cast %scan3A_96 : i32 to index
        %get3A_97 = arith.constant 0 : index
        %get3A_98 = tpu.vector_load %arg17[%get3A, %get3A_97] {strides = array<i32>} : memref<80x128xf32, #tpu.memory_space<vmem>>, vector<1x16xf32>,
        %get3A_99 = vector.shape_cast %get3A_98 : vector<1x16xf32> to vector<16xf32>
        %get3A_100 = arith.index_cast %scan3A_96 : i32 to index
        %get3A_101 = arith.constant 0 : index
        %get3A_102 = tpu.vector_load %arg18[%get3A_100, %get3A_101] {strides = array<i32>} : memref<80x128xf32, #tpu.memory_space<vmem>>, vector<1x16xf32>,
        %get3A_103 = vector.shape_cast %get3A_102 : vector<1x16xf32> to vector<16xf32>
        %mul3A_104 = arith.mulf %get3A_99, %get3A_103 : vector<16xf32>
        %swap3A = arith.index_cast %scan3A_96 : i32 to index
        %swap3A_105 = arith.constant 0 : index
        %swap3A_106 = tpu.vector_load %arg17[%swap3A, %swap3A_105] {strides = array<i32>} : memref<80x128xf32, #tpu.memory_space<vmem>>, vector<1x16xf32>,
        %swap3A_107 = vector.shape_cast %swap3A_106 : vector<1x16xf32> to vector<16xf32>
        %swap3A_108 = vector.shape_cast %mul3A_104 : vector<16xf32> to vector<1x16xf32>
        tpu.vector_store %arg17[%swap3A, %swap3A_105], %swap3A_108 {strides = array<i32>} : memref<80x128xf32, #tpu.memory_space<vmem>>, vector<1x16xf32>,
        %get3A_109 = arith.index_cast %scan3A_96 : i32 to index
        %get3A_110 = arith.constant 16 : index
        %get3A_111 = tpu.vector_load %arg17[%get3A_109, %get3A_110] {strides = array<i32>} : memref<80x128xf32, #tpu.memory_space<vmem>>, vector<1x16xf32>,
        %get3A_112 = vector.shape_cast %get3A_111 : vector<1x16xf32> to vector<16xf32>
        %get3A_113 = arith.index_cast %scan3A_96 : i32 to index
        %get3A_114 = arith.constant 16 : index
        %get3A_115 = tpu.vector_load %arg18[%get3A_113, %get3A_114] {strides = array<i32>} : memref<80x128xf32, #tpu.memory_space<vmem>>, vector<1x16xf32>,
        %get3A_116 = vector.shape_cast %get3A_115 : vector<1x16xf32> to vector<16xf32>
        %mul3A_117 = arith.mulf %get3A_112, %get3A_116 : vector<16xf32>
        %swap3A_118 = arith.index_cast %scan3A_96 : i32 to index
        %swap3A_119 = arith.constant 16 : index
        %swap3A_120 = tpu.vector_load %arg17[%swap3A_118, %swap3A_119] {strides = array<i32>} : memref<80x128xf32, #tpu.memory_space<vmem>>, vector<1x16xf32>,
        %swap3A_121 = vector.shape_cast %swap3A_120 : vector<1x16xf32> to vector<16xf32>
        %swap3A_122 = vector.shape_cast %mul3A_117 : vector<16xf32> to vector<1x16xf32>
        tpu.vector_store %arg17[%swap3A_118, %swap3A_119], %swap3A_122 {strides = array<i32>} : memref<80x128xf32, #tpu.memory_space<vmem>>, vector<1x16xf32>,
        %get3A_123 = arith.index_cast %scan3A_96 : i32 to index
        %get3A_124 = arith.constant 32 : index
        %get3A_125 = tpu.vector_load %arg17[%get3A_123, %get3A_124] {strides = array<i32>} : memref<80x128xf32, #tpu.memory_space<vmem>>, vector<1x16xf32>,
        %get3A_126 = vector.shape_cast %get3A_125 : vector<1x16xf32> to vector<16xf32>
        %get3A_127 = arith.index_cast %scan3A_96 : i32 to index
        %get3A_128 = arith.constant 32 : index
        %get3A_129 = tpu.vector_load %arg18[%get3A_127, %get3A_128] {strides = array<i32>} : memref<80x128xf32, #tpu.memory_space<vmem>>, vector<1x16xf32>,
        %get3A_130 = vector.shape_cast %get3A_129 : vector<1x16xf32> to vector<16xf32>
        %mul3A_131 = arith.mulf %get3A_126, %get3A_130 : vector<16xf32>
        %swap3A_132 = arith.index_cast %scan3A_96 : i32 to index
        %swap3A_133 = arith.constant 32 : index
        %swap3A_134 = tpu.vector_load %arg17[%swap3A_132, %swap3A_133] {strides = array<i32>} : memref<80x128xf32, #tpu.memory_space<vmem>>, vector<1x16xf32>,
        %swap3A_135 = vector.shape_cast %swap3A_134 : vector<1x16xf32> to vector<16xf32>
        %swap3A_136 = vector.shape_cast %mul3A_131 : vector<16xf32> to vector<1x16xf32>
        tpu.vector_store %arg17[%swap3A_132, %swap3A_133], %swap3A_136 {strides = array<i32>} : memref<80x128xf32, #tpu.memory_space<vmem>>, vector<1x16xf32>,
        %get3A_137 = arith.index_cast %scan3A_96 : i32 to index
        %get3A_138 = arith.constant 48 : index
        %get3A_139 = tpu.vector_load %arg17[%get3A_137, %get3A_138] {strides = array<i32>} : memref<80x128xf32, #tpu.memory_space<vmem>>, vector<1x16xf32>,
        %get3A_140 = vector.shape_cast %get3A_139 : vector<1x16xf32> to vector<16xf32>
        %get3A_141 = arith.index_cast %scan3A_96 : i32 to index
        %get3A_142 = arith.constant 48 : index
        %get3A_143 = tpu.vector_load %arg18[%get3A_141, %get3A_142] {strides = array<i32>} : memref<80x128xf32, #tpu.memory_space<vmem>>, vector<1x16xf32>,
        %get3A_144 = vector.shape_cast %get3A_143 : vector<1x16xf32> to vector<16xf32>
        %mul3A_145 = arith.mulf %get3A_140, %get3A_144 : vector<16xf32>
        %swap3A_146 = arith.index_cast %scan3A_96 : i32 to index
        %swap3A_147 = arith.constant 48 : index
        %swap3A_148 = tpu.vector_load %arg17[%swap3A_146, %swap3A_147] {strides = array<i32>} : memref<80x128xf32, #tpu.memory_space<vmem>>, vector<1x16xf32>,
        %swap3A_149 = vector.shape_cast %swap3A_148 : vector<1x16xf32> to vector<16xf32>
        %swap3A_150 = vector.shape_cast %mul3A_145 : vector<16xf32> to vector<1x16xf32>
        tpu.vector_store %arg17[%swap3A_146, %swap3A_147], %swap3A_150 {strides = array<i32>} : memref<80x128xf32, #tpu.memory_space<vmem>>, vector<1x16xf32>,
        %get3A_151 = arith.index_cast %scan3A_96 : i32 to index
        %get3A_152 = arith.constant 64 : index
        %get3A_153 = tpu.vector_load %arg17[%get3A_151, %get3A_152] {strides = array<i32>} : memref<80x128xf32, #tpu.memory_space<vmem>>, vector<1x16xf32>,
        %get3A_154 = vector.shape_cast %get3A_153 : vector<1x16xf32> to vector<16xf32>
        %get3A_155 = arith.index_cast %scan3A_96 : i32 to index
        %get3A_156 = arith.constant 64 : index
        %get3A_157 = tpu.vector_load %arg18[%get3A_155, %get3A_156] {strides = array<i32>} : memref<80x128xf32, #tpu.memory_space<vmem>>, vector<1x16xf32>,
        %get3A_158 = vector.shape_cast %get3A_157 : vector<1x16xf32> to vector<16xf32>
        %mul3A_159 = arith.mulf %get3A_154, %get3A_158 : vector<16xf32>
        %swap3A_160 = arith.index_cast %scan3A_96 : i32 to index
        %swap3A_161 = arith.constant 64 : index
        %swap3A_162 = tpu.vector_load %arg17[%swap3A_160, %swap3A_161] {strides = array<i32>} : memref<80x128xf32, #tpu.memory_space<vmem>>, vector<1x16xf32>,
        %swap3A_163 = vector.shape_cast %swap3A_162 : vector<1x16xf32> to vector<16xf32>
        %swap3A_164 = vector.shape_cast %mul3A_159 : vector<16xf32> to vector<1x16xf32>
        tpu.vector_store %arg17[%swap3A_160, %swap3A_161], %swap3A_164 {strides = array<i32>} : memref<80x128xf32, #tpu.memory_space<vmem>>, vector<1x16xf32>,
        %get3A_165 = arith.index_cast %scan3A_96 : i32 to index
        %get3A_166 = arith.constant 80 : index
        %get3A_167 = tpu.vector_load %arg17[%get3A_165, %get3A_166] {strides = array<i32>} : memref<80x128xf32, #tpu.memory_space<vmem>>, vector<1x16xf32>,
        %get3A_168 = vector.shape_cast %get3A_167 : vector<1x16xf32> to vector<16xf32>
        %get3A_169 = arith.index_cast %scan3A_96 : i32 to index
        %get3A_170 = arith.constant 80 : index
        %get3A_171 = tpu.vector_load %arg18[%get3A_169, %get3A_170] {strides = array<i32>} : memref<80x128xf32, #tpu.memory_space<vmem>>, vector<1x16xf32>,
        %get3A_172 = vector.shape_cast %get3A_171 : vector<1x16xf32> to vector<16xf32>
        %mul3A_173 = arith.mulf %get3A_168, %get3A_172 : vector<16xf32>
        %swap3A_174 = arith.index_cast %scan3A_96 : i32 to index
        %swap3A_175 = arith.constant 80 : index
        %swap3A_176 = tpu.vector_load %arg17[%swap3A_174, %swap3A_175] {strides = array<i32>} : memref<80x128xf32, #tpu.memory_space<vmem>>, vector<1x16xf32>,
        %swap3A_177 = vector.shape_cast %swap3A_176 : vector<1x16xf32> to vector<16xf32>
        %swap3A_178 = vector.shape_cast %mul3A_173 : vector<16xf32> to vector<1x16xf32>
        tpu.vector_store %arg17[%swap3A_174, %swap3A_175], %swap3A_178 {strides = array<i32>} : memref<80x128xf32, #tpu.memory_space<vmem>>, vector<1x16xf32>,
        %get3A_179 = arith.index_cast %scan3A_96 : i32 to index
        %get3A_180 = arith.constant 96 : index
        %get3A_181 = tpu.vector_load %arg17[%get3A_179, %get3A_180] {strides = array<i32>} : memref<80x128xf32, #tpu.memory_space<vmem>>, vector<1x16xf32>,
        %get3A_182 = vector.shape_cast %get3A_181 : vector<1x16xf32> to vector<16xf32>
        %get3A_183 = arith.index_cast %scan3A_96 : i32 to index
        %get3A_184 = arith.constant 96 : index
        %get3A_185 = tpu.vector_load %arg18[%get3A_183, %get3A_184] {strides = array<i32>} : memref<80x128xf32, #tpu.memory_space<vmem>>, vector<1x16xf32>,
        %get3A_186 = vector.shape_cast %get3A_185 : vector<1x16xf32> to vector<16xf32>
        %mul3A_187 = arith.mulf %get3A_182, %get3A_186 : vector<16xf32>
        %swap3A_188 = arith.index_cast %scan3A_96 : i32 to index
        %swap3A_189 = arith.constant 96 : index
        %swap3A_190 = tpu.vector_load %arg17[%swap3A_188, %swap3A_189] {strides = array<i32>} : memref<80x128xf32, #tpu.memory_space<vmem>>, vector<1x16xf32>,
        %swap3A_191 = vector.shape_cast %swap3A_190 : vector<1x16xf32> to vector<16xf32>
        %swap3A_192 = vector.shape_cast %mul3A_187 : vector<16xf32> to vector<1x16xf32>
        tpu.vector_store %arg17[%swap3A_188, %swap3A_189], %swap3A_192 {strides = array<i32>} : memref<80x128xf32, #tpu.memory_space<vmem>>, vector<1x16xf32>,
        %get3A_193 = arith.index_cast %scan3A_96 : i32 to index
        %get3A_194 = arith.constant 112 : index
        %get3A_195 = tpu.vector_load %arg17[%get3A_193, %get3A_194] {strides = array<i32>} : memref<80x128xf32, #tpu.memory_space<vmem>>, vector<1x16xf32>,
        %get3A_196 = vector.shape_cast %get3A_195 : vector<1x16xf32> to vector<16xf32>
        %get3A_197 = arith.index_cast %scan3A_96 : i32 to index
        %get3A_198 = arith.constant 112 : index
        %get3A_199 = tpu.vector_load %arg18[%get3A_197, %get3A_198] {strides = array<i32>} : memref<80x128xf32, #tpu.memory_space<vmem>>, vector<1x16xf32>,
        %get3A_200 = vector.shape_cast %get3A_199 : vector<1x16xf32> to vector<16xf32>
        %mul3A_201 = arith.mulf %get3A_196, %get3A_200 : vector<16xf32>
        %swap3A_202 = arith.index_cast %scan3A_96 : i32 to index
        %swap3A_203 = arith.constant 112 : index
        %swap3A_204 = tpu.vector_load %arg17[%swap3A_202, %swap3A_203] {strides = array<i32>} : memref<80x128xf32, #tpu.memory_space<vmem>>, vector<1x16xf32>,
        %swap3A_205 = vector.shape_cast %swap3A_204 : vector<1x16xf32> to vector<16xf32>
        %swap3A_206 = vector.shape_cast %mul3A_201 : vector<16xf32> to vector<1x16xf32>
        tpu.vector_store %arg17[%swap3A_202, %swap3A_203], %swap3A_206 {strides = array<i32>} : memref<80x128xf32, #tpu.memory_space<vmem>>, vector<1x16xf32>,
      }
      %scan3A_88 = arith.constant 80 : i32
      "tpu.region"() ({
        %run_scoped3A = tpu.sem_alloc : memref<!tpu.dma_semaphore, #tpu.memory_space<semaphore_mem>>
        %dma_start3A_96 = arith.constant 0 : i32
        %dma_start3A_97 = arith.constant 0 : i32
        %dma_start3A_98 = tpu.memref_slice %arg25[%dma_start3A_96, %dma_start3A_97] : memref<10240x128xf32, #tpu.memory_space<vmem_shared>> -> memref<10240x128xf32, #tpu.memory_space<vmem_shared>>
        tpu.enqueue_indirect_dma source(%arg17 : memref<80x128xf32, #tpu.memory_space<vmem>>) target(%dma_start3A_98 : memref<10240x128xf32, #tpu.memory_space<vmem_shared>>) offsets(%arg14 : memref<80xi32, #tpu.memory_space<vmem>>) semaphore(%run_scoped3A : memref<!tpu.dma_semaphore, #tpu.memory_space<semaphore_mem>>) {add = true}
        %dma_wait3A_99 = arith.constant 0 : i32
        %dma_wait3A_100 = arith.constant 0 : i32
        %dma_wait3A_101 = tpu.memref_slice %arg25[%dma_wait3A_99, %dma_wait3A_100] : memref<10240x128xf32, #tpu.memory_space<vmem_shared>> -> memref<10240x128xf32, #tpu.memory_space<vmem_shared>>
        tpu.wait_indirect_dma semaphore(%run_scoped3A : memref<!tpu.dma_semaphore, #tpu.memory_space<semaphore_mem>>) src(%arg17 : memref<80x128xf32, #tpu.memory_space<vmem>>) dst(%dma_wait3A_101 : memref<10240x128xf32, #tpu.memory_space<vmem_shared>>)
        tpu.yield
      }) : () -> ()
      %add3A_89 = arith.constant 2 : i32
      %add3A_90 = arith.addi %add3A_69, %add3A_89 : i32
      %lt3A_91 = arith.constant 64 : i32
      %lt3A_92 = arith.cmpi slt, %add3A_90, %lt3A_91 : i32
      %convert_element_type3A_93 = arith.extui %lt3A_92 : i1 to i32
      %cond3A_94 = arith.constant 0 : i32
      %cond3A_95 = arith.cmpi ne, %convert_element_type3A_93, %cond3A_94 : i32
      scf.if %cond3A_95 {
        %add3A_96 = arith.constant 2 : i32
        %add3A_97 = arith.addi %add3A_69, %add3A_96 : i32
        %mul3A_98 = arith.constant 80 : i32
        %mul3A_99 = arith.muli %add3A_97, %mul3A_98 : i32
        %add3A_100 = arith.addi %mul3A_4, %mul3A_99 : i32
        %dma_start3A_101 = tpu.memref_slice %arg2[%add3A_100] : memref<163840xi32, #tpu.memory_space<hbm>> -> memref<80xi32, #tpu.memory_space<hbm>>
        %dma_start3A_102 = tpu.memref_slice %arg2[%add3A_100] : memref<163840xi32, #tpu.memory_space<hbm>> -> memref<80xi32, #tpu.memory_space<hbm>>
        tpu.enqueue_dma source(%dma_start3A_102 : memref<80xi32, #tpu.memory_space<hbm>>) target(%arg10 : memref<80xi32, #tpu.memory_space<vmem>>) target_semaphore(%arg20 : memref<!tpu.dma_semaphore, #tpu.memory_space<semaphore_mem>>)
        %dma_start3A_103 = tpu.memref_slice %arg3[%add3A_100] : memref<163840xi32, #tpu.memory_space<hbm>> -> memref<80xi32, #tpu.memory_space<hbm>>
        %dma_start3A_104 = tpu.memref_slice %arg3[%add3A_100] : memref<163840xi32, #tpu.memory_space<hbm>> -> memref<80xi32, #tpu.memory_space<hbm>>
        tpu.enqueue_dma source(%dma_start3A_104 : memref<80xi32, #tpu.memory_space<hbm>>) target(%arg12 : memref<80xi32, #tpu.memory_space<vmem>>) target_semaphore(%arg20 : memref<!tpu.dma_semaphore, #tpu.memory_space<semaphore_mem>>)
        %dma_start3A_105 = tpu.memref_slice %arg4[%add3A_100] : memref<163840xi32, #tpu.memory_space<hbm>> -> memref<80xi32, #tpu.memory_space<hbm>>
        %dma_start3A_106 = tpu.memref_slice %arg4[%add3A_100] : memref<163840xi32, #tpu.memory_space<hbm>> -> memref<80xi32, #tpu.memory_space<hbm>>
        tpu.enqueue_dma source(%dma_start3A_106 : memref<80xi32, #tpu.memory_space<hbm>>) target(%arg14 : memref<80xi32, #tpu.memory_space<vmem>>) target_semaphore(%arg20 : memref<!tpu.dma_semaphore, #tpu.memory_space<semaphore_mem>>)
      } else {
      }
    }
    %scan3A_37 = arith.constant 32 : i32
    %barrier3A_38 = arith.constant 0 : index
    tpu.barrier barrier_id(%barrier3A_38)
    %mul3A_39 = arith.constant 10240 : i32
    %mul3A_40 = arith.muli %arg0, %mul3A_39 : i32
    %add3A_41 = arith.addi %mul3A_40, %mul3A_2 : i32
    "tpu.region"() ({
      %run_scoped3A = tpu.sem_alloc : memref<!tpu.dma_semaphore, #tpu.memory_space<semaphore_mem>>
      %dma_start3A_42 = arith.constant 0 : i32
      %dma_start3A_43 = tpu.memref_slice %arg8[%add3A_41, %dma_start3A_42] : memref<20480x128xf32, #tpu.memory_space<hbm>> -> memref<640x128xf32, #tpu.memory_space<hbm>>
      %dma_start3A_44 = arith.constant 0 : i32
      %dma_start3A_45 = tpu.memref_slice %arg25[%mul3A_2, %dma_start3A_44] : memref<10240x128xf32, #tpu.memory_space<vmem_shared>> -> memref<640x128xf32, #tpu.memory_space<vmem_shared>>
      tpu.enqueue_dma source(%dma_start3A_45 : memref<640x128xf32, #tpu.memory_space<vmem_shared>>) target(%dma_start3A_43 : memref<640x128xf32, #tpu.memory_space<hbm>>) target_semaphore(%run_scoped3A : memref<!tpu.dma_semaphore, #tpu.memory_space<semaphore_mem>>)
      %dma_wait3A_46 = arith.constant 0 : i32
      %dma_wait3A_47 = tpu.memref_slice %arg8[%add3A_41, %dma_wait3A_46] : memref<20480x128xf32, #tpu.memory_space<hbm>> -> memref<640x128xf32, #tpu.memory_space<hbm>>
      %dma_wait3A_48 = arith.constant 0 : i32
      %dma_wait3A_49 = tpu.memref_slice %arg25[%mul3A_2, %dma_wait3A_48] : memref<10240x128xf32, #tpu.memory_space<vmem_shared>> -> memref<640x128xf32, #tpu.memory_space<vmem_shared>>
      tpu.wait_dma2 semaphore(%run_scoped3A : memref<!tpu.dma_semaphore, #tpu.memory_space<semaphore_mem>>) src(%dma_wait3A_49 : memref<640x128xf32, #tpu.memory_space<vmem_shared>>) dst(%dma_wait3A_47 : memref<640x128xf32, #tpu.memory_space<hbm>>)
      tpu.yield
    }) : () -> ()
    return
  }
}

module attributes {stable_mosaic.version = 14 : i64} {
  func.func @_init_body(%arg0: i32, %arg1: memref<2xi32, #tpu.memory_space<smem>>, %arg2: memref<2x64xf32, #tpu.memory_space<vmem>>, %arg3: memref<2048x128xf32, #tpu.memory_space<vmem>>) attributes {dimension_semantics = [#tpu.dimension_semantics<arbitrary>], iteration_bounds = array<i64: 5>, scalar_prefetch = 0 : i64, scratch_operands = 0 : i64, tpu.core_type = #tpu.core_type<tc>, window_params = [{transform_indices = @transform_0, window_bounds = array<i64: 2>}, {pipeline_mode = #tpu.pipeline_mode<synchronous>, transform_indices = @transform_1, window_bounds = array<i64: 2, 64>}, {transform_indices = @transform_2, window_bounds = array<i64: 2048, 128>}]} {
    %iota3A = tpu.iota {dimensions = array<i32: 0>} : vector<2048x1xi32>
    %mul3A = arith.constant 2048 : i32
    %mul3A_0 = arith.muli %arg0, %mul3A : i32
    %add3A = vector.broadcast %mul3A_0 : i32 to vector<2048x1xi32>
    %add3A_1 = arith.addi %iota3A, %add3A : vector<2048x1xi32>
    %get3A = arith.constant 0 : index
    %get3A_2 = arith.constant 0 : index
    %get3A_3 = vector.load %arg2[%get3A, %get3A_2] : memref<2x64xf32, #tpu.memory_space<vmem>>, vector<1x64xf32>
    %get3A_4 = arith.constant 1 : index
    %get3A_5 = arith.constant 0 : index
    %get3A_6 = vector.load %arg2[%get3A_4, %get3A_5] : memref<2x64xf32, #tpu.memory_space<vmem>>, vector<1x64xf32>
    %get3A_7 = arith.constant 0 : index
    %get3A_8 = memref.load %arg1[%get3A_7] : memref<2xi32, #tpu.memory_space<smem>>
    %eq3A = vector.broadcast %get3A_8 : i32 to vector<2048x1xi32>
    %eq3A_9 = arith.cmpi eq, %add3A_1, %eq3A : vector<2048x1xi32>
    %jit3A = arith.constant 0.000000e+00 : f32
    %broadcast_in_dim3A = vector.shape_cast %eq3A_9 : vector<2048x1xi1> to vector<2048x1xi1>
    %broadcast_in_dim3A_10 = vector.broadcast %broadcast_in_dim3A : vector<2048x1xi1> to vector<2048x64xi1>
    %broadcast_in_dim3A_11 = vector.shape_cast %get3A_3 : vector<1x64xf32> to vector<1x64xf32>
    %broadcast_in_dim3A_12 = vector.broadcast %broadcast_in_dim3A_11 : vector<1x64xf32> to vector<2048x64xf32>
    %broadcast_in_dim3A_13 = vector.broadcast %jit3A : f32 to vector<2048x64xf32>
    %select_n3A = arith.select %broadcast_in_dim3A_10, %broadcast_in_dim3A_12, %broadcast_in_dim3A_13 : vector<2048x64xi1>, vector<2048x64xf32>
    %get3A_14 = arith.constant 1 : index
    %get3A_15 = memref.load %arg1[%get3A_14] : memref<2xi32, #tpu.memory_space<smem>>
    %eq3A_16 = vector.broadcast %get3A_15 : i32 to vector<2048x1xi32>
    %eq3A_17 = arith.cmpi eq, %add3A_1, %eq3A_16 : vector<2048x1xi32>
    %jit3A_18 = arith.constant 0.000000e+00 : f32
    %broadcast_in_dim3A_19 = vector.shape_cast %eq3A_17 : vector<2048x1xi1> to vector<2048x1xi1>
    %broadcast_in_dim3A_20 = vector.broadcast %broadcast_in_dim3A_19 : vector<2048x1xi1> to vector<2048x64xi1>
    %broadcast_in_dim3A_21 = vector.shape_cast %get3A_6 : vector<1x64xf32> to vector<1x64xf32>
    %broadcast_in_dim3A_22 = vector.broadcast %broadcast_in_dim3A_21 : vector<1x64xf32> to vector<2048x64xf32>
    %broadcast_in_dim3A_23 = vector.broadcast %jit3A_18 : f32 to vector<2048x64xf32>
    %select_n3A_24 = arith.select %broadcast_in_dim3A_20, %broadcast_in_dim3A_22, %broadcast_in_dim3A_23 : vector<2048x64xi1>, vector<2048x64xf32>
    %concatenate3A = tpu.concatenate %select_n3A, %select_n3A_24 in 1 : vector<2048x64xf32>, vector<2048x64xf32> -> vector<2048x128xf32>
    %swap3A = arith.constant 0 : index
    %swap3A_25 = arith.constant 0 : index
    %swap3A_26 = vector.load %arg3[%swap3A, %swap3A_25] : memref<2048x128xf32, #tpu.memory_space<vmem>>, vector<2048x128xf32>
    tpu.vector_store %arg3[%swap3A, %swap3A_25], %concatenate3A {strides = array<i32>} : memref<2048x128xf32, #tpu.memory_space<vmem>>, vector<2048x128xf32>,
    return
  }
  func.func @transform_0(%arg0: i32) -> i32 {
    %c0_i32 = arith.constant 0 : i32
    %c0_i32_0 = arith.constant 0 : i32
    return %c0_i32 : i32
  }
  func.func @transform_1(%arg0: i32) -> (i32, i32) {
    %c0_i32 = arith.constant 0 : i32
    %c0_i32_0 = arith.constant 0 : i32
    %c0_i32_1 = arith.constant 0 : i32
    return %c0_i32, %c0_i32_0 : i32, i32
  }
  func.func @transform_2(%arg0: i32) -> (i32, i32) {
    %c0_i32 = arith.constant 0 : i32
    %c0_i32_0 = arith.constant 0 : i32
    return %arg0, %c0_i32 : i32, i32
  }
}

module attributes {stable_mosaic.version = 14 : i64} {
  func.func @_relw_body(%arg0: i32, %arg1: memref<128x8xf32, #tpu.memory_space<vmem>>, %arg2: memref<1x8x128xf32, #tpu.memory_space<vmem>>, %arg3: memref<1x8x1xf32, #tpu.memory_space<vmem>>, %arg4: memref<1x32x8xf32, #tpu.memory_space<vmem>>, %arg5: memref<1x32x1xf32, #tpu.memory_space<vmem>>, %arg6: memref<1x32x64xf32, #tpu.memory_space<vmem>>, %arg7: memref<1x32x128xf32, #tpu.memory_space<vmem>>) attributes {dimension_semantics = [#tpu.dimension_semantics<arbitrary>], iteration_bounds = array<i64: 2>, scalar_prefetch = 0 : i64, scratch_operands = 0 : i64, tpu.core_type = #tpu.core_type<tc>, window_params = [{pipeline_mode = #tpu.pipeline_mode<synchronous>, transform_indices = @transform_0, window_bounds = array<i64: 128, 8>}, {transform_indices = @transform_1, window_bounds = array<i64: 1, 8, 128>}, {transform_indices = @transform_2, window_bounds = array<i64: 1, 8, 1>}, {transform_indices = @transform_3, window_bounds = array<i64: 1, 32, 8>}, {transform_indices = @transform_4, window_bounds = array<i64: 1, 32, 1>}, {transform_indices = @transform_5, window_bounds = array<i64: 1, 32, 64>}, {transform_indices = @transform_6, window_bounds = array<i64: 1, 32, 128>}]} {
    %get3A = arith.constant 0 : index
    %get3A_0 = arith.constant 0 : index
    %get3A_1 = arith.constant 0 : index
    %get3A_2 = vector.load %arg2[%get3A, %get3A_0, %get3A_1] : memref<1x8x128xf32, #tpu.memory_space<vmem>>, vector<1x8x128xf32>
    %get3A_3 = vector.shape_cast %get3A_2 : vector<1x8x128xf32> to vector<8x128xf32>
    %get3A_4 = arith.constant 0 : index
    %get3A_5 = arith.constant 0 : index
    %get3A_6 = vector.load %arg1[%get3A_4, %get3A_5] : memref<128x8xf32, #tpu.memory_space<vmem>>, vector<128x8xf32>
    %dot_general3A = arith.constant dense<0.000000e+00> : vector<8x8xf32>
    %dot_general3A_7 = tpu.matmul %get3A_3, %get3A_6, %dot_general3A {dimension_numbers = #tpu.dot_dimension_numbers<[1], [0], [0], [1], [0, 0, 1, 1], [], []>, transpose_lhs_hint = false} : vector<8x128xf32>, vector<128x8xf32>, vector<8x8xf32> -> vector<8x8xf32>
    %get3A_8 = arith.constant 0 : index
    %get3A_9 = arith.constant 0 : index
    %get3A_10 = arith.constant 0 : index
    %get3A_11 = vector.load %arg3[%get3A_8, %get3A_9, %get3A_10] : memref<1x8x1xf32, #tpu.memory_space<vmem>>, vector<1x8x1xf32>
    %get3A_12 = vector.shape_cast %get3A_11 : vector<1x8x1xf32> to vector<8x1xf32>
    %add3A = vector.broadcast %get3A_12 : vector<8x1xf32> to vector<8x8xf32>
    %add3A_13 = arith.addf %dot_general3A_7, %add3A : vector<8x8xf32>
    %max3A = arith.constant 0.000000e+00 : f32
    %max3A_14 = vector.broadcast %max3A : f32 to vector<8x8xf32>
    %max3A_15 = arith.maximumf %add3A_13, %max3A_14 : vector<8x8xf32>
    %get3A_16 = arith.constant 0 : index
    %get3A_17 = arith.constant 0 : index
    %get3A_18 = arith.constant 0 : index
    %get3A_19 = vector.load %arg4[%get3A_16, %get3A_17, %get3A_18] : memref<1x32x8xf32, #tpu.memory_space<vmem>>, vector<1x32x8xf32>
    %get3A_20 = vector.shape_cast %get3A_19 : vector<1x32x8xf32> to vector<32x8xf32>
    %dot_general3A_21 = arith.constant dense<0.000000e+00> : vector<32x8xf32>
    %dot_general3A_22 = tpu.matmul %get3A_20, %max3A_15, %dot_general3A_21 {dimension_numbers = #tpu.dot_dimension_numbers<[1], [0], [0], [1], [0, 0, 1, 1], [], []>, transpose_lhs_hint = false} : vector<32x8xf32>, vector<8x8xf32>, vector<32x8xf32> -> vector<32x8xf32>
    %get3A_23 = arith.constant 0 : index
    %get3A_24 = arith.constant 0 : index
    %get3A_25 = arith.constant 0 : index
    %get3A_26 = vector.load %arg5[%get3A_23, %get3A_24, %get3A_25] : memref<1x32x1xf32, #tpu.memory_space<vmem>>, vector<1x32x1xf32>
    %get3A_27 = vector.shape_cast %get3A_26 : vector<1x32x1xf32> to vector<32x1xf32>
    %add3A_28 = vector.broadcast %get3A_27 : vector<32x1xf32> to vector<32x8xf32>
    %add3A_29 = arith.addf %dot_general3A_22, %add3A_28 : vector<32x8xf32>
    %logistic3A = arith.negf %add3A_29 : vector<32x8xf32>
    %logistic3A_30 = math.exp %logistic3A : vector<32x8xf32>
    %logistic3A_31 = arith.constant 1.000000e+00 : f32
    %logistic3A_32 = vector.broadcast %logistic3A_31 : f32 to vector<32x8xf32>
    %logistic3A_33 = arith.addf %logistic3A_32, %logistic3A_30 : vector<32x8xf32>
    %logistic3A_34 = arith.divf %logistic3A_32, %logistic3A_33 : vector<32x8xf32>
    %get3A_35 = arith.constant 0 : index
    %get3A_36 = arith.constant 0 : index
    %get3A_37 = arith.constant 0 : index
    %get3A_38 = vector.load %arg6[%get3A_35, %get3A_36, %get3A_37] : memref<1x32x64xf32, #tpu.memory_space<vmem>>, vector<1x32x64xf32>
    %get3A_39 = vector.shape_cast %get3A_38 : vector<1x32x64xf32> to vector<32x64xf32>
    %slice3A = vector.extract_strided_slice %logistic3A_34 {offsets = [0, 0], sizes = [32, 1], strides = [1, 1]} : vector<32x8xf32> to vector<32x1xf32>
    %mul3A = vector.broadcast %slice3A : vector<32x1xf32> to vector<32x64xf32>
    %mul3A_40 = arith.mulf %mul3A, %get3A_39 : vector<32x64xf32>
    %slice3A_41 = vector.extract_strided_slice %logistic3A_34 {offsets = [0, 1], sizes = [32, 1], strides = [1, 1]} : vector<32x8xf32> to vector<32x1xf32>
    %mul3A_42 = vector.broadcast %slice3A_41 : vector<32x1xf32> to vector<32x64xf32>
    %mul3A_43 = arith.mulf %mul3A_42, %get3A_39 : vector<32x64xf32>
    %concatenate3A = tpu.concatenate %mul3A_40, %mul3A_43 in 1 : vector<32x64xf32>, vector<32x64xf32> -> vector<32x128xf32>
    %swap3A = arith.constant 0 : index
    %swap3A_44 = arith.constant 0 : index
    %swap3A_45 = arith.constant 0 : index
    %swap3A_46 = vector.load %arg7[%swap3A, %swap3A_44, %swap3A_45] : memref<1x32x128xf32, #tpu.memory_space<vmem>>, vector<1x32x128xf32>
    %swap3A_47 = vector.shape_cast %swap3A_46 : vector<1x32x128xf32> to vector<32x128xf32>
    %swap3A_48 = vector.shape_cast %concatenate3A : vector<32x128xf32> to vector<1x32x128xf32>
    tpu.vector_store %arg7[%swap3A, %swap3A_44, %swap3A_45], %swap3A_48 {strides = array<i32>} : memref<1x32x128xf32, #tpu.memory_space<vmem>>, vector<1x32x128xf32>,
    return
  }
  func.func @transform_0(%arg0: i32) -> (i32, i32) {
    %c0_i32 = arith.constant 0 : i32
    %c0_i32_0 = arith.constant 0 : i32
    %c0_i32_1 = arith.constant 0 : i32
    return %c0_i32, %c0_i32_0 : i32, i32
  }
  func.func @transform_1(%arg0: i32) -> (i32, i32, i32) {
    %c0_i32 = arith.constant 0 : i32
    %c0_i32_0 = arith.constant 0 : i32
    %c0_i32_1 = arith.constant 0 : i32
    return %arg0, %c0_i32, %c0_i32_0 : i32, i32, i32
  }
  func.func @transform_2(%arg0: i32) -> (i32, i32, i32) {
    %c0_i32 = arith.constant 0 : i32
    %c0_i32_0 = arith.constant 0 : i32
    %c0_i32_1 = arith.constant 0 : i32
    return %arg0, %c0_i32, %c0_i32_0 : i32, i32, i32
  }
  func.func @transform_3(%arg0: i32) -> (i32, i32, i32) {
    %c0_i32 = arith.constant 0 : i32
    %c0_i32_0 = arith.constant 0 : i32
    %c0_i32_1 = arith.constant 0 : i32
    return %arg0, %c0_i32, %c0_i32_0 : i32, i32, i32
  }
  func.func @transform_4(%arg0: i32) -> (i32, i32, i32) {
    %c0_i32 = arith.constant 0 : i32
    %c0_i32_0 = arith.constant 0 : i32
    %c0_i32_1 = arith.constant 0 : i32
    return %arg0, %c0_i32, %c0_i32_0 : i32, i32, i32
  }
  func.func @transform_5(%arg0: i32) -> (i32, i32, i32) {
    %c0_i32 = arith.constant 0 : i32
    %c0_i32_0 = arith.constant 0 : i32
    %c0_i32_1 = arith.constant 0 : i32
    return %arg0, %c0_i32, %c0_i32_0 : i32, i32, i32
  }
  func.func @transform_6(%arg0: i32) -> (i32, i32, i32) {
    %c0_i32 = arith.constant 0 : i32
    %c0_i32_0 = arith.constant 0 : i32
    %c0_i32_1 = arith.constant 0 : i32
    return %arg0, %c0_i32, %c0_i32_0 : i32, i32, i32
  }
}

module attributes {stable_mosaic.version = 14 : i64} {
  func.func @_lin_body(%arg0: i32, %arg1: memref<2x2048x128xf32, #tpu.memory_space<vmem>>, %arg2: memref<64x64xf32, #tpu.memory_space<vmem>>, %arg3: memref<1x64xf32, #tpu.memory_space<vmem>>, %arg4: memref<2048x128xf32, #tpu.memory_space<vmem>>) attributes {dimension_semantics = [#tpu.dimension_semantics<arbitrary>], iteration_bounds = array<i64: 5>, scalar_prefetch = 0 : i64, scratch_operands = 0 : i64, tpu.core_type = #tpu.core_type<tc>, window_params = [{transform_indices = @transform_0, window_bounds = array<i64: 2, 2048, 128>}, {pipeline_mode = #tpu.pipeline_mode<synchronous>, transform_indices = @transform_1, window_bounds = array<i64: 64, 64>}, {pipeline_mode = #tpu.pipeline_mode<synchronous>, transform_indices = @transform_2, window_bounds = array<i64: 1, 64>}, {transform_indices = @transform_3, window_bounds = array<i64: 2048, 128>}]} {
    %get3A = arith.constant 0 : index
    %get3A_0 = arith.constant 0 : index
    %get3A_1 = arith.constant 0 : index
    %get3A_2 = vector.load %arg1[%get3A, %get3A_0, %get3A_1] : memref<2x2048x128xf32, #tpu.memory_space<vmem>>, vector<1x2048x128xf32>
    %get3A_3 = vector.shape_cast %get3A_2 : vector<1x2048x128xf32> to vector<2048x128xf32>
    %get3A_4 = arith.constant 1 : index
    %get3A_5 = arith.constant 0 : index
    %get3A_6 = arith.constant 0 : index
    %get3A_7 = vector.load %arg1[%get3A_4, %get3A_5, %get3A_6] : memref<2x2048x128xf32, #tpu.memory_space<vmem>>, vector<1x2048x128xf32>
    %get3A_8 = vector.shape_cast %get3A_7 : vector<1x2048x128xf32> to vector<2048x128xf32>
    %add3A = arith.addf %get3A_3, %get3A_8 : vector<2048x128xf32>
    %get3A_9 = arith.constant 0 : index
    %get3A_10 = arith.constant 0 : index
    %get3A_11 = vector.load %arg2[%get3A_9, %get3A_10] : memref<64x64xf32, #tpu.memory_space<vmem>>, vector<64x64xf32>
    %get3A_12 = arith.constant 0 : index
    %get3A_13 = arith.constant 0 : index
    %get3A_14 = vector.load %arg3[%get3A_12, %get3A_13] : memref<1x64xf32, #tpu.memory_space<vmem>>, vector<1x64xf32>
    %slice3A = vector.extract_strided_slice %add3A {offsets = [0, 0], sizes = [2048, 64], strides = [1, 1]} : vector<2048x128xf32> to vector<2048x64xf32>
    %dot_general3A = arith.constant dense<0.000000e+00> : vector<2048x64xf32>
    %dot_general3A_15 = tpu.matmul %slice3A, %get3A_11, %dot_general3A {dimension_numbers = #tpu.dot_dimension_numbers<[1], [0], [0], [1], [0, 0, 1, 1], [], []>, transpose_lhs_hint = false} : vector<2048x64xf32>, vector<64x64xf32>, vector<2048x64xf32> -> vector<2048x64xf32>
    %slice3A_16 = vector.extract_strided_slice %add3A {offsets = [0, 64], sizes = [2048, 64], strides = [1, 1]} : vector<2048x128xf32> to vector<2048x64xf32>
    %dot_general3A_17 = arith.constant dense<0.000000e+00> : vector<2048x64xf32>
    %dot_general3A_18 = tpu.matmul %slice3A_16, %get3A_11, %dot_general3A_17 {dimension_numbers = #tpu.dot_dimension_numbers<[1], [0], [0], [1], [0, 0, 1, 1], [], []>, transpose_lhs_hint = false} : vector<2048x64xf32>, vector<64x64xf32>, vector<2048x64xf32> -> vector<2048x64xf32>
    %add3A_19 = vector.broadcast %get3A_14 : vector<1x64xf32> to vector<2048x64xf32>
    %add3A_20 = arith.addf %dot_general3A_15, %add3A_19 : vector<2048x64xf32>
    %max3A = arith.constant 0.000000e+00 : f32
    %max3A_21 = vector.broadcast %max3A : f32 to vector<2048x64xf32>
    %max3A_22 = arith.maximumf %add3A_20, %max3A_21 : vector<2048x64xf32>
    %add3A_23 = vector.broadcast %get3A_14 : vector<1x64xf32> to vector<2048x64xf32>
    %add3A_24 = arith.addf %dot_general3A_18, %add3A_23 : vector<2048x64xf32>
    %max3A_25 = arith.constant 0.000000e+00 : f32
    %max3A_26 = vector.broadcast %max3A_25 : f32 to vector<2048x64xf32>
    %max3A_27 = arith.maximumf %add3A_24, %max3A_26 : vector<2048x64xf32>
    %concatenate3A = tpu.concatenate %max3A_22, %max3A_27 in 1 : vector<2048x64xf32>, vector<2048x64xf32> -> vector<2048x128xf32>
    %swap3A = arith.constant 0 : index
    %swap3A_28 = arith.constant 0 : index
    %swap3A_29 = vector.load %arg4[%swap3A, %swap3A_28] : memref<2048x128xf32, #tpu.memory_space<vmem>>, vector<2048x128xf32>
    tpu.vector_store %arg4[%swap3A, %swap3A_28], %concatenate3A {strides = array<i32>} : memref<2048x128xf32, #tpu.memory_space<vmem>>, vector<2048x128xf32>,
    return
  }
  func.func @transform_0(%arg0: i32) -> (i32, i32, i32) {
    %c0_i32 = arith.constant 0 : i32
    %c0_i32_0 = arith.constant 0 : i32
    %c0_i32_1 = arith.constant 0 : i32
    return %c0_i32, %arg0, %c0_i32_0 : i32, i32, i32
  }
  func.func @transform_1(%arg0: i32) -> (i32, i32) {
    %c0_i32 = arith.constant 0 : i32
    %c0_i32_0 = arith.constant 0 : i32
    %c0_i32_1 = arith.constant 0 : i32
    return %c0_i32, %c0_i32_0 : i32, i32
  }
  func.func @transform_2(%arg0: i32) -> (i32, i32) {
    %c0_i32 = arith.constant 0 : i32
    %c0_i32_0 = arith.constant 0 : i32
    %c0_i32_1 = arith.constant 0 : i32
    return %c0_i32, %c0_i32_0 : i32, i32
  }
  func.func @transform_3(%arg0: i32) -> (i32, i32) {
    %c0_i32 = arith.constant 0 : i32
    %c0_i32_0 = arith.constant 0 : i32
    return %arg0, %c0_i32 : i32, i32
  }
}

module attributes {stable_mosaic.version = 14 : i64} {
  func.func @_score_body(%arg0: memref<8x256xf32, #tpu.memory_space<vmem>>, %arg1: memref<256x128xf32, #tpu.memory_space<vmem>>, %arg2: memref<1x128xf32, #tpu.memory_space<vmem>>, %arg3: memref<8x128xf32, #tpu.memory_space<vmem>>) attributes {dimension_semantics = [], scalar_prefetch = 0 : i64, scratch_operands = 0 : i64, tpu.core_type = #tpu.core_type<tc>} {
    %get3A = arith.constant 0 : index
    %get3A_0 = arith.constant 0 : index
    %get3A_1 = vector.load %arg0[%get3A, %get3A_0] : memref<8x256xf32, #tpu.memory_space<vmem>>, vector<8x256xf32>
    %get3A_2 = arith.constant 0 : index
    %get3A_3 = arith.constant 0 : index
    %get3A_4 = vector.load %arg1[%get3A_2, %get3A_3] : memref<256x128xf32, #tpu.memory_space<vmem>>, vector<256x128xf32>
    %dot_general3A = arith.constant dense<0.000000e+00> : vector<8x128xf32>
    %dot_general3A_5 = tpu.matmul %get3A_1, %get3A_4, %dot_general3A {dimension_numbers = #tpu.dot_dimension_numbers<[1], [0], [0], [1], [0, 0, 1, 1], [], []>, transpose_lhs_hint = false} : vector<8x256xf32>, vector<256x128xf32>, vector<8x128xf32> -> vector<8x128xf32>
    %get3A_6 = arith.constant 0 : index
    %get3A_7 = arith.constant 0 : index
    %get3A_8 = vector.load %arg2[%get3A_6, %get3A_7] : memref<1x128xf32, #tpu.memory_space<vmem>>, vector<1x128xf32>
    %add3A = vector.broadcast %get3A_8 : vector<1x128xf32> to vector<8x128xf32>
    %add3A_9 = arith.addf %dot_general3A_5, %add3A : vector<8x128xf32>
    %swap3A = arith.constant 0 : index
    %swap3A_10 = arith.constant 0 : index
    %swap3A_11 = vector.load %arg3[%swap3A, %swap3A_10] : memref<8x128xf32, #tpu.memory_space<vmem>>, vector<8x128xf32>
    tpu.vector_store %arg3[%swap3A, %swap3A_10], %add3A_9 {strides = array<i32>} : memref<8x128xf32, #tpu.memory_space<vmem>>, vector<8x128xf32>,
    return
  }
}

</mosaic_0001>

<sc_bundles>
// kernel: _run.14.cloned.1.call-start
scs
__scs_entry_jumppad:
0x0: {  	(pc) =	sbr.rel $0x88, $3  }
0x1: {  	(tag) =	ssettag $0x0;
	lr =	simm.s32 $0x1  }
0x2: {  	[smem:$0x3F93] =	sst lr;
	_ =	strace $0xD0000000  }
0x3: {  	_ = 	snop  }
0x4: {  	_ = 	snop  }
0x5: {  	_ = 	snop  }
0x6: {  	_ = 	snop  }
0x7: {  	_ = 	snop  }
__scs_overlays_trampoline_lowered:
0x8: {  	[smem:$0x3FA2] =	sst s0  }
0x9: {  	[smem:$0x3FA3] =	sst s1  }
0xa: {  	[smem:$0x3FA4] =	sst s2  }
0xb: {  	[smem:$0x3FA5] =	sst s3  }
0xc: {  	[smem:$0x3FA6] =	sst s4  }
0xd: {  	[smem:$0x3FA7] =	sst s5  }
0xe: {  	[smem:$0x3FA8] =	sst s6  }
0xf: {  	[smem:$0x3FA9] =	sst s7  }
0x10: {  	[smem:$0x3FAA] =	sst s8  }
0x11: {  	[smem:$0x3FAB] =	sst s9;
	s0 =	simm.s32 @!p0 $0x0  }
0x12: {  	s1 =	sld [smem:$0x3F91];
	s0 =	simm.s32 @p0 $0x1  }
0x13: {  	[smem:$0x3FAC] =	sst s0;
	s0 =	simm.s32 @!p1 $0x0  }
0x14: {  	s2 =	sld [smem:$0x3F90];
	s0 =	simm.s32 @p1 $0x1  }
0x15: {  	[smem:$0x3FAD] =	sst s0;
	s0 =	simm.s32 @!p2 $0x0  }
0x16: {  	s3 =	sld [smem:$0x3FDB];
	s0 =	simm.s32 @p2 $0x1  }
0x17: {  	s4 =	simm.s32 $0x1BF5;
	[smem:$0x3FAF] =	sst s0  }
0x18: {  	s0 =	sld [smem:$0x3F92];
	_ =	swait.ge [sflag:s4], $0x0  }
0x19: {  	s7 =	sld [smem:$0x3F93]  }
0x1a: {  	s8 =	sadd.s32 $0xFFFFE003, lr  }
0x1b: {  	s9 =	sadd.s32 $0xFFFFFEF7, lr;
	s5 =	simm.s32 $0xFFFFFFFF;
	p2 =	slt.u32 s8, $0xFFFFF086  }
0x1c: {  	p1 =	slt.u32 s9, $0xF7A;
	s5 =	simm.s32 @!p2 $0x0  }
0x1d: {  	s5 =	simm.s32 @p1 $0x1;
	p0 =	seq.s32 s7, s2  }
0x1e: {  	s7 =	smul.u32 @!p0 $0xF7A, s2;
	p2 =	seq.s32 @!p0 s5, $0x0  }
0x1f: {  	s9 =	smul.u32 $0xF7A, s1;
	s8 =	simm.s32 @!p0 $0x1BF5;
	p2 =	por !p2, p0  }
0x20: {  	[sflag:s8] =	ssyncset.s32 @!p0 $0xFFFFF086;
	s6 =	sadd.s32 @!p0 s3, s7;
	s7 =	simm.s32 @!p0 $0x108  }
0x21: {  	s3 =	sadd.s32 s3, s9;
	s6 =	sadd.s32 @!p0 $0x88, s6;
	s7 =	simm.s32 @p2 $0x1082  }
0x22: {  	[simem:s7], [sflag:s8] =	dma.local @!p0 [hbm:s6], $0xF7A  }
0x23: {  	s9 =	sor.u32 $0xD0000000, s2;
	s6 =	simm.s32 $0x108;
	_ =	swait.ge @!p0 [sflag:s8], $0x0  }
0x24: {  	s3 =	sadd.s32 $0x88, s3;
	s6 =	simm.s32 @!p1 $0x1082;
	[sflag:s4] =	ssyncset.s32 $0xFFFFF086  }
0x25: {  	[simem:s6], [sflag:s4] =	dma.local [hbm:s3], $0xF7A  }
0x26: {  	[smem:$0x3F93] =	sst s1;
	(tag) =	ssettag s2;
	_ =	strace s9  }
0x27: {  	s1 =	sld [smem:$0x3FA3]  }
0x28: {  	s2 =	sld [smem:$0x3FA4]  }
0x29: {  	s4 =	sld [smem:$0x3FA6]  }
0x2a: {  	p0 =	seq.s32 s5, $0x0;
	s5 =	sld [smem:$0x3FA7]  }
0x2b: {  	s6 =	sld [smem:$0x3FA8]  }
0x2c: {  	s7 =	sld [smem:$0x3FA9]  }
0x2d: {  	s3 =	simm.s32 $0x108;
	s8 =	sld [smem:$0x3FAA]  }
0x2e: {  	s3 =	simm.s32 @!p0 $0x1082;
	s9 =	sld [smem:$0x3FAB]  }
0x2f: {  	lr =	sadd.s32 s0, s3;
	s0 =	sld [smem:$0x3FA2]  }
0x30: {  	s3 =	sld [smem:$0x3FA5]  }
0x31: {  	[smem:$0x3FAE] =	sst s10  }
0x32: {  	s10 =	sld [smem:$0x3FAC];
	_ =	sdelay $0x3  }
0x33: {  	p0 =	seq.s32 s10, $0x1;
	s10 =	sld [smem:$0x3FAE];
	_ =	sdelay $0x3  }
0x34: {  	[smem:$0x3FAE] =	sst s10  }
0x35: {  	s10 =	sld [smem:$0x3FAD];
	_ =	sdelay $0x3  }
0x36: {  	p1 =	seq.s32 s10, $0x1;
	s10 =	sld [smem:$0x3FAE];
	_ =	sdelay $0x3  }
0x37: {  	[smem:$0x3FAE] =	sst s10  }
0x38: {  	s10 =	sld [smem:$0x3FAF]  }
0x39: {  	_ = 	snop;
	(pc) =	sbr.ind lr, $3  }
0x3a: {  	_ = 	snop  }
0x3b: {  	_ = 	snop  }
0x3c: {  	p2 =	seq.s32 s10, $0x1;
	s10 =	sld [smem:$0x3FAE]  }
0x3d: {  	_ =	shalt  }
0x3e: {  	_ =	shalt  }
0x3f: {  	_ =	shalt  }
0x40: {  	_ =	shalt  }
0x41: {  	_ =	shalt  }
0x42: {  	_ =	shalt  }
0x43: {  	_ =	shalt  }
0x44: {  	_ =	shalt  }
0x45: {  	_ =	shalt  }
0x46: {  	_ =	shalt  }
0x47: {  	_ =	shalt  }
0x48: {  	_ =	shalt  }
0x49: {  	_ =	shalt  }
0x4a: {  	_ =	shalt  }
0x4b: {  	_ =	shalt  }
0x4c: {  	_ =	shalt  }
0x4d: {  	_ =	shalt  }
0x4e: {  	_ =	shalt  }
0x4f: {  	_ =	shalt  }
0x50: {  	_ =	shalt  }
0x51: {  	_ =	shalt  }
0x52: {  	_ =	shalt  }
0x53: {  	_ =	shalt  }
0x54: {  	_ =	shalt  }
0x55: {  	_ =	shalt  }
0x56: {  	_ =	shalt  }
0x57: {  	_ =	shalt  }
0x58: {  	_ =	shalt  }
0x59: {  	_ =	shalt  }
0x5a: {  	_ =	shalt  }
0x5b: {  	_ =	shalt  }
0x5c: {  	_ =	shalt  }
0x5d: {  	_ =	shalt  }
0x5e: {  	_ =	shalt  }
0x5f: {  	_ =	shalt  }
0x60: {  	_ =	shalt  }
0x61: {  	_ =	shalt  }
0x62: {  	_ =	shalt  }
0x63: {  	_ =	shalt  }
0x64: {  	_ =	shalt  }
0x65: {  	_ =	shalt  }
0x66: {  	_ =	shalt  }
0x67: {  	_ =	shalt  }
0x68: {  	_ =	shalt  }
0x69: {  	_ =	shalt  }
0x6a: {  	_ =	shalt  }
0x6b: {  	_ =	shalt  }
0x6c: {  	_ =	shalt  }
0x6d: {  	_ =	shalt  }
0x6e: {  	_ =	shalt  }
0x6f: {  	_ =	shalt  }
0x70: {  	_ =	shalt  }
0x71: {  	_ =	shalt  }
0x72: {  	_ =	shalt  }
0x73: {  	_ =	shalt  }
0x74: {  	_ =	shalt  }
0x75: {  	_ =	shalt  }
0x76: {  	_ =	shalt  }
0x77: {  	_ =	shalt  }
0x78: {  	_ =	shalt  }
0x79: {  	_ =	shalt  }
0x7a: {  	_ =	shalt  }
0x7b: {  	_ =	shalt  }
0x7c: {  	_ =	shalt  }
0x7d: {  	_ =	shalt  }
0x7e: {  	_ =	shalt  }
0x7f: {  	_ =	shalt  }
0x80: {  	_ =	shalt  }
0x81: {  	_ =	shalt  }
0x82: {  	_ =	shalt  }
0x83: {  	_ =	shalt  }
0x84: {  	_ =	shalt  }
0x85: {  	_ =	shalt  }
0x86: {  	_ =	shalt  }
0x87: {  	_ =	shalt  }
.Lfunc_end0:
.L_simem_size_0:
called_computation_lowered:
.L_overlay_start_0:
0x88: {  	s2 =	sld [smem:$0x3FD9]  }
0x89: {  	s3 =	sld [smem:$0x3FFE];
	_ =	sdelay $0x1  }
0x8a: {  	s1 =	srdreg.scid  }
0x8b: {  	s0 =	sand.u32 $0x1, s1  }
0x8c: {  	s17 =	sshll.u32 s0, $0xA;
	s2 =	sadd.s32 s3, s2  }
0x8d: {  	s2 =	sadd.s32 s2, s17  }
0x8e: {  	[smem:$0x3FBA] =	sst s2  }
0x8f: {  	_ = 	snop  }
0x90: {  	(tm) =	ssettm $0x1  }
0x91: {  	s18 =	sld [smem:$0x3FFB];
	_ =	sdelay $0x3  }
0x92: {  	_ =	strace s18  }
0x93: {  	s2 =	sld [smem:$0x3FFC];
	_ =	sdelay $0x3  }
0x94: {  	_ =	strace s2  }
0x95: {  	s2 =	sld [smem:$0x3FFD];
	_ =	sdelay $0x3  }
0x96: {  	_ =	strace s2  }
0x97: {  	_ =	strace $0x8FFFFFFF  }
0x98: {  	s19 =	sld [smem:$0x3FDB];
	_ =	sdelay $0x1  }
0x99: {  	s20 =	simm.s32 $_scs_section_size  }
0x9a: {  	s4 =	simm.s32 $_size__tile_overlayer_lowered;
	s5 =	simm.s32 $_tile_overlayer_lowered  }
0x9b: {  	s6 =	simm.s32 $0x1BFF;
	s21 =	sshll.u32 s5, $0x1;
	s3 =	sadd.s32 s20, s19  }
0x9c: {  	s22 =	simm.s32 $0x0;
	s4 =	sshll.u32 s4, $0x1;
	s5 =	sadd.s32 s21, s3  }
0x9d: {  	[timem:s22], [sflag:s6] =	dma.local [hbm:s5], s4  }
0x9e: {  	_ =	swait.ge [sflag:s6], s4  }
0x9f: {  	s4 =	ssub.s32 $0x0, s4;
	[sflag:s6] =	ssyncset.done $0x0  }
0xa0: {  	[sflag:s6] =	ssyncadd.s32 s4;
	_ =	sdelay $0x1  }
0xa1: {  	s23 =	simm.s32 $0x1B8B  }
0xa2: {  	_ =	swait.ge [sflag:s23], $0x1  }
0xa3: {  	[sflag:s23] =	ssyncset.done $0x0  }
0xa4: {  	[sflag:s23] =	ssyncadd.s32 $0xFFFFFFFF  }
0xa5: {  	s4 =	sld [smem:$0x0]  }
0xa6: {  	s5 =	sand.u32 $0xFFFFFFFE, s1  }
0xa7: {  	p0 =	sne.s32 s1, s5  }
0xa8: {  	s5 =	sshll.u32 @p0 s5, $0xE  }
0xa9: {  	s5 =	sadd.s32 @p0 $0x11B8D, s5;
	s6 =	sshll.u32 @p0 s4, $0x11  }
0xaa: {  	s5 =	sor.u32 @p0 s6, s5  }
0xab: {  	[sflag:s5] =	ssyncadd.remote.s32 @p0 $0x1;
	_ =	sdelay $0x1  }
0xac: {  	s5 =	simm.s32 @p0 $0x1B8D  }
0xad: {  	_ =	swait.eq @p0 [sflag:s5], $0x1  }
0xae: {  	[sflag:s5] =	ssyncadd.s32 @p0 $0xFFFFFFFF  }
0xaf: {  	s6 =	sshll.u32 @!p0 s1, $0xE  }
0xb0: {  	s6 =	sor.u32 @!p0 $0x4000, s6;
	s5 =	simm.s32 @!p0 $0x1B8D  }
0xb1: {  	s4 =	sshll.u32 @!p0 s4, $0x11;
	s6 =	sadd.s32 @!p0 $0x11B8D, s6;
	_ =	swait.eq @!p0 [sflag:s5], $0x1  }
0xb2: {  	s4 =	sor.u32 @!p0 s4, s6;
	[sflag:s5] =	ssyncadd.s32 @!p0 $0xFFFFFFFF  }
0xb3: {  	s25 =	simm.s32 $0x1B8E;
	s24 =	sld [smem:$0x3FFE];
	[sflag:s4] =	ssyncadd.remote.s32 @!p0 $0x1  }
0xb4: {  	s26 =	simm.s32 $execute0_lowered;
	[smem:$0x3FD2] =	sst s25  }
0xb5: {  	s5 =	sshll.u32 s26, $0x1;
	_ =	strace $0x80000049;
	[dreg:$0x1] =	wrdreg $0xFFFFFFFF  }
0xb6: {  	s28 =	simm.s32 $_size_execute0_lowered;
	s3 =	sadd.s32 s3, s5;
	[dreg:$0x0] =	wrdreg $0x0  }
0xb7: {  	s5 =	sshll.u32 s28, $0x1;
	[dreg:$0x2] =	wrdreg s3  }
0xb8: {  	[dreg:$0x3] =	wrdreg s5  }
0xb9: {  	[dreg:$0x4] =	wrdreg $0xC0  }
0xba: {  	_ =	task [dreg:s22], $0x5FFFF  }
0xbb: {  	[dreg:$0x1] =	wrdreg $0xFFFFFFFF  }
0xbc: {  	[dreg:$0x0] =	wrdreg $0x60  }
0xbd: {  	[dreg:$0x2] =	wrdreg s24  }
0xbe: {  	[dreg:$0x3] =	wrdreg $0xA3000  }
0xbf: {  	[dreg:$0x4] =	wrdreg $0x9  }
0xc0: {  	_ =	task.clear_ibuf [dreg:s22], $0x5FFFF;
	_ =	strace $0x90000049  }
0xc1: {  	s29 =	simm.s32 $0x9;
	_ =	strace $0x8000004B  }
0xc2: {  	_ =	swait.ge [sflag:s29], $0x1  }
0xc3: {  	[sflag:s29] =	ssyncadd.s32 $0xFFFFFFFF  }
0xc4: {  	_ =	strace $0x9000004B  }
0xc5: {  	_ =	sfence  }
0xc6: {  	s30 =	sld [smem:$0x0];
	_ =	sdelay $0x2  }
0xc7: {  	s31 =	sshll.u32 s1, $0xD;
	s1 =	sshrl.u32 s1, $0x2  }
0xc8: {  	s4 =	sand.u32 $0x4000, s31;
	s1 =	sadd.s32 s1, s30  }
0xc9: {  	s0 =	sor.u32 s4, s0;
	s1 =	sshll.u32 s1, $0x11  }
0xca: {  	s0 =	sor.u32 s1, s0  }
0xcb: {  	s0 =	sadd.s32 $0x8F2B, s0  }
0xcc: {  	[sflag:s0] =	ssyncadd.remote.s32 $0x1  }
0xcd: {  	_ =	sfence.sel $0xFFFF  }
0xce: {  	[dreg:$0x0] =	wrdreg $0xFFFFFFFF;
	(pc) =	sbr.abs _section_cstart, $3  }
0xcf: {  	[dreg:$0x1] =	wrdreg $0xFFFFFFFF  }
0xd0: {  	_ =	task.clear_ibuf [dreg:s22], $0x2FFFF;
	_ =	strace $0x9FFFFFFF  }
0xd1: {  	(tm) =	ssettm $0x7FFFFFFF  }
tec
execute0_lowered:
.L_overlay_start_1:
0x0: {  	(tag) =	ssettag $0x1  }
0x1: {  	s0 =	rddreg [dreg:$0x0]  }
0x2: {  	s1 =	rddreg [dreg:$0x1];
	s3 =	simm.s32 $0x0;
	s13 =	stileid.u32  }
0x3: {  	s2 =	srdreg.scid;
	s28 =	simm.s32 $0x300;
	s30 =	simm.s32 $0x80  }
0x4: {  	s31 =	simm.s32 $0x180;
	s29 =	simm.s32 $0x5300;
	[smem:$0x7FF] =	sst s3  }
0x5: {  	s4 =	sadd.s32 $0x4200, s0;
	s9 =	smul.u32 $0x2800, s13;
	s2 =	sand.u32 $0x1, s2  }
0x6: {  	s5 =	sadd.s32 $0x36600, s0;
	s6 =	sadd.s32 $0x9200, s0;
	s7 =	sadd.s32 $0xB3600, s0  }
0x7: {  	s8 =	sadd.s32 $0x36200, s0;
	s14 =	sshll.u32 s13, $0x1;
	s12 =	smul.u32 $0x50000, s13  }
0x8: {  	s17 =	sshll.u32 s13, $0x6;
	s13 =	simm.s32 $0x4;
	_ =	strace $0x8000004A  }
0x9: {  	s10 =	smul.u32 $0x28000, s2;
	s15 =	ssub.s32 $0x2, s2;
	s2 =	sor.u32 s2, s14  }
0xa: {  	s14 =	simm.s32 $0x6;
	s11 =	sadd.s32 s9, s0;
	s16 =	sshrl.u32 s15, $0x1  }
0xb: {  	s2 =	smul.u32 $0x1400, s2;
	s12 =	sshrl.u32 s12, $0x2;
	s9 =	sadd.s32 s9, s10  }
0xc: {  	s12 =	sadd.s32 s12, s1;
	s11 =	sadd.s32 $0x3B600, s11;
	s0 =	sadd.s32 s9, s0  }
0xd: {  	s9 =	ssub.s32 s15, s16;
	[dreg:$0x3] =	wrdreg s11;
	s16 =	sor.u32 $0x1C07, s17  }
0xe: {  	s18 =	sshrl.u32 s2, $0x3;
	s17 =	sor.u32 $0xA0, s2;
	s11 =	simm.s32 $0x3  }
0xf: {  	s15 =	simm.s32 $0x0;
	s19 =	sadd.s32 s4, s18;
	s20 =	sadd.s32 s5, s18  }
0x10: {  	s21 =	sor.u32 $0xA, s18;
	s22 =	sadd.s32 s6, s18;
	[dreg:$0x4] =	wrdreg s19  }
0x11: {  	s18 =	sor.u32 $0xF0, s2;
	s0 =	sadd.s32 $0xDB600, s0;
	[dreg:$0x5] =	wrdreg s20  }
0x12: {  	s26 =	smax.u32 s9, $0x1;
	s2 =	simm.s32 $0x2;
	[dreg:$0x6] =	wrdreg s22  }
0x13: {  	s9 =	simm.s32 $0x7B00;
	s23 =	sadd.s32 s4, s21;
	[dreg:$0xa] =	wrdreg s0  }
.Ltmp0:
0x14: {  	s24 =	sadd.s32 s5, s21;
	[dreg:$0xb] =	wrdreg s26;
	(pc) =	sbr.rel .LBB2_1-.Ltmp0, $4  }
0x15: {  	s25 =	sadd.s32 s6, s21;
	s19 =	sshrl.u32 s12, $0x3;
	[dreg:$0x7] =	wrdreg s23  }
0x16: {  	s22 =	simm.s32 $0x7;
	s26 =	simm.s32 $0x50;
	[dreg:$0x8] =	wrdreg s24  }
0x17: {  	s0 =	simm.s32 $0x280;
	s12 =	simm.s32 $0x5;
	[dreg:$0x9] =	wrdreg s25  }
0x18: {  	s24 =	simm.s32 $0x200;
	s25 =	simm.s32 $0x1;
	[dreg:$0xc] =	wrdreg s19  }
.LBB2_8:
0x19: {  	[bflag:$0x0] =	sbarrier.arrive $0xFFFF  }
0x1a: {  	s10 =	rddreg [dreg:$0xa]  }
0x1b: {  	s19 =	rddreg [dreg:$0xc]  }
0x1c: {  	[hbm:s10], [sflag:s21] =	dma.local [spmem:s19], $0x2800  }
0x1d: {  	_ =	swait.ge [sflag:s22], $0x2800  }
0x1e: {  	s15 =	sadd.s32 $0x1, s15;
	s23 =	rddreg [dreg:$0xb]  }
0x1f: {  	p0 =	sne.s32 s15, s23  }
.Ltmp1:
0x20: {  	_ = 	snop;
	(pc) =	sbr.rel @!p0 .LBB2_9-.Ltmp1, $3  }
0x21: {  	_ =	sdelay $0x1  }
0x22: {  	[sflag:s22] =	ssyncset.done $0x0  }
0x23: {  	s16 =	smov.u32 s21;
	[sflag:s22] =	ssyncadd.s32 $0xFFFFD800  }
.LBB2_1:
0x24: {  	s10 =	rddreg [dreg:$0x3]  }
0x25: {  	[spmem:s19], [sflag:s16] =	dma.local [hbm:s10], $0x2800  }
0x26: {  	_ =	swait.ge [sflag:s22], $0x2800  }
0x27: {  	[sflag:s22] =	ssyncset.done $0x0  }
0x28: {  	[sflag:s22] =	ssyncadd.s32 $0xFFFFD800  }
0x29: {  	[bflag:$0x0] =	sbarrier.arrive $0xFFFF  }
0x2a: {  	s23 =	rddreg [dreg:$0x4]  }
0x2b: {  	[tilespmem:s3], [sflag:$0x1] =	stream.linear.gather [hbm4b:s23+s3], $0x50, $0x38;
	[tilespmem:$0x1E300] =	vst v63  }
0x2c: {  	s21 =	smov.u32 s16;
	s19 =	simm.s32 $0x100;
	s16 =	rddreg [dreg:$0x5]  }
0x2d: {  	[tilespmem:s19], [sflag:$0x1] =	stream.linear.gather [hbm4b:s16+s3], $0x50, $0x38;
	[tilespmem:$0x1E300] =	vst v63  }
0x2e: {  	s20 =	rddreg [dreg:$0x6]  }
0x2f: {  	[tilespmem:s24], [sflag:$0x1] =	stream.linear.gather [hbm4b:s20+s3], $0x50, $0x38;
	[tilespmem:$0x1E300] =	vst v63  }
0x30: {  	_ =	swait.ge [sflag:s25], $0x50  }
0x31: {  	[sflag:s25] =	ssyncset.done $0x0  }
0x32: {  	[sflag:s25] =	ssyncadd.s32 $0xFFFFFFB0  }
0x33: {  	_ =	swait.ge [sflag:s25], $0x50  }
0x34: {  	[sflag:s25] =	ssyncset.done $0x0  }
0x35: {  	[sflag:s25] =	ssyncadd.s32 $0xFFFFFFB0  }
0x36: {  	_ =	swait.ge [sflag:s25], $0x50  }
0x37: {  	[sflag:s25] =	ssyncset.done $0x0  }
0x38: {  	[sflag:s25] =	ssyncadd.s32 $0xFFFFFFB0  }
0x39: {  	[tilespmem:s28], [sflag:$0x3] =	stream.indirect.gather [hbm4b:s7+s26], $0x80, s3, s26, $0xb8;
	[tilespmem:$0x1E300] =	vst v63  }
0x3a: {  	s23 =	simm.s32 $0x2B00  }
0x3b: {  	[tilespmem:s23], [sflag:$0x5] =	stream.indirect.gather [hbm4b:s8+s26], $0x80, s19, s26, $0xb8;
	[tilespmem:$0x1E300] =	vst v63  }
0x3c: {  	s19 =	rddreg [dreg:$0x7]  }
0x3d: {  	[tilespmem:s30], [sflag:$0x2] =	stream.linear.gather [hbm4b:s19+s3], $0x50, $0x38;
	[tilespmem:$0x1E300] =	vst v63  }
0x3e: {  	s20 =	rddreg [dreg:$0x8]  }
0x3f: {  	[tilespmem:s31], [sflag:$0x2] =	stream.linear.gather [hbm4b:s20+s3], $0x50, $0x38;
	[tilespmem:$0x1E300] =	vst v63  }
0x40: {  	s16 =	simm.s32 $0x0;
	s23 =	rddreg [dreg:$0x9]  }
0x41: {  	[tilespmem:s0], [sflag:$0x2] =	stream.linear.gather [hbm4b:s23+s3], $0x50, $0x38;
	[tilespmem:$0x1E300] =	vst v63  }
.LBB2_2:
0x42: {  	_ =	swait.ge [sflag:s2], $0x50  }
0x43: {  	[sflag:s2] =	ssyncset.done $0x0  }
0x44: {  	[sflag:s2] =	ssyncadd.s32 $0xFFFFFFB0  }
0x45: {  	_ =	swait.ge [sflag:s2], $0x50  }
0x46: {  	[sflag:s2] =	ssyncset.done $0x0  }
0x47: {  	[sflag:s2] =	ssyncadd.s32 $0xFFFFFFB0  }
0x48: {  	_ =	swait.ge [sflag:s2], $0x50  }
0x49: {  	[sflag:s2] =	ssyncset.done $0x0  }
0x4a: {  	[sflag:s2] =	ssyncadd.s32 $0xFFFFFFB0  }
0x4b: {  	[tilespmem:s29], [sflag:$0x4] =	stream.indirect.gather [hbm4b:s7+s26], $0x80, s30, s26, $0xb8;
	[tilespmem:$0x1E300] =	vst v63  }
0x4c: {  	_ = 	snop  }
0x4d: {  	[tilespmem:s9], [sflag:$0x6] =	stream.indirect.gather [hbm4b:s8+s26], $0x80, s31, s26, $0xb8;
	[tilespmem:$0x1E300] =	vst v63  }
0x4e: {  	_ =	swait.ge [sflag:s11], $0x2800  }
0x4f: {  	[sflag:s11] =	ssyncset.done $0x0  }
0x50: {  	[sflag:s11] =	ssyncadd.s32 $0xFFFFD800  }
0x51: {  	_ =	swait.ge [sflag:s12], $0x2800  }
0x52: {  	[sflag:s12] =	ssyncset.done $0x0  }
0x53: {  	s23 =	simm.s32 $0x0;
	[sflag:s12] =	ssyncadd.s32 $0xFFFFD800  }
0x54: {  	v7 =	vld [tilespmem:s23+$0x2B00]  }
0x55: {  	v11 =	vld [tilespmem:s23+$0x2B10]  }
0x56: {  	v5 =	vld [tilespmem:s23+$0x2B20]  }
0x57: {  	v4 =	vld [tilespmem:s23+$0x2B30]  }
0x58: {  	v3 =	vld [tilespmem:s23+$0x2B40]  }
0x59: {  	v2 =	vld [tilespmem:s23+$0x2B50]  }
0x5a: {  	v1 =	vld [tilespmem:s23+$0x2B60]  }
0x5b: {  	v0 =	vld [tilespmem:s23+$0x2B70]  }
0x5c: {  	v12 =	vld [tilespmem:s23+$0x300]  }
0x5d: {  	v13 =	vld [tilespmem:s23+$0x310]  }
0x5e: {  	v10 =	vld [tilespmem:s23+$0x320]  }
0x5f: {  	v9 =	vld [tilespmem:s23+$0x330]  }
0x60: {  	v8 =	vld [tilespmem:s23+$0x340]  }
0x61: {  	v6 =	vld [tilespmem:s23+$0x350];
	v12 =	vmul.f32 v7, v12  }
0x62: {  	s19 =	simm.s32 $0x200;
	v11 =	vmul.f32 v11, v13;
	v7 =	vld [tilespmem:s23+$0x360]  }
.LBB2_3:
0x63: {  	s20 =	sshra.s32 s19, $0x2;
	p0 =	sne.s32 s19, $0x9E00;
	[tilespmem:s23+$0x300] =	vst v12;
	v5 =	vmul.f32 v5, v10;
	v10 =	vld [tilespmem:s23+$0x370]  }
0x64: {  	v12 =	vld [tilespmem:s20+$0x2B00];
	[tilespmem:s23+$0x310] =	vst v11;
	v4 =	vmul.f32 v4, v9  }
0x65: {  	v11 =	vld [tilespmem:s20+$0x2B10];
	[tilespmem:s23+$0x320] =	vst v5;
	v3 =	vmul.f32 v3, v8  }
0x66: {  	v5 =	vld [tilespmem:s20+$0x2B20];
	[tilespmem:s23+$0x330] =	vst v4;
	v2 =	vmul.f32 v2, v6  }
0x67: {  	v4 =	vld [tilespmem:s20+$0x2B30];
	[tilespmem:s23+$0x340] =	vst v3;
	v1 =	vmul.f32 v1, v7  }
0x68: {  	v3 =	vld [tilespmem:s20+$0x2B40];
	[tilespmem:s23+$0x350] =	vst v2;
	v0 =	vmul.f32 v0, v10  }
0x69: {  	v2 =	vld [tilespmem:s20+$0x2B50];
	[tilespmem:s23+$0x360] =	vst v1  }
0x6a: {  	v1 =	vld [tilespmem:s20+$0x2B60];
	[tilespmem:s23+$0x370] =	vst v0;
	s23 =	smov.u32 s20  }
0x6b: {  	v0 =	vld [tilespmem:s23+$0x2B70]  }
0x6c: {  	v6 =	vld [tilespmem:s23+$0x300]  }
0x6d: {  	v7 =	vld [tilespmem:s23+$0x310]  }
.Ltmp2:
0x6e: {  	v10 =	vld [tilespmem:s23+$0x320];
	(pc) =	sbr.rel @p0 .LBB2_3-.Ltmp2, $4  }
0x6f: {  	v9 =	vld [tilespmem:s23+$0x330]  }
0x70: {  	v8 =	vld [tilespmem:s23+$0x340]  }
0x71: {  	v12 =	vmul.f32 v12, v6;
	v6 =	vld [tilespmem:s23+$0x350]  }
0x72: {  	s19 =	sadd.s32 $0x200, s19;
	v11 =	vmul.f32 v11, v7;
	v7 =	vld [tilespmem:s23+$0x360]  }
0x73: {  	[tilespmem:s23+$0x300] =	vst v12;
	v5 =	vmul.f32 v5, v10;
	v10 =	vld [tilespmem:s23+$0x370]  }
0x74: {  	[tilespmem:s23+$0x310] =	vst v11;
	v4 =	vmul.f32 v4, v9  }
0x75: {  	[tilespmem:s23+$0x320] =	vst v5;
	v3 =	vmul.f32 v3, v8  }
0x76: {  	[tilespmem:s23+$0x330] =	vst v4;
	v2 =	vmul.f32 v2, v6  }
0x77: {  	[tilespmem:s23+$0x340] =	vst v3;
	v1 =	vmul.f32 v1, v7  }
0x78: {  	[tilespmem:s23+$0x350] =	vst v2;
	v0 =	vmul.f32 v0, v10  }
0x79: {  	p0 =	seq.s32 s16, $0x1F;
	[tilespmem:s23+$0x360] =	vst v1  }
0x7a: {  	s19 =	smul.u32 @!p0 $0xA0, s16;
	[tilespmem:s23+$0x370] =	vst v0  }
0x7b: {  	[spmem:s1] =	stream.indirect.scatter.add.f32 [tilespmem:s28], [sflag:$0x7], $0x80, s24, s26, $0xb8;
	[tilespmem:$0x1E300] =	vst v63  }
0x7c: {  	s19 =	sadd.s32 @!p0 s19, s17;
	_ =	swait.ge [sflag:s22], $0x2800  }
0x7d: {  	s19 =	sshrl.u32 @!p0 s19, $0x3;
	[sflag:s22] =	ssyncset.done $0x0  }
0x7e: {  	s20 =	sadd.s32 @!p0 s4, s19;
	s23 =	simm.s32 @!p0 $0x0;
	[sflag:s22] =	ssyncadd.s32 $0xFFFFD800  }
0x7f: {  	[tilespmem:s23], [sflag:$0x1] =	stream.linear.gather @!p0 [hbm4b:s20+s23], $0x50, $0x38;
	[tilespmem:$0x1E300] =	vst v63  }
0x80: {  	s10 =	simm.s32 @!p0 $0x100;
	s20 =	sadd.s32 @!p0 s5, s19  }
0x81: {  	[tilespmem:s10], [sflag:$0x1] =	stream.linear.gather @!p0 [hbm4b:s20+s23], $0x50, $0x38;
	[tilespmem:$0x1E300] =	vst v63  }
0x82: {  	s19 =	sadd.s32 @!p0 s6, s19;
	s20 =	simm.s32 @!p0 $0x200  }
0x83: {  	[tilespmem:s20], [sflag:$0x1] =	stream.linear.gather @!p0 [hbm4b:s19+s23], $0x50, $0x38;
	[tilespmem:$0x1E300] =	vst v63  }
0x84: {  	s19 =	simm.s32 @!p0 $0x1  }
0x85: {  	_ =	swait.ge @!p0 [sflag:s19], $0x50  }
0x86: {  	[sflag:s19] =	ssyncset.done @!p0 $0x0  }
0x87: {  	[sflag:s19] =	ssyncadd.s32 @!p0 $0xFFFFFFB0  }
0x88: {  	_ =	swait.ge @!p0 [sflag:s19], $0x50  }
0x89: {  	[sflag:s19] =	ssyncset.done @!p0 $0x0  }
0x8a: {  	[sflag:s19] =	ssyncadd.s32 @!p0 $0xFFFFFFB0  }
0x8b: {  	_ =	swait.ge @!p0 [sflag:s19], $0x50  }
0x8c: {  	[sflag:s19] =	ssyncset.done @!p0 $0x0  }
0x8d: {  	s20 =	simm.s32 @!p0 $0x300;
	[sflag:s19] =	ssyncadd.s32 @!p0 $0xFFFFFFB0;
	s19 =	simm.s32 @!p0 $0x50  }
0x8e: {  	[tilespmem:s20], [sflag:$0x3] =	stream.indirect.gather @!p0 [hbm4b:s7+s19], $0x80, s23, s19, $0xb8;
	[tilespmem:$0x1E300] =	vst v63  }
0x8f: {  	s20 =	simm.s32 @!p0 $0x2B00  }
0x90: {  	[tilespmem:s20], [sflag:$0x5] =	stream.indirect.gather @!p0 [hbm4b:s8+s19], $0x80, s10, s19, $0xb8;
	[tilespmem:$0x1E300] =	vst v63  }
0x91: {  	_ =	swait.ge [sflag:s13], $0x2800  }
0x92: {  	[sflag:s13] =	ssyncset.done $0x0  }
0x93: {  	[sflag:s13] =	ssyncadd.s32 $0xFFFFD800  }
0x94: {  	_ =	swait.ge [sflag:s14], $0x2800  }
0x95: {  	[sflag:s14] =	ssyncset.done $0x0  }
0x96: {  	s23 =	simm.s32 $0x0;
	[sflag:s14] =	ssyncadd.s32 $0xFFFFD800  }
0x97: {  	v7 =	vld [tilespmem:s23+$0x7B00]  }
0x98: {  	v11 =	vld [tilespmem:s23+$0x7B10]  }
0x99: {  	v5 =	vld [tilespmem:s23+$0x7B20]  }
0x9a: {  	v4 =	vld [tilespmem:s23+$0x7B30]  }
0x9b: {  	v3 =	vld [tilespmem:s23+$0x7B40]  }
0x9c: {  	v2 =	vld [tilespmem:s23+$0x7B50]  }
0x9d: {  	v1 =	vld [tilespmem:s23+$0x7B60]  }
0x9e: {  	v0 =	vld [tilespmem:s23+$0x7B70]  }
0x9f: {  	v12 =	vld [tilespmem:s23+$0x5300]  }
0xa0: {  	v13 =	vld [tilespmem:s23+$0x5310]  }
0xa1: {  	v10 =	vld [tilespmem:s23+$0x5320]  }
0xa2: {  	v9 =	vld [tilespmem:s23+$0x5330]  }
0xa3: {  	v8 =	vld [tilespmem:s23+$0x5340]  }
0xa4: {  	v6 =	vld [tilespmem:s23+$0x5350];
	v12 =	vmul.f32 v7, v12  }
0xa5: {  	s19 =	simm.s32 $0x200;
	v11 =	vmul.f32 v11, v13;
	v7 =	vld [tilespmem:s23+$0x5360]  }
.LBB2_5:
0xa6: {  	s10 =	sshra.s32 s19, $0x2;
	p1 =	sne.s32 s19, $0x9E00;
	[tilespmem:s23+$0x5300] =	vst v12;
	v5 =	vmul.f32 v5, v10;
	v10 =	vld [tilespmem:s23+$0x5370]  }
0xa7: {  	v12 =	vld [tilespmem:s10+$0x7B00];
	[tilespmem:s23+$0x5310] =	vst v11;
	v4 =	vmul.f32 v4, v9  }
0xa8: {  	v11 =	vld [tilespmem:s10+$0x7B10];
	[tilespmem:s23+$0x5320] =	vst v5;
	v3 =	vmul.f32 v3, v8  }
0xa9: {  	v5 =	vld [tilespmem:s10+$0x7B20];
	[tilespmem:s23+$0x5330] =	vst v4;
	v2 =	vmul.f32 v2, v6  }
0xaa: {  	v4 =	vld [tilespmem:s10+$0x7B30];
	[tilespmem:s23+$0x5340] =	vst v3;
	v1 =	vmul.f32 v1, v7  }
0xab: {  	v3 =	vld [tilespmem:s10+$0x7B40];
	[tilespmem:s23+$0x5350] =	vst v2;
	v0 =	vmul.f32 v0, v10  }
0xac: {  	v2 =	vld [tilespmem:s10+$0x7B50];
	[tilespmem:s23+$0x5360] =	vst v1  }
0xad: {  	v1 =	vld [tilespmem:s10+$0x7B60];
	[tilespmem:s23+$0x5370] =	vst v0;
	s23 =	smov.u32 s10  }
0xae: {  	v0 =	vld [tilespmem:s23+$0x7B70]  }
0xaf: {  	v6 =	vld [tilespmem:s23+$0x5300]  }
0xb0: {  	v7 =	vld [tilespmem:s23+$0x5310]  }
.Ltmp3:
0xb1: {  	v10 =	vld [tilespmem:s23+$0x5320];
	(pc) =	sbr.rel @p1 .LBB2_5-.Ltmp3, $4  }
0xb2: {  	v9 =	vld [tilespmem:s23+$0x5330]  }
0xb3: {  	v8 =	vld [tilespmem:s23+$0x5340]  }
0xb4: {  	v12 =	vmul.f32 v12, v6;
	v6 =	vld [tilespmem:s23+$0x5350]  }
0xb5: {  	s19 =	sadd.s32 $0x200, s19;
	v11 =	vmul.f32 v11, v7;
	v7 =	vld [tilespmem:s23+$0x5360]  }
0xb6: {  	[tilespmem:s23+$0x5300] =	vst v12;
	v5 =	vmul.f32 v5, v10;
	v63 =	vld [tilespmem:s23+$0x5370]  }
0xb7: {  	[tilespmem:s23+$0x5310] =	vst v11;
	v4 =	vmul.f32 v4, v9  }
0xb8: {  	[tilespmem:s23+$0x5320] =	vst v5;
	v3 =	vmul.f32 v3, v8  }
0xb9: {  	[tilespmem:s23+$0x5330] =	vst v4;
	v2 =	vmul.f32 v2, v6  }
0xba: {  	[tilespmem:s23+$0x5340] =	vst v3;
	v1 =	vmul.f32 v1, v7  }
0xbb: {  	[tilespmem:s23+$0x5350] =	vst v2;
	v0 =	vmul.f32 v0, v63  }
0xbc: {  	[tilespmem:s23+$0x5360] =	vst v1  }
.Ltmp4:
0xbd: {  	[tilespmem:s23+$0x5370] =	vst v0;
	(pc) =	sbr.rel @p0 .LBB2_8-.Ltmp4, $4  }
0xbe: {  	[spmem:s1] =	stream.indirect.scatter.add.f32 [tilespmem:s29], [sflag:$0x7], $0x80, s0, s26, $0xb8;
	[tilespmem:$0x1E300] =	vst v63  }
0xbf: {  	_ =	swait.ge [sflag:s22], $0x2800  }
0xc0: {  	[sflag:s22] =	ssyncset.done $0x0  }
0xc1: {  	[sflag:s22] =	ssyncadd.s32 $0xFFFFD800  }
0xc2: {  	s10 =	smul.u32 $0xA0, s16;
	_ =	sdelay $0x1  }
0xc3: {  	s10 =	sadd.s32 s10, s18  }
0xc4: {  	s10 =	sshrl.u32 s10, $0x3  }
0xc5: {  	s19 =	sadd.s32 s4, s10  }
0xc6: {  	[tilespmem:s30], [sflag:$0x2] =	stream.linear.gather [hbm4b:s19+s3], $0x50, $0x38;
	[tilespmem:$0x1E300] =	vst v63  }
.Ltmp5:
0xc7: {  	_ = 	snop;
	(pc) =	sbr.rel .LBB2_2-.Ltmp5, $4  }
0xc8: {  	s23 =	sadd.s32 s5, s10  }
0xc9: {  	[tilespmem:s31], [sflag:$0x2] =	stream.linear.gather [hbm4b:s23+s3], $0x50, $0x38;
	[tilespmem:$0x1E300] =	vst v63  }
0xca: {  	s16 =	sadd.s32 $0x1, s16;
	s10 =	sadd.s32 s6, s10  }
0xcb: {  	[tilespmem:s0], [sflag:$0x2] =	stream.linear.gather [hbm4b:s10+s3], $0x50, $0x38;
	[tilespmem:$0x1E300] =	vst v63  }
.LBB2_9:
0xcc: {  	_ =	sfence.sel $0x180000  }
0xcd: {  	[bflag:$0x0] =	sbarrier.arrive $0xFFFF  }
0xce: {  	_ =	strace $0x9000004A  }
0xcf: {  	s0 =	stileid.u32;
	[bflag:$0x2] =	sbarrier.arrive $0xFFFF  }
0xd0: {  	p0 =	sne.s32 s0, $0x0;
	s0 =	rddreg [dreg:$0x2]  }
0xd1: {  	s0 =	sadd.s32 @!p0 $0x100000, s0  }
0xd2: {  	[sflag:s0] =	ssyncadd.tile.s32 @!p0 $0x1;
	_ =	shalt  }
.Lfunc_end2:
_tile_overlayer_lowered:
.L_overlay_start_2:
0xd3: {  	(tag) =	ssettag $0x2  }
0xd4: {  	s0 =	rddreg [dreg:$0x0];
	s2 =	stileid.u32  }
0xd5: {  	s1 =	rddreg [dreg:$0x1];
	p0 =	sne.s32 s2, $0x0  }
0xd6: {  	s3 =	rddreg [dreg:$0x2];
	[bflag:$0x3] =	sbarrier.arrive $0xFFFF;
	s2 =	simm.s32 @!p0 $0x1C07  }
0xd7: {  	[timem:s3], [sflag:s2] =	dma.local @!p0 [hbm:s0], s1  }
0xd8: {  	s0 =	simm.s32 @!p0 $0x7  }
0xd9: {  	_ =	swait.ge @!p0 [sflag:s0], s1  }
0xda: {  	s1 =	ssub.s32 @!p0 $0x0, s1;
	[sflag:s0] =	ssyncset.done @!p0 $0x0  }
0xdb: {  	[sflag:s0] =	ssyncadd.s32 @!p0 s1  }
0xdc: {  	[bflag:$0x3] =	sbarrier.arrive $0xFFFF  }
0xdd: {  	_ =	shalt  }

// kernel: _run.17.cloned.1.call-start
scs
__scs_entry_jumppad:
0x0: {  	(pc) =	sbr.rel $0x88, $3  }
0x1: {  	(tag) =	ssettag $0x0;
	lr =	simm.s32 $0x1  }
0x2: {  	[smem:$0x3F93] =	sst lr;
	_ =	strace $0xD0000000  }
0x3: {  	_ = 	snop  }
0x4: {  	_ = 	snop  }
0x5: {  	_ = 	snop  }
0x6: {  	_ = 	snop  }
0x7: {  	_ = 	snop  }
__scs_overlays_trampoline_lowered:
0x8: {  	[smem:$0x3FA2] =	sst s0  }
0x9: {  	[smem:$0x3FA3] =	sst s1  }
0xa: {  	[smem:$0x3FA4] =	sst s2  }
0xb: {  	[smem:$0x3FA5] =	sst s3  }
0xc: {  	[smem:$0x3FA6] =	sst s4  }
0xd: {  	[smem:$0x3FA7] =	sst s5  }
0xe: {  	[smem:$0x3FA8] =	sst s6  }
0xf: {  	[smem:$0x3FA9] =	sst s7  }
0x10: {  	[smem:$0x3FAA] =	sst s8  }
0x11: {  	[smem:$0x3FAB] =	sst s9;
	s0 =	simm.s32 @!p0 $0x0  }
0x12: {  	s1 =	sld [smem:$0x3F91];
	s0 =	simm.s32 @p0 $0x1  }
0x13: {  	[smem:$0x3FAC] =	sst s0;
	s0 =	simm.s32 @!p1 $0x0  }
0x14: {  	s2 =	sld [smem:$0x3F90];
	s0 =	simm.s32 @p1 $0x1  }
0x15: {  	[smem:$0x3FAD] =	sst s0;
	s0 =	simm.s32 @!p2 $0x0  }
0x16: {  	s3 =	sld [smem:$0x3FDB];
	s0 =	simm.s32 @p2 $0x1  }
0x17: {  	s4 =	simm.s32 $0x1BF5;
	[smem:$0x3FAF] =	sst s0  }
0x18: {  	s0 =	sld [smem:$0x3F92];
	_ =	swait.ge [sflag:s4], $0x0  }
0x19: {  	s7 =	sld [smem:$0x3F93]  }
0x1a: {  	s8 =	sadd.s32 $0xFFFFE003, lr  }
0x1b: {  	s9 =	sadd.s32 $0xFFFFFEF7, lr;
	s5 =	simm.s32 $0xFFFFFFFF;
	p2 =	slt.u32 s8, $0xFFFFF086  }
0x1c: {  	p1 =	slt.u32 s9, $0xF7A;
	s5 =	simm.s32 @!p2 $0x0  }
0x1d: {  	s5 =	simm.s32 @p1 $0x1;
	p0 =	seq.s32 s7, s2  }
0x1e: {  	s7 =	smul.u32 @!p0 $0xF7A, s2;
	p2 =	seq.s32 @!p0 s5, $0x0  }
0x1f: {  	s9 =	smul.u32 $0xF7A, s1;
	s8 =	simm.s32 @!p0 $0x1BF5;
	p2 =	por !p2, p0  }
0x20: {  	[sflag:s8] =	ssyncset.s32 @!p0 $0xFFFFF086;
	s6 =	sadd.s32 @!p0 s3, s7;
	s7 =	simm.s32 @!p0 $0x108  }
0x21: {  	s3 =	sadd.s32 s3, s9;
	s6 =	sadd.s32 @!p0 $0x88, s6;
	s7 =	simm.s32 @p2 $0x1082  }
0x22: {  	[simem:s7], [sflag:s8] =	dma.local @!p0 [hbm:s6], $0xF7A  }
0x23: {  	s9 =	sor.u32 $0xD0000000, s2;
	s6 =	simm.s32 $0x108;
	_ =	swait.ge @!p0 [sflag:s8], $0x0  }
0x24: {  	s3 =	sadd.s32 $0x88, s3;
	s6 =	simm.s32 @!p1 $0x1082;
	[sflag:s4] =	ssyncset.s32 $0xFFFFF086  }
0x25: {  	[simem:s6], [sflag:s4] =	dma.local [hbm:s3], $0xF7A  }
0x26: {  	[smem:$0x3F93] =	sst s1;
	(tag) =	ssettag s2;
	_ =	strace s9  }
0x27: {  	s1 =	sld [smem:$0x3FA3]  }
0x28: {  	s2 =	sld [smem:$0x3FA4]  }
0x29: {  	s4 =	sld [smem:$0x3FA6]  }
0x2a: {  	p0 =	seq.s32 s5, $0x0;
	s5 =	sld [smem:$0x3FA7]  }
0x2b: {  	s6 =	sld [smem:$0x3FA8]  }
0x2c: {  	s7 =	sld [smem:$0x3FA9]  }
0x2d: {  	s3 =	simm.s32 $0x108;
	s8 =	sld [smem:$0x3FAA]  }
0x2e: {  	s3 =	simm.s32 @!p0 $0x1082;
	s9 =	sld [smem:$0x3FAB]  }
0x2f: {  	lr =	sadd.s32 s0, s3;
	s0 =	sld [smem:$0x3FA2]  }
0x30: {  	s3 =	sld [smem:$0x3FA5]  }
0x31: {  	[smem:$0x3FAE] =	sst s10  }
0x32: {  	s10 =	sld [smem:$0x3FAC];
	_ =	sdelay $0x3  }
0x33: {  	p0 =	seq.s32 s10, $0x1;
	s10 =	sld [smem:$0x3FAE];
	_ =	sdelay $0x3  }
0x34: {  	[smem:$0x3FAE] =	sst s10  }
0x35: {  	s10 =	sld [smem:$0x3FAD];
	_ =	sdelay $0x3  }
0x36: {  	p1 =	seq.s32 s10, $0x1;
	s10 =	sld [smem:$0x3FAE];
	_ =	sdelay $0x3  }
0x37: {  	[smem:$0x3FAE] =	sst s10  }
0x38: {  	s10 =	sld [smem:$0x3FAF]  }
0x39: {  	_ = 	snop;
	(pc) =	sbr.ind lr, $3  }
0x3a: {  	_ = 	snop  }
0x3b: {  	_ = 	snop  }
0x3c: {  	p2 =	seq.s32 s10, $0x1;
	s10 =	sld [smem:$0x3FAE]  }
0x3d: {  	_ =	shalt  }
0x3e: {  	_ =	shalt  }
0x3f: {  	_ =	shalt  }
0x40: {  	_ =	shalt  }
0x41: {  	_ =	shalt  }
0x42: {  	_ =	shalt  }
0x43: {  	_ =	shalt  }
0x44: {  	_ =	shalt  }
0x45: {  	_ =	shalt  }
0x46: {  	_ =	shalt  }
0x47: {  	_ =	shalt  }
0x48: {  	_ =	shalt  }
0x49: {  	_ =	shalt  }
0x4a: {  	_ =	shalt  }
0x4b: {  	_ =	shalt  }
0x4c: {  	_ =	shalt  }
0x4d: {  	_ =	shalt  }
0x4e: {  	_ =	shalt  }
0x4f: {  	_ =	shalt  }
0x50: {  	_ =	shalt  }
0x51: {  	_ =	shalt  }
0x52: {  	_ =	shalt  }
0x53: {  	_ =	shalt  }
0x54: {  	_ =	shalt  }
0x55: {  	_ =	shalt  }
0x56: {  	_ =	shalt  }
0x57: {  	_ =	shalt  }
0x58: {  	_ =	shalt  }
0x59: {  	_ =	shalt  }
0x5a: {  	_ =	shalt  }
0x5b: {  	_ =	shalt  }
0x5c: {  	_ =	shalt  }
0x5d: {  	_ =	shalt  }
0x5e: {  	_ =	shalt  }
0x5f: {  	_ =	shalt  }
0x60: {  	_ =	shalt  }
0x61: {  	_ =	shalt  }
0x62: {  	_ =	shalt  }
0x63: {  	_ =	shalt  }
0x64: {  	_ =	shalt  }
0x65: {  	_ =	shalt  }
0x66: {  	_ =	shalt  }
0x67: {  	_ =	shalt  }
0x68: {  	_ =	shalt  }
0x69: {  	_ =	shalt  }
0x6a: {  	_ =	shalt  }
0x6b: {  	_ =	shalt  }
0x6c: {  	_ =	shalt  }
0x6d: {  	_ =	shalt  }
0x6e: {  	_ =	shalt  }
0x6f: {  	_ =	shalt  }
0x70: {  	_ =	shalt  }
0x71: {  	_ =	shalt  }
0x72: {  	_ =	shalt  }
0x73: {  	_ =	shalt  }
0x74: {  	_ =	shalt  }
0x75: {  	_ =	shalt  }
0x76: {  	_ =	shalt  }
0x77: {  	_ =	shalt  }
0x78: {  	_ =	shalt  }
0x79: {  	_ =	shalt  }
0x7a: {  	_ =	shalt  }
0x7b: {  	_ =	shalt  }
0x7c: {  	_ =	shalt  }
0x7d: {  	_ =	shalt  }
0x7e: {  	_ =	shalt  }
0x7f: {  	_ =	shalt  }
0x80: {  	_ =	shalt  }
0x81: {  	_ =	shalt  }
0x82: {  	_ =	shalt  }
0x83: {  	_ =	shalt  }
0x84: {  	_ =	shalt  }
0x85: {  	_ =	shalt  }
0x86: {  	_ =	shalt  }
0x87: {  	_ =	shalt  }
.Lfunc_end0:
.L_simem_size_0:
called_computation.1_lowered:
.L_overlay_start_0:
0x88: {  	s2 =	sld [smem:$0x3FD9]  }
0x89: {  	s3 =	sld [smem:$0x3FFE];
	_ =	sdelay $0x1  }
0x8a: {  	s1 =	srdreg.scid  }
0x8b: {  	s0 =	sand.u32 $0x1, s1  }
0x8c: {  	s17 =	sshll.u32 s0, $0xA;
	s2 =	sadd.s32 s3, s2  }
0x8d: {  	s2 =	sadd.s32 s2, s17  }
0x8e: {  	[smem:$0x3FBA] =	sst s2  }
0x8f: {  	_ = 	snop  }
0x90: {  	(tm) =	ssettm $0x1  }
0x91: {  	s18 =	sld [smem:$0x3FFB];
	_ =	sdelay $0x3  }
0x92: {  	_ =	strace s18  }
0x93: {  	s2 =	sld [smem:$0x3FFC];
	_ =	sdelay $0x3  }
0x94: {  	_ =	strace s2  }
0x95: {  	s2 =	sld [smem:$0x3FFD];
	_ =	sdelay $0x3  }
0x96: {  	_ =	strace s2  }
0x97: {  	_ =	strace $0x8FFFFFFF  }
0x98: {  	s19 =	sld [smem:$0x3FDB];
	_ =	sdelay $0x1  }
0x99: {  	s20 =	simm.s32 $_scs_section_size  }
0x9a: {  	s4 =	simm.s32 $_size__tile_overlayer_lowered;
	s5 =	simm.s32 $_tile_overlayer_lowered  }
0x9b: {  	s6 =	simm.s32 $0x1BFF;
	s21 =	sshll.u32 s5, $0x1;
	s3 =	sadd.s32 s20, s19  }
0x9c: {  	s22 =	simm.s32 $0x0;
	s4 =	sshll.u32 s4, $0x1;
	s5 =	sadd.s32 s21, s3  }
0x9d: {  	[timem:s22], [sflag:s6] =	dma.local [hbm:s5], s4  }
0x9e: {  	_ =	swait.ge [sflag:s6], s4  }
0x9f: {  	s4 =	ssub.s32 $0x0, s4;
	[sflag:s6] =	ssyncset.done $0x0  }
0xa0: {  	[sflag:s6] =	ssyncadd.s32 s4;
	_ =	sdelay $0x1  }
0xa1: {  	s23 =	simm.s32 $0x1B8B  }
0xa2: {  	_ =	swait.ge [sflag:s23], $0x1  }
0xa3: {  	[sflag:s23] =	ssyncset.done $0x0  }
0xa4: {  	[sflag:s23] =	ssyncadd.s32 $0xFFFFFFFF  }
0xa5: {  	s4 =	sld [smem:$0x0]  }
0xa6: {  	s5 =	sand.u32 $0xFFFFFFFE, s1  }
0xa7: {  	p0 =	sne.s32 s1, s5  }
0xa8: {  	s5 =	sshll.u32 @p0 s5, $0xE  }
0xa9: {  	s5 =	sadd.s32 @p0 $0x11B8D, s5;
	s6 =	sshll.u32 @p0 s4, $0x11  }
0xaa: {  	s5 =	sor.u32 @p0 s6, s5  }
0xab: {  	[sflag:s5] =	ssyncadd.remote.s32 @p0 $0x1;
	_ =	sdelay $0x1  }
0xac: {  	s5 =	simm.s32 @p0 $0x1B8D  }
0xad: {  	_ =	swait.eq @p0 [sflag:s5], $0x1  }
0xae: {  	[sflag:s5] =	ssyncadd.s32 @p0 $0xFFFFFFFF  }
0xaf: {  	s6 =	sshll.u32 @!p0 s1, $0xE  }
0xb0: {  	s6 =	sor.u32 @!p0 $0x4000, s6;
	s5 =	simm.s32 @!p0 $0x1B8D  }
0xb1: {  	s4 =	sshll.u32 @!p0 s4, $0x11;
	s6 =	sadd.s32 @!p0 $0x11B8D, s6;
	_ =	swait.eq @!p0 [sflag:s5], $0x1  }
0xb2: {  	s4 =	sor.u32 @!p0 s4, s6;
	[sflag:s5] =	ssyncadd.s32 @!p0 $0xFFFFFFFF  }
0xb3: {  	s25 =	simm.s32 $0x1B8E;
	s24 =	sld [smem:$0x3FFE];
	[sflag:s4] =	ssyncadd.remote.s32 @!p0 $0x1  }
0xb4: {  	s26 =	simm.s32 $execute0_lowered;
	[smem:$0x3FD2] =	sst s25  }
0xb5: {  	s5 =	sshll.u32 s26, $0x1;
	_ =	strace $0x8000004F;
	[dreg:$0x1] =	wrdreg $0xFFFFFFFF  }
0xb6: {  	s28 =	simm.s32 $_size_execute0_lowered;
	s3 =	sadd.s32 s3, s5;
	[dreg:$0x0] =	wrdreg $0x0  }
0xb7: {  	s5 =	sshll.u32 s28, $0x1;
	[dreg:$0x2] =	wrdreg s3  }
0xb8: {  	[dreg:$0x3] =	wrdreg s5  }
0xb9: {  	[dreg:$0x4] =	wrdreg $0xC0  }
0xba: {  	_ =	task [dreg:s22], $0x5FFFF  }
0xbb: {  	[dreg:$0x1] =	wrdreg $0xFFFFFFFF  }
0xbc: {  	[dreg:$0x0] =	wrdreg $0x60  }
0xbd: {  	[dreg:$0x2] =	wrdreg s24  }
0xbe: {  	[dreg:$0x3] =	wrdreg $0xA3000  }
0xbf: {  	[dreg:$0x4] =	wrdreg $0x9  }
0xc0: {  	_ =	task.clear_ibuf [dreg:s22], $0x5FFFF;
	_ =	strace $0x9000004F  }
0xc1: {  	s29 =	simm.s32 $0x9;
	_ =	strace $0x80000051  }
0xc2: {  	_ =	swait.ge [sflag:s29], $0x1  }
0xc3: {  	[sflag:s29] =	ssyncadd.s32 $0xFFFFFFFF  }
0xc4: {  	_ =	strace $0x90000051  }
0xc5: {  	_ =	sfence  }
0xc6: {  	s30 =	sld [smem:$0x0];
	_ =	sdelay $0x2  }
0xc7: {  	s31 =	sshll.u32 s1, $0xD;
	s1 =	sshrl.u32 s1, $0x2  }
0xc8: {  	s4 =	sand.u32 $0x4000, s31;
	s1 =	sadd.s32 s1, s30  }
0xc9: {  	s0 =	sor.u32 s4, s0;
	s1 =	sshll.u32 s1, $0x11  }
0xca: {  	s0 =	sor.u32 s1, s0  }
0xcb: {  	s0 =	sadd.s32 $0x8F2B, s0  }
0xcc: {  	[sflag:s0] =	ssyncadd.remote.s32 $0x1  }
0xcd: {  	_ =	sfence.sel $0xFFFF  }
0xce: {  	[dreg:$0x0] =	wrdreg $0xFFFFFFFF;
	(pc) =	sbr.abs _section_cstart, $3  }
0xcf: {  	[dreg:$0x1] =	wrdreg $0xFFFFFFFF  }
0xd0: {  	_ =	task.clear_ibuf [dreg:s22], $0x2FFFF;
	_ =	strace $0x9FFFFFFF  }
0xd1: {  	(tm) =	ssettm $0x7FFFFFFF  }
tec
execute0_lowered:
.L_overlay_start_1:
0x0: {  	(tag) =	ssettag $0x1  }
0x1: {  	s0 =	rddreg [dreg:$0x0]  }
0x2: {  	s1 =	rddreg [dreg:$0x1];
	s3 =	simm.s32 $0x0;
	s13 =	stileid.u32  }
0x3: {  	s2 =	srdreg.scid;
	s28 =	simm.s32 $0x300;
	s30 =	simm.s32 $0x80  }
0x4: {  	s31 =	simm.s32 $0x180;
	s29 =	simm.s32 $0x5300;
	[smem:$0x7FF] =	sst s3  }
0x5: {  	s4 =	sadd.s32 $0x4200, s0;
	s9 =	smul.u32 $0x2800, s13;
	s2 =	sand.u32 $0x1, s2  }
0x6: {  	s5 =	sadd.s32 $0x36600, s0;
	s6 =	sadd.s32 $0x9200, s0;
	s7 =	sadd.s32 $0xB3600, s0  }
0x7: {  	s8 =	sadd.s32 $0x36400, s0;
	s14 =	sshll.u32 s13, $0x1;
	s12 =	smul.u32 $0x50000, s13  }
0x8: {  	s17 =	sshll.u32 s13, $0x6;
	s13 =	simm.s32 $0x4;
	_ =	strace $0x80000050  }
0x9: {  	s10 =	smul.u32 $0x28000, s2;
	s15 =	ssub.s32 $0x2, s2;
	s2 =	sor.u32 s2, s14  }
0xa: {  	s14 =	simm.s32 $0x6;
	s11 =	sadd.s32 s9, s0;
	s16 =	sshrl.u32 s15, $0x1  }
0xb: {  	s2 =	smul.u32 $0x1400, s2;
	s12 =	sshrl.u32 s12, $0x2;
	s9 =	sadd.s32 s9, s10  }
0xc: {  	s12 =	sadd.s32 s12, s1;
	s11 =	sadd.s32 $0x3B600, s11;
	s0 =	sadd.s32 s9, s0  }
0xd: {  	s9 =	ssub.s32 s15, s16;
	[dreg:$0x3] =	wrdreg s11;
	s16 =	sor.u32 $0x1C07, s17  }
0xe: {  	s18 =	sshrl.u32 s2, $0x3;
	s17 =	sor.u32 $0xA0, s2;
	s11 =	simm.s32 $0x3  }
0xf: {  	s15 =	simm.s32 $0x0;
	s19 =	sadd.s32 s4, s18;
	s20 =	sadd.s32 s5, s18  }
0x10: {  	s21 =	sor.u32 $0xA, s18;
	s22 =	sadd.s32 s6, s18;
	[dreg:$0x4] =	wrdreg s19  }
0x11: {  	s18 =	sor.u32 $0xF0, s2;
	s0 =	sadd.s32 $0xDB600, s0;
	[dreg:$0x5] =	wrdreg s20  }
0x12: {  	s26 =	smax.u32 s9, $0x1;
	s2 =	simm.s32 $0x2;
	[dreg:$0x6] =	wrdreg s22  }
0x13: {  	s9 =	simm.s32 $0x7B00;
	s23 =	sadd.s32 s4, s21;
	[dreg:$0xa] =	wrdreg s0  }
.Ltmp0:
0x14: {  	s24 =	sadd.s32 s5, s21;
	[dreg:$0xb] =	wrdreg s26;
	(pc) =	sbr.rel .LBB2_1-.Ltmp0, $4  }
0x15: {  	s25 =	sadd.s32 s6, s21;
	s19 =	sshrl.u32 s12, $0x3;
	[dreg:$0x7] =	wrdreg s23  }
0x16: {  	s22 =	simm.s32 $0x7;
	s26 =	simm.s32 $0x50;
	[dreg:$0x8] =	wrdreg s24  }
0x17: {  	s0 =	simm.s32 $0x280;
	s12 =	simm.s32 $0x5;
	[dreg:$0x9] =	wrdreg s25  }
0x18: {  	s24 =	simm.s32 $0x200;
	s25 =	simm.s32 $0x1;
	[dreg:$0xc] =	wrdreg s19  }
.LBB2_8:
0x19: {  	[bflag:$0x0] =	sbarrier.arrive $0xFFFF  }
0x1a: {  	s10 =	rddreg [dreg:$0xa]  }
0x1b: {  	s19 =	rddreg [dreg:$0xc]  }
0x1c: {  	[hbm:s10], [sflag:s21] =	dma.local [spmem:s19], $0x2800  }
0x1d: {  	_ =	swait.ge [sflag:s22], $0x2800  }
0x1e: {  	s15 =	sadd.s32 $0x1, s15;
	s23 =	rddreg [dreg:$0xb]  }
0x1f: {  	p0 =	sne.s32 s15, s23  }
.Ltmp1:
0x20: {  	_ = 	snop;
	(pc) =	sbr.rel @!p0 .LBB2_9-.Ltmp1, $3  }
0x21: {  	_ =	sdelay $0x1  }
0x22: {  	[sflag:s22] =	ssyncset.done $0x0  }
0x23: {  	s16 =	smov.u32 s21;
	[sflag:s22] =	ssyncadd.s32 $0xFFFFD800  }
.LBB2_1:
0x24: {  	s10 =	rddreg [dreg:$0x3]  }
0x25: {  	[spmem:s19], [sflag:s16] =	dma.local [hbm:s10], $0x2800  }
0x26: {  	_ =	swait.ge [sflag:s22], $0x2800  }
0x27: {  	[sflag:s22] =	ssyncset.done $0x0  }
0x28: {  	[sflag:s22] =	ssyncadd.s32 $0xFFFFD800  }
0x29: {  	[bflag:$0x0] =	sbarrier.arrive $0xFFFF  }
0x2a: {  	s23 =	rddreg [dreg:$0x4]  }
0x2b: {  	[tilespmem:s3], [sflag:$0x1] =	stream.linear.gather [hbm4b:s23+s3], $0x50, $0x38;
	[tilespmem:$0x1E300] =	vst v63  }
0x2c: {  	s21 =	smov.u32 s16;
	s19 =	simm.s32 $0x100;
	s16 =	rddreg [dreg:$0x5]  }
0x2d: {  	[tilespmem:s19], [sflag:$0x1] =	stream.linear.gather [hbm4b:s16+s3], $0x50, $0x38;
	[tilespmem:$0x1E300] =	vst v63  }
0x2e: {  	s20 =	rddreg [dreg:$0x6]  }
0x2f: {  	[tilespmem:s24], [sflag:$0x1] =	stream.linear.gather [hbm4b:s20+s3], $0x50, $0x38;
	[tilespmem:$0x1E300] =	vst v63  }
0x30: {  	_ =	swait.ge [sflag:s25], $0x50  }
0x31: {  	[sflag:s25] =	ssyncset.done $0x0  }
0x32: {  	[sflag:s25] =	ssyncadd.s32 $0xFFFFFFB0  }
0x33: {  	_ =	swait.ge [sflag:s25], $0x50  }
0x34: {  	[sflag:s25] =	ssyncset.done $0x0  }
0x35: {  	[sflag:s25] =	ssyncadd.s32 $0xFFFFFFB0  }
0x36: {  	_ =	swait.ge [sflag:s25], $0x50  }
0x37: {  	[sflag:s25] =	ssyncset.done $0x0  }
0x38: {  	[sflag:s25] =	ssyncadd.s32 $0xFFFFFFB0  }
0x39: {  	[tilespmem:s28], [sflag:$0x3] =	stream.indirect.gather [hbm4b:s7+s26], $0x80, s3, s26, $0xb8;
	[tilespmem:$0x1E300] =	vst v63  }
0x3a: {  	s23 =	simm.s32 $0x2B00  }
0x3b: {  	[tilespmem:s23], [sflag:$0x5] =	stream.indirect.gather [hbm4b:s8+s26], $0x80, s19, s26, $0xb8;
	[tilespmem:$0x1E300] =	vst v63  }
0x3c: {  	s19 =	rddreg [dreg:$0x7]  }
0x3d: {  	[tilespmem:s30], [sflag:$0x2] =	stream.linear.gather [hbm4b:s19+s3], $0x50, $0x38;
	[tilespmem:$0x1E300] =	vst v63  }
0x3e: {  	s20 =	rddreg [dreg:$0x8]  }
0x3f: {  	[tilespmem:s31], [sflag:$0x2] =	stream.linear.gather [hbm4b:s20+s3], $0x50, $0x38;
	[tilespmem:$0x1E300] =	vst v63  }
0x40: {  	s16 =	simm.s32 $0x0;
	s23 =	rddreg [dreg:$0x9]  }
0x41: {  	[tilespmem:s0], [sflag:$0x2] =	stream.linear.gather [hbm4b:s23+s3], $0x50, $0x38;
	[tilespmem:$0x1E300] =	vst v63  }
.LBB2_2:
0x42: {  	_ =	swait.ge [sflag:s2], $0x50  }
0x43: {  	[sflag:s2] =	ssyncset.done $0x0  }
0x44: {  	[sflag:s2] =	ssyncadd.s32 $0xFFFFFFB0  }
0x45: {  	_ =	swait.ge [sflag:s2], $0x50  }
0x46: {  	[sflag:s2] =	ssyncset.done $0x0  }
0x47: {  	[sflag:s2] =	ssyncadd.s32 $0xFFFFFFB0  }
0x48: {  	_ =	swait.ge [sflag:s2], $0x50  }
0x49: {  	[sflag:s2] =	ssyncset.done $0x0  }
0x4a: {  	[sflag:s2] =	ssyncadd.s32 $0xFFFFFFB0  }
0x4b: {  	[tilespmem:s29], [sflag:$0x4] =	stream.indirect.gather [hbm4b:s7+s26], $0x80, s30, s26, $0xb8;
	[tilespmem:$0x1E300] =	vst v63  }
0x4c: {  	_ = 	snop  }
0x4d: {  	[tilespmem:s9], [sflag:$0x6] =	stream.indirect.gather [hbm4b:s8+s26], $0x80, s31, s26, $0xb8;
	[tilespmem:$0x1E300] =	vst v63  }
0x4e: {  	_ =	swait.ge [sflag:s11], $0x2800  }
0x4f: {  	[sflag:s11] =	ssyncset.done $0x0  }
0x50: {  	[sflag:s11] =	ssyncadd.s32 $0xFFFFD800  }
0x51: {  	_ =	swait.ge [sflag:s12], $0x2800  }
0x52: {  	[sflag:s12] =	ssyncset.done $0x0  }
0x53: {  	s23 =	simm.s32 $0x0;
	[sflag:s12] =	ssyncadd.s32 $0xFFFFD800  }
0x54: {  	v7 =	vld [tilespmem:s23+$0x2B00]  }
0x55: {  	v11 =	vld [tilespmem:s23+$0x2B10]  }
0x56: {  	v5 =	vld [tilespmem:s23+$0x2B20]  }
0x57: {  	v4 =	vld [tilespmem:s23+$0x2B30]  }
0x58: {  	v3 =	vld [tilespmem:s23+$0x2B40]  }
0x59: {  	v2 =	vld [tilespmem:s23+$0x2B50]  }
0x5a: {  	v1 =	vld [tilespmem:s23+$0x2B60]  }
0x5b: {  	v0 =	vld [tilespmem:s23+$0x2B70]  }
0x5c: {  	v12 =	vld [tilespmem:s23+$0x300]  }
0x5d: {  	v13 =	vld [tilespmem:s23+$0x310]  }
0x5e: {  	v10 =	vld [tilespmem:s23+$0x320]  }
0x5f: {  	v9 =	vld [tilespmem:s23+$0x330]  }
0x60: {  	v8 =	vld [tilespmem:s23+$0x340]  }
0x61: {  	v6 =	vld [tilespmem:s23+$0x350];
	v12 =	vmul.f32 v7, v12  }
0x62: {  	s19 =	simm.s32 $0x200;
	v11 =	vmul.f32 v11, v13;
	v7 =	vld [tilespmem:s23+$0x360]  }
.LBB2_3:
0x63: {  	s20 =	sshra.s32 s19, $0x2;
	p0 =	sne.s32 s19, $0x9E00;
	[tilespmem:s23+$0x300] =	vst v12;
	v5 =	vmul.f32 v5, v10;
	v10 =	vld [tilespmem:s23+$0x370]  }
0x64: {  	v12 =	vld [tilespmem:s20+$0x2B00];
	[tilespmem:s23+$0x310] =	vst v11;
	v4 =	vmul.f32 v4, v9  }
0x65: {  	v11 =	vld [tilespmem:s20+$0x2B10];
	[tilespmem:s23+$0x320] =	vst v5;
	v3 =	vmul.f32 v3, v8  }
0x66: {  	v5 =	vld [tilespmem:s20+$0x2B20];
	[tilespmem:s23+$0x330] =	vst v4;
	v2 =	vmul.f32 v2, v6  }
0x67: {  	v4 =	vld [tilespmem:s20+$0x2B30];
	[tilespmem:s23+$0x340] =	vst v3;
	v1 =	vmul.f32 v1, v7  }
0x68: {  	v3 =	vld [tilespmem:s20+$0x2B40];
	[tilespmem:s23+$0x350] =	vst v2;
	v0 =	vmul.f32 v0, v10  }
0x69: {  	v2 =	vld [tilespmem:s20+$0x2B50];
	[tilespmem:s23+$0x360] =	vst v1  }
0x6a: {  	v1 =	vld [tilespmem:s20+$0x2B60];
	[tilespmem:s23+$0x370] =	vst v0;
	s23 =	smov.u32 s20  }
0x6b: {  	v0 =	vld [tilespmem:s23+$0x2B70]  }
0x6c: {  	v6 =	vld [tilespmem:s23+$0x300]  }
0x6d: {  	v7 =	vld [tilespmem:s23+$0x310]  }
.Ltmp2:
0x6e: {  	v10 =	vld [tilespmem:s23+$0x320];
	(pc) =	sbr.rel @p0 .LBB2_3-.Ltmp2, $4  }
0x6f: {  	v9 =	vld [tilespmem:s23+$0x330]  }
0x70: {  	v8 =	vld [tilespmem:s23+$0x340]  }
0x71: {  	v12 =	vmul.f32 v12, v6;
	v6 =	vld [tilespmem:s23+$0x350]  }
0x72: {  	s19 =	sadd.s32 $0x200, s19;
	v11 =	vmul.f32 v11, v7;
	v7 =	vld [tilespmem:s23+$0x360]  }
0x73: {  	[tilespmem:s23+$0x300] =	vst v12;
	v5 =	vmul.f32 v5, v10;
	v10 =	vld [tilespmem:s23+$0x370]  }
0x74: {  	[tilespmem:s23+$0x310] =	vst v11;
	v4 =	vmul.f32 v4, v9  }
0x75: {  	[tilespmem:s23+$0x320] =	vst v5;
	v3 =	vmul.f32 v3, v8  }
0x76: {  	[tilespmem:s23+$0x330] =	vst v4;
	v2 =	vmul.f32 v2, v6  }
0x77: {  	[tilespmem:s23+$0x340] =	vst v3;
	v1 =	vmul.f32 v1, v7  }
0x78: {  	[tilespmem:s23+$0x350] =	vst v2;
	v0 =	vmul.f32 v0, v10  }
0x79: {  	p0 =	seq.s32 s16, $0x1F;
	[tilespmem:s23+$0x360] =	vst v1  }
0x7a: {  	s19 =	smul.u32 @!p0 $0xA0, s16;
	[tilespmem:s23+$0x370] =	vst v0  }
0x7b: {  	[spmem:s1] =	stream.indirect.scatter.add.f32 [tilespmem:s28], [sflag:$0x7], $0x80, s24, s26, $0xb8;
	[tilespmem:$0x1E300] =	vst v63  }
0x7c: {  	s19 =	sadd.s32 @!p0 s19, s17;
	_ =	swait.ge [sflag:s22], $0x2800  }
0x7d: {  	s19 =	sshrl.u32 @!p0 s19, $0x3;
	[sflag:s22] =	ssyncset.done $0x0  }
0x7e: {  	s20 =	sadd.s32 @!p0 s4, s19;
	s23 =	simm.s32 @!p0 $0x0;
	[sflag:s22] =	ssyncadd.s32 $0xFFFFD800  }
0x7f: {  	[tilespmem:s23], [sflag:$0x1] =	stream.linear.gather @!p0 [hbm4b:s20+s23], $0x50, $0x38;
	[tilespmem:$0x1E300] =	vst v63  }
0x80: {  	s10 =	simm.s32 @!p0 $0x100;
	s20 =	sadd.s32 @!p0 s5, s19  }
0x81: {  	[tilespmem:s10], [sflag:$0x1] =	stream.linear.gather @!p0 [hbm4b:s20+s23], $0x50, $0x38;
	[tilespmem:$0x1E300] =	vst v63  }
0x82: {  	s19 =	sadd.s32 @!p0 s6, s19;
	s20 =	simm.s32 @!p0 $0x200  }
0x83: {  	[tilespmem:s20], [sflag:$0x1] =	stream.linear.gather @!p0 [hbm4b:s19+s23], $0x50, $0x38;
	[tilespmem:$0x1E300] =	vst v63  }
0x84: {  	s19 =	simm.s32 @!p0 $0x1  }
0x85: {  	_ =	swait.ge @!p0 [sflag:s19], $0x50  }
0x86: {  	[sflag:s19] =	ssyncset.done @!p0 $0x0  }
0x87: {  	[sflag:s19] =	ssyncadd.s32 @!p0 $0xFFFFFFB0  }
0x88: {  	_ =	swait.ge @!p0 [sflag:s19], $0x50  }
0x89: {  	[sflag:s19] =	ssyncset.done @!p0 $0x0  }
0x8a: {  	[sflag:s19] =	ssyncadd.s32 @!p0 $0xFFFFFFB0  }
0x8b: {  	_ =	swait.ge @!p0 [sflag:s19], $0x50  }
0x8c: {  	[sflag:s19] =	ssyncset.done @!p0 $0x0  }
0x8d: {  	s20 =	simm.s32 @!p0 $0x300;
	[sflag:s19] =	ssyncadd.s32 @!p0 $0xFFFFFFB0;
	s19 =	simm.s32 @!p0 $0x50  }
0x8e: {  	[tilespmem:s20], [sflag:$0x3] =	stream.indirect.gather @!p0 [hbm4b:s7+s19], $0x80, s23, s19, $0xb8;
	[tilespmem:$0x1E300] =	vst v63  }
0x8f: {  	s20 =	simm.s32 @!p0 $0x2B00  }
0x90: {  	[tilespmem:s20], [sflag:$0x5] =	stream.indirect.gather @!p0 [hbm4b:s8+s19], $0x80, s10, s19, $0xb8;
	[tilespmem:$0x1E300] =	vst v63  }
0x91: {  	_ =	swait.ge [sflag:s13], $0x2800  }
0x92: {  	[sflag:s13] =	ssyncset.done $0x0  }
0x93: {  	[sflag:s13] =	ssyncadd.s32 $0xFFFFD800  }
0x94: {  	_ =	swait.ge [sflag:s14], $0x2800  }
0x95: {  	[sflag:s14] =	ssyncset.done $0x0  }
0x96: {  	s23 =	simm.s32 $0x0;
	[sflag:s14] =	ssyncadd.s32 $0xFFFFD800  }
0x97: {  	v7 =	vld [tilespmem:s23+$0x7B00]  }
0x98: {  	v11 =	vld [tilespmem:s23+$0x7B10]  }
0x99: {  	v5 =	vld [tilespmem:s23+$0x7B20]  }
0x9a: {  	v4 =	vld [tilespmem:s23+$0x7B30]  }
0x9b: {  	v3 =	vld [tilespmem:s23+$0x7B40]  }
0x9c: {  	v2 =	vld [tilespmem:s23+$0x7B50]  }
0x9d: {  	v1 =	vld [tilespmem:s23+$0x7B60]  }
0x9e: {  	v0 =	vld [tilespmem:s23+$0x7B70]  }
0x9f: {  	v12 =	vld [tilespmem:s23+$0x5300]  }
0xa0: {  	v13 =	vld [tilespmem:s23+$0x5310]  }
0xa1: {  	v10 =	vld [tilespmem:s23+$0x5320]  }
0xa2: {  	v9 =	vld [tilespmem:s23+$0x5330]  }
0xa3: {  	v8 =	vld [tilespmem:s23+$0x5340]  }
0xa4: {  	v6 =	vld [tilespmem:s23+$0x5350];
	v12 =	vmul.f32 v7, v12  }
0xa5: {  	s19 =	simm.s32 $0x200;
	v11 =	vmul.f32 v11, v13;
	v7 =	vld [tilespmem:s23+$0x5360]  }
.LBB2_5:
0xa6: {  	s10 =	sshra.s32 s19, $0x2;
	p1 =	sne.s32 s19, $0x9E00;
	[tilespmem:s23+$0x5300] =	vst v12;
	v5 =	vmul.f32 v5, v10;
	v10 =	vld [tilespmem:s23+$0x5370]  }
0xa7: {  	v12 =	vld [tilespmem:s10+$0x7B00];
	[tilespmem:s23+$0x5310] =	vst v11;
	v4 =	vmul.f32 v4, v9  }
0xa8: {  	v11 =	vld [tilespmem:s10+$0x7B10];
	[tilespmem:s23+$0x5320] =	vst v5;
	v3 =	vmul.f32 v3, v8  }
0xa9: {  	v5 =	vld [tilespmem:s10+$0x7B20];
	[tilespmem:s23+$0x5330] =	vst v4;
	v2 =	vmul.f32 v2, v6  }
0xaa: {  	v4 =	vld [tilespmem:s10+$0x7B30];
	[tilespmem:s23+$0x5340] =	vst v3;
	v1 =	vmul.f32 v1, v7  }
0xab: {  	v3 =	vld [tilespmem:s10+$0x7B40];
	[tilespmem:s23+$0x5350] =	vst v2;
	v0 =	vmul.f32 v0, v10  }
0xac: {  	v2 =	vld [tilespmem:s10+$0x7B50];
	[tilespmem:s23+$0x5360] =	vst v1  }
0xad: {  	v1 =	vld [tilespmem:s10+$0x7B60];
	[tilespmem:s23+$0x5370] =	vst v0;
	s23 =	smov.u32 s10  }
0xae: {  	v0 =	vld [tilespmem:s23+$0x7B70]  }
0xaf: {  	v6 =	vld [tilespmem:s23+$0x5300]  }
0xb0: {  	v7 =	vld [tilespmem:s23+$0x5310]  }
.Ltmp3:
0xb1: {  	v10 =	vld [tilespmem:s23+$0x5320];
	(pc) =	sbr.rel @p1 .LBB2_5-.Ltmp3, $4  }
0xb2: {  	v9 =	vld [tilespmem:s23+$0x5330]  }
0xb3: {  	v8 =	vld [tilespmem:s23+$0x5340]  }
0xb4: {  	v12 =	vmul.f32 v12, v6;
	v6 =	vld [tilespmem:s23+$0x5350]  }
0xb5: {  	s19 =	sadd.s32 $0x200, s19;
	v11 =	vmul.f32 v11, v7;
	v7 =	vld [tilespmem:s23+$0x5360]  }
0xb6: {  	[tilespmem:s23+$0x5300] =	vst v12;
	v5 =	vmul.f32 v5, v10;
	v63 =	vld [tilespmem:s23+$0x5370]  }
0xb7: {  	[tilespmem:s23+$0x5310] =	vst v11;
	v4 =	vmul.f32 v4, v9  }
0xb8: {  	[tilespmem:s23+$0x5320] =	vst v5;
	v3 =	vmul.f32 v3, v8  }
0xb9: {  	[tilespmem:s23+$0x5330] =	vst v4;
	v2 =	vmul.f32 v2, v6  }
0xba: {  	[tilespmem:s23+$0x5340] =	vst v3;
	v1 =	vmul.f32 v1, v7  }
0xbb: {  	[tilespmem:s23+$0x5350] =	vst v2;
	v0 =	vmul.f32 v0, v63  }
0xbc: {  	[tilespmem:s23+$0x5360] =	vst v1  }
.Ltmp4:
0xbd: {  	[tilespmem:s23+$0x5370] =	vst v0;
	(pc) =	sbr.rel @p0 .LBB2_8-.Ltmp4, $4  }
0xbe: {  	[spmem:s1] =	stream.indirect.scatter.add.f32 [tilespmem:s29], [sflag:$0x7], $0x80, s0, s26, $0xb8;
	[tilespmem:$0x1E300] =	vst v63  }
0xbf: {  	_ =	swait.ge [sflag:s22], $0x2800  }
0xc0: {  	[sflag:s22] =	ssyncset.done $0x0  }
0xc1: {  	[sflag:s22] =	ssyncadd.s32 $0xFFFFD800  }
0xc2: {  	s10 =	smul.u32 $0xA0, s16;
	_ =	sdelay $0x1  }
0xc3: {  	s10 =	sadd.s32 s10, s18  }
0xc4: {  	s10 =	sshrl.u32 s10, $0x3  }
0xc5: {  	s19 =	sadd.s32 s4, s10  }
0xc6: {  	[tilespmem:s30], [sflag:$0x2] =	stream.linear.gather [hbm4b:s19+s3], $0x50, $0x38;
	[tilespmem:$0x1E300] =	vst v63  }
.Ltmp5:
0xc7: {  	_ = 	snop;
	(pc) =	sbr.rel .LBB2_2-.Ltmp5, $4  }
0xc8: {  	s23 =	sadd.s32 s5, s10  }
0xc9: {  	[tilespmem:s31], [sflag:$0x2] =	stream.linear.gather [hbm4b:s23+s3], $0x50, $0x38;
	[tilespmem:$0x1E300] =	vst v63  }
0xca: {  	s16 =	sadd.s32 $0x1, s16;
	s10 =	sadd.s32 s6, s10  }
0xcb: {  	[tilespmem:s0], [sflag:$0x2] =	stream.linear.gather [hbm4b:s10+s3], $0x50, $0x38;
	[tilespmem:$0x1E300] =	vst v63  }
.LBB2_9:
0xcc: {  	_ =	sfence.sel $0x180000  }
0xcd: {  	[bflag:$0x0] =	sbarrier.arrive $0xFFFF  }
0xce: {  	_ =	strace $0x90000050  }
0xcf: {  	s0 =	stileid.u32;
	[bflag:$0x2] =	sbarrier.arrive $0xFFFF  }
0xd0: {  	p0 =	sne.s32 s0, $0x0;
	s0 =	rddreg [dreg:$0x2]  }
0xd1: {  	s0 =	sadd.s32 @!p0 $0x100000, s0  }
0xd2: {  	[sflag:s0] =	ssyncadd.tile.s32 @!p0 $0x1;
	_ =	shalt  }
.Lfunc_end2:
_tile_overlayer_lowered:
.L_overlay_start_2:
0xd3: {  	(tag) =	ssettag $0x2  }
0xd4: {  	s0 =	rddreg [dreg:$0x0];
	s2 =	stileid.u32  }
0xd5: {  	s1 =	rddreg [dreg:$0x1];
	p0 =	sne.s32 s2, $0x0  }
0xd6: {  	s3 =	rddreg [dreg:$0x2];
	[bflag:$0x3] =	sbarrier.arrive $0xFFFF;
	s2 =	simm.s32 @!p0 $0x1C07  }
0xd7: {  	[timem:s3], [sflag:s2] =	dma.local @!p0 [hbm:s0], s1  }
0xd8: {  	s0 =	simm.s32 @!p0 $0x7  }
0xd9: {  	_ =	swait.ge @!p0 [sflag:s0], s1  }
0xda: {  	s1 =	ssub.s32 @!p0 $0x0, s1;
	[sflag:s0] =	ssyncset.done @!p0 $0x0  }
0xdb: {  	[sflag:s0] =	ssyncadd.s32 @!p0 s1  }
0xdc: {  	[bflag:$0x3] =	sbarrier.arrive $0xFFFF  }
0xdd: {  	_ =	shalt  }

// kernel: _run.20.cloned.1.call-start
scs
__scs_entry_jumppad:
0x0: {  	(pc) =	sbr.rel $0x88, $3  }
0x1: {  	(tag) =	ssettag $0x0;
	lr =	simm.s32 $0x1  }
0x2: {  	[smem:$0x3F93] =	sst lr;
	_ =	strace $0xD0000000  }
0x3: {  	_ = 	snop  }
0x4: {  	_ = 	snop  }
0x5: {  	_ = 	snop  }
0x6: {  	_ = 	snop  }
0x7: {  	_ = 	snop  }
__scs_overlays_trampoline_lowered:
0x8: {  	[smem:$0x3FA2] =	sst s0  }
0x9: {  	[smem:$0x3FA3] =	sst s1  }
0xa: {  	[smem:$0x3FA4] =	sst s2  }
0xb: {  	[smem:$0x3FA5] =	sst s3  }
0xc: {  	[smem:$0x3FA6] =	sst s4  }
0xd: {  	[smem:$0x3FA7] =	sst s5  }
0xe: {  	[smem:$0x3FA8] =	sst s6  }
0xf: {  	[smem:$0x3FA9] =	sst s7  }
0x10: {  	[smem:$0x3FAA] =	sst s8  }
0x11: {  	[smem:$0x3FAB] =	sst s9;
	s0 =	simm.s32 @!p0 $0x0  }
0x12: {  	s1 =	sld [smem:$0x3F91];
	s0 =	simm.s32 @p0 $0x1  }
0x13: {  	[smem:$0x3FAC] =	sst s0;
	s0 =	simm.s32 @!p1 $0x0  }
0x14: {  	s2 =	sld [smem:$0x3F90];
	s0 =	simm.s32 @p1 $0x1  }
0x15: {  	[smem:$0x3FAD] =	sst s0;
	s0 =	simm.s32 @!p2 $0x0  }
0x16: {  	s3 =	sld [smem:$0x3FDB];
	s0 =	simm.s32 @p2 $0x1  }
0x17: {  	s4 =	simm.s32 $0x1BF5;
	[smem:$0x3FAF] =	sst s0  }
0x18: {  	s0 =	sld [smem:$0x3F92];
	_ =	swait.ge [sflag:s4], $0x0  }
0x19: {  	s7 =	sld [smem:$0x3F93]  }
0x1a: {  	s8 =	sadd.s32 $0xFFFFE003, lr  }
0x1b: {  	s9 =	sadd.s32 $0xFFFFFEF7, lr;
	s5 =	simm.s32 $0xFFFFFFFF;
	p2 =	slt.u32 s8, $0xFFFFF086  }
0x1c: {  	p1 =	slt.u32 s9, $0xF7A;
	s5 =	simm.s32 @!p2 $0x0  }
0x1d: {  	s5 =	simm.s32 @p1 $0x1;
	p0 =	seq.s32 s7, s2  }
0x1e: {  	s7 =	smul.u32 @!p0 $0xF7A, s2;
	p2 =	seq.s32 @!p0 s5, $0x0  }
0x1f: {  	s9 =	smul.u32 $0xF7A, s1;
	s8 =	simm.s32 @!p0 $0x1BF5;
	p2 =	por !p2, p0  }
0x20: {  	[sflag:s8] =	ssyncset.s32 @!p0 $0xFFFFF086;
	s6 =	sadd.s32 @!p0 s3, s7;
	s7 =	simm.s32 @!p0 $0x108  }
0x21: {  	s3 =	sadd.s32 s3, s9;
	s6 =	sadd.s32 @!p0 $0x88, s6;
	s7 =	simm.s32 @p2 $0x1082  }
0x22: {  	[simem:s7], [sflag:s8] =	dma.local @!p0 [hbm:s6], $0xF7A  }
0x23: {  	s9 =	sor.u32 $0xD0000000, s2;
	s6 =	simm.s32 $0x108;
	_ =	swait.ge @!p0 [sflag:s8], $0x0  }
0x24: {  	s3 =	sadd.s32 $0x88, s3;
	s6 =	simm.s32 @!p1 $0x1082;
	[sflag:s4] =	ssyncset.s32 $0xFFFFF086  }
0x25: {  	[simem:s6], [sflag:s4] =	dma.local [hbm:s3], $0xF7A  }
0x26: {  	[smem:$0x3F93] =	sst s1;
	(tag) =	ssettag s2;
	_ =	strace s9  }
0x27: {  	s1 =	sld [smem:$0x3FA3]  }
0x28: {  	s2 =	sld [smem:$0x3FA4]  }
0x29: {  	s4 =	sld [smem:$0x3FA6]  }
0x2a: {  	p0 =	seq.s32 s5, $0x0;
	s5 =	sld [smem:$0x3FA7]  }
0x2b: {  	s6 =	sld [smem:$0x3FA8]  }
0x2c: {  	s7 =	sld [smem:$0x3FA9]  }
0x2d: {  	s3 =	simm.s32 $0x108;
	s8 =	sld [smem:$0x3FAA]  }
0x2e: {  	s3 =	simm.s32 @!p0 $0x1082;
	s9 =	sld [smem:$0x3FAB]  }
0x2f: {  	lr =	sadd.s32 s0, s3;
	s0 =	sld [smem:$0x3FA2]  }
0x30: {  	s3 =	sld [smem:$0x3FA5]  }
0x31: {  	[smem:$0x3FAE] =	sst s10  }
0x32: {  	s10 =	sld [smem:$0x3FAC];
	_ =	sdelay $0x3  }
0x33: {  	p0 =	seq.s32 s10, $0x1;
	s10 =	sld [smem:$0x3FAE];
	_ =	sdelay $0x3  }
0x34: {  	[smem:$0x3FAE] =	sst s10  }
0x35: {  	s10 =	sld [smem:$0x3FAD];
	_ =	sdelay $0x3  }
0x36: {  	p1 =	seq.s32 s10, $0x1;
	s10 =	sld [smem:$0x3FAE];
	_ =	sdelay $0x3  }
0x37: {  	[smem:$0x3FAE] =	sst s10  }
0x38: {  	s10 =	sld [smem:$0x3FAF]  }
0x39: {  	_ = 	snop;
	(pc) =	sbr.ind lr, $3  }
0x3a: {  	_ = 	snop  }
0x3b: {  	_ = 	snop  }
0x3c: {  	p2 =	seq.s32 s10, $0x1;
	s10 =	sld [smem:$0x3FAE]  }
0x3d: {  	_ =	shalt  }
0x3e: {  	_ =	shalt  }
0x3f: {  	_ =	shalt  }
0x40: {  	_ =	shalt  }
0x41: {  	_ =	shalt  }
0x42: {  	_ =	shalt  }
0x43: {  	_ =	shalt  }
0x44: {  	_ =	shalt  }
0x45: {  	_ =	shalt  }
0x46: {  	_ =	shalt  }
0x47: {  	_ =	shalt  }
0x48: {  	_ =	shalt  }
0x49: {  	_ =	shalt  }
0x4a: {  	_ =	shalt  }
0x4b: {  	_ =	shalt  }
0x4c: {  	_ =	shalt  }
0x4d: {  	_ =	shalt  }
0x4e: {  	_ =	shalt  }
0x4f: {  	_ =	shalt  }
0x50: {  	_ =	shalt  }
0x51: {  	_ =	shalt  }
0x52: {  	_ =	shalt  }
0x53: {  	_ =	shalt  }
0x54: {  	_ =	shalt  }
0x55: {  	_ =	shalt  }
0x56: {  	_ =	shalt  }
0x57: {  	_ =	shalt  }
0x58: {  	_ =	shalt  }
0x59: {  	_ =	shalt  }
0x5a: {  	_ =	shalt  }
0x5b: {  	_ =	shalt  }
0x5c: {  	_ =	shalt  }
0x5d: {  	_ =	shalt  }
0x5e: {  	_ =	shalt  }
0x5f: {  	_ =	shalt  }
0x60: {  	_ =	shalt  }
0x61: {  	_ =	shalt  }
0x62: {  	_ =	shalt  }
0x63: {  	_ =	shalt  }
0x64: {  	_ =	shalt  }
0x65: {  	_ =	shalt  }
0x66: {  	_ =	shalt  }
0x67: {  	_ =	shalt  }
0x68: {  	_ =	shalt  }
0x69: {  	_ =	shalt  }
0x6a: {  	_ =	shalt  }
0x6b: {  	_ =	shalt  }
0x6c: {  	_ =	shalt  }
0x6d: {  	_ =	shalt  }
0x6e: {  	_ =	shalt  }
0x6f: {  	_ =	shalt  }
0x70: {  	_ =	shalt  }
0x71: {  	_ =	shalt  }
0x72: {  	_ =	shalt  }
0x73: {  	_ =	shalt  }
0x74: {  	_ =	shalt  }
0x75: {  	_ =	shalt  }
0x76: {  	_ =	shalt  }
0x77: {  	_ =	shalt  }
0x78: {  	_ =	shalt  }
0x79: {  	_ =	shalt  }
0x7a: {  	_ =	shalt  }
0x7b: {  	_ =	shalt  }
0x7c: {  	_ =	shalt  }
0x7d: {  	_ =	shalt  }
0x7e: {  	_ =	shalt  }
0x7f: {  	_ =	shalt  }
0x80: {  	_ =	shalt  }
0x81: {  	_ =	shalt  }
0x82: {  	_ =	shalt  }
0x83: {  	_ =	shalt  }
0x84: {  	_ =	shalt  }
0x85: {  	_ =	shalt  }
0x86: {  	_ =	shalt  }
0x87: {  	_ =	shalt  }
.Lfunc_end0:
.L_simem_size_0:
called_computation.2_lowered:
.L_overlay_start_0:
0x88: {  	s2 =	sld [smem:$0x3FD9]  }
0x89: {  	s3 =	sld [smem:$0x3FFE];
	_ =	sdelay $0x1  }
0x8a: {  	s1 =	srdreg.scid  }
0x8b: {  	s0 =	sand.u32 $0x1, s1  }
0x8c: {  	s16 =	sshll.u32 s0, $0xA;
	s2 =	sadd.s32 s3, s2  }
0x8d: {  	s2 =	sadd.s32 s2, s16  }
0x8e: {  	[smem:$0x3FBA] =	sst s2  }
0x8f: {  	_ = 	snop  }
0x90: {  	(tm) =	ssettm $0x1  }
0x91: {  	s17 =	sld [smem:$0x3FFB];
	_ =	sdelay $0x3  }
0x92: {  	_ =	strace s17  }
0x93: {  	s2 =	sld [smem:$0x3FFC];
	_ =	sdelay $0x3  }
0x94: {  	_ =	strace s2  }
0x95: {  	s2 =	sld [smem:$0x3FFD];
	_ =	sdelay $0x3  }
0x96: {  	_ =	strace s2  }
0x97: {  	_ =	strace $0x8FFFFFFF  }
0x98: {  	s18 =	sld [smem:$0x3FDB];
	_ =	sdelay $0x1  }
0x99: {  	s19 =	simm.s32 $_scs_section_size  }
0x9a: {  	s4 =	simm.s32 $_size__tile_overlayer_lowered;
	s5 =	simm.s32 $_tile_overlayer_lowered  }
0x9b: {  	s22 =	simm.s32 $0x1BFF;
	s21 =	sshll.u32 s5, $0x1;
	s2 =	sadd.s32 s19, s18  }
0x9c: {  	s6 =	simm.s32 $0x0;
	s20 =	sshll.u32 s4, $0x1;
	s4 =	sadd.s32 s21, s2  }
0x9d: {  	[timem:s6], [sflag:s22] =	dma.local [hbm:s4], s20  }
0x9e: {  	_ =	swait.ge [sflag:s22], s20  }
0x9f: {  	s3 =	ssub.s32 $0x0, s20;
	[sflag:s22] =	ssyncset.done $0x0  }
0xa0: {  	[sflag:s22] =	ssyncadd.s32 s3;
	_ =	sdelay $0x1  }
0xa1: {  	s23 =	simm.s32 $0x1B8B  }
0xa2: {  	_ =	swait.ge [sflag:s23], $0x1  }
0xa3: {  	[sflag:s23] =	ssyncset.done $0x0  }
0xa4: {  	s25 =	simm.s32 $0x1B8E;
	s24 =	sld [smem:$0x3FFE];
	[sflag:s23] =	ssyncadd.s32 $0xFFFFFFFF  }
0xa5: {  	s26 =	simm.s32 $execute0_lowered;
	[smem:$0x3FD2] =	sst s25  }
0xa6: {  	s4 =	sshll.u32 s26, $0x1;
	_ =	strace $0x80000046;
	[dreg:$0x1] =	wrdreg $0xFFFFFFFF  }
0xa7: {  	s28 =	simm.s32 $_size_execute0_lowered;
	s2 =	sadd.s32 s2, s4;
	[dreg:$0x0] =	wrdreg $0x0  }
0xa8: {  	s4 =	sshll.u32 s28, $0x1;
	[dreg:$0x2] =	wrdreg s2  }
0xa9: {  	[dreg:$0x3] =	wrdreg s4  }
0xaa: {  	[dreg:$0x4] =	wrdreg $0xC0  }
0xab: {  	_ =	task [dreg:s6], $0x5FFFF  }
0xac: {  	[dreg:$0x1] =	wrdreg $0xFFFFFFFF  }
0xad: {  	[dreg:$0x0] =	wrdreg $0x60  }
0xae: {  	[dreg:$0x2] =	wrdreg s24  }
0xaf: {  	[dreg:$0x3] =	wrdreg $0xA3000  }
0xb0: {  	[dreg:$0x4] =	wrdreg $0xA  }
0xb1: {  	_ =	task.clear_ibuf [dreg:s6], $0x5FFFF;
	_ =	strace $0x90000046  }
0xb2: {  	s29 =	simm.s32 $0xA;
	_ =	strace $0x80000048  }
0xb3: {  	_ =	swait.ge [sflag:s29], $0x1  }
0xb4: {  	[sflag:s29] =	ssyncadd.s32 $0xFFFFFFFF  }
0xb5: {  	_ =	strace $0x90000048  }
0xb6: {  	_ =	sfence  }
0xb7: {  	s30 =	sld [smem:$0x0];
	_ =	sdelay $0x2  }
0xb8: {  	s31 =	sshll.u32 s1, $0xD;
	s1 =	sshrl.u32 s1, $0x2  }
0xb9: {  	s3 =	sand.u32 $0x4000, s31;
	s1 =	sadd.s32 s1, s30  }
0xba: {  	s0 =	sor.u32 s3, s0;
	s1 =	sshll.u32 s1, $0x11  }
0xbb: {  	s0 =	sor.u32 s1, s0  }
0xbc: {  	s0 =	sadd.s32 $0x8F2B, s0  }
0xbd: {  	[sflag:s0] =	ssyncadd.remote.s32 $0x1  }
0xbe: {  	_ =	sfence.sel $0xFFFF  }
0xbf: {  	[dreg:$0x0] =	wrdreg $0xFFFFFFFF;
	(pc) =	sbr.abs _section_cstart, $3  }
0xc0: {  	[dreg:$0x1] =	wrdreg $0xFFFFFFFF  }
0xc1: {  	_ =	task.clear_ibuf [dreg:s6], $0x2FFFF;
	_ =	strace $0x9FFFFFFF  }
0xc2: {  	(tm) =	ssettm $0x7FFFFFFF  }
0xc3: {  	_ =	shalt  }
tec
execute0_lowered:
.L_overlay_start_1:
0x0: {  	(tag) =	ssettag $0x1  }
0x1: {  	s0 =	rddreg [dreg:$0x0]  }
0x2: {  	s1 =	rddreg [dreg:$0x1];
	s3 =	simm.s32 $0x0;
	s13 =	stileid.u32  }
0x3: {  	s2 =	srdreg.scid;
	s28 =	simm.s32 $0x300;
	s30 =	simm.s32 $0x80  }
0x4: {  	s31 =	simm.s32 $0x180;
	s29 =	simm.s32 $0x5300;
	[smem:$0x7FF] =	sst s3  }
0x5: {  	s4 =	sadd.s32 $0x4200, s0;
	s9 =	smul.u32 $0x2800, s13;
	s2 =	sand.u32 $0x1, s2  }
0x6: {  	s5 =	sadd.s32 $0x36600, s0;
	s6 =	sadd.s32 $0x9200, s0;
	s7 =	sadd.s32 $0xE200, s0  }
0x7: {  	s8 =	sadd.s32 $0x36200, s0;
	s14 =	sshll.u32 s13, $0x1;
	s12 =	smul.u32 $0x50000, s13  }
0x8: {  	s17 =	sshll.u32 s13, $0x6;
	s13 =	simm.s32 $0x4;
	_ =	strace $0x80000047  }
0x9: {  	s10 =	smul.u32 $0x28000, s2;
	s15 =	ssub.s32 $0x2, s2;
	s2 =	sor.u32 s2, s14  }
0xa: {  	s14 =	simm.s32 $0x6;
	s11 =	sadd.s32 s9, s0;
	s16 =	sshrl.u32 s15, $0x1  }
0xb: {  	s2 =	smul.u32 $0x1400, s2;
	s12 =	sshrl.u32 s12, $0x2;
	s9 =	sadd.s32 s9, s10  }
0xc: {  	s12 =	sadd.s32 s12, s1;
	s11 =	sadd.s32 $0x3B600, s11;
	s0 =	sadd.s32 s9, s0  }
0xd: {  	s9 =	ssub.s32 s15, s16;
	[dreg:$0x3] =	wrdreg s11;
	s16 =	sor.u32 $0x1C07, s17  }
0xe: {  	s18 =	sshrl.u32 s2, $0x3;
	s17 =	sor.u32 $0xA0, s2;
	s11 =	simm.s32 $0x3  }
0xf: {  	s15 =	simm.s32 $0x0;
	s19 =	sadd.s32 s4, s18;
	s20 =	sadd.s32 s5, s18  }
0x10: {  	s21 =	sor.u32 $0xA, s18;
	s22 =	sadd.s32 s6, s18;
	[dreg:$0x4] =	wrdreg s19  }
0x11: {  	s18 =	sor.u32 $0xF0, s2;
	s0 =	sadd.s32 $0x63600, s0;
	[dreg:$0x5] =	wrdreg s20  }
0x12: {  	s26 =	smax.u32 s9, $0x1;
	s2 =	simm.s32 $0x2;
	[dreg:$0x6] =	wrdreg s22  }
0x13: {  	s9 =	simm.s32 $0x7B00;
	s23 =	sadd.s32 s4, s21;
	[dreg:$0xa] =	wrdreg s0  }
.Ltmp0:
0x14: {  	s24 =	sadd.s32 s5, s21;
	[dreg:$0xb] =	wrdreg s26;
	(pc) =	sbr.rel .LBB2_1-.Ltmp0, $4  }
0x15: {  	s25 =	sadd.s32 s6, s21;
	s19 =	sshrl.u32 s12, $0x3;
	[dreg:$0x7] =	wrdreg s23  }
0x16: {  	s22 =	simm.s32 $0x7;
	s26 =	simm.s32 $0x50;
	[dreg:$0x8] =	wrdreg s24  }
0x17: {  	s0 =	simm.s32 $0x280;
	s12 =	simm.s32 $0x5;
	[dreg:$0x9] =	wrdreg s25  }
0x18: {  	s24 =	simm.s32 $0x200;
	s25 =	simm.s32 $0x1;
	[dreg:$0xc] =	wrdreg s19  }
.LBB2_8:
0x19: {  	[bflag:$0x0] =	sbarrier.arrive $0xFFFF  }
0x1a: {  	s10 =	rddreg [dreg:$0xa]  }
0x1b: {  	s19 =	rddreg [dreg:$0xc]  }
0x1c: {  	[hbm:s10], [sflag:s21] =	dma.local [spmem:s19], $0x2800  }
0x1d: {  	_ =	swait.ge [sflag:s22], $0x2800  }
0x1e: {  	s15 =	sadd.s32 $0x1, s15;
	s23 =	rddreg [dreg:$0xb]  }
0x1f: {  	p0 =	sne.s32 s15, s23  }
.Ltmp1:
0x20: {  	_ = 	snop;
	(pc) =	sbr.rel @!p0 .LBB2_9-.Ltmp1, $3  }
0x21: {  	_ =	sdelay $0x1  }
0x22: {  	[sflag:s22] =	ssyncset.done $0x0  }
0x23: {  	s16 =	smov.u32 s21;
	[sflag:s22] =	ssyncadd.s32 $0xFFFFD800  }
.LBB2_1:
0x24: {  	s10 =	rddreg [dreg:$0x3]  }
0x25: {  	[spmem:s19], [sflag:s16] =	dma.local [hbm:s10], $0x2800  }
0x26: {  	_ =	swait.ge [sflag:s22], $0x2800  }
0x27: {  	[sflag:s22] =	ssyncset.done $0x0  }
0x28: {  	[sflag:s22] =	ssyncadd.s32 $0xFFFFD800  }
0x29: {  	[bflag:$0x0] =	sbarrier.arrive $0xFFFF  }
0x2a: {  	s23 =	rddreg [dreg:$0x4]  }
0x2b: {  	[tilespmem:s3], [sflag:$0x1] =	stream.linear.gather [hbm4b:s23+s3], $0x50, $0x38;
	[tilespmem:$0x1E300] =	vst v63  }
0x2c: {  	s21 =	smov.u32 s16;
	s19 =	simm.s32 $0x100;
	s16 =	rddreg [dreg:$0x5]  }
0x2d: {  	[tilespmem:s19], [sflag:$0x1] =	stream.linear.gather [hbm4b:s16+s3], $0x50, $0x38;
	[tilespmem:$0x1E300] =	vst v63  }
0x2e: {  	s20 =	rddreg [dreg:$0x6]  }
0x2f: {  	[tilespmem:s24], [sflag:$0x1] =	stream.linear.gather [hbm4b:s20+s3], $0x50, $0x38;
	[tilespmem:$0x1E300] =	vst v63  }
0x30: {  	_ =	swait.ge [sflag:s25], $0x50  }
0x31: {  	[sflag:s25] =	ssyncset.done $0x0  }
0x32: {  	[sflag:s25] =	ssyncadd.s32 $0xFFFFFFB0  }
0x33: {  	_ =	swait.ge [sflag:s25], $0x50  }
0x34: {  	[sflag:s25] =	ssyncset.done $0x0  }
0x35: {  	[sflag:s25] =	ssyncadd.s32 $0xFFFFFFB0  }
0x36: {  	_ =	swait.ge [sflag:s25], $0x50  }
0x37: {  	[sflag:s25] =	ssyncset.done $0x0  }
0x38: {  	[sflag:s25] =	ssyncadd.s32 $0xFFFFFFB0  }
0x39: {  	[tilespmem:s28], [sflag:$0x3] =	stream.indirect.gather [hbm4b:s7+s26], $0x80, s3, s26, $0xb8;
	[tilespmem:$0x1E300] =	vst v63  }
0x3a: {  	s23 =	simm.s32 $0x2B00  }
0x3b: {  	[tilespmem:s23], [sflag:$0x5] =	stream.indirect.gather [hbm4b:s8+s26], $0x80, s19, s26, $0xb8;
	[tilespmem:$0x1E300] =	vst v63  }
0x3c: {  	s19 =	rddreg [dreg:$0x7]  }
0x3d: {  	[tilespmem:s30], [sflag:$0x2] =	stream.linear.gather [hbm4b:s19+s3], $0x50, $0x38;
	[tilespmem:$0x1E300] =	vst v63  }
0x3e: {  	s20 =	rddreg [dreg:$0x8]  }
0x3f: {  	[tilespmem:s31], [sflag:$0x2] =	stream.linear.gather [hbm4b:s20+s3], $0x50, $0x38;
	[tilespmem:$0x1E300] =	vst v63  }
0x40: {  	s16 =	simm.s32 $0x0;
	s23 =	rddreg [dreg:$0x9]  }
0x41: {  	[tilespmem:s0], [sflag:$0x2] =	stream.linear.gather [hbm4b:s23+s3], $0x50, $0x38;
	[tilespmem:$0x1E300] =	vst v63  }
.LBB2_2:
0x42: {  	_ =	swait.ge [sflag:s2], $0x50  }
0x43: {  	[sflag:s2] =	ssyncset.done $0x0  }
0x44: {  	[sflag:s2] =	ssyncadd.s32 $0xFFFFFFB0  }
0x45: {  	_ =	swait.ge [sflag:s2], $0x50  }
0x46: {  	[sflag:s2] =	ssyncset.done $0x0  }
0x47: {  	[sflag:s2] =	ssyncadd.s32 $0xFFFFFFB0  }
0x48: {  	_ =	swait.ge [sflag:s2], $0x50  }
0x49: {  	[sflag:s2] =	ssyncset.done $0x0  }
0x4a: {  	[sflag:s2] =	ssyncadd.s32 $0xFFFFFFB0  }
0x4b: {  	[tilespmem:s29], [sflag:$0x4] =	stream.indirect.gather [hbm4b:s7+s26], $0x80, s30, s26, $0xb8;
	[tilespmem:$0x1E300] =	vst v63  }
0x4c: {  	_ = 	snop  }
0x4d: {  	[tilespmem:s9], [sflag:$0x6] =	stream.indirect.gather [hbm4b:s8+s26], $0x80, s31, s26, $0xb8;
	[tilespmem:$0x1E300] =	vst v63  }
0x4e: {  	_ =	swait.ge [sflag:s11], $0x2800  }
0x4f: {  	[sflag:s11] =	ssyncset.done $0x0  }
0x50: {  	[sflag:s11] =	ssyncadd.s32 $0xFFFFD800  }
0x51: {  	_ =	swait.ge [sflag:s12], $0x2800  }
0x52: {  	[sflag:s12] =	ssyncset.done $0x0  }
0x53: {  	s23 =	simm.s32 $0x0;
	[sflag:s12] =	ssyncadd.s32 $0xFFFFD800  }
0x54: {  	v7 =	vld [tilespmem:s23+$0x2B00]  }
0x55: {  	v11 =	vld [tilespmem:s23+$0x2B10]  }
0x56: {  	v5 =	vld [tilespmem:s23+$0x2B20]  }
0x57: {  	v4 =	vld [tilespmem:s23+$0x2B30]  }
0x58: {  	v3 =	vld [tilespmem:s23+$0x2B40]  }
0x59: {  	v2 =	vld [tilespmem:s23+$0x2B50]  }
0x5a: {  	v1 =	vld [tilespmem:s23+$0x2B60]  }
0x5b: {  	v0 =	vld [tilespmem:s23+$0x2B70]  }
0x5c: {  	v12 =	vld [tilespmem:s23+$0x300]  }
0x5d: {  	v13 =	vld [tilespmem:s23+$0x310]  }
0x5e: {  	v10 =	vld [tilespmem:s23+$0x320]  }
0x5f: {  	v9 =	vld [tilespmem:s23+$0x330]  }
0x60: {  	v8 =	vld [tilespmem:s23+$0x340]  }
0x61: {  	v6 =	vld [tilespmem:s23+$0x350];
	v12 =	vmul.f32 v7, v12  }
0x62: {  	s19 =	simm.s32 $0x200;
	v11 =	vmul.f32 v11, v13;
	v7 =	vld [tilespmem:s23+$0x360]  }
.LBB2_3:
0x63: {  	s20 =	sshra.s32 s19, $0x2;
	p0 =	sne.s32 s19, $0x9E00;
	[tilespmem:s23+$0x300] =	vst v12;
	v5 =	vmul.f32 v5, v10;
	v10 =	vld [tilespmem:s23+$0x370]  }
0x64: {  	v12 =	vld [tilespmem:s20+$0x2B00];
	[tilespmem:s23+$0x310] =	vst v11;
	v4 =	vmul.f32 v4, v9  }
0x65: {  	v11 =	vld [tilespmem:s20+$0x2B10];
	[tilespmem:s23+$0x320] =	vst v5;
	v3 =	vmul.f32 v3, v8  }
0x66: {  	v5 =	vld [tilespmem:s20+$0x2B20];
	[tilespmem:s23+$0x330] =	vst v4;
	v2 =	vmul.f32 v2, v6  }
0x67: {  	v4 =	vld [tilespmem:s20+$0x2B30];
	[tilespmem:s23+$0x340] =	vst v3;
	v1 =	vmul.f32 v1, v7  }
0x68: {  	v3 =	vld [tilespmem:s20+$0x2B40];
	[tilespmem:s23+$0x350] =	vst v2;
	v0 =	vmul.f32 v0, v10  }
0x69: {  	v2 =	vld [tilespmem:s20+$0x2B50];
	[tilespmem:s23+$0x360] =	vst v1  }
0x6a: {  	v1 =	vld [tilespmem:s20+$0x2B60];
	[tilespmem:s23+$0x370] =	vst v0;
	s23 =	smov.u32 s20  }
0x6b: {  	v0 =	vld [tilespmem:s23+$0x2B70]  }
0x6c: {  	v6 =	vld [tilespmem:s23+$0x300]  }
0x6d: {  	v7 =	vld [tilespmem:s23+$0x310]  }
.Ltmp2:
0x6e: {  	v10 =	vld [tilespmem:s23+$0x320];
	(pc) =	sbr.rel @p0 .LBB2_3-.Ltmp2, $4  }
0x6f: {  	v9 =	vld [tilespmem:s23+$0x330]  }
0x70: {  	v8 =	vld [tilespmem:s23+$0x340]  }
0x71: {  	v12 =	vmul.f32 v12, v6;
	v6 =	vld [tilespmem:s23+$0x350]  }
0x72: {  	s19 =	sadd.s32 $0x200, s19;
	v11 =	vmul.f32 v11, v7;
	v7 =	vld [tilespmem:s23+$0x360]  }
0x73: {  	[tilespmem:s23+$0x300] =	vst v12;
	v5 =	vmul.f32 v5, v10;
	v10 =	vld [tilespmem:s23+$0x370]  }
0x74: {  	[tilespmem:s23+$0x310] =	vst v11;
	v4 =	vmul.f32 v4, v9  }
0x75: {  	[tilespmem:s23+$0x320] =	vst v5;
	v3 =	vmul.f32 v3, v8  }
0x76: {  	[tilespmem:s23+$0x330] =	vst v4;
	v2 =	vmul.f32 v2, v6  }
0x77: {  	[tilespmem:s23+$0x340] =	vst v3;
	v1 =	vmul.f32 v1, v7  }
0x78: {  	[tilespmem:s23+$0x350] =	vst v2;
	v0 =	vmul.f32 v0, v10  }
0x79: {  	p0 =	seq.s32 s16, $0x1F;
	[tilespmem:s23+$0x360] =	vst v1  }
0x7a: {  	s19 =	smul.u32 @!p0 $0xA0, s16;
	[tilespmem:s23+$0x370] =	vst v0  }
0x7b: {  	[spmem:s1] =	stream.indirect.scatter.add.f32 [tilespmem:s28], [sflag:$0x7], $0x80, s24, s26, $0xb8;
	[tilespmem:$0x1E300] =	vst v63  }
0x7c: {  	s19 =	sadd.s32 @!p0 s19, s17;
	_ =	swait.ge [sflag:s22], $0x2800  }
0x7d: {  	s19 =	sshrl.u32 @!p0 s19, $0x3;
	[sflag:s22] =	ssyncset.done $0x0  }
0x7e: {  	s20 =	sadd.s32 @!p0 s4, s19;
	s23 =	simm.s32 @!p0 $0x0;
	[sflag:s22] =	ssyncadd.s32 $0xFFFFD800  }
0x7f: {  	[tilespmem:s23], [sflag:$0x1] =	stream.linear.gather @!p0 [hbm4b:s20+s23], $0x50, $0x38;
	[tilespmem:$0x1E300] =	vst v63  }
0x80: {  	s10 =	simm.s32 @!p0 $0x100;
	s20 =	sadd.s32 @!p0 s5, s19  }
0x81: {  	[tilespmem:s10], [sflag:$0x1] =	stream.linear.gather @!p0 [hbm4b:s20+s23], $0x50, $0x38;
	[tilespmem:$0x1E300] =	vst v63  }
0x82: {  	s19 =	sadd.s32 @!p0 s6, s19;
	s20 =	simm.s32 @!p0 $0x200  }
0x83: {  	[tilespmem:s20], [sflag:$0x1] =	stream.linear.gather @!p0 [hbm4b:s19+s23], $0x50, $0x38;
	[tilespmem:$0x1E300] =	vst v63  }
0x84: {  	s19 =	simm.s32 @!p0 $0x1  }
0x85: {  	_ =	swait.ge @!p0 [sflag:s19], $0x50  }
0x86: {  	[sflag:s19] =	ssyncset.done @!p0 $0x0  }
0x87: {  	[sflag:s19] =	ssyncadd.s32 @!p0 $0xFFFFFFB0  }
0x88: {  	_ =	swait.ge @!p0 [sflag:s19], $0x50  }
0x89: {  	[sflag:s19] =	ssyncset.done @!p0 $0x0  }
0x8a: {  	[sflag:s19] =	ssyncadd.s32 @!p0 $0xFFFFFFB0  }
0x8b: {  	_ =	swait.ge @!p0 [sflag:s19], $0x50  }
0x8c: {  	[sflag:s19] =	ssyncset.done @!p0 $0x0  }
0x8d: {  	s20 =	simm.s32 @!p0 $0x300;
	[sflag:s19] =	ssyncadd.s32 @!p0 $0xFFFFFFB0;
	s19 =	simm.s32 @!p0 $0x50  }
0x8e: {  	[tilespmem:s20], [sflag:$0x3] =	stream.indirect.gather @!p0 [hbm4b:s7+s19], $0x80, s23, s19, $0xb8;
	[tilespmem:$0x1E300] =	vst v63  }
0x8f: {  	s20 =	simm.s32 @!p0 $0x2B00  }
0x90: {  	[tilespmem:s20], [sflag:$0x5] =	stream.indirect.gather @!p0 [hbm4b:s8+s19], $0x80, s10, s19, $0xb8;
	[tilespmem:$0x1E300] =	vst v63  }
0x91: {  	_ =	swait.ge [sflag:s13], $0x2800  }
0x92: {  	[sflag:s13] =	ssyncset.done $0x0  }
0x93: {  	[sflag:s13] =	ssyncadd.s32 $0xFFFFD800  }
0x94: {  	_ =	swait.ge [sflag:s14], $0x2800  }
0x95: {  	[sflag:s14] =	ssyncset.done $0x0  }
0x96: {  	s23 =	simm.s32 $0x0;
	[sflag:s14] =	ssyncadd.s32 $0xFFFFD800  }
0x97: {  	v7 =	vld [tilespmem:s23+$0x7B00]  }
0x98: {  	v11 =	vld [tilespmem:s23+$0x7B10]  }
0x99: {  	v5 =	vld [tilespmem:s23+$0x7B20]  }
0x9a: {  	v4 =	vld [tilespmem:s23+$0x7B30]  }
0x9b: {  	v3 =	vld [tilespmem:s23+$0x7B40]  }
0x9c: {  	v2 =	vld [tilespmem:s23+$0x7B50]  }
0x9d: {  	v1 =	vld [tilespmem:s23+$0x7B60]  }
0x9e: {  	v0 =	vld [tilespmem:s23+$0x7B70]  }
0x9f: {  	v12 =	vld [tilespmem:s23+$0x5300]  }
0xa0: {  	v13 =	vld [tilespmem:s23+$0x5310]  }
0xa1: {  	v10 =	vld [tilespmem:s23+$0x5320]  }
0xa2: {  	v9 =	vld [tilespmem:s23+$0x5330]  }
0xa3: {  	v8 =	vld [tilespmem:s23+$0x5340]  }
0xa4: {  	v6 =	vld [tilespmem:s23+$0x5350];
	v12 =	vmul.f32 v7, v12  }
0xa5: {  	s19 =	simm.s32 $0x200;
	v11 =	vmul.f32 v11, v13;
	v7 =	vld [tilespmem:s23+$0x5360]  }
.LBB2_5:
0xa6: {  	s10 =	sshra.s32 s19, $0x2;
	p1 =	sne.s32 s19, $0x9E00;
	[tilespmem:s23+$0x5300] =	vst v12;
	v5 =	vmul.f32 v5, v10;
	v10 =	vld [tilespmem:s23+$0x5370]  }
0xa7: {  	v12 =	vld [tilespmem:s10+$0x7B00];
	[tilespmem:s23+$0x5310] =	vst v11;
	v4 =	vmul.f32 v4, v9  }
0xa8: {  	v11 =	vld [tilespmem:s10+$0x7B10];
	[tilespmem:s23+$0x5320] =	vst v5;
	v3 =	vmul.f32 v3, v8  }
0xa9: {  	v5 =	vld [tilespmem:s10+$0x7B20];
	[tilespmem:s23+$0x5330] =	vst v4;
	v2 =	vmul.f32 v2, v6  }
0xaa: {  	v4 =	vld [tilespmem:s10+$0x7B30];
	[tilespmem:s23+$0x5340] =	vst v3;
	v1 =	vmul.f32 v1, v7  }
0xab: {  	v3 =	vld [tilespmem:s10+$0x7B40];
	[tilespmem:s23+$0x5350] =	vst v2;
	v0 =	vmul.f32 v0, v10  }
0xac: {  	v2 =	vld [tilespmem:s10+$0x7B50];
	[tilespmem:s23+$0x5360] =	vst v1  }
0xad: {  	v1 =	vld [tilespmem:s10+$0x7B60];
	[tilespmem:s23+$0x5370] =	vst v0;
	s23 =	smov.u32 s10  }
0xae: {  	v0 =	vld [tilespmem:s23+$0x7B70]  }
0xaf: {  	v6 =	vld [tilespmem:s23+$0x5300]  }
0xb0: {  	v7 =	vld [tilespmem:s23+$0x5310]  }
.Ltmp3:
0xb1: {  	v10 =	vld [tilespmem:s23+$0x5320];
	(pc) =	sbr.rel @p1 .LBB2_5-.Ltmp3, $4  }
0xb2: {  	v9 =	vld [tilespmem:s23+$0x5330]  }
0xb3: {  	v8 =	vld [tilespmem:s23+$0x5340]  }
0xb4: {  	v12 =	vmul.f32 v12, v6;
	v6 =	vld [tilespmem:s23+$0x5350]  }
0xb5: {  	s19 =	sadd.s32 $0x200, s19;
	v11 =	vmul.f32 v11, v7;
	v7 =	vld [tilespmem:s23+$0x5360]  }
0xb6: {  	[tilespmem:s23+$0x5300] =	vst v12;
	v5 =	vmul.f32 v5, v10;
	v63 =	vld [tilespmem:s23+$0x5370]  }
0xb7: {  	[tilespmem:s23+$0x5310] =	vst v11;
	v4 =	vmul.f32 v4, v9  }
0xb8: {  	[tilespmem:s23+$0x5320] =	vst v5;
	v3 =	vmul.f32 v3, v8  }
0xb9: {  	[tilespmem:s23+$0x5330] =	vst v4;
	v2 =	vmul.f32 v2, v6  }
0xba: {  	[tilespmem:s23+$0x5340] =	vst v3;
	v1 =	vmul.f32 v1, v7  }
0xbb: {  	[tilespmem:s23+$0x5350] =	vst v2;
	v0 =	vmul.f32 v0, v63  }
0xbc: {  	[tilespmem:s23+$0x5360] =	vst v1  }
.Ltmp4:
0xbd: {  	[tilespmem:s23+$0x5370] =	vst v0;
	(pc) =	sbr.rel @p0 .LBB2_8-.Ltmp4, $4  }
0xbe: {  	[spmem:s1] =	stream.indirect.scatter.add.f32 [tilespmem:s29], [sflag:$0x7], $0x80, s0, s26, $0xb8;
	[tilespmem:$0x1E300] =	vst v63  }
0xbf: {  	_ =	swait.ge [sflag:s22], $0x2800  }
0xc0: {  	[sflag:s22] =	ssyncset.done $0x0  }
0xc1: {  	[sflag:s22] =	ssyncadd.s32 $0xFFFFD800  }
0xc2: {  	s10 =	smul.u32 $0xA0, s16;
	_ =	sdelay $0x1  }
0xc3: {  	s10 =	sadd.s32 s10, s18  }
0xc4: {  	s10 =	sshrl.u32 s10, $0x3  }
0xc5: {  	s19 =	sadd.s32 s4, s10  }
0xc6: {  	[tilespmem:s30], [sflag:$0x2] =	stream.linear.gather [hbm4b:s19+s3], $0x50, $0x38;
	[tilespmem:$0x1E300] =	vst v63  }
.Ltmp5:
0xc7: {  	_ = 	snop;
	(pc) =	sbr.rel .LBB2_2-.Ltmp5, $4  }
0xc8: {  	s23 =	sadd.s32 s5, s10  }
0xc9: {  	[tilespmem:s31], [sflag:$0x2] =	stream.linear.gather [hbm4b:s23+s3], $0x50, $0x38;
	[tilespmem:$0x1E300] =	vst v63  }
0xca: {  	s16 =	sadd.s32 $0x1, s16;
	s10 =	sadd.s32 s6, s10  }
0xcb: {  	[tilespmem:s0], [sflag:$0x2] =	stream.linear.gather [hbm4b:s10+s3], $0x50, $0x38;
	[tilespmem:$0x1E300] =	vst v63  }
.LBB2_9:
0xcc: {  	_ =	sfence.sel $0x180000  }
0xcd: {  	[bflag:$0x0] =	sbarrier.arrive $0xFFFF  }
0xce: {  	_ =	strace $0x90000047  }
0xcf: {  	s0 =	stileid.u32;
	[bflag:$0x2] =	sbarrier.arrive $0xFFFF  }
0xd0: {  	p0 =	sne.s32 s0, $0x0;
	s0 =	rddreg [dreg:$0x2]  }
0xd1: {  	s0 =	sadd.s32 @!p0 $0x100000, s0  }
0xd2: {  	[sflag:s0] =	ssyncadd.tile.s32 @!p0 $0x1;
	_ =	shalt  }
.Lfunc_end2:
_tile_overlayer_lowered:
.L_overlay_start_2:
0xd3: {  	(tag) =	ssettag $0x2  }
0xd4: {  	s0 =	rddreg [dreg:$0x0];
	s2 =	stileid.u32  }
0xd5: {  	s1 =	rddreg [dreg:$0x1];
	p0 =	sne.s32 s2, $0x0  }
0xd6: {  	s3 =	rddreg [dreg:$0x2];
	[bflag:$0x3] =	sbarrier.arrive $0xFFFF;
	s2 =	simm.s32 @!p0 $0x1C07  }
0xd7: {  	[timem:s3], [sflag:s2] =	dma.local @!p0 [hbm:s0], s1  }
0xd8: {  	s0 =	simm.s32 @!p0 $0x7  }
0xd9: {  	_ =	swait.ge @!p0 [sflag:s0], s1  }
0xda: {  	s1 =	ssub.s32 @!p0 $0x0, s1;
	[sflag:s0] =	ssyncset.done @!p0 $0x0  }
0xdb: {  	[sflag:s0] =	ssyncadd.s32 @!p0 s1  }
0xdc: {  	[bflag:$0x3] =	sbarrier.arrive $0xFFFF  }
0xdd: {  	_ =	shalt  }

// kernel: _run.23.cloned.1.call-start
scs
__scs_entry_jumppad:
0x0: {  	(pc) =	sbr.rel $0x88, $3  }
0x1: {  	(tag) =	ssettag $0x0;
	lr =	simm.s32 $0x1  }
0x2: {  	[smem:$0x3F93] =	sst lr;
	_ =	strace $0xD0000000  }
0x3: {  	_ = 	snop  }
0x4: {  	_ = 	snop  }
0x5: {  	_ = 	snop  }
0x6: {  	_ = 	snop  }
0x7: {  	_ = 	snop  }
__scs_overlays_trampoline_lowered:
0x8: {  	[smem:$0x3FA2] =	sst s0  }
0x9: {  	[smem:$0x3FA3] =	sst s1  }
0xa: {  	[smem:$0x3FA4] =	sst s2  }
0xb: {  	[smem:$0x3FA5] =	sst s3  }
0xc: {  	[smem:$0x3FA6] =	sst s4  }
0xd: {  	[smem:$0x3FA7] =	sst s5  }
0xe: {  	[smem:$0x3FA8] =	sst s6  }
0xf: {  	[smem:$0x3FA9] =	sst s7  }
0x10: {  	[smem:$0x3FAA] =	sst s8  }
0x11: {  	[smem:$0x3FAB] =	sst s9;
	s0 =	simm.s32 @!p0 $0x0  }
0x12: {  	s1 =	sld [smem:$0x3F91];
	s0 =	simm.s32 @p0 $0x1  }
0x13: {  	[smem:$0x3FAC] =	sst s0;
	s0 =	simm.s32 @!p1 $0x0  }
0x14: {  	s2 =	sld [smem:$0x3F90];
	s0 =	simm.s32 @p1 $0x1  }
0x15: {  	[smem:$0x3FAD] =	sst s0;
	s0 =	simm.s32 @!p2 $0x0  }
0x16: {  	s3 =	sld [smem:$0x3FDB];
	s0 =	simm.s32 @p2 $0x1  }
0x17: {  	s4 =	simm.s32 $0x1BF5;
	[smem:$0x3FAF] =	sst s0  }
0x18: {  	s0 =	sld [smem:$0x3F92];
	_ =	swait.ge [sflag:s4], $0x0  }
0x19: {  	s7 =	sld [smem:$0x3F93]  }
0x1a: {  	s8 =	sadd.s32 $0xFFFFE003, lr  }
0x1b: {  	s9 =	sadd.s32 $0xFFFFFEF7, lr;
	s5 =	simm.s32 $0xFFFFFFFF;
	p2 =	slt.u32 s8, $0xFFFFF086  }
0x1c: {  	p1 =	slt.u32 s9, $0xF7A;
	s5 =	simm.s32 @!p2 $0x0  }
0x1d: {  	s5 =	simm.s32 @p1 $0x1;
	p0 =	seq.s32 s7, s2  }
0x1e: {  	s7 =	smul.u32 @!p0 $0xF7A, s2;
	p2 =	seq.s32 @!p0 s5, $0x0  }
0x1f: {  	s9 =	smul.u32 $0xF7A, s1;
	s8 =	simm.s32 @!p0 $0x1BF5;
	p2 =	por !p2, p0  }
0x20: {  	[sflag:s8] =	ssyncset.s32 @!p0 $0xFFFFF086;
	s6 =	sadd.s32 @!p0 s3, s7;
	s7 =	simm.s32 @!p0 $0x108  }
0x21: {  	s3 =	sadd.s32 s3, s9;
	s6 =	sadd.s32 @!p0 $0x88, s6;
	s7 =	simm.s32 @p2 $0x1082  }
0x22: {  	[simem:s7], [sflag:s8] =	dma.local @!p0 [hbm:s6], $0xF7A  }
0x23: {  	s9 =	sor.u32 $0xD0000000, s2;
	s6 =	simm.s32 $0x108;
	_ =	swait.ge @!p0 [sflag:s8], $0x0  }
0x24: {  	s3 =	sadd.s32 $0x88, s3;
	s6 =	simm.s32 @!p1 $0x1082;
	[sflag:s4] =	ssyncset.s32 $0xFFFFF086  }
0x25: {  	[simem:s6], [sflag:s4] =	dma.local [hbm:s3], $0xF7A  }
0x26: {  	[smem:$0x3F93] =	sst s1;
	(tag) =	ssettag s2;
	_ =	strace s9  }
0x27: {  	s1 =	sld [smem:$0x3FA3]  }
0x28: {  	s2 =	sld [smem:$0x3FA4]  }
0x29: {  	s4 =	sld [smem:$0x3FA6]  }
0x2a: {  	p0 =	seq.s32 s5, $0x0;
	s5 =	sld [smem:$0x3FA7]  }
0x2b: {  	s6 =	sld [smem:$0x3FA8]  }
0x2c: {  	s7 =	sld [smem:$0x3FA9]  }
0x2d: {  	s3 =	simm.s32 $0x108;
	s8 =	sld [smem:$0x3FAA]  }
0x2e: {  	s3 =	simm.s32 @!p0 $0x1082;
	s9 =	sld [smem:$0x3FAB]  }
0x2f: {  	lr =	sadd.s32 s0, s3;
	s0 =	sld [smem:$0x3FA2]  }
0x30: {  	s3 =	sld [smem:$0x3FA5]  }
0x31: {  	[smem:$0x3FAE] =	sst s10  }
0x32: {  	s10 =	sld [smem:$0x3FAC];
	_ =	sdelay $0x3  }
0x33: {  	p0 =	seq.s32 s10, $0x1;
	s10 =	sld [smem:$0x3FAE];
	_ =	sdelay $0x3  }
0x34: {  	[smem:$0x3FAE] =	sst s10  }
0x35: {  	s10 =	sld [smem:$0x3FAD];
	_ =	sdelay $0x3  }
0x36: {  	p1 =	seq.s32 s10, $0x1;
	s10 =	sld [smem:$0x3FAE];
	_ =	sdelay $0x3  }
0x37: {  	[smem:$0x3FAE] =	sst s10  }
0x38: {  	s10 =	sld [smem:$0x3FAF]  }
0x39: {  	_ = 	snop;
	(pc) =	sbr.ind lr, $3  }
0x3a: {  	_ = 	snop  }
0x3b: {  	_ = 	snop  }
0x3c: {  	p2 =	seq.s32 s10, $0x1;
	s10 =	sld [smem:$0x3FAE]  }
0x3d: {  	_ =	shalt  }
0x3e: {  	_ =	shalt  }
0x3f: {  	_ =	shalt  }
0x40: {  	_ =	shalt  }
0x41: {  	_ =	shalt  }
0x42: {  	_ =	shalt  }
0x43: {  	_ =	shalt  }
0x44: {  	_ =	shalt  }
0x45: {  	_ =	shalt  }
0x46: {  	_ =	shalt  }
0x47: {  	_ =	shalt  }
0x48: {  	_ =	shalt  }
0x49: {  	_ =	shalt  }
0x4a: {  	_ =	shalt  }
0x4b: {  	_ =	shalt  }
0x4c: {  	_ =	shalt  }
0x4d: {  	_ =	shalt  }
0x4e: {  	_ =	shalt  }
0x4f: {  	_ =	shalt  }
0x50: {  	_ =	shalt  }
0x51: {  	_ =	shalt  }
0x52: {  	_ =	shalt  }
0x53: {  	_ =	shalt  }
0x54: {  	_ =	shalt  }
0x55: {  	_ =	shalt  }
0x56: {  	_ =	shalt  }
0x57: {  	_ =	shalt  }
0x58: {  	_ =	shalt  }
0x59: {  	_ =	shalt  }
0x5a: {  	_ =	shalt  }
0x5b: {  	_ =	shalt  }
0x5c: {  	_ =	shalt  }
0x5d: {  	_ =	shalt  }
0x5e: {  	_ =	shalt  }
0x5f: {  	_ =	shalt  }
0x60: {  	_ =	shalt  }
0x61: {  	_ =	shalt  }
0x62: {  	_ =	shalt  }
0x63: {  	_ =	shalt  }
0x64: {  	_ =	shalt  }
0x65: {  	_ =	shalt  }
0x66: {  	_ =	shalt  }
0x67: {  	_ =	shalt  }
0x68: {  	_ =	shalt  }
0x69: {  	_ =	shalt  }
0x6a: {  	_ =	shalt  }
0x6b: {  	_ =	shalt  }
0x6c: {  	_ =	shalt  }
0x6d: {  	_ =	shalt  }
0x6e: {  	_ =	shalt  }
0x6f: {  	_ =	shalt  }
0x70: {  	_ =	shalt  }
0x71: {  	_ =	shalt  }
0x72: {  	_ =	shalt  }
0x73: {  	_ =	shalt  }
0x74: {  	_ =	shalt  }
0x75: {  	_ =	shalt  }
0x76: {  	_ =	shalt  }
0x77: {  	_ =	shalt  }
0x78: {  	_ =	shalt  }
0x79: {  	_ =	shalt  }
0x7a: {  	_ =	shalt  }
0x7b: {  	_ =	shalt  }
0x7c: {  	_ =	shalt  }
0x7d: {  	_ =	shalt  }
0x7e: {  	_ =	shalt  }
0x7f: {  	_ =	shalt  }
0x80: {  	_ =	shalt  }
0x81: {  	_ =	shalt  }
0x82: {  	_ =	shalt  }
0x83: {  	_ =	shalt  }
0x84: {  	_ =	shalt  }
0x85: {  	_ =	shalt  }
0x86: {  	_ =	shalt  }
0x87: {  	_ =	shalt  }
.Lfunc_end0:
.L_simem_size_0:
called_computation.3_lowered:
.L_overlay_start_0:
0x88: {  	s2 =	sld [smem:$0x3FD9]  }
0x89: {  	s3 =	sld [smem:$0x3FFE];
	_ =	sdelay $0x1  }
0x8a: {  	s1 =	srdreg.scid  }
0x8b: {  	s0 =	sand.u32 $0x1, s1  }
0x8c: {  	s17 =	sshll.u32 s0, $0xA;
	s2 =	sadd.s32 s3, s2  }
0x8d: {  	s2 =	sadd.s32 s2, s17  }
0x8e: {  	[smem:$0x3FBA] =	sst s2  }
0x8f: {  	_ = 	snop  }
0x90: {  	(tm) =	ssettm $0x1  }
0x91: {  	s18 =	sld [smem:$0x3FFB];
	_ =	sdelay $0x3  }
0x92: {  	_ =	strace s18  }
0x93: {  	s2 =	sld [smem:$0x3FFC];
	_ =	sdelay $0x3  }
0x94: {  	_ =	strace s2  }
0x95: {  	s2 =	sld [smem:$0x3FFD];
	_ =	sdelay $0x3  }
0x96: {  	_ =	strace s2  }
0x97: {  	_ =	strace $0x8FFFFFFF  }
0x98: {  	s19 =	sld [smem:$0x3FDB];
	_ =	sdelay $0x1  }
0x99: {  	s20 =	simm.s32 $_scs_section_size  }
0x9a: {  	s4 =	simm.s32 $_size__tile_overlayer_lowered;
	s5 =	simm.s32 $_tile_overlayer_lowered  }
0x9b: {  	s6 =	simm.s32 $0x1BFF;
	s21 =	sshll.u32 s5, $0x1;
	s3 =	sadd.s32 s20, s19  }
0x9c: {  	s22 =	simm.s32 $0x0;
	s4 =	sshll.u32 s4, $0x1;
	s5 =	sadd.s32 s21, s3  }
0x9d: {  	[timem:s22], [sflag:s6] =	dma.local [hbm:s5], s4  }
0x9e: {  	_ =	swait.ge [sflag:s6], s4  }
0x9f: {  	s4 =	ssub.s32 $0x0, s4;
	[sflag:s6] =	ssyncset.done $0x0  }
0xa0: {  	[sflag:s6] =	ssyncadd.s32 s4;
	_ =	sdelay $0x1  }
0xa1: {  	s23 =	simm.s32 $0x1B8B  }
0xa2: {  	_ =	swait.ge [sflag:s23], $0x1  }
0xa3: {  	[sflag:s23] =	ssyncset.done $0x0  }
0xa4: {  	[sflag:s23] =	ssyncadd.s32 $0xFFFFFFFF  }
0xa5: {  	s4 =	sld [smem:$0x0]  }
0xa6: {  	s5 =	sand.u32 $0xFFFFFFFE, s1  }
0xa7: {  	p0 =	sne.s32 s1, s5  }
0xa8: {  	s5 =	sshll.u32 @p0 s5, $0xE  }
0xa9: {  	s5 =	sadd.s32 @p0 $0x11B8D, s5;
	s6 =	sshll.u32 @p0 s4, $0x11  }
0xaa: {  	s5 =	sor.u32 @p0 s6, s5  }
0xab: {  	[sflag:s5] =	ssyncadd.remote.s32 @p0 $0x1;
	_ =	sdelay $0x1  }
0xac: {  	s5 =	simm.s32 @p0 $0x1B8D  }
0xad: {  	_ =	swait.eq @p0 [sflag:s5], $0x1  }
0xae: {  	[sflag:s5] =	ssyncadd.s32 @p0 $0xFFFFFFFF  }
0xaf: {  	s6 =	sshll.u32 @!p0 s1, $0xE  }
0xb0: {  	s6 =	sor.u32 @!p0 $0x4000, s6;
	s5 =	simm.s32 @!p0 $0x1B8D  }
0xb1: {  	s4 =	sshll.u32 @!p0 s4, $0x11;
	s6 =	sadd.s32 @!p0 $0x11B8D, s6;
	_ =	swait.eq @!p0 [sflag:s5], $0x1  }
0xb2: {  	s4 =	sor.u32 @!p0 s4, s6;
	[sflag:s5] =	ssyncadd.s32 @!p0 $0xFFFFFFFF  }
0xb3: {  	s25 =	simm.s32 $0x1B8E;
	s24 =	sld [smem:$0x3FFE];
	[sflag:s4] =	ssyncadd.remote.s32 @!p0 $0x1  }
0xb4: {  	s26 =	simm.s32 $execute0_lowered;
	[smem:$0x3FD2] =	sst s25  }
0xb5: {  	s5 =	sshll.u32 s26, $0x1;
	_ =	strace $0x8000004C;
	[dreg:$0x1] =	wrdreg $0xFFFFFFFF  }
0xb6: {  	s28 =	simm.s32 $_size_execute0_lowered;
	s3 =	sadd.s32 s3, s5;
	[dreg:$0x0] =	wrdreg $0x0  }
0xb7: {  	s5 =	sshll.u32 s28, $0x1;
	[dreg:$0x2] =	wrdreg s3  }
0xb8: {  	[dreg:$0x3] =	wrdreg s5  }
0xb9: {  	[dreg:$0x4] =	wrdreg $0xC0  }
0xba: {  	_ =	task [dreg:s22], $0x5FFFF  }
0xbb: {  	[dreg:$0x1] =	wrdreg $0xFFFFFFFF  }
0xbc: {  	[dreg:$0x0] =	wrdreg $0x60  }
0xbd: {  	[dreg:$0x2] =	wrdreg s24  }
0xbe: {  	[dreg:$0x3] =	wrdreg $0xA3000  }
0xbf: {  	[dreg:$0x4] =	wrdreg $0xA  }
0xc0: {  	_ =	task.clear_ibuf [dreg:s22], $0x5FFFF;
	_ =	strace $0x9000004C  }
0xc1: {  	s29 =	simm.s32 $0xA;
	_ =	strace $0x8000004E  }
0xc2: {  	_ =	swait.ge [sflag:s29], $0x1  }
0xc3: {  	[sflag:s29] =	ssyncadd.s32 $0xFFFFFFFF  }
0xc4: {  	_ =	strace $0x9000004E  }
0xc5: {  	_ =	sfence  }
0xc6: {  	s30 =	sld [smem:$0x0];
	_ =	sdelay $0x2  }
0xc7: {  	s31 =	sshll.u32 s1, $0xD;
	s1 =	sshrl.u32 s1, $0x2  }
0xc8: {  	s4 =	sand.u32 $0x4000, s31;
	s1 =	sadd.s32 s1, s30  }
0xc9: {  	s0 =	sor.u32 s4, s0;
	s1 =	sshll.u32 s1, $0x11  }
0xca: {  	s0 =	sor.u32 s1, s0  }
0xcb: {  	s0 =	sadd.s32 $0x8F2B, s0  }
0xcc: {  	[sflag:s0] =	ssyncadd.remote.s32 $0x1  }
0xcd: {  	_ =	sfence.sel $0xFFFF  }
0xce: {  	[dreg:$0x0] =	wrdreg $0xFFFFFFFF;
	(pc) =	sbr.abs _section_cstart, $3  }
0xcf: {  	[dreg:$0x1] =	wrdreg $0xFFFFFFFF  }
0xd0: {  	_ =	task.clear_ibuf [dreg:s22], $0x2FFFF;
	_ =	strace $0x9FFFFFFF  }
0xd1: {  	(tm) =	ssettm $0x7FFFFFFF  }
tec
execute0_lowered:
.L_overlay_start_1:
0x0: {  	(tag) =	ssettag $0x1  }
0x1: {  	s0 =	rddreg [dreg:$0x0]  }
0x2: {  	s1 =	rddreg [dreg:$0x1];
	s3 =	simm.s32 $0x0;
	s13 =	stileid.u32  }
0x3: {  	s2 =	srdreg.scid;
	s28 =	simm.s32 $0x300;
	s30 =	simm.s32 $0x80  }
0x4: {  	s31 =	simm.s32 $0x180;
	s29 =	simm.s32 $0x5300;
	[smem:$0x7FF] =	sst s3  }
0x5: {  	s4 =	sadd.s32 $0x4200, s0;
	s9 =	smul.u32 $0x2800, s13;
	s2 =	sand.u32 $0x1, s2  }
0x6: {  	s5 =	sadd.s32 $0x36600, s0;
	s6 =	sadd.s32 $0x9200, s0;
	s7 =	sadd.s32 $0xE200, s0  }
0x7: {  	s8 =	sadd.s32 $0x36400, s0;
	s14 =	sshll.u32 s13, $0x1;
	s12 =	smul.u32 $0x50000, s13  }
0x8: {  	s17 =	sshll.u32 s13, $0x6;
	s13 =	simm.s32 $0x4;
	_ =	strace $0x8000004D  }
0x9: {  	s10 =	smul.u32 $0x28000, s2;
	s15 =	ssub.s32 $0x2, s2;
	s2 =	sor.u32 s2, s14  }
0xa: {  	s14 =	simm.s32 $0x6;
	s11 =	sadd.s32 s9, s0;
	s16 =	sshrl.u32 s15, $0x1  }
0xb: {  	s2 =	smul.u32 $0x1400, s2;
	s12 =	sshrl.u32 s12, $0x2;
	s9 =	sadd.s32 s9, s10  }
0xc: {  	s12 =	sadd.s32 s12, s1;
	s11 =	sadd.s32 $0x3B600, s11;
	s0 =	sadd.s32 s9, s0  }
0xd: {  	s9 =	ssub.s32 s15, s16;
	[dreg:$0x3] =	wrdreg s11;
	s16 =	sor.u32 $0x1C07, s17  }
0xe: {  	s18 =	sshrl.u32 s2, $0x3;
	s17 =	sor.u32 $0xA0, s2;
	s11 =	simm.s32 $0x3  }
0xf: {  	s15 =	simm.s32 $0x0;
	s19 =	sadd.s32 s4, s18;
	s20 =	sadd.s32 s5, s18  }
0x10: {  	s21 =	sor.u32 $0xA, s18;
	s22 =	sadd.s32 s6, s18;
	[dreg:$0x4] =	wrdreg s19  }
0x11: {  	s18 =	sor.u32 $0xF0, s2;
	s0 =	sadd.s32 $0x63600, s0;
	[dreg:$0x5] =	wrdreg s20  }
0x12: {  	s26 =	smax.u32 s9, $0x1;
	s2 =	simm.s32 $0x2;
	[dreg:$0x6] =	wrdreg s22  }
0x13: {  	s9 =	simm.s32 $0x7B00;
	s23 =	sadd.s32 s4, s21;
	[dreg:$0xa] =	wrdreg s0  }
.Ltmp0:
0x14: {  	s24 =	sadd.s32 s5, s21;
	[dreg:$0xb] =	wrdreg s26;
	(pc) =	sbr.rel .LBB2_1-.Ltmp0, $4  }
0x15: {  	s25 =	sadd.s32 s6, s21;
	s19 =	sshrl.u32 s12, $0x3;
	[dreg:$0x7] =	wrdreg s23  }
0x16: {  	s22 =	simm.s32 $0x7;
	s26 =	simm.s32 $0x50;
	[dreg:$0x8] =	wrdreg s24  }
0x17: {  	s0 =	simm.s32 $0x280;
	s12 =	simm.s32 $0x5;
	[dreg:$0x9] =	wrdreg s25  }
0x18: {  	s24 =	simm.s32 $0x200;
	s25 =	simm.s32 $0x1;
	[dreg:$0xc] =	wrdreg s19  }
.LBB2_8:
0x19: {  	[bflag:$0x0] =	sbarrier.arrive $0xFFFF  }
0x1a: {  	s10 =	rddreg [dreg:$0xa]  }
0x1b: {  	s19 =	rddreg [dreg:$0xc]  }
0x1c: {  	[hbm:s10], [sflag:s21] =	dma.local [spmem:s19], $0x2800  }
0x1d: {  	_ =	swait.ge [sflag:s22], $0x2800  }
0x1e: {  	s15 =	sadd.s32 $0x1, s15;
	s23 =	rddreg [dreg:$0xb]  }
0x1f: {  	p0 =	sne.s32 s15, s23  }
.Ltmp1:
0x20: {  	_ = 	snop;
	(pc) =	sbr.rel @!p0 .LBB2_9-.Ltmp1, $3  }
0x21: {  	_ =	sdelay $0x1  }
0x22: {  	[sflag:s22] =	ssyncset.done $0x0  }
0x23: {  	s16 =	smov.u32 s21;
	[sflag:s22] =	ssyncadd.s32 $0xFFFFD800  }
.LBB2_1:
0x24: {  	s10 =	rddreg [dreg:$0x3]  }
0x25: {  	[spmem:s19], [sflag:s16] =	dma.local [hbm:s10], $0x2800  }
0x26: {  	_ =	swait.ge [sflag:s22], $0x2800  }
0x27: {  	[sflag:s22] =	ssyncset.done $0x0  }
0x28: {  	[sflag:s22] =	ssyncadd.s32 $0xFFFFD800  }
0x29: {  	[bflag:$0x0] =	sbarrier.arrive $0xFFFF  }
0x2a: {  	s23 =	rddreg [dreg:$0x4]  }
0x2b: {  	[tilespmem:s3], [sflag:$0x1] =	stream.linear.gather [hbm4b:s23+s3], $0x50, $0x38;
	[tilespmem:$0x1E300] =	vst v63  }
0x2c: {  	s21 =	smov.u32 s16;
	s19 =	simm.s32 $0x100;
	s16 =	rddreg [dreg:$0x5]  }
0x2d: {  	[tilespmem:s19], [sflag:$0x1] =	stream.linear.gather [hbm4b:s16+s3], $0x50, $0x38;
	[tilespmem:$0x1E300] =	vst v63  }
0x2e: {  	s20 =	rddreg [dreg:$0x6]  }
0x2f: {  	[tilespmem:s24], [sflag:$0x1] =	stream.linear.gather [hbm4b:s20+s3], $0x50, $0x38;
	[tilespmem:$0x1E300] =	vst v63  }
0x30: {  	_ =	swait.ge [sflag:s25], $0x50  }
0x31: {  	[sflag:s25] =	ssyncset.done $0x0  }
0x32: {  	[sflag:s25] =	ssyncadd.s32 $0xFFFFFFB0  }
0x33: {  	_ =	swait.ge [sflag:s25], $0x50  }
0x34: {  	[sflag:s25] =	ssyncset.done $0x0  }
0x35: {  	[sflag:s25] =	ssyncadd.s32 $0xFFFFFFB0  }
0x36: {  	_ =	swait.ge [sflag:s25], $0x50  }
0x37: {  	[sflag:s25] =	ssyncset.done $0x0  }
0x38: {  	[sflag:s25] =	ssyncadd.s32 $0xFFFFFFB0  }
0x39: {  	[tilespmem:s28], [sflag:$0x3] =	stream.indirect.gather [hbm4b:s7+s26], $0x80, s3, s26, $0xb8;
	[tilespmem:$0x1E300] =	vst v63  }
0x3a: {  	s23 =	simm.s32 $0x2B00  }
0x3b: {  	[tilespmem:s23], [sflag:$0x5] =	stream.indirect.gather [hbm4b:s8+s26], $0x80, s19, s26, $0xb8;
	[tilespmem:$0x1E300] =	vst v63  }
0x3c: {  	s19 =	rddreg [dreg:$0x7]  }
0x3d: {  	[tilespmem:s30], [sflag:$0x2] =	stream.linear.gather [hbm4b:s19+s3], $0x50, $0x38;
	[tilespmem:$0x1E300] =	vst v63  }
0x3e: {  	s20 =	rddreg [dreg:$0x8]  }
0x3f: {  	[tilespmem:s31], [sflag:$0x2] =	stream.linear.gather [hbm4b:s20+s3], $0x50, $0x38;
	[tilespmem:$0x1E300] =	vst v63  }
0x40: {  	s16 =	simm.s32 $0x0;
	s23 =	rddreg [dreg:$0x9]  }
0x41: {  	[tilespmem:s0], [sflag:$0x2] =	stream.linear.gather [hbm4b:s23+s3], $0x50, $0x38;
	[tilespmem:$0x1E300] =	vst v63  }
.LBB2_2:
0x42: {  	_ =	swait.ge [sflag:s2], $0x50  }
0x43: {  	[sflag:s2] =	ssyncset.done $0x0  }
0x44: {  	[sflag:s2] =	ssyncadd.s32 $0xFFFFFFB0  }
0x45: {  	_ =	swait.ge [sflag:s2], $0x50  }
0x46: {  	[sflag:s2] =	ssyncset.done $0x0  }
0x47: {  	[sflag:s2] =	ssyncadd.s32 $0xFFFFFFB0  }
0x48: {  	_ =	swait.ge [sflag:s2], $0x50  }
0x49: {  	[sflag:s2] =	ssyncset.done $0x0  }
0x4a: {  	[sflag:s2] =	ssyncadd.s32 $0xFFFFFFB0  }
0x4b: {  	[tilespmem:s29], [sflag:$0x4] =	stream.indirect.gather [hbm4b:s7+s26], $0x80, s30, s26, $0xb8;
	[tilespmem:$0x1E300] =	vst v63  }
0x4c: {  	_ = 	snop  }
0x4d: {  	[tilespmem:s9], [sflag:$0x6] =	stream.indirect.gather [hbm4b:s8+s26], $0x80, s31, s26, $0xb8;
	[tilespmem:$0x1E300] =	vst v63  }
0x4e: {  	_ =	swait.ge [sflag:s11], $0x2800  }
0x4f: {  	[sflag:s11] =	ssyncset.done $0x0  }
0x50: {  	[sflag:s11] =	ssyncadd.s32 $0xFFFFD800  }
0x51: {  	_ =	swait.ge [sflag:s12], $0x2800  }
0x52: {  	[sflag:s12] =	ssyncset.done $0x0  }
0x53: {  	s23 =	simm.s32 $0x0;
	[sflag:s12] =	ssyncadd.s32 $0xFFFFD800  }
0x54: {  	v7 =	vld [tilespmem:s23+$0x2B00]  }
0x55: {  	v11 =	vld [tilespmem:s23+$0x2B10]  }
0x56: {  	v5 =	vld [tilespmem:s23+$0x2B20]  }
0x57: {  	v4 =	vld [tilespmem:s23+$0x2B30]  }
0x58: {  	v3 =	vld [tilespmem:s23+$0x2B40]  }
0x59: {  	v2 =	vld [tilespmem:s23+$0x2B50]  }
0x5a: {  	v1 =	vld [tilespmem:s23+$0x2B60]  }
0x5b: {  	v0 =	vld [tilespmem:s23+$0x2B70]  }
0x5c: {  	v12 =	vld [tilespmem:s23+$0x300]  }
0x5d: {  	v13 =	vld [tilespmem:s23+$0x310]  }
0x5e: {  	v10 =	vld [tilespmem:s23+$0x320]  }
0x5f: {  	v9 =	vld [tilespmem:s23+$0x330]  }
0x60: {  	v8 =	vld [tilespmem:s23+$0x340]  }
0x61: {  	v6 =	vld [tilespmem:s23+$0x350];
	v12 =	vmul.f32 v7, v12  }
0x62: {  	s19 =	simm.s32 $0x200;
	v11 =	vmul.f32 v11, v13;
	v7 =	vld [tilespmem:s23+$0x360]  }
.LBB2_3:
0x63: {  	s20 =	sshra.s32 s19, $0x2;
	p0 =	sne.s32 s19, $0x9E00;
	[tilespmem:s23+$0x300] =	vst v12;
	v5 =	vmul.f32 v5, v10;
	v10 =	vld [tilespmem:s23+$0x370]  }
0x64: {  	v12 =	vld [tilespmem:s20+$0x2B00];
	[tilespmem:s23+$0x310] =	vst v11;
	v4 =	vmul.f32 v4, v9  }
0x65: {  	v11 =	vld [tilespmem:s20+$0x2B10];
	[tilespmem:s23+$0x320] =	vst v5;
	v3 =	vmul.f32 v3, v8  }
0x66: {  	v5 =	vld [tilespmem:s20+$0x2B20];
	[tilespmem:s23+$0x330] =	vst v4;
	v2 =	vmul.f32 v2, v6  }
0x67: {  	v4 =	vld [tilespmem:s20+$0x2B30];
	[tilespmem:s23+$0x340] =	vst v3;
	v1 =	vmul.f32 v1, v7  }
0x68: {  	v3 =	vld [tilespmem:s20+$0x2B40];
	[tilespmem:s23+$0x350] =	vst v2;
	v0 =	vmul.f32 v0, v10  }
0x69: {  	v2 =	vld [tilespmem:s20+$0x2B50];
	[tilespmem:s23+$0x360] =	vst v1  }
0x6a: {  	v1 =	vld [tilespmem:s20+$0x2B60];
	[tilespmem:s23+$0x370] =	vst v0;
	s23 =	smov.u32 s20  }
0x6b: {  	v0 =	vld [tilespmem:s23+$0x2B70]  }
0x6c: {  	v6 =	vld [tilespmem:s23+$0x300]  }
0x6d: {  	v7 =	vld [tilespmem:s23+$0x310]  }
.Ltmp2:
0x6e: {  	v10 =	vld [tilespmem:s23+$0x320];
	(pc) =	sbr.rel @p0 .LBB2_3-.Ltmp2, $4  }
0x6f: {  	v9 =	vld [tilespmem:s23+$0x330]  }
0x70: {  	v8 =	vld [tilespmem:s23+$0x340]  }
0x71: {  	v12 =	vmul.f32 v12, v6;
	v6 =	vld [tilespmem:s23+$0x350]  }
0x72: {  	s19 =	sadd.s32 $0x200, s19;
	v11 =	vmul.f32 v11, v7;
	v7 =	vld [tilespmem:s23+$0x360]  }
0x73: {  	[tilespmem:s23+$0x300] =	vst v12;
	v5 =	vmul.f32 v5, v10;
	v10 =	vld [tilespmem:s23+$0x370]  }
0x74: {  	[tilespmem:s23+$0x310] =	vst v11;
	v4 =	vmul.f32 v4, v9  }
0x75: {  	[tilespmem:s23+$0x320] =	vst v5;
	v3 =	vmul.f32 v3, v8  }
0x76: {  	[tilespmem:s23+$0x330] =	vst v4;
	v2 =	vmul.f32 v2, v6  }
0x77: {  	[tilespmem:s23+$0x340] =	vst v3;
	v1 =	vmul.f32 v1, v7  }
0x78: {  	[tilespmem:s23+$0x350] =	vst v2;
	v0 =	vmul.f32 v0, v10  }
0x79: {  	p0 =	seq.s32 s16, $0x1F;
	[tilespmem:s23+$0x360] =	vst v1  }
0x7a: {  	s19 =	smul.u32 @!p0 $0xA0, s16;
	[tilespmem:s23+$0x370] =	vst v0  }
0x7b: {  	[spmem:s1] =	stream.indirect.scatter.add.f32 [tilespmem:s28], [sflag:$0x7], $0x80, s24, s26, $0xb8;
	[tilespmem:$0x1E300] =	vst v63  }
0x7c: {  	s19 =	sadd.s32 @!p0 s19, s17;
	_ =	swait.ge [sflag:s22], $0x2800  }
0x7d: {  	s19 =	sshrl.u32 @!p0 s19, $0x3;
	[sflag:s22] =	ssyncset.done $0x0  }
0x7e: {  	s20 =	sadd.s32 @!p0 s4, s19;
	s23 =	simm.s32 @!p0 $0x0;
	[sflag:s22] =	ssyncadd.s32 $0xFFFFD800  }
0x7f: {  	[tilespmem:s23], [sflag:$0x1] =	stream.linear.gather @!p0 [hbm4b:s20+s23], $0x50, $0x38;
	[tilespmem:$0x1E300] =	vst v63  }
0x80: {  	s10 =	simm.s32 @!p0 $0x100;
	s20 =	sadd.s32 @!p0 s5, s19  }
0x81: {  	[tilespmem:s10], [sflag:$0x1] =	stream.linear.gather @!p0 [hbm4b:s20+s23], $0x50, $0x38;
	[tilespmem:$0x1E300] =	vst v63  }
0x82: {  	s19 =	sadd.s32 @!p0 s6, s19;
	s20 =	simm.s32 @!p0 $0x200  }
0x83: {  	[tilespmem:s20], [sflag:$0x1] =	stream.linear.gather @!p0 [hbm4b:s19+s23], $0x50, $0x38;
	[tilespmem:$0x1E300] =	vst v63  }
0x84: {  	s19 =	simm.s32 @!p0 $0x1  }
0x85: {  	_ =	swait.ge @!p0 [sflag:s19], $0x50  }
0x86: {  	[sflag:s19] =	ssyncset.done @!p0 $0x0  }
0x87: {  	[sflag:s19] =	ssyncadd.s32 @!p0 $0xFFFFFFB0  }
0x88: {  	_ =	swait.ge @!p0 [sflag:s19], $0x50  }
0x89: {  	[sflag:s19] =	ssyncset.done @!p0 $0x0  }
0x8a: {  	[sflag:s19] =	ssyncadd.s32 @!p0 $0xFFFFFFB0  }
0x8b: {  	_ =	swait.ge @!p0 [sflag:s19], $0x50  }
0x8c: {  	[sflag:s19] =	ssyncset.done @!p0 $0x0  }
0x8d: {  	s20 =	simm.s32 @!p0 $0x300;
	[sflag:s19] =	ssyncadd.s32 @!p0 $0xFFFFFFB0;
	s19 =	simm.s32 @!p0 $0x50  }
0x8e: {  	[tilespmem:s20], [sflag:$0x3] =	stream.indirect.gather @!p0 [hbm4b:s7+s19], $0x80, s23, s19, $0xb8;
	[tilespmem:$0x1E300] =	vst v63  }
0x8f: {  	s20 =	simm.s32 @!p0 $0x2B00  }
0x90: {  	[tilespmem:s20], [sflag:$0x5] =	stream.indirect.gather @!p0 [hbm4b:s8+s19], $0x80, s10, s19, $0xb8;
	[tilespmem:$0x1E300] =	vst v63  }
0x91: {  	_ =	swait.ge [sflag:s13], $0x2800  }
0x92: {  	[sflag:s13] =	ssyncset.done $0x0  }
0x93: {  	[sflag:s13] =	ssyncadd.s32 $0xFFFFD800  }
0x94: {  	_ =	swait.ge [sflag:s14], $0x2800  }
0x95: {  	[sflag:s14] =	ssyncset.done $0x0  }
0x96: {  	s23 =	simm.s32 $0x0;
	[sflag:s14] =	ssyncadd.s32 $0xFFFFD800  }
0x97: {  	v7 =	vld [tilespmem:s23+$0x7B00]  }
0x98: {  	v11 =	vld [tilespmem:s23+$0x7B10]  }
0x99: {  	v5 =	vld [tilespmem:s23+$0x7B20]  }
0x9a: {  	v4 =	vld [tilespmem:s23+$0x7B30]  }
0x9b: {  	v3 =	vld [tilespmem:s23+$0x7B40]  }
0x9c: {  	v2 =	vld [tilespmem:s23+$0x7B50]  }
0x9d: {  	v1 =	vld [tilespmem:s23+$0x7B60]  }
0x9e: {  	v0 =	vld [tilespmem:s23+$0x7B70]  }
0x9f: {  	v12 =	vld [tilespmem:s23+$0x5300]  }
0xa0: {  	v13 =	vld [tilespmem:s23+$0x5310]  }
0xa1: {  	v10 =	vld [tilespmem:s23+$0x5320]  }
0xa2: {  	v9 =	vld [tilespmem:s23+$0x5330]  }
0xa3: {  	v8 =	vld [tilespmem:s23+$0x5340]  }
0xa4: {  	v6 =	vld [tilespmem:s23+$0x5350];
	v12 =	vmul.f32 v7, v12  }
0xa5: {  	s19 =	simm.s32 $0x200;
	v11 =	vmul.f32 v11, v13;
	v7 =	vld [tilespmem:s23+$0x5360]  }
.LBB2_5:
0xa6: {  	s10 =	sshra.s32 s19, $0x2;
	p1 =	sne.s32 s19, $0x9E00;
	[tilespmem:s23+$0x5300] =	vst v12;
	v5 =	vmul.f32 v5, v10;
	v10 =	vld [tilespmem:s23+$0x5370]  }
0xa7: {  	v12 =	vld [tilespmem:s10+$0x7B00];
	[tilespmem:s23+$0x5310] =	vst v11;
	v4 =	vmul.f32 v4, v9  }
0xa8: {  	v11 =	vld [tilespmem:s10+$0x7B10];
	[tilespmem:s23+$0x5320] =	vst v5;
	v3 =	vmul.f32 v3, v8  }
0xa9: {  	v5 =	vld [tilespmem:s10+$0x7B20];
	[tilespmem:s23+$0x5330] =	vst v4;
	v2 =	vmul.f32 v2, v6  }
0xaa: {  	v4 =	vld [tilespmem:s10+$0x7B30];
	[tilespmem:s23+$0x5340] =	vst v3;
	v1 =	vmul.f32 v1, v7  }
0xab: {  	v3 =	vld [tilespmem:s10+$0x7B40];
	[tilespmem:s23+$0x5350] =	vst v2;
	v0 =	vmul.f32 v0, v10  }
0xac: {  	v2 =	vld [tilespmem:s10+$0x7B50];
	[tilespmem:s23+$0x5360] =	vst v1  }
0xad: {  	v1 =	vld [tilespmem:s10+$0x7B60];
	[tilespmem:s23+$0x5370] =	vst v0;
	s23 =	smov.u32 s10  }
0xae: {  	v0 =	vld [tilespmem:s23+$0x7B70]  }
0xaf: {  	v6 =	vld [tilespmem:s23+$0x5300]  }
0xb0: {  	v7 =	vld [tilespmem:s23+$0x5310]  }
.Ltmp3:
0xb1: {  	v10 =	vld [tilespmem:s23+$0x5320];
	(pc) =	sbr.rel @p1 .LBB2_5-.Ltmp3, $4  }
0xb2: {  	v9 =	vld [tilespmem:s23+$0x5330]  }
0xb3: {  	v8 =	vld [tilespmem:s23+$0x5340]  }
0xb4: {  	v12 =	vmul.f32 v12, v6;
	v6 =	vld [tilespmem:s23+$0x5350]  }
0xb5: {  	s19 =	sadd.s32 $0x200, s19;
	v11 =	vmul.f32 v11, v7;
	v7 =	vld [tilespmem:s23+$0x5360]  }
0xb6: {  	[tilespmem:s23+$0x5300] =	vst v12;
	v5 =	vmul.f32 v5, v10;
	v63 =	vld [tilespmem:s23+$0x5370]  }
0xb7: {  	[tilespmem:s23+$0x5310] =	vst v11;
	v4 =	vmul.f32 v4, v9  }
0xb8: {  	[tilespmem:s23+$0x5320] =	vst v5;
	v3 =	vmul.f32 v3, v8  }
0xb9: {  	[tilespmem:s23+$0x5330] =	vst v4;
	v2 =	vmul.f32 v2, v6  }
0xba: {  	[tilespmem:s23+$0x5340] =	vst v3;
	v1 =	vmul.f32 v1, v7  }
0xbb: {  	[tilespmem:s23+$0x5350] =	vst v2;
	v0 =	vmul.f32 v0, v63  }
0xbc: {  	[tilespmem:s23+$0x5360] =	vst v1  }
.Ltmp4:
0xbd: {  	[tilespmem:s23+$0x5370] =	vst v0;
	(pc) =	sbr.rel @p0 .LBB2_8-.Ltmp4, $4  }
0xbe: {  	[spmem:s1] =	stream.indirect.scatter.add.f32 [tilespmem:s29], [sflag:$0x7], $0x80, s0, s26, $0xb8;
	[tilespmem:$0x1E300] =	vst v63  }
0xbf: {  	_ =	swait.ge [sflag:s22], $0x2800  }
0xc0: {  	[sflag:s22] =	ssyncset.done $0x0  }
0xc1: {  	[sflag:s22] =	ssyncadd.s32 $0xFFFFD800  }
0xc2: {  	s10 =	smul.u32 $0xA0, s16;
	_ =	sdelay $0x1  }
0xc3: {  	s10 =	sadd.s32 s10, s18  }
0xc4: {  	s10 =	sshrl.u32 s10, $0x3  }
0xc5: {  	s19 =	sadd.s32 s4, s10  }
0xc6: {  	[tilespmem:s30], [sflag:$0x2] =	stream.linear.gather [hbm4b:s19+s3], $0x50, $0x38;
	[tilespmem:$0x1E300] =	vst v63  }
.Ltmp5:
0xc7: {  	_ = 	snop;
	(pc) =	sbr.rel .LBB2_2-.Ltmp5, $4  }
0xc8: {  	s23 =	sadd.s32 s5, s10  }
0xc9: {  	[tilespmem:s31], [sflag:$0x2] =	stream.linear.gather [hbm4b:s23+s3], $0x50, $0x38;
	[tilespmem:$0x1E300] =	vst v63  }
0xca: {  	s16 =	sadd.s32 $0x1, s16;
	s10 =	sadd.s32 s6, s10  }
0xcb: {  	[tilespmem:s0], [sflag:$0x2] =	stream.linear.gather [hbm4b:s10+s3], $0x50, $0x38;
	[tilespmem:$0x1E300] =	vst v63  }
.LBB2_9:
0xcc: {  	_ =	sfence.sel $0x180000  }
0xcd: {  	[bflag:$0x0] =	sbarrier.arrive $0xFFFF  }
0xce: {  	_ =	strace $0x9000004D  }
0xcf: {  	s0 =	stileid.u32;
	[bflag:$0x2] =	sbarrier.arrive $0xFFFF  }
0xd0: {  	p0 =	sne.s32 s0, $0x0;
	s0 =	rddreg [dreg:$0x2]  }
0xd1: {  	s0 =	sadd.s32 @!p0 $0x100000, s0  }
0xd2: {  	[sflag:s0] =	ssyncadd.tile.s32 @!p0 $0x1;
	_ =	shalt  }
.Lfunc_end2:
_tile_overlayer_lowered:
.L_overlay_start_2:
0xd3: {  	(tag) =	ssettag $0x2  }
0xd4: {  	s0 =	rddreg [dreg:$0x0];
	s2 =	stileid.u32  }
0xd5: {  	s1 =	rddreg [dreg:$0x1];
	p0 =	sne.s32 s2, $0x0  }
0xd6: {  	s3 =	rddreg [dreg:$0x2];
	[bflag:$0x3] =	sbarrier.arrive $0xFFFF;
	s2 =	simm.s32 @!p0 $0x1C07  }
0xd7: {  	[timem:s3], [sflag:s2] =	dma.local @!p0 [hbm:s0], s1  }
0xd8: {  	s0 =	simm.s32 @!p0 $0x7  }
0xd9: {  	_ =	swait.ge @!p0 [sflag:s0], s1  }
0xda: {  	s1 =	ssub.s32 @!p0 $0x0, s1;
	[sflag:s0] =	ssyncset.done @!p0 $0x0  }
0xdb: {  	[sflag:s0] =	ssyncadd.s32 @!p0 s1  }
0xdc: {  	[bflag:$0x3] =	sbarrier.arrive $0xFFFF  }
0xdd: {  	_ =	shalt  }

</sc_bundles>
